<compile_context>
chip_gen: v7x
topology: tpu7x:2x2x1
jax: 0.10.2.dev20260603
libtpu: 0.0.44.dev20260713+nightly
codegen_flags: <defaults>
</compile_context>

<pallas_src>
import functools

import jax
import jax.numpy as jnp
from jax import lax
from jax.experimental import pallas as pl
from jax.experimental.pallas import tpu as pltpu
from jax.experimental.pallas import tpu_sc as plsc

N_NODES = 10000
N_EDGES = 160000
D_IN = 256
D_EMB = 512
N_GRAPHS = 128

W = 128
NSUB = 16
NCORE = 2
E_PER_SUB = 10240
N_WIN = E_PER_SUB // 128
E_PAD = E_PER_SUB * NSUB
ACC_ROWS = 10112
ZT = 79
ZPS = 5
OT = 78
OPS = 5




def _make_sc_agg(n_chunks, with_deg):
    mesh = plsc.VectorSubcoreMesh(core_axis_name="c", subcore_axis_name="s")

    out_type = [jax.ShapeDtypeStruct((n_chunks * N_NODES, W), jnp.float32)]
    if with_deg:
        out_type.append(jax.ShapeDtypeStruct((N_NODES, W), jnp.float32))

    scratch = [
        pltpu.VMEM((N_WIN, 128), jnp.int32),
        pltpu.VMEM((2, 128), jnp.int32),
        pltpu.VMEM((2, 128), jnp.int32),
        pltpu.VMEM((2, 128, W), jnp.float32),
        pltpu.SemaphoreType.DMA,
        pltpu.SemaphoreType.DMA,
        pltpu.VMEM_SHARED((ACC_ROWS, W), jnp.float32),
    ]

    def body(*refs):
        n_out = 2 if with_deg else 1
        flat_in, pk2d = refs[0], refs[1]
        outs = refs[2:2 + n_out]
        flat_out = outs[0]
        deg_out = outs[1] if with_deg else None
        pk_v, sidx, didx, rows, sem_g, sem_s, acc = refs[2 + n_out:]

        c = lax.axis_index("c")
        s = lax.axis_index("s")
        cc = n_chunks // NCORE

        z16 = jnp.zeros((16,), jnp.float32)
        o16 = jnp.ones((16,), jnp.float32)

        pltpu.sync_copy(pk2d.at[pl.ds(s * N_WIN, N_WIN)], pk_v)

        def fill_rows(v16):
            def f_body(t, carry):
                rows[0, t // 8, pl.ds((t % 8) * 16, 16)] = v16
                return carry

            lax.fori_loop(0, 128 * 8, f_body, 0)

        def run_chunk(k, gather, out_hbm, out_base):
            koff = jnp.full((16,), k * N_NODES, jnp.int32)

            def unpack(w, p):
                def u_body(t, carry):
                    cs = pl.ds(t * 16, 16)
                    pk = pk_v[w, cs]
                    didx[p, cs] = pk >> 16
                    if gather:
                        sidx[p, cs] = (pk & 0xFFFF) + koff
                    return carry

                lax.fori_loop(0, 8, u_body, 0)

            fill_rows(z16)

            def z_copy(t, carry):
                pltpu.sync_copy(rows.at[0], acc.at[pl.ds(t * 128, 128)])
                return carry

            zlo = s * ZPS
            lax.fori_loop(zlo, jnp.minimum(ZT, zlo + ZPS), z_copy, 0)
            plsc.subcore_barrier()

            unpack(0, 0)
            if gather:
                pltpu.async_copy(flat_in.at[sidx.at[0]], rows.at[0],
                                 sem_g).wait()
            else:
                fill_rows(o16)

            def w_body(w, carry):
                p = lax.rem(w, 2)
                q = lax.rem(w + 1, 2)
                rbuf = 0 if not gather else p
                sc = pltpu.async_copy(rows.at[rbuf], acc.at[didx.at[p]],
                                      sem_s, add=True)

                @pl.when(w < N_WIN - 1)
                def _():
                    unpack(w + 1, q)
                    if gather:
                        pltpu.async_copy(flat_in.at[sidx.at[q]],
                                         rows.at[q], sem_g).wait()

                sc.wait()
                return carry

            lax.fori_loop(0, N_WIN, w_body, 0)
            plsc.subcore_barrier()

            def o_copy(t, carry):
                b = t * 128
                pltpu.sync_copy(acc.at[pl.ds(b, 128)], rows.at[0])
                pltpu.sync_copy(rows.at[0],
                                out_hbm.at[pl.ds(out_base + b, 128)])
                return carry

            lo = s * OPS
            lax.fori_loop(lo, jnp.minimum(OT, lo + OPS), o_copy, 0)

            @pl.when(s == NSUB - 1)
            def _():
                tb = OT * 128
                pltpu.sync_copy(acc.at[pl.ds(tb, 16)],
                                rows.at[0, pl.ds(0, 16)])
                pltpu.sync_copy(rows.at[0, pl.ds(0, 16)],
                                out_hbm.at[pl.ds(out_base + tb, 16)])
            plsc.subcore_barrier()

        for j in range(cc):
            k = c * cc + j
            run_chunk(k, True, flat_out, k * N_NODES)

        if with_deg:
            @pl.when(c == 0)
            def _():
                run_chunk(0, False, deg_out, 0)

    return pl.kernel(body, out_type=tuple(out_type), mesh=mesh,
                     scratch_types=scratch,
                     name=f"sc_agg{n_chunks}" + ("_deg" if with_deg else ""))


def _tc_layer(nc, agg3, h3, deg, w_cat, b_row):
    r_blk = 400
    grid = (N_NODES // r_blk,)
    n_out = D_EMB // W

    def body(a_ref, h_ref, d_ref, w_ref, b_ref, out_ref):
        rdeg = 1.0 / jnp.maximum(d_ref[:, 0:1], 1.0)
        mean = jnp.concatenate([a_ref[j] for j in range(nc)], axis=1) * rdeg
        hcat = jnp.concatenate([h_ref[j] for j in range(nc)], axis=1)
        inp = jnp.concatenate([mean, hcat], axis=1)
        o = jnp.dot(inp, w_ref[...], preferred_element_type=jnp.float32)
        o = o + b_ref[...]
        for j in range(n_out):
            out_ref[j] = o[:, j * W:(j + 1) * W]

    in_specs = [pl.BlockSpec((nc, r_blk, W), lambda i: (0, i, 0)),
                pl.BlockSpec((nc, r_blk, W), lambda i: (0, i, 0)),
                pl.BlockSpec((r_blk, W), lambda i: (i, 0)),
                pl.BlockSpec(w_cat.shape, lambda i: (0, 0)),
                pl.BlockSpec((1, D_EMB), lambda i: (0, 0))]
    return pl.pallas_call(
        body, grid=grid, in_specs=in_specs,
        out_specs=pl.BlockSpec((n_out, r_blk, W), lambda i: (0, i, 0)),
        out_shape=jax.ShapeDtypeStruct((n_out, N_NODES, W), jnp.float32),
    )(agg3, h3, deg, w_cat, b_row)


def _tc_pool_mlp(h0, h1, h2, batch3, fc1_w, fc1_b, fc2_w, fc2_b):
    r_blk = 80
    n_blk = N_NODES // r_blk
    d_cat = 3 * D_EMB
    nc = D_EMB // W

    def body(h0_r, h1_r, h2_r, b_ref, w1, b1, w2, b2, out, acc):
        i = pl.program_id(0)

        @pl.when(i == 0)
        def _():
            acc[...] = jnp.full((N_GRAPHS, d_cat), -jnp.inf, jnp.float32)

        rows = jnp.concatenate(
            [r[j] for r in (h0_r, h1_r, h2_r) for j in range(nc)], axis=1)
        gids = b_ref[0]
        g_lo = b_ref[0, 0, 0]
        g_hi = b_ref[0, r_blk - 1, 0]

        def g_body(g, carry):
            m = gids == g
            colmax = jnp.max(jnp.where(m, rows, -jnp.inf), axis=0,
                             keepdims=True)
            cur = acc[pl.ds(g, 1), :]
            acc[pl.ds(g, 1), :] = jnp.maximum(cur, colmax)
            return carry

        lax.fori_loop(g_lo, g_hi + 1, g_body, 0)

        @pl.when(i == n_blk - 1)
        def _():
            p = acc[...]
            z = jnp.maximum(
                jnp.dot(p, w1[...], preferred_element_type=jnp.float32)
                + b1[...], 0.0)
            out[...] = (jnp.dot(z, w2[...], preferred_element_type=jnp.float32)
                        + b2[...])

    h_spec = pl.BlockSpec((nc, r_blk, W), lambda i: (0, i, 0))
    in_specs = [h_spec, h_spec, h_spec,
                pl.BlockSpec((1, r_blk, 1), lambda i: (i, 0, 0)),
                pl.BlockSpec(fc1_w.shape, lambda i: (0, 0)),
                pl.BlockSpec((1, D_EMB), lambda i: (0, 0)),
                pl.BlockSpec(fc2_w.shape, lambda i: (0, 0)),
                pl.BlockSpec((1, 10), lambda i: (0, 0))]
    return pl.pallas_call(
        body, grid=(n_blk,),
        in_specs=in_specs,
        out_specs=pl.BlockSpec((N_GRAPHS, 10), lambda i: (0, 0)),
        out_shape=jax.ShapeDtypeStruct((N_GRAPHS, 10), jnp.float32),
        scratch_shapes=[pltpu.VMEM((N_GRAPHS, d_cat), jnp.float32)],
    )(h0, h1, h2, batch3, fc1_w, fc1_b, fc2_w, fc2_b)


def kernel(x, edge_index, batch, W_l0, b_l0, W_r0, W_l1, b_l1, W_r1,
           W_l2, b_l2, W_r2, fc1_W, fc1_b, fc2_W, fc2_b):
    src, dst = edge_index[0], edge_index[1]
    npad = E_PAD - N_EDGES
    pad_ar = jnp.arange(npad, dtype=jnp.int32)
    src_p = jnp.concatenate([src, (pad_ar * 37) % N_NODES])
    dst_p = jnp.concatenate([dst, N_NODES + (pad_ar % 16)])
    pk2d = ((dst_p << 16) | src_p).reshape(E_PAD // 128, 128)

    nc_in = D_IN // W
    nc_emb = D_EMB // W

    x3 = x.reshape(N_NODES, nc_in, W).transpose(1, 0, 2)
    x_flat = x3.reshape(nc_in * N_NODES, W)

    sc_in = _make_sc_agg(nc_in, with_deg=True)
    sc_emb = _make_sc_agg(nc_emb, with_deg=False)

    agg0_flat, deg = sc_in(x_flat, pk2d)
    agg0 = agg0_flat.reshape(nc_in, N_NODES, W)

    wcat0 = jnp.concatenate([W_l0, W_r0], axis=0)
    wcat1 = jnp.concatenate([W_l1, W_r1], axis=0)
    wcat2 = jnp.concatenate([W_l2, W_r2], axis=0)

    h0 = _tc_layer(nc_in, agg0, x3, deg, wcat0, b_l0.reshape(1, D_EMB))
    agg1 = sc_emb(h0.reshape(nc_emb * N_NODES, W), pk2d)[0]
    h1 = _tc_layer(nc_emb, agg1.reshape(nc_emb, N_NODES, W), h0, deg,
                   wcat1, b_l1.reshape(1, D_EMB))
    agg2 = sc_emb(h1.reshape(nc_emb * N_NODES, W), pk2d)[0]
    h2 = _tc_layer(nc_emb, agg2.reshape(nc_emb, N_NODES, W), h1, deg,
                   wcat2, b_l2.reshape(1, D_EMB))

    batch3 = batch.reshape(N_NODES // 80, 80, 1)
    return _tc_pool_mlp(h0, h1, h2, batch3,
                        fc1_W, fc1_b.reshape(1, D_EMB),
                        fc2_W, fc2_b.reshape(1, 10))

# --- scband reference (transcript-rebuilt; emitter-appended) ---
"""Pipeline reference for scband-graph-sage-87814901334733 (READ-ONLY COPY).

The authoritative reference and input builder live on the scoring server;
editing this copy changes nothing except your own understanding.
"""

import jax, jax.numpy as jnp
import numpy as np

N = 10000
E = 160000
D_IN = 256
D_EMB = 512
D_TGT = 10
NUM_GRAPHS = 128


def setup_inputs(seed: int = 0) -> dict:
    key = jax.random.key(seed)
    ks = jax.random.split(key, 16)
    x = jax.random.normal(ks[0], (N, D_IN), dtype=jnp.float32)
    edge_index = jax.random.randint(ks[1], (2, E), 0, N, dtype=jnp.int32)
    batch = jnp.sort(jax.random.randint(ks[2], (N,), 0, NUM_GRAPHS, dtype=jnp.int32))

    def lin(k, fan_in, fan_out):
        return jax.random.normal(k, (fan_in, fan_out), dtype=jnp.float32) * (1.0 / np.sqrt(fan_in))

    return {
        "x": x,
        "edge_index": edge_index,
        "batch": batch,
        "W_l0": lin(ks[3], D_IN, D_EMB), "b_l0": jnp.zeros((D_EMB,), jnp.float32), "W_r0": lin(ks[4], D_IN, D_EMB),
        "W_l1": lin(ks[5], D_EMB, D_EMB), "b_l1": jnp.zeros((D_EMB,), jnp.float32), "W_r1": lin(ks[6], D_EMB, D_EMB),
        "W_l2": lin(ks[7], D_EMB, D_EMB), "b_l2": jnp.zeros((D_EMB,), jnp.float32), "W_r2": lin(ks[8], D_EMB, D_EMB),
        "fc1_W": lin(ks[9], 3 * D_EMB, D_EMB), "fc1_b": jnp.zeros((D_EMB,), jnp.float32),
        "fc2_W": lin(ks[10], D_EMB, D_TGT), "fc2_b": jnp.zeros((D_TGT,), jnp.float32),
    }


def _sage_conv(h, src, dst, Wl, bl, Wr):
    # PyG SAGEConv with mean aggregation: out = lin_l(mean_{j in N(i)} h_j) + lin_r(h_i)
    msg = jnp.take(h, src, axis=0)
    agg = jax.ops.segment_sum(msg, dst, num_segments=N)
    deg = jax.ops.segment_sum(jnp.ones((src.shape[0],), jnp.float32), dst, num_segments=N)
    mean = agg / jnp.maximum(deg, 1.0)[:, None]
    return mean @ Wl + bl + h @ Wr


def reference(x, edge_index, batch, W_l0, b_l0, W_r0, W_l1, b_l1, W_r1, W_l2, b_l2, W_r2, fc1_W, fc1_b, fc2_W, fc2_b):
    src, dst = edge_index[0], edge_index[1]
    h0 = _sage_conv(x, src, dst, W_l0, b_l0, W_r0)
    h1 = _sage_conv(h0, src, dst, W_l1, b_l1, W_r1)
    h2 = _sage_conv(h1, src, dst, W_l2, b_l2, W_r2)
    h = jnp.concatenate([h0, h1, h2], axis=1)
    # global_max_pool over graphs in the batch
    pooled = jax.ops.segment_max(h, batch, num_segments=NUM_GRAPHS)
    out = jax.nn.relu(pooled @ fc1_W + fc1_b) @ fc2_W + fc2_b
    # task_type == 'Regression': raw output returned (relu defined but unused in forward)
    return out

if __name__ == "__main__":
    import jax
    _d = setup_inputs()
    print(jax.jit(kernel)(*tuple(_d.values())))

</pallas_src>

<mosaic_0001>
#map = affine_map<(d0, d1) -> (0, 0)>
module attributes {stable_mosaic.version = 14 : i64} {
  func.func @sc_agg2_deg(%arg0: i32, %arg1: i32, %arg2: memref<20000x128xf32, #tpu.memory_space<hbm>>, %arg3: memref<1280x128xi32, #tpu.memory_space<hbm>>, %arg4: memref<20000x128xf32, #tpu.memory_space<hbm>>, %arg5: memref<10000x128xf32, #tpu.memory_space<hbm>>, %arg6: memref<80x128xi32, #tpu.memory_space<vmem>>, %arg7: memref<2x128xi32, #tpu.memory_space<vmem>>, %arg8: memref<2x128xi32, #tpu.memory_space<vmem>>, %arg9: memref<2x128x128xf32, #tpu.memory_space<vmem>>, %arg10: memref<!tpu.dma_semaphore, #tpu.memory_space<semaphore_mem>>, %arg11: memref<!tpu.dma_semaphore, #tpu.memory_space<semaphore_mem>>, %arg12: memref<10112x128xf32, #tpu.memory_space<vmem_shared>>) attributes {dimension_semantics = [#tpu.dimension_semantics<core_parallel>, #tpu.dimension_semantics<subcore_parallel>], iteration_bounds = array<i64: 2, 16>, scalar_prefetch = 0 : i64, scratch_operands = 7 : i64, tpu.core_type = #tpu.core_type<sc_vector_subcore>, window_params = [{transform_indices = #map}, {transform_indices = #map}, {transform_indices = #map}, {transform_indices = #map}]} {
    %broadcast_in_dim3A = arith.constant 0.000000e+00 : f32
    %broadcast_in_dim3A_0 = vector.broadcast %broadcast_in_dim3A : f32 to vector<16xf32>
    %broadcast_in_dim3A_1 = arith.constant 1.000000e+00 : f32
    %broadcast_in_dim3A_2 = vector.broadcast %broadcast_in_dim3A_1 : f32 to vector<16xf32>
    %mul3A = arith.constant 80 : i32
    %mul3A_3 = arith.muli %arg1, %mul3A : i32
    "tpu.region"() ({
      %run_scoped3A = tpu.sem_alloc : memref<!tpu.dma_semaphore, #tpu.memory_space<semaphore_mem>>
      %dma_start3A_88 = arith.constant 0 : i32
      %dma_start3A_89 = tpu.memref_slice %arg3[%mul3A_3, %dma_start3A_88] : memref<1280x128xi32, #tpu.memory_space<hbm>> -> memref<80x128xi32, #tpu.memory_space<hbm>>
      %dma_start3A_90 = arith.constant 0 : i32
      %dma_start3A_91 = tpu.memref_slice %arg3[%mul3A_3, %dma_start3A_90] : memref<1280x128xi32, #tpu.memory_space<hbm>> -> memref<80x128xi32, #tpu.memory_space<hbm>>
      tpu.enqueue_dma source(%dma_start3A_91 : memref<80x128xi32, #tpu.memory_space<hbm>>) target(%arg6 : memref<80x128xi32, #tpu.memory_space<vmem>>) target_semaphore(%run_scoped3A : memref<!tpu.dma_semaphore, #tpu.memory_space<semaphore_mem>>)
      %dma_wait3A_92 = arith.constant 0 : i32
      %dma_wait3A_93 = tpu.memref_slice %arg3[%mul3A_3, %dma_wait3A_92] : memref<1280x128xi32, #tpu.memory_space<hbm>> -> memref<80x128xi32, #tpu.memory_space<hbm>>
      %dma_wait3A_94 = arith.constant 0 : i32
      %dma_wait3A_95 = tpu.memref_slice %arg3[%mul3A_3, %dma_wait3A_94] : memref<1280x128xi32, #tpu.memory_space<hbm>> -> memref<80x128xi32, #tpu.memory_space<hbm>>
      tpu.wait_dma2 semaphore(%run_scoped3A : memref<!tpu.dma_semaphore, #tpu.memory_space<semaphore_mem>>) src(%dma_wait3A_95 : memref<80x128xi32, #tpu.memory_space<hbm>>) dst(%arg6 : memref<80x128xi32, #tpu.memory_space<vmem>>)
      tpu.yield
    }) : () -> ()
    %mul3A_4 = arith.constant 1 : i32
    %mul3A_5 = arith.muli %arg0, %mul3A_4 : i32
    %add3A = arith.constant 0 : i32
    %add3A_6 = arith.addi %mul3A_5, %add3A : i32
    %mul3A_7 = arith.constant 10000 : i32
    %mul3A_8 = arith.muli %add3A_6, %mul3A_7 : i32
    %mul3A_9 = arith.constant 10000 : i32
    %mul3A_10 = arith.muli %add3A_6, %mul3A_9 : i32
    %broadcast_in_dim3A_11 = vector.broadcast %mul3A_10 : i32 to vector<16xi32>
    %scan3A = arith.constant 0 : i32
    %scan3A_12 = arith.constant 0 : i32
    %scan3A_13 = arith.constant 1024 : i32
    %scan3A_14 = arith.addi %scan3A_12, %scan3A_13 : i32
    %scan3A_15 = arith.constant 1 : i32
    scf.for %scan3A_88 = %scan3A_12 to %scan3A_14 step %scan3A_15  : i32 {
      %jit3A = arith.constant 8 : i32
      %div3A = arith.divsi %scan3A_88, %jit3A : i32
      %sign3A = arith.constant 0 : i32
      %sign3A_89 = arith.cmpi sgt, %scan3A_88, %sign3A : i32
      %sign3A_90 = arith.extui %sign3A_89 : i1 to i32
      %sign3A_91 = arith.constant 0 : i32
      %sign3A_92 = arith.cmpi slt, %scan3A_88, %sign3A_91 : i32
      %sign3A_93 = arith.extui %sign3A_92 : i1 to i32
      %sign3A_94 = arith.subi %sign3A_90, %sign3A_93 : i32
      %sign3A_95 = arith.constant 0 : i32
      %sign3A_96 = arith.cmpi sgt, %jit3A, %sign3A_95 : i32
      %sign3A_97 = arith.extui %sign3A_96 : i1 to i32
      %sign3A_98 = arith.constant 0 : i32
      %sign3A_99 = arith.cmpi slt, %jit3A, %sign3A_98 : i32
      %sign3A_100 = arith.extui %sign3A_99 : i1 to i32
      %sign3A_101 = arith.subi %sign3A_97, %sign3A_100 : i32
      %ne3A = arith.cmpi ne, %sign3A_94, %sign3A_101 : i32
      %rem3A = arith.remsi %scan3A_88, %jit3A : i32
      %ne3A_102 = arith.constant 0 : i32
      %ne3A_103 = arith.cmpi ne, %rem3A, %ne3A_102 : i32
      %and3A = arith.andi %ne3A, %ne3A_103 : i1
      %sub3A = arith.constant 1 : i32
      %sub3A_104 = arith.subi %div3A, %sub3A : i32
      %select_n3A = arith.select %and3A, %sub3A_104, %div3A : i32
      %jit3A_105 = arith.constant 8 : i32
      %eq3A_106 = arith.constant 0 : i32
      %eq3A_107 = arith.cmpi eq, %jit3A_105, %eq3A_106 : i32
      %jit3A_108 = arith.constant 1 : i32
      %select_n3A_109 = arith.select %eq3A_107, %jit3A_108, %jit3A_105 : i32
      %rem3A_110 = arith.remsi %scan3A_88, %select_n3A_109 : i32
      %ne3A_111 = arith.constant 0 : i32
      %ne3A_112 = arith.cmpi ne, %rem3A_110, %ne3A_111 : i32
      %lt3A = arith.constant 0 : i32
      %lt3A_113 = arith.cmpi slt, %rem3A_110, %lt3A : i32
      %lt3A_114 = arith.constant 0 : i32
      %lt3A_115 = arith.cmpi slt, %select_n3A_109, %lt3A_114 : i32
      %ne3A_116 = arith.xori %lt3A_113, %lt3A_115 : i1
      %and3A_117 = arith.andi %ne3A_116, %ne3A_112 : i1
      %add3A_118 = arith.addi %rem3A_110, %select_n3A_109 : i32
      %select_n3A_119 = arith.select %and3A_117, %add3A_118, %rem3A_110 : i32
      %mul3A_120 = arith.constant 16 : i32
      %mul3A_121 = arith.muli %select_n3A_119, %mul3A_120 : i32
      %swap3A = arith.constant 0 : i32
      %swap3A_122 = arith.index_cast %swap3A : i32 to index
      %swap3A_123 = arith.index_cast %select_n3A : i32 to index
      %swap3A_124 = arith.index_cast %mul3A_121 : i32 to index
      %swap3A_125 = tpu.vector_load %arg9[%swap3A_122, %swap3A_123, %swap3A_124] {strides = array<i32>} : memref<2x128x128xf32, #tpu.memory_space<vmem>>, vector<1x1x16xf32>,
      %swap3A_126 = vector.shape_cast %swap3A_125 : vector<1x1x16xf32> to vector<16xf32>
      %swap3A_127 = vector.shape_cast %broadcast_in_dim3A_0 : vector<16xf32> to vector<1x1x16xf32>
      tpu.vector_store %arg9[%swap3A_122, %swap3A_123, %swap3A_124], %swap3A_127 {strides = array<i32>} : memref<2x128x128xf32, #tpu.memory_space<vmem>>, vector<1x1x16xf32>,
    }
    %scan3A_16 = arith.constant 1024 : i32
    %mul3A_17 = arith.constant 5 : i32
    %mul3A_18 = arith.muli %arg1, %mul3A_17 : i32
    %add3A_19 = arith.constant 5 : i32
    %add3A_20 = arith.addi %mul3A_18, %add3A_19 : i32
    %min3A = arith.constant 79 : i32
    %min3A_21 = arith.minsi %min3A, %add3A_20 : i32
    %while3A = arith.constant 0 : i32
    %while3A_22 = arith.subi %min3A_21, %mul3A_18 : i32
    %while3A_23 = arith.addi %mul3A_18, %while3A_22 : i32
    %while3A_24 = arith.constant 1 : i32
    %while3A_25 = arith.divsi %while3A_22, %while3A_24 : i32
    %while3A_26 = arith.muli %while3A_25, %while3A_24 : i32
    %while3A_27 = arith.addi %mul3A_18, %while3A_26 : i32
    %while3A_28 = arith.constant 1 : i32
    scf.for %while3A_88 = %mul3A_18 to %while3A_27 step %while3A_28  : i32 {
      %mul3A_89 = arith.constant 128 : i32
      %mul3A_90 = arith.muli %while3A_88, %mul3A_89 : i32
      %run_scoped3A = arith.constant 0 : i32
      "tpu.region"() ({
        %run_scoped3A_91 = tpu.sem_alloc : memref<!tpu.dma_semaphore, #tpu.memory_space<semaphore_mem>>
        %dma_start3A_92 = arith.constant 0 : i32
        %dma_start3A_93 = arith.constant 0 : i32
        %dma_start3A_94 = tpu.memref_slice %arg9[%run_scoped3A, %dma_start3A_92, %dma_start3A_93] : memref<2x128x128xf32, #tpu.memory_space<vmem>> -> memref<1x128x128xf32, #tpu.memory_space<vmem>>
        %dma_start3A_95 = tpu.memref_squeeze %dma_start3A_94 : memref<1x128x128xf32, #tpu.memory_space<vmem>> -> memref<128x128xf32, #tpu.memory_space<vmem>>
        %dma_start3A_96 = arith.constant 0 : i32
        %dma_start3A_97 = tpu.memref_slice %arg12[%mul3A_90, %dma_start3A_96] : memref<10112x128xf32, #tpu.memory_space<vmem_shared>> -> memref<128x128xf32, #tpu.memory_space<vmem_shared>>
        %dma_start3A_98 = arith.constant 0 : i32
        %dma_start3A_99 = tpu.memref_slice %arg12[%mul3A_90, %dma_start3A_98] : memref<10112x128xf32, #tpu.memory_space<vmem_shared>> -> memref<128x128xf32, #tpu.memory_space<vmem_shared>>
        %dma_start3A_100 = arith.constant 0 : i32
        %dma_start3A_101 = arith.constant 0 : i32
        %dma_start3A_102 = tpu.memref_slice %arg9[%run_scoped3A, %dma_start3A_100, %dma_start3A_101] : memref<2x128x128xf32, #tpu.memory_space<vmem>> -> memref<1x128x128xf32, #tpu.memory_space<vmem>>
        %dma_start3A_103 = tpu.memref_squeeze %dma_start3A_102 : memref<1x128x128xf32, #tpu.memory_space<vmem>> -> memref<128x128xf32, #tpu.memory_space<vmem>>
        tpu.enqueue_dma source(%dma_start3A_103 : memref<128x128xf32, #tpu.memory_space<vmem>>) target(%dma_start3A_99 : memref<128x128xf32, #tpu.memory_space<vmem_shared>>) target_semaphore(%run_scoped3A_91 : memref<!tpu.dma_semaphore, #tpu.memory_space<semaphore_mem>>)
        %dma_wait3A_104 = arith.constant 0 : i32
        %dma_wait3A_105 = arith.constant 0 : i32
        %dma_wait3A_106 = tpu.memref_slice %arg9[%run_scoped3A, %dma_wait3A_104, %dma_wait3A_105] : memref<2x128x128xf32, #tpu.memory_space<vmem>> -> memref<1x128x128xf32, #tpu.memory_space<vmem>>
        %dma_wait3A_107 = tpu.memref_squeeze %dma_wait3A_106 : memref<1x128x128xf32, #tpu.memory_space<vmem>> -> memref<128x128xf32, #tpu.memory_space<vmem>>
        %dma_wait3A_108 = arith.constant 0 : i32
        %dma_wait3A_109 = tpu.memref_slice %arg12[%mul3A_90, %dma_wait3A_108] : memref<10112x128xf32, #tpu.memory_space<vmem_shared>> -> memref<128x128xf32, #tpu.memory_space<vmem_shared>>
        %dma_wait3A_110 = arith.constant 0 : i32
        %dma_wait3A_111 = tpu.memref_slice %arg12[%mul3A_90, %dma_wait3A_110] : memref<10112x128xf32, #tpu.memory_space<vmem_shared>> -> memref<128x128xf32, #tpu.memory_space<vmem_shared>>
        %dma_wait3A_112 = arith.constant 0 : i32
        %dma_wait3A_113 = arith.constant 0 : i32
        %dma_wait3A_114 = tpu.memref_slice %arg9[%run_scoped3A, %dma_wait3A_112, %dma_wait3A_113] : memref<2x128x128xf32, #tpu.memory_space<vmem>> -> memref<1x128x128xf32, #tpu.memory_space<vmem>>
        %dma_wait3A_115 = tpu.memref_squeeze %dma_wait3A_114 : memref<1x128x128xf32, #tpu.memory_space<vmem>> -> memref<128x128xf32, #tpu.memory_space<vmem>>
        tpu.wait_dma2 semaphore(%run_scoped3A_91 : memref<!tpu.dma_semaphore, #tpu.memory_space<semaphore_mem>>) src(%dma_wait3A_115 : memref<128x128xf32, #tpu.memory_space<vmem>>) dst(%dma_wait3A_111 : memref<128x128xf32, #tpu.memory_space<vmem_shared>>)
        tpu.yield
      }) : () -> ()
    }
    %while3A_29 = arith.constant 1 : i32
    scf.for %while3A_88 = %while3A_27 to %while3A_23 step %while3A_29  : i32 {
      %mul3A_89 = arith.constant 128 : i32
      %mul3A_90 = arith.muli %while3A_88, %mul3A_89 : i32
      %run_scoped3A = arith.constant 0 : i32
      "tpu.region"() ({
        %run_scoped3A_91 = tpu.sem_alloc : memref<!tpu.dma_semaphore, #tpu.memory_space<semaphore_mem>>
        %dma_start3A_92 = arith.constant 0 : i32
        %dma_start3A_93 = arith.constant 0 : i32
        %dma_start3A_94 = tpu.memref_slice %arg9[%run_scoped3A, %dma_start3A_92, %dma_start3A_93] : memref<2x128x128xf32, #tpu.memory_space<vmem>> -> memref<1x128x128xf32, #tpu.memory_space<vmem>>
        %dma_start3A_95 = tpu.memref_squeeze %dma_start3A_94 : memref<1x128x128xf32, #tpu.memory_space<vmem>> -> memref<128x128xf32, #tpu.memory_space<vmem>>
        %dma_start3A_96 = arith.constant 0 : i32
        %dma_start3A_97 = tpu.memref_slice %arg12[%mul3A_90, %dma_start3A_96] : memref<10112x128xf32, #tpu.memory_space<vmem_shared>> -> memref<128x128xf32, #tpu.memory_space<vmem_shared>>
        %dma_start3A_98 = arith.constant 0 : i32
        %dma_start3A_99 = tpu.memref_slice %arg12[%mul3A_90, %dma_start3A_98] : memref<10112x128xf32, #tpu.memory_space<vmem_shared>> -> memref<128x128xf32, #tpu.memory_space<vmem_shared>>
        %dma_start3A_100 = arith.constant 0 : i32
        %dma_start3A_101 = arith.constant 0 : i32
        %dma_start3A_102 = tpu.memref_slice %arg9[%run_scoped3A, %dma_start3A_100, %dma_start3A_101] : memref<2x128x128xf32, #tpu.memory_space<vmem>> -> memref<1x128x128xf32, #tpu.memory_space<vmem>>
        %dma_start3A_103 = tpu.memref_squeeze %dma_start3A_102 : memref<1x128x128xf32, #tpu.memory_space<vmem>> -> memref<128x128xf32, #tpu.memory_space<vmem>>
        tpu.enqueue_dma source(%dma_start3A_103 : memref<128x128xf32, #tpu.memory_space<vmem>>) target(%dma_start3A_99 : memref<128x128xf32, #tpu.memory_space<vmem_shared>>) target_semaphore(%run_scoped3A_91 : memref<!tpu.dma_semaphore, #tpu.memory_space<semaphore_mem>>)
        %dma_wait3A_104 = arith.constant 0 : i32
        %dma_wait3A_105 = arith.constant 0 : i32
        %dma_wait3A_106 = tpu.memref_slice %arg9[%run_scoped3A, %dma_wait3A_104, %dma_wait3A_105] : memref<2x128x128xf32, #tpu.memory_space<vmem>> -> memref<1x128x128xf32, #tpu.memory_space<vmem>>
        %dma_wait3A_107 = tpu.memref_squeeze %dma_wait3A_106 : memref<1x128x128xf32, #tpu.memory_space<vmem>> -> memref<128x128xf32, #tpu.memory_space<vmem>>
        %dma_wait3A_108 = arith.constant 0 : i32
        %dma_wait3A_109 = tpu.memref_slice %arg12[%mul3A_90, %dma_wait3A_108] : memref<10112x128xf32, #tpu.memory_space<vmem_shared>> -> memref<128x128xf32, #tpu.memory_space<vmem_shared>>
        %dma_wait3A_110 = arith.constant 0 : i32
        %dma_wait3A_111 = tpu.memref_slice %arg12[%mul3A_90, %dma_wait3A_110] : memref<10112x128xf32, #tpu.memory_space<vmem_shared>> -> memref<128x128xf32, #tpu.memory_space<vmem_shared>>
        %dma_wait3A_112 = arith.constant 0 : i32
        %dma_wait3A_113 = arith.constant 0 : i32
        %dma_wait3A_114 = tpu.memref_slice %arg9[%run_scoped3A, %dma_wait3A_112, %dma_wait3A_113] : memref<2x128x128xf32, #tpu.memory_space<vmem>> -> memref<1x128x128xf32, #tpu.memory_space<vmem>>
        %dma_wait3A_115 = tpu.memref_squeeze %dma_wait3A_114 : memref<1x128x128xf32, #tpu.memory_space<vmem>> -> memref<128x128xf32, #tpu.memory_space<vmem>>
        tpu.wait_dma2 semaphore(%run_scoped3A_91 : memref<!tpu.dma_semaphore, #tpu.memory_space<semaphore_mem>>) src(%dma_wait3A_115 : memref<128x128xf32, #tpu.memory_space<vmem>>) dst(%dma_wait3A_111 : memref<128x128xf32, #tpu.memory_space<vmem_shared>>)
        tpu.yield
      }) : () -> ()
    }
    %barrier3A = arith.constant 0 : index
    tpu.barrier barrier_id(%barrier3A)
    %scan3A_30 = arith.constant 0 : i32
    %scan3A_31 = arith.constant 0 : i32
    %scan3A_32 = arith.constant 8 : i32
    %scan3A_33 = arith.addi %scan3A_31, %scan3A_32 : i32
    %scan3A_34 = arith.constant 1 : i32
    scf.for %scan3A_88 = %scan3A_31 to %scan3A_33 step %scan3A_34  : i32 {
      %mul3A_89 = arith.constant 16 : i32
      %mul3A_90 = arith.muli %scan3A_88, %mul3A_89 : i32
      %get3A = arith.constant 0 : i32
      %get3A_91 = arith.index_cast %get3A : i32 to index
      %get3A_92 = arith.index_cast %mul3A_90 : i32 to index
      %get3A_93 = tpu.vector_load %arg6[%get3A_91, %get3A_92] {strides = array<i32>} : memref<80x128xi32, #tpu.memory_space<vmem>>, vector<1x16xi32>,
      %get3A_94 = vector.shape_cast %get3A_93 : vector<1x16xi32> to vector<16xi32>
      %shift_right_arithmetic3A = arith.constant 16 : i32
      %shift_right_arithmetic3A_95 = vector.broadcast %shift_right_arithmetic3A : i32 to vector<16xi32>
      %shift_right_arithmetic3A_96 = arith.shrsi %get3A_94, %shift_right_arithmetic3A_95 : vector<16xi32>
      %swap3A = arith.constant 0 : i32
      %swap3A_97 = arith.index_cast %swap3A : i32 to index
      %swap3A_98 = arith.index_cast %mul3A_90 : i32 to index
      %swap3A_99 = tpu.vector_load %arg8[%swap3A_97, %swap3A_98] {strides = array<i32>} : memref<2x128xi32, #tpu.memory_space<vmem>>, vector<1x16xi32>,
      %swap3A_100 = vector.shape_cast %swap3A_99 : vector<1x16xi32> to vector<16xi32>
      %swap3A_101 = vector.shape_cast %shift_right_arithmetic3A_96 : vector<16xi32> to vector<1x16xi32>
      tpu.vector_store %arg8[%swap3A_97, %swap3A_98], %swap3A_101 {strides = array<i32>} : memref<2x128xi32, #tpu.memory_space<vmem>>, vector<1x16xi32>,
      %and3A = arith.constant 65535 : i32
      %and3A_102 = vector.broadcast %and3A : i32 to vector<16xi32>
      %and3A_103 = arith.andi %get3A_94, %and3A_102 : vector<16xi32>
      %add3A_104 = arith.addi %and3A_103, %broadcast_in_dim3A_11 : vector<16xi32>
      %swap3A_105 = arith.constant 0 : i32
      %swap3A_106 = arith.index_cast %swap3A_105 : i32 to index
      %swap3A_107 = arith.index_cast %mul3A_90 : i32 to index
      %swap3A_108 = tpu.vector_load %arg7[%swap3A_106, %swap3A_107] {strides = array<i32>} : memref<2x128xi32, #tpu.memory_space<vmem>>, vector<1x16xi32>,
      %swap3A_109 = vector.shape_cast %swap3A_108 : vector<1x16xi32> to vector<16xi32>
      %swap3A_110 = vector.shape_cast %add3A_104 : vector<16xi32> to vector<1x16xi32>
      tpu.vector_store %arg7[%swap3A_106, %swap3A_107], %swap3A_110 {strides = array<i32>} : memref<2x128xi32, #tpu.memory_space<vmem>>, vector<1x16xi32>,
    }
    %scan3A_35 = arith.constant 8 : i32
    %dma_start3A = arith.constant 0 : i32
    %dma_start3A_36 = arith.constant 0 : i32
    %dma_start3A_37 = arith.constant 0 : i32
    %dma_start3A_38 = arith.constant 0 : i32
    %dma_start3A_39 = tpu.memref_slice %arg9[%dma_start3A_36, %dma_start3A_37, %dma_start3A_38] : memref<2x128x128xf32, #tpu.memory_space<vmem>> -> memref<1x128x128xf32, #tpu.memory_space<vmem>>
    %dma_start3A_40 = tpu.memref_squeeze %dma_start3A_39 : memref<1x128x128xf32, #tpu.memory_space<vmem>> -> memref<128x128xf32, #tpu.memory_space<vmem>>
    %dma_start3A_41 = arith.constant 0 : i32
    %dma_start3A_42 = tpu.memref_slice %arg7[%dma_start3A, %dma_start3A_41] : memref<2x128xi32, #tpu.memory_space<vmem>> -> memref<1x128xi32, #tpu.memory_space<vmem>>
    %dma_start3A_43 = tpu.memref_squeeze %dma_start3A_42 : memref<1x128xi32, #tpu.memory_space<vmem>> -> memref<128xi32, #tpu.memory_space<vmem>>
    %dma_start3A_44 = arith.constant 0 : i32
    %dma_start3A_45 = arith.constant 0 : i32
    %dma_start3A_46 = tpu.memref_slice %arg2[%dma_start3A_44, %dma_start3A_45] : memref<20000x128xf32, #tpu.memory_space<hbm>> -> memref<20000x128xf32, #tpu.memory_space<hbm>>
    tpu.enqueue_indirect_dma source(%dma_start3A_46 : memref<20000x128xf32, #tpu.memory_space<hbm>>) target(%dma_start3A_40 : memref<128x128xf32, #tpu.memory_space<vmem>>) offsets(%dma_start3A_43 : memref<128xi32, #tpu.memory_space<vmem>>) semaphore(%arg10 : memref<!tpu.dma_semaphore, #tpu.memory_space<semaphore_mem>>)
    %dma_wait3A = arith.constant 0 : i32
    %dma_wait3A_47 = arith.constant 0 : i32
    %dma_wait3A_48 = arith.constant 0 : i32
    %dma_wait3A_49 = arith.constant 0 : i32
    %dma_wait3A_50 = tpu.memref_slice %arg9[%dma_wait3A_47, %dma_wait3A_48, %dma_wait3A_49] : memref<2x128x128xf32, #tpu.memory_space<vmem>> -> memref<1x128x128xf32, #tpu.memory_space<vmem>>
    %dma_wait3A_51 = tpu.memref_squeeze %dma_wait3A_50 : memref<1x128x128xf32, #tpu.memory_space<vmem>> -> memref<128x128xf32, #tpu.memory_space<vmem>>
    %dma_wait3A_52 = arith.constant 0 : i32
    %dma_wait3A_53 = tpu.memref_slice %arg7[%dma_wait3A, %dma_wait3A_52] : memref<2x128xi32, #tpu.memory_space<vmem>> -> memref<1x128xi32, #tpu.memory_space<vmem>>
    %dma_wait3A_54 = tpu.memref_squeeze %dma_wait3A_53 : memref<1x128xi32, #tpu.memory_space<vmem>> -> memref<128xi32, #tpu.memory_space<vmem>>
    %dma_wait3A_55 = arith.constant 0 : i32
    %dma_wait3A_56 = arith.constant 0 : i32
    %dma_wait3A_57 = tpu.memref_slice %arg2[%dma_wait3A_55, %dma_wait3A_56] : memref<20000x128xf32, #tpu.memory_space<hbm>> -> memref<20000x128xf32, #tpu.memory_space<hbm>>
    tpu.wait_indirect_dma semaphore(%arg10 : memref<!tpu.dma_semaphore, #tpu.memory_space<semaphore_mem>>) src(%dma_wait3A_57 : memref<20000x128xf32, #tpu.memory_space<hbm>>) dst(%dma_wait3A_51 : memref<128x128xf32, #tpu.memory_space<vmem>>)
    %scan3A_58 = arith.constant 0 : i32
    %scan3A_59 = arith.constant 0 : i32
    %scan3A_60 = arith.constant 80 : i32
    %scan3A_61 = arith.addi %scan3A_59, %scan3A_60 : i32
    %scan3A_62 = arith.constant 1 : i32
    scf.for %scan3A_88 = %scan3A_59 to %scan3A_61 step %scan3A_62  : i32 {
      %rem3A = arith.constant 2 : i32
      %rem3A_89 = arith.remsi %scan3A_88, %rem3A : i32
      %add3A_90 = arith.constant 1 : i32
      %add3A_91 = arith.addi %scan3A_88, %add3A_90 : i32
      %rem3A_92 = arith.constant 2 : i32
      %rem3A_93 = arith.remsi %add3A_91, %rem3A_92 : i32
      %dma_start3A_94 = arith.constant 0 : i32
      %dma_start3A_95 = arith.constant 0 : i32
      %dma_start3A_96 = tpu.memref_slice %arg9[%rem3A_89, %dma_start3A_94, %dma_start3A_95] : memref<2x128x128xf32, #tpu.memory_space<vmem>> -> memref<1x128x128xf32, #tpu.memory_space<vmem>>
      %dma_start3A_97 = tpu.memref_squeeze %dma_start3A_96 : memref<1x128x128xf32, #tpu.memory_space<vmem>> -> memref<128x128xf32, #tpu.memory_space<vmem>>
      %dma_start3A_98 = arith.constant 0 : i32
      %dma_start3A_99 = tpu.memref_slice %arg8[%rem3A_89, %dma_start3A_98] : memref<2x128xi32, #tpu.memory_space<vmem>> -> memref<1x128xi32, #tpu.memory_space<vmem>>
      %dma_start3A_100 = tpu.memref_squeeze %dma_start3A_99 : memref<1x128xi32, #tpu.memory_space<vmem>> -> memref<128xi32, #tpu.memory_space<vmem>>
      %dma_start3A_101 = arith.constant 0 : i32
      %dma_start3A_102 = arith.constant 0 : i32
      %dma_start3A_103 = tpu.memref_slice %arg12[%dma_start3A_101, %dma_start3A_102] : memref<10112x128xf32, #tpu.memory_space<vmem_shared>> -> memref<10112x128xf32, #tpu.memory_space<vmem_shared>>
      tpu.enqueue_indirect_dma source(%dma_start3A_97 : memref<128x128xf32, #tpu.memory_space<vmem>>) target(%dma_start3A_103 : memref<10112x128xf32, #tpu.memory_space<vmem_shared>>) offsets(%dma_start3A_100 : memref<128xi32, #tpu.memory_space<vmem>>) semaphore(%arg11 : memref<!tpu.dma_semaphore, #tpu.memory_space<semaphore_mem>>) {add = true}
      %lt3A = arith.constant 79 : i32
      %lt3A_104 = arith.cmpi slt, %scan3A_88, %lt3A : i32
      %convert_element_type3A_105 = arith.extui %lt3A_104 : i1 to i32
      %cond3A_106 = arith.constant 0 : i32
      %cond3A_107 = arith.cmpi ne, %convert_element_type3A_105, %cond3A_106 : i32
      scf.if %cond3A_107 {
        %add3A_118 = arith.constant 1 : i32
        %add3A_119 = arith.addi %scan3A_88, %add3A_118 : i32
        %scan3A_120 = arith.constant 0 : i32
        %scan3A_121 = arith.constant 0 : i32
        %scan3A_122 = arith.constant 8 : i32
        %scan3A_123 = arith.addi %scan3A_121, %scan3A_122 : i32
        %scan3A_124 = arith.constant 1 : i32
        scf.for %scan3A_146 = %scan3A_121 to %scan3A_123 step %scan3A_124  : i32 {
          %mul3A_147 = arith.constant 16 : i32
          %mul3A_148 = arith.muli %scan3A_146, %mul3A_147 : i32
          %get3A = arith.index_cast %add3A_119 : i32 to index
          %get3A_149 = arith.index_cast %mul3A_148 : i32 to index
          %get3A_150 = tpu.vector_load %arg6[%get3A, %get3A_149] {strides = array<i32>} : memref<80x128xi32, #tpu.memory_space<vmem>>, vector<1x16xi32>,
          %get3A_151 = vector.shape_cast %get3A_150 : vector<1x16xi32> to vector<16xi32>
          %shift_right_arithmetic3A = arith.constant 16 : i32
          %shift_right_arithmetic3A_152 = vector.broadcast %shift_right_arithmetic3A : i32 to vector<16xi32>
          %shift_right_arithmetic3A_153 = arith.shrsi %get3A_151, %shift_right_arithmetic3A_152 : vector<16xi32>
          %swap3A = arith.index_cast %rem3A_93 : i32 to index
          %swap3A_154 = arith.index_cast %mul3A_148 : i32 to index
          %swap3A_155 = tpu.vector_load %arg8[%swap3A, %swap3A_154] {strides = array<i32>} : memref<2x128xi32, #tpu.memory_space<vmem>>, vector<1x16xi32>,
          %swap3A_156 = vector.shape_cast %swap3A_155 : vector<1x16xi32> to vector<16xi32>
          %swap3A_157 = vector.shape_cast %shift_right_arithmetic3A_153 : vector<16xi32> to vector<1x16xi32>
          tpu.vector_store %arg8[%swap3A, %swap3A_154], %swap3A_157 {strides = array<i32>} : memref<2x128xi32, #tpu.memory_space<vmem>>, vector<1x16xi32>,
          %and3A = arith.constant 65535 : i32
          %and3A_158 = vector.broadcast %and3A : i32 to vector<16xi32>
          %and3A_159 = arith.andi %get3A_151, %and3A_158 : vector<16xi32>
          %add3A_160 = arith.addi %and3A_159, %broadcast_in_dim3A_11 : vector<16xi32>
          %swap3A_161 = arith.index_cast %rem3A_93 : i32 to index
          %swap3A_162 = arith.index_cast %mul3A_148 : i32 to index
          %swap3A_163 = tpu.vector_load %arg7[%swap3A_161, %swap3A_162] {strides = array<i32>} : memref<2x128xi32, #tpu.memory_space<vmem>>, vector<1x16xi32>,
          %swap3A_164 = vector.shape_cast %swap3A_163 : vector<1x16xi32> to vector<16xi32>
          %swap3A_165 = vector.shape_cast %add3A_160 : vector<16xi32> to vector<1x16xi32>
          tpu.vector_store %arg7[%swap3A_161, %swap3A_162], %swap3A_165 {strides = array<i32>} : memref<2x128xi32, #tpu.memory_space<vmem>>, vector<1x16xi32>,
        }
        %scan3A_125 = arith.constant 8 : i32
        %dma_start3A_126 = arith.constant 0 : i32
        %dma_start3A_127 = arith.constant 0 : i32
        %dma_start3A_128 = tpu.memref_slice %arg9[%rem3A_93, %dma_start3A_126, %dma_start3A_127] : memref<2x128x128xf32, #tpu.memory_space<vmem>> -> memref<1x128x128xf32, #tpu.memory_space<vmem>>
        %dma_start3A_129 = tpu.memref_squeeze %dma_start3A_128 : memref<1x128x128xf32, #tpu.memory_space<vmem>> -> memref<128x128xf32, #tpu.memory_space<vmem>>
        %dma_start3A_130 = arith.constant 0 : i32
        %dma_start3A_131 = tpu.memref_slice %arg7[%rem3A_93, %dma_start3A_130] : memref<2x128xi32, #tpu.memory_space<vmem>> -> memref<1x128xi32, #tpu.memory_space<vmem>>
        %dma_start3A_132 = tpu.memref_squeeze %dma_start3A_131 : memref<1x128xi32, #tpu.memory_space<vmem>> -> memref<128xi32, #tpu.memory_space<vmem>>
        %dma_start3A_133 = arith.constant 0 : i32
        %dma_start3A_134 = arith.constant 0 : i32
        %dma_start3A_135 = tpu.memref_slice %arg2[%dma_start3A_133, %dma_start3A_134] : memref<20000x128xf32, #tpu.memory_space<hbm>> -> memref<20000x128xf32, #tpu.memory_space<hbm>>
        tpu.enqueue_indirect_dma source(%dma_start3A_135 : memref<20000x128xf32, #tpu.memory_space<hbm>>) target(%dma_start3A_129 : memref<128x128xf32, #tpu.memory_space<vmem>>) offsets(%dma_start3A_132 : memref<128xi32, #tpu.memory_space<vmem>>) semaphore(%arg10 : memref<!tpu.dma_semaphore, #tpu.memory_space<semaphore_mem>>)
        %dma_wait3A_136 = arith.constant 0 : i32
        %dma_wait3A_137 = arith.constant 0 : i32
        %dma_wait3A_138 = tpu.memref_slice %arg9[%rem3A_93, %dma_wait3A_136, %dma_wait3A_137] : memref<2x128x128xf32, #tpu.memory_space<vmem>> -> memref<1x128x128xf32, #tpu.memory_space<vmem>>
        %dma_wait3A_139 = tpu.memref_squeeze %dma_wait3A_138 : memref<1x128x128xf32, #tpu.memory_space<vmem>> -> memref<128x128xf32, #tpu.memory_space<vmem>>
        %dma_wait3A_140 = arith.constant 0 : i32
        %dma_wait3A_141 = tpu.memref_slice %arg7[%rem3A_93, %dma_wait3A_140] : memref<2x128xi32, #tpu.memory_space<vmem>> -> memref<1x128xi32, #tpu.memory_space<vmem>>
        %dma_wait3A_142 = tpu.memref_squeeze %dma_wait3A_141 : memref<1x128xi32, #tpu.memory_space<vmem>> -> memref<128xi32, #tpu.memory_space<vmem>>
        %dma_wait3A_143 = arith.constant 0 : i32
        %dma_wait3A_144 = arith.constant 0 : i32
        %dma_wait3A_145 = tpu.memref_slice %arg2[%dma_wait3A_143, %dma_wait3A_144] : memref<20000x128xf32, #tpu.memory_space<hbm>> -> memref<20000x128xf32, #tpu.memory_space<hbm>>
        tpu.wait_indirect_dma semaphore(%arg10 : memref<!tpu.dma_semaphore, #tpu.memory_space<semaphore_mem>>) src(%dma_wait3A_145 : memref<20000x128xf32, #tpu.memory_space<hbm>>) dst(%dma_wait3A_139 : memref<128x128xf32, #tpu.memory_space<vmem>>)
      } else {
      }
      %dma_wait3A_108 = arith.constant 0 : i32
      %dma_wait3A_109 = arith.constant 0 : i32
      %dma_wait3A_110 = tpu.memref_slice %arg9[%rem3A_89, %dma_wait3A_108, %dma_wait3A_109] : memref<2x128x128xf32, #tpu.memory_space<vmem>> -> memref<1x128x128xf32, #tpu.memory_space<vmem>>
      %dma_wait3A_111 = tpu.memref_squeeze %dma_wait3A_110 : memref<1x128x128xf32, #tpu.memory_space<vmem>> -> memref<128x128xf32, #tpu.memory_space<vmem>>
      %dma_wait3A_112 = arith.constant 0 : i32
      %dma_wait3A_113 = tpu.memref_slice %arg8[%rem3A_89, %dma_wait3A_112] : memref<2x128xi32, #tpu.memory_space<vmem>> -> memref<1x128xi32, #tpu.memory_space<vmem>>
      %dma_wait3A_114 = tpu.memref_squeeze %dma_wait3A_113 : memref<1x128xi32, #tpu.memory_space<vmem>> -> memref<128xi32, #tpu.memory_space<vmem>>
      %dma_wait3A_115 = arith.constant 0 : i32
      %dma_wait3A_116 = arith.constant 0 : i32
      %dma_wait3A_117 = tpu.memref_slice %arg12[%dma_wait3A_115, %dma_wait3A_116] : memref<10112x128xf32, #tpu.memory_space<vmem_shared>> -> memref<10112x128xf32, #tpu.memory_space<vmem_shared>>
      tpu.wait_indirect_dma semaphore(%arg11 : memref<!tpu.dma_semaphore, #tpu.memory_space<semaphore_mem>>) src(%dma_wait3A_111 : memref<128x128xf32, #tpu.memory_space<vmem>>) dst(%dma_wait3A_117 : memref<10112x128xf32, #tpu.memory_space<vmem_shared>>)
    }
    %scan3A_63 = arith.constant 80 : i32
    %barrier3A_64 = arith.constant 0 : index
    tpu.barrier barrier_id(%barrier3A_64)
    %mul3A_65 = arith.constant 5 : i32
    %mul3A_66 = arith.muli %arg1, %mul3A_65 : i32
    %add3A_67 = arith.constant 5 : i32
    %add3A_68 = arith.addi %mul3A_66, %add3A_67 : i32
    %min3A_69 = arith.constant 78 : i32
    %min3A_70 = arith.minsi %min3A_69, %add3A_68 : i32
    %while3A_71 = arith.constant 0 : i32
    %while3A_72 = arith.subi %min3A_70, %mul3A_66 : i32
    %while3A_73 = arith.addi %mul3A_66, %while3A_72 : i32
    %while3A_74 = arith.constant 1 : i32
    %while3A_75 = arith.divsi %while3A_72, %while3A_74 : i32
    %while3A_76 = arith.muli %while3A_75, %while3A_74 : i32
    %while3A_77 = arith.addi %mul3A_66, %while3A_76 : i32
    %while3A_78 = arith.constant 1 : i32
    scf.for %while3A_88 = %mul3A_66 to %while3A_77 step %while3A_78  : i32 {
      %mul3A_89 = arith.constant 128 : i32
      %mul3A_90 = arith.muli %while3A_88, %mul3A_89 : i32
      %run_scoped3A = arith.constant 0 : i32
      "tpu.region"() ({
        %run_scoped3A_93 = tpu.sem_alloc : memref<!tpu.dma_semaphore, #tpu.memory_space<semaphore_mem>>
        %dma_start3A_94 = arith.constant 0 : i32
        %dma_start3A_95 = arith.constant 0 : i32
        %dma_start3A_96 = tpu.memref_slice %arg9[%run_scoped3A, %dma_start3A_94, %dma_start3A_95] : memref<2x128x128xf32, #tpu.memory_space<vmem>> -> memref<1x128x128xf32, #tpu.memory_space<vmem>>
        %dma_start3A_97 = tpu.memref_squeeze %dma_start3A_96 : memref<1x128x128xf32, #tpu.memory_space<vmem>> -> memref<128x128xf32, #tpu.memory_space<vmem>>
        %dma_start3A_98 = arith.constant 0 : i32
        %dma_start3A_99 = tpu.memref_slice %arg12[%mul3A_90, %dma_start3A_98] : memref<10112x128xf32, #tpu.memory_space<vmem_shared>> -> memref<128x128xf32, #tpu.memory_space<vmem_shared>>
        %dma_start3A_100 = arith.constant 0 : i32
        %dma_start3A_101 = arith.constant 0 : i32
        %dma_start3A_102 = tpu.memref_slice %arg9[%run_scoped3A, %dma_start3A_100, %dma_start3A_101] : memref<2x128x128xf32, #tpu.memory_space<vmem>> -> memref<1x128x128xf32, #tpu.memory_space<vmem>>
        %dma_start3A_103 = tpu.memref_squeeze %dma_start3A_102 : memref<1x128x128xf32, #tpu.memory_space<vmem>> -> memref<128x128xf32, #tpu.memory_space<vmem>>
        %dma_start3A_104 = arith.constant 0 : i32
        %dma_start3A_105 = tpu.memref_slice %arg12[%mul3A_90, %dma_start3A_104] : memref<10112x128xf32, #tpu.memory_space<vmem_shared>> -> memref<128x128xf32, #tpu.memory_space<vmem_shared>>
        tpu.enqueue_dma source(%dma_start3A_105 : memref<128x128xf32, #tpu.memory_space<vmem_shared>>) target(%dma_start3A_103 : memref<128x128xf32, #tpu.memory_space<vmem>>) target_semaphore(%run_scoped3A_93 : memref<!tpu.dma_semaphore, #tpu.memory_space<semaphore_mem>>)
        %dma_wait3A_106 = arith.constant 0 : i32
        %dma_wait3A_107 = arith.constant 0 : i32
        %dma_wait3A_108 = tpu.memref_slice %arg9[%run_scoped3A, %dma_wait3A_106, %dma_wait3A_107] : memref<2x128x128xf32, #tpu.memory_space<vmem>> -> memref<1x128x128xf32, #tpu.memory_space<vmem>>
        %dma_wait3A_109 = tpu.memref_squeeze %dma_wait3A_108 : memref<1x128x128xf32, #tpu.memory_space<vmem>> -> memref<128x128xf32, #tpu.memory_space<vmem>>
        %dma_wait3A_110 = arith.constant 0 : i32
        %dma_wait3A_111 = tpu.memref_slice %arg12[%mul3A_90, %dma_wait3A_110] : memref<10112x128xf32, #tpu.memory_space<vmem_shared>> -> memref<128x128xf32, #tpu.memory_space<vmem_shared>>
        %dma_wait3A_112 = arith.constant 0 : i32
        %dma_wait3A_113 = arith.constant 0 : i32
        %dma_wait3A_114 = tpu.memref_slice %arg9[%run_scoped3A, %dma_wait3A_112, %dma_wait3A_113] : memref<2x128x128xf32, #tpu.memory_space<vmem>> -> memref<1x128x128xf32, #tpu.memory_space<vmem>>
        %dma_wait3A_115 = tpu.memref_squeeze %dma_wait3A_114 : memref<1x128x128xf32, #tpu.memory_space<vmem>> -> memref<128x128xf32, #tpu.memory_space<vmem>>
        %dma_wait3A_116 = arith.constant 0 : i32
        %dma_wait3A_117 = tpu.memref_slice %arg12[%mul3A_90, %dma_wait3A_116] : memref<10112x128xf32, #tpu.memory_space<vmem_shared>> -> memref<128x128xf32, #tpu.memory_space<vmem_shared>>
        tpu.wait_dma2 semaphore(%run_scoped3A_93 : memref<!tpu.dma_semaphore, #tpu.memory_space<semaphore_mem>>) src(%dma_wait3A_117 : memref<128x128xf32, #tpu.memory_space<vmem_shared>>) dst(%dma_wait3A_115 : memref<128x128xf32, #tpu.memory_space<vmem>>)
        tpu.yield
      }) : () -> ()
      %add3A_91 = arith.addi %mul3A_8, %mul3A_90 : i32
      %run_scoped3A_92 = arith.constant 0 : i32
      "tpu.region"() ({
        %run_scoped3A_93 = tpu.sem_alloc : memref<!tpu.dma_semaphore, #tpu.memory_space<semaphore_mem>>
        %dma_start3A_94 = arith.constant 0 : i32
        %dma_start3A_95 = arith.constant 0 : i32
        %dma_start3A_96 = tpu.memref_slice %arg9[%run_scoped3A_92, %dma_start3A_94, %dma_start3A_95] : memref<2x128x128xf32, #tpu.memory_space<vmem>> -> memref<1x128x128xf32, #tpu.memory_space<vmem>>
        %dma_start3A_97 = tpu.memref_squeeze %dma_start3A_96 : memref<1x128x128xf32, #tpu.memory_space<vmem>> -> memref<128x128xf32, #tpu.memory_space<vmem>>
        %dma_start3A_98 = arith.constant 0 : i32
        %dma_start3A_99 = tpu.memref_slice %arg4[%add3A_91, %dma_start3A_98] : memref<20000x128xf32, #tpu.memory_space<hbm>> -> memref<128x128xf32, #tpu.memory_space<hbm>>
        %dma_start3A_100 = arith.constant 0 : i32
        %dma_start3A_101 = tpu.memref_slice %arg4[%add3A_91, %dma_start3A_100] : memref<20000x128xf32, #tpu.memory_space<hbm>> -> memref<128x128xf32, #tpu.memory_space<hbm>>
        %dma_start3A_102 = arith.constant 0 : i32
        %dma_start3A_103 = arith.constant 0 : i32
        %dma_start3A_104 = tpu.memref_slice %arg9[%run_scoped3A_92, %dma_start3A_102, %dma_start3A_103] : memref<2x128x128xf32, #tpu.memory_space<vmem>> -> memref<1x128x128xf32, #tpu.memory_space<vmem>>
        %dma_start3A_105 = tpu.memref_squeeze %dma_start3A_104 : memref<1x128x128xf32, #tpu.memory_space<vmem>> -> memref<128x128xf32, #tpu.memory_space<vmem>>
        tpu.enqueue_dma source(%dma_start3A_105 : memref<128x128xf32, #tpu.memory_space<vmem>>) target(%dma_start3A_101 : memref<128x128xf32, #tpu.memory_space<hbm>>) target_semaphore(%run_scoped3A_93 : memref<!tpu.dma_semaphore, #tpu.memory_space<semaphore_mem>>)
        %dma_wait3A_106 = arith.constant 0 : i32
        %dma_wait3A_107 = arith.constant 0 : i32
        %dma_wait3A_108 = tpu.memref_slice %arg9[%run_scoped3A_92, %dma_wait3A_106, %dma_wait3A_107] : memref<2x128x128xf32, #tpu.memory_space<vmem>> -> memref<1x128x128xf32, #tpu.memory_space<vmem>>
        %dma_wait3A_109 = tpu.memref_squeeze %dma_wait3A_108 : memref<1x128x128xf32, #tpu.memory_space<vmem>> -> memref<128x128xf32, #tpu.memory_space<vmem>>
        %dma_wait3A_110 = arith.constant 0 : i32
        %dma_wait3A_111 = tpu.memref_slice %arg4[%add3A_91, %dma_wait3A_110] : memref<20000x128xf32, #tpu.memory_space<hbm>> -> memref<128x128xf32, #tpu.memory_space<hbm>>
        %dma_wait3A_112 = arith.constant 0 : i32
        %dma_wait3A_113 = tpu.memref_slice %arg4[%add3A_91, %dma_wait3A_112] : memref<20000x128xf32, #tpu.memory_space<hbm>> -> memref<128x128xf32, #tpu.memory_space<hbm>>
        %dma_wait3A_114 = arith.constant 0 : i32
        %dma_wait3A_115 = arith.constant 0 : i32
        %dma_wait3A_116 = tpu.memref_slice %arg9[%run_scoped3A_92, %dma_wait3A_114, %dma_wait3A_115] : memref<2x128x128xf32, #tpu.memory_space<vmem>> -> memref<1x128x128xf32, #tpu.memory_space<vmem>>
        %dma_wait3A_117 = tpu.memref_squeeze %dma_wait3A_116 : memref<1x128x128xf32, #tpu.memory_space<vmem>> -> memref<128x128xf32, #tpu.memory_space<vmem>>
        tpu.wait_dma2 semaphore(%run_scoped3A_93 : memref<!tpu.dma_semaphore, #tpu.memory_space<semaphore_mem>>) src(%dma_wait3A_117 : memref<128x128xf32, #tpu.memory_space<vmem>>) dst(%dma_wait3A_113 : memref<128x128xf32, #tpu.memory_space<hbm>>)
        tpu.yield
      }) : () -> ()
    }
    %while3A_79 = arith.constant 1 : i32
    scf.for %while3A_88 = %while3A_77 to %while3A_73 step %while3A_79  : i32 {
      %mul3A_89 = arith.constant 128 : i32
      %mul3A_90 = arith.muli %while3A_88, %mul3A_89 : i32
      %run_scoped3A = arith.constant 0 : i32
      "tpu.region"() ({
        %run_scoped3A_93 = tpu.sem_alloc : memref<!tpu.dma_semaphore, #tpu.memory_space<semaphore_mem>>
        %dma_start3A_94 = arith.constant 0 : i32
        %dma_start3A_95 = arith.constant 0 : i32
        %dma_start3A_96 = tpu.memref_slice %arg9[%run_scoped3A, %dma_start3A_94, %dma_start3A_95] : memref<2x128x128xf32, #tpu.memory_space<vmem>> -> memref<1x128x128xf32, #tpu.memory_space<vmem>>
        %dma_start3A_97 = tpu.memref_squeeze %dma_start3A_96 : memref<1x128x128xf32, #tpu.memory_space<vmem>> -> memref<128x128xf32, #tpu.memory_space<vmem>>
        %dma_start3A_98 = arith.constant 0 : i32
        %dma_start3A_99 = tpu.memref_slice %arg12[%mul3A_90, %dma_start3A_98] : memref<10112x128xf32, #tpu.memory_space<vmem_shared>> -> memref<128x128xf32, #tpu.memory_space<vmem_shared>>
        %dma_start3A_100 = arith.constant 0 : i32
        %dma_start3A_101 = arith.constant 0 : i32
        %dma_start3A_102 = tpu.memref_slice %arg9[%run_scoped3A, %dma_start3A_100, %dma_start3A_101] : memref<2x128x128xf32, #tpu.memory_space<vmem>> -> memref<1x128x128xf32, #tpu.memory_space<vmem>>
        %dma_start3A_103 = tpu.memref_squeeze %dma_start3A_102 : memref<1x128x128xf32, #tpu.memory_space<vmem>> -> memref<128x128xf32, #tpu.memory_space<vmem>>
        %dma_start3A_104 = arith.constant 0 : i32
        %dma_start3A_105 = tpu.memref_slice %arg12[%mul3A_90, %dma_start3A_104] : memref<10112x128xf32, #tpu.memory_space<vmem_shared>> -> memref<128x128xf32, #tpu.memory_space<vmem_shared>>
        tpu.enqueue_dma source(%dma_start3A_105 : memref<128x128xf32, #tpu.memory_space<vmem_shared>>) target(%dma_start3A_103 : memref<128x128xf32, #tpu.memory_space<vmem>>) target_semaphore(%run_scoped3A_93 : memref<!tpu.dma_semaphore, #tpu.memory_space<semaphore_mem>>)
        %dma_wait3A_106 = arith.constant 0 : i32
        %dma_wait3A_107 = arith.constant 0 : i32
        %dma_wait3A_108 = tpu.memref_slice %arg9[%run_scoped3A, %dma_wait3A_106, %dma_wait3A_107] : memref<2x128x128xf32, #tpu.memory_space<vmem>> -> memref<1x128x128xf32, #tpu.memory_space<vmem>>
        %dma_wait3A_109 = tpu.memref_squeeze %dma_wait3A_108 : memref<1x128x128xf32, #tpu.memory_space<vmem>> -> memref<128x128xf32, #tpu.memory_space<vmem>>
        %dma_wait3A_110 = arith.constant 0 : i32
        %dma_wait3A_111 = tpu.memref_slice %arg12[%mul3A_90, %dma_wait3A_110] : memref<10112x128xf32, #tpu.memory_space<vmem_shared>> -> memref<128x128xf32, #tpu.memory_space<vmem_shared>>
        %dma_wait3A_112 = arith.constant 0 : i32
        %dma_wait3A_113 = arith.constant 0 : i32
        %dma_wait3A_114 = tpu.memref_slice %arg9[%run_scoped3A, %dma_wait3A_112, %dma_wait3A_113] : memref<2x128x128xf32, #tpu.memory_space<vmem>> -> memref<1x128x128xf32, #tpu.memory_space<vmem>>
        %dma_wait3A_115 = tpu.memref_squeeze %dma_wait3A_114 : memref<1x128x128xf32, #tpu.memory_space<vmem>> -> memref<128x128xf32, #tpu.memory_space<vmem>>
        %dma_wait3A_116 = arith.constant 0 : i32
        %dma_wait3A_117 = tpu.memref_slice %arg12[%mul3A_90, %dma_wait3A_116] : memref<10112x128xf32, #tpu.memory_space<vmem_shared>> -> memref<128x128xf32, #tpu.memory_space<vmem_shared>>
        tpu.wait_dma2 semaphore(%run_scoped3A_93 : memref<!tpu.dma_semaphore, #tpu.memory_space<semaphore_mem>>) src(%dma_wait3A_117 : memref<128x128xf32, #tpu.memory_space<vmem_shared>>) dst(%dma_wait3A_115 : memref<128x128xf32, #tpu.memory_space<vmem>>)
        tpu.yield
      }) : () -> ()
      %add3A_91 = arith.addi %mul3A_8, %mul3A_90 : i32
      %run_scoped3A_92 = arith.constant 0 : i32
      "tpu.region"() ({
        %run_scoped3A_93 = tpu.sem_alloc : memref<!tpu.dma_semaphore, #tpu.memory_space<semaphore_mem>>
        %dma_start3A_94 = arith.constant 0 : i32
        %dma_start3A_95 = arith.constant 0 : i32
        %dma_start3A_96 = tpu.memref_slice %arg9[%run_scoped3A_92, %dma_start3A_94, %dma_start3A_95] : memref<2x128x128xf32, #tpu.memory_space<vmem>> -> memref<1x128x128xf32, #tpu.memory_space<vmem>>
        %dma_start3A_97 = tpu.memref_squeeze %dma_start3A_96 : memref<1x128x128xf32, #tpu.memory_space<vmem>> -> memref<128x128xf32, #tpu.memory_space<vmem>>
        %dma_start3A_98 = arith.constant 0 : i32
        %dma_start3A_99 = tpu.memref_slice %arg4[%add3A_91, %dma_start3A_98] : memref<20000x128xf32, #tpu.memory_space<hbm>> -> memref<128x128xf32, #tpu.memory_space<hbm>>
        %dma_start3A_100 = arith.constant 0 : i32
        %dma_start3A_101 = tpu.memref_slice %arg4[%add3A_91, %dma_start3A_100] : memref<20000x128xf32, #tpu.memory_space<hbm>> -> memref<128x128xf32, #tpu.memory_space<hbm>>
        %dma_start3A_102 = arith.constant 0 : i32
        %dma_start3A_103 = arith.constant 0 : i32
        %dma_start3A_104 = tpu.memref_slice %arg9[%run_scoped3A_92, %dma_start3A_102, %dma_start3A_103] : memref<2x128x128xf32, #tpu.memory_space<vmem>> -> memref<1x128x128xf32, #tpu.memory_space<vmem>>
        %dma_start3A_105 = tpu.memref_squeeze %dma_start3A_104 : memref<1x128x128xf32, #tpu.memory_space<vmem>> -> memref<128x128xf32, #tpu.memory_space<vmem>>
        tpu.enqueue_dma source(%dma_start3A_105 : memref<128x128xf32, #tpu.memory_space<vmem>>) target(%dma_start3A_101 : memref<128x128xf32, #tpu.memory_space<hbm>>) target_semaphore(%run_scoped3A_93 : memref<!tpu.dma_semaphore, #tpu.memory_space<semaphore_mem>>)
        %dma_wait3A_106 = arith.constant 0 : i32
        %dma_wait3A_107 = arith.constant 0 : i32
        %dma_wait3A_108 = tpu.memref_slice %arg9[%run_scoped3A_92, %dma_wait3A_106, %dma_wait3A_107] : memref<2x128x128xf32, #tpu.memory_space<vmem>> -> memref<1x128x128xf32, #tpu.memory_space<vmem>>
        %dma_wait3A_109 = tpu.memref_squeeze %dma_wait3A_108 : memref<1x128x128xf32, #tpu.memory_space<vmem>> -> memref<128x128xf32, #tpu.memory_space<vmem>>
        %dma_wait3A_110 = arith.constant 0 : i32
        %dma_wait3A_111 = tpu.memref_slice %arg4[%add3A_91, %dma_wait3A_110] : memref<20000x128xf32, #tpu.memory_space<hbm>> -> memref<128x128xf32, #tpu.memory_space<hbm>>
        %dma_wait3A_112 = arith.constant 0 : i32
        %dma_wait3A_113 = tpu.memref_slice %arg4[%add3A_91, %dma_wait3A_112] : memref<20000x128xf32, #tpu.memory_space<hbm>> -> memref<128x128xf32, #tpu.memory_space<hbm>>
        %dma_wait3A_114 = arith.constant 0 : i32
        %dma_wait3A_115 = arith.constant 0 : i32
        %dma_wait3A_116 = tpu.memref_slice %arg9[%run_scoped3A_92, %dma_wait3A_114, %dma_wait3A_115] : memref<2x128x128xf32, #tpu.memory_space<vmem>> -> memref<1x128x128xf32, #tpu.memory_space<vmem>>
        %dma_wait3A_117 = tpu.memref_squeeze %dma_wait3A_116 : memref<1x128x128xf32, #tpu.memory_space<vmem>> -> memref<128x128xf32, #tpu.memory_space<vmem>>
        tpu.wait_dma2 semaphore(%run_scoped3A_93 : memref<!tpu.dma_semaphore, #tpu.memory_space<semaphore_mem>>) src(%dma_wait3A_117 : memref<128x128xf32, #tpu.memory_space<vmem>>) dst(%dma_wait3A_113 : memref<128x128xf32, #tpu.memory_space<hbm>>)
        tpu.yield
      }) : () -> ()
    }
    %eq3A = arith.constant 15 : i32
    %eq3A_80 = arith.cmpi eq, %arg1, %eq3A : i32
    %convert_element_type3A = arith.extui %eq3A_80 : i1 to i32
    %cond3A = arith.constant 0 : i32
    %cond3A_81 = arith.cmpi ne, %convert_element_type3A, %cond3A : i32
    scf.if %cond3A_81 {
      %run_scoped3A = arith.constant 0 : i32
      "tpu.region"() ({
        %run_scoped3A_91 = tpu.sem_alloc : memref<!tpu.dma_semaphore, #tpu.memory_space<semaphore_mem>>
        %dma_start3A_92 = arith.constant 0 : i32
        %dma_start3A_93 = arith.constant 0 : i32
        %dma_start3A_94 = tpu.memref_slice %arg9[%run_scoped3A, %dma_start3A_92, %dma_start3A_93] : memref<2x128x128xf32, #tpu.memory_space<vmem>> -> memref<1x16x128xf32, #tpu.memory_space<vmem>>
        %dma_start3A_95 = tpu.memref_squeeze %dma_start3A_94 : memref<1x16x128xf32, #tpu.memory_space<vmem>> -> memref<16x128xf32, #tpu.memory_space<vmem>>
        %dma_start3A_96 = arith.constant 9984 : i32
        %dma_start3A_97 = arith.constant 0 : i32
        %dma_start3A_98 = tpu.memref_slice %arg12[%dma_start3A_96, %dma_start3A_97] : memref<10112x128xf32, #tpu.memory_space<vmem_shared>> -> memref<16x128xf32, #tpu.memory_space<vmem_shared>>
        %dma_start3A_99 = arith.constant 0 : i32
        %dma_start3A_100 = arith.constant 0 : i32
        %dma_start3A_101 = tpu.memref_slice %arg9[%run_scoped3A, %dma_start3A_99, %dma_start3A_100] : memref<2x128x128xf32, #tpu.memory_space<vmem>> -> memref<1x16x128xf32, #tpu.memory_space<vmem>>
        %dma_start3A_102 = tpu.memref_squeeze %dma_start3A_101 : memref<1x16x128xf32, #tpu.memory_space<vmem>> -> memref<16x128xf32, #tpu.memory_space<vmem>>
        %dma_start3A_103 = arith.constant 9984 : i32
        %dma_start3A_104 = arith.constant 0 : i32
        %dma_start3A_105 = tpu.memref_slice %arg12[%dma_start3A_103, %dma_start3A_104] : memref<10112x128xf32, #tpu.memory_space<vmem_shared>> -> memref<16x128xf32, #tpu.memory_space<vmem_shared>>
        tpu.enqueue_dma source(%dma_start3A_105 : memref<16x128xf32, #tpu.memory_space<vmem_shared>>) target(%dma_start3A_102 : memref<16x128xf32, #tpu.memory_space<vmem>>) target_semaphore(%run_scoped3A_91 : memref<!tpu.dma_semaphore, #tpu.memory_space<semaphore_mem>>)
        %dma_wait3A_106 = arith.constant 0 : i32
        %dma_wait3A_107 = arith.constant 0 : i32
        %dma_wait3A_108 = tpu.memref_slice %arg9[%run_scoped3A, %dma_wait3A_106, %dma_wait3A_107] : memref<2x128x128xf32, #tpu.memory_space<vmem>> -> memref<1x16x128xf32, #tpu.memory_space<vmem>>
        %dma_wait3A_109 = tpu.memref_squeeze %dma_wait3A_108 : memref<1x16x128xf32, #tpu.memory_space<vmem>> -> memref<16x128xf32, #tpu.memory_space<vmem>>
        %dma_wait3A_110 = arith.constant 9984 : i32
        %dma_wait3A_111 = arith.constant 0 : i32
        %dma_wait3A_112 = tpu.memref_slice %arg12[%dma_wait3A_110, %dma_wait3A_111] : memref<10112x128xf32, #tpu.memory_space<vmem_shared>> -> memref<16x128xf32, #tpu.memory_space<vmem_shared>>
        %dma_wait3A_113 = arith.constant 0 : i32
        %dma_wait3A_114 = arith.constant 0 : i32
        %dma_wait3A_115 = tpu.memref_slice %arg9[%run_scoped3A, %dma_wait3A_113, %dma_wait3A_114] : memref<2x128x128xf32, #tpu.memory_space<vmem>> -> memref<1x16x128xf32, #tpu.memory_space<vmem>>
        %dma_wait3A_116 = tpu.memref_squeeze %dma_wait3A_115 : memref<1x16x128xf32, #tpu.memory_space<vmem>> -> memref<16x128xf32, #tpu.memory_space<vmem>>
        %dma_wait3A_117 = arith.constant 9984 : i32
        %dma_wait3A_118 = arith.constant 0 : i32
        %dma_wait3A_119 = tpu.memref_slice %arg12[%dma_wait3A_117, %dma_wait3A_118] : memref<10112x128xf32, #tpu.memory_space<vmem_shared>> -> memref<16x128xf32, #tpu.memory_space<vmem_shared>>
        tpu.wait_dma2 semaphore(%run_scoped3A_91 : memref<!tpu.dma_semaphore, #tpu.memory_space<semaphore_mem>>) src(%dma_wait3A_119 : memref<16x128xf32, #tpu.memory_space<vmem_shared>>) dst(%dma_wait3A_116 : memref<16x128xf32, #tpu.memory_space<vmem>>)
        tpu.yield
      }) : () -> ()
      %add3A_88 = arith.constant 9984 : i32
      %add3A_89 = arith.addi %mul3A_8, %add3A_88 : i32
      %run_scoped3A_90 = arith.constant 0 : i32
      "tpu.region"() ({
        %run_scoped3A_91 = tpu.sem_alloc : memref<!tpu.dma_semaphore, #tpu.memory_space<semaphore_mem>>
        %dma_start3A_92 = arith.constant 0 : i32
        %dma_start3A_93 = arith.constant 0 : i32
        %dma_start3A_94 = tpu.memref_slice %arg9[%run_scoped3A_90, %dma_start3A_92, %dma_start3A_93] : memref<2x128x128xf32, #tpu.memory_space<vmem>> -> memref<1x16x128xf32, #tpu.memory_space<vmem>>
        %dma_start3A_95 = tpu.memref_squeeze %dma_start3A_94 : memref<1x16x128xf32, #tpu.memory_space<vmem>> -> memref<16x128xf32, #tpu.memory_space<vmem>>
        %dma_start3A_96 = arith.constant 0 : i32
        %dma_start3A_97 = tpu.memref_slice %arg4[%add3A_89, %dma_start3A_96] : memref<20000x128xf32, #tpu.memory_space<hbm>> -> memref<16x128xf32, #tpu.memory_space<hbm>>
        %dma_start3A_98 = arith.constant 0 : i32
        %dma_start3A_99 = tpu.memref_slice %arg4[%add3A_89, %dma_start3A_98] : memref<20000x128xf32, #tpu.memory_space<hbm>> -> memref<16x128xf32, #tpu.memory_space<hbm>>
        %dma_start3A_100 = arith.constant 0 : i32
        %dma_start3A_101 = arith.constant 0 : i32
        %dma_start3A_102 = tpu.memref_slice %arg9[%run_scoped3A_90, %dma_start3A_100, %dma_start3A_101] : memref<2x128x128xf32, #tpu.memory_space<vmem>> -> memref<1x16x128xf32, #tpu.memory_space<vmem>>
        %dma_start3A_103 = tpu.memref_squeeze %dma_start3A_102 : memref<1x16x128xf32, #tpu.memory_space<vmem>> -> memref<16x128xf32, #tpu.memory_space<vmem>>
        tpu.enqueue_dma source(%dma_start3A_103 : memref<16x128xf32, #tpu.memory_space<vmem>>) target(%dma_start3A_99 : memref<16x128xf32, #tpu.memory_space<hbm>>) target_semaphore(%run_scoped3A_91 : memref<!tpu.dma_semaphore, #tpu.memory_space<semaphore_mem>>)
        %dma_wait3A_104 = arith.constant 0 : i32
        %dma_wait3A_105 = arith.constant 0 : i32
        %dma_wait3A_106 = tpu.memref_slice %arg9[%run_scoped3A_90, %dma_wait3A_104, %dma_wait3A_105] : memref<2x128x128xf32, #tpu.memory_space<vmem>> -> memref<1x16x128xf32, #tpu.memory_space<vmem>>
        %dma_wait3A_107 = tpu.memref_squeeze %dma_wait3A_106 : memref<1x16x128xf32, #tpu.memory_space<vmem>> -> memref<16x128xf32, #tpu.memory_space<vmem>>
        %dma_wait3A_108 = arith.constant 0 : i32
        %dma_wait3A_109 = tpu.memref_slice %arg4[%add3A_89, %dma_wait3A_108] : memref<20000x128xf32, #tpu.memory_space<hbm>> -> memref<16x128xf32, #tpu.memory_space<hbm>>
        %dma_wait3A_110 = arith.constant 0 : i32
        %dma_wait3A_111 = tpu.memref_slice %arg4[%add3A_89, %dma_wait3A_110] : memref<20000x128xf32, #tpu.memory_space<hbm>> -> memref<16x128xf32, #tpu.memory_space<hbm>>
        %dma_wait3A_112 = arith.constant 0 : i32
        %dma_wait3A_113 = arith.constant 0 : i32
        %dma_wait3A_114 = tpu.memref_slice %arg9[%run_scoped3A_90, %dma_wait3A_112, %dma_wait3A_113] : memref<2x128x128xf32, #tpu.memory_space<vmem>> -> memref<1x16x128xf32, #tpu.memory_space<vmem>>
        %dma_wait3A_115 = tpu.memref_squeeze %dma_wait3A_114 : memref<1x16x128xf32, #tpu.memory_space<vmem>> -> memref<16x128xf32, #tpu.memory_space<vmem>>
        tpu.wait_dma2 semaphore(%run_scoped3A_91 : memref<!tpu.dma_semaphore, #tpu.memory_space<semaphore_mem>>) src(%dma_wait3A_115 : memref<16x128xf32, #tpu.memory_space<vmem>>) dst(%dma_wait3A_111 : memref<16x128xf32, #tpu.memory_space<hbm>>)
        tpu.yield
      }) : () -> ()
    } else {
    }
    %barrier3A_82 = arith.constant 0 : index
    tpu.barrier barrier_id(%barrier3A_82)
    %eq3A_83 = arith.constant 0 : i32
    %eq3A_84 = arith.cmpi eq, %arg0, %eq3A_83 : i32
    %convert_element_type3A_85 = arith.extui %eq3A_84 : i1 to i32
    %cond3A_86 = arith.constant 0 : i32
    %cond3A_87 = arith.cmpi ne, %convert_element_type3A_85, %cond3A_86 : i32
    scf.if %cond3A_87 {
      %broadcast_in_dim3A_88 = arith.constant 0 : i32
      %broadcast_in_dim3A_89 = vector.broadcast %broadcast_in_dim3A_88 : i32 to vector<16xi32>
      %scan3A_90 = arith.constant 0 : i32
      %scan3A_91 = arith.constant 0 : i32
      %scan3A_92 = arith.constant 1024 : i32
      %scan3A_93 = arith.addi %scan3A_91, %scan3A_92 : i32
      %scan3A_94 = arith.constant 1 : i32
      scf.for %scan3A_152 = %scan3A_91 to %scan3A_93 step %scan3A_94  : i32 {
        %jit3A = arith.constant 8 : i32
        %div3A = arith.divsi %scan3A_152, %jit3A : i32
        %sign3A = arith.constant 0 : i32
        %sign3A_153 = arith.cmpi sgt, %scan3A_152, %sign3A : i32
        %sign3A_154 = arith.extui %sign3A_153 : i1 to i32
        %sign3A_155 = arith.constant 0 : i32
        %sign3A_156 = arith.cmpi slt, %scan3A_152, %sign3A_155 : i32
        %sign3A_157 = arith.extui %sign3A_156 : i1 to i32
        %sign3A_158 = arith.subi %sign3A_154, %sign3A_157 : i32
        %sign3A_159 = arith.constant 0 : i32
        %sign3A_160 = arith.cmpi sgt, %jit3A, %sign3A_159 : i32
        %sign3A_161 = arith.extui %sign3A_160 : i1 to i32
        %sign3A_162 = arith.constant 0 : i32
        %sign3A_163 = arith.cmpi slt, %jit3A, %sign3A_162 : i32
        %sign3A_164 = arith.extui %sign3A_163 : i1 to i32
        %sign3A_165 = arith.subi %sign3A_161, %sign3A_164 : i32
        %ne3A = arith.cmpi ne, %sign3A_158, %sign3A_165 : i32
        %rem3A = arith.remsi %scan3A_152, %jit3A : i32
        %ne3A_166 = arith.constant 0 : i32
        %ne3A_167 = arith.cmpi ne, %rem3A, %ne3A_166 : i32
        %and3A = arith.andi %ne3A, %ne3A_167 : i1
        %sub3A = arith.constant 1 : i32
        %sub3A_168 = arith.subi %div3A, %sub3A : i32
        %select_n3A = arith.select %and3A, %sub3A_168, %div3A : i32
        %jit3A_169 = arith.constant 8 : i32
        %eq3A_170 = arith.constant 0 : i32
        %eq3A_171 = arith.cmpi eq, %jit3A_169, %eq3A_170 : i32
        %jit3A_172 = arith.constant 1 : i32
        %select_n3A_173 = arith.select %eq3A_171, %jit3A_172, %jit3A_169 : i32
        %rem3A_174 = arith.remsi %scan3A_152, %select_n3A_173 : i32
        %ne3A_175 = arith.constant 0 : i32
        %ne3A_176 = arith.cmpi ne, %rem3A_174, %ne3A_175 : i32
        %lt3A = arith.constant 0 : i32
        %lt3A_177 = arith.cmpi slt, %rem3A_174, %lt3A : i32
        %lt3A_178 = arith.constant 0 : i32
        %lt3A_179 = arith.cmpi slt, %select_n3A_173, %lt3A_178 : i32
        %ne3A_180 = arith.xori %lt3A_177, %lt3A_179 : i1
        %and3A_181 = arith.andi %ne3A_180, %ne3A_176 : i1
        %add3A_182 = arith.addi %rem3A_174, %select_n3A_173 : i32
        %select_n3A_183 = arith.select %and3A_181, %add3A_182, %rem3A_174 : i32
        %mul3A_184 = arith.constant 16 : i32
        %mul3A_185 = arith.muli %select_n3A_183, %mul3A_184 : i32
        %swap3A = arith.constant 0 : i32
        %swap3A_186 = arith.index_cast %swap3A : i32 to index
        %swap3A_187 = arith.index_cast %select_n3A : i32 to index
        %swap3A_188 = arith.index_cast %mul3A_185 : i32 to index
        %swap3A_189 = tpu.vector_load %arg9[%swap3A_186, %swap3A_187, %swap3A_188] {strides = array<i32>} : memref<2x128x128xf32, #tpu.memory_space<vmem>>, vector<1x1x16xf32>,
        %swap3A_190 = vector.shape_cast %swap3A_189 : vector<1x1x16xf32> to vector<16xf32>
        %swap3A_191 = vector.shape_cast %broadcast_in_dim3A_0 : vector<16xf32> to vector<1x1x16xf32>
        tpu.vector_store %arg9[%swap3A_186, %swap3A_187, %swap3A_188], %swap3A_191 {strides = array<i32>} : memref<2x128x128xf32, #tpu.memory_space<vmem>>, vector<1x1x16xf32>,
      }
      %scan3A_95 = arith.constant 1024 : i32
      %mul3A_96 = arith.constant 5 : i32
      %mul3A_97 = arith.muli %arg1, %mul3A_96 : i32
      %add3A_98 = arith.constant 5 : i32
      %add3A_99 = arith.addi %mul3A_97, %add3A_98 : i32
      %min3A_100 = arith.constant 79 : i32
      %min3A_101 = arith.minsi %min3A_100, %add3A_99 : i32
      %while3A_102 = arith.constant 0 : i32
      %while3A_103 = arith.subi %min3A_101, %mul3A_97 : i32
      %while3A_104 = arith.addi %mul3A_97, %while3A_103 : i32
      %while3A_105 = arith.constant 1 : i32
      %while3A_106 = arith.divsi %while3A_103, %while3A_105 : i32
      %while3A_107 = arith.muli %while3A_106, %while3A_105 : i32
      %while3A_108 = arith.addi %mul3A_97, %while3A_107 : i32
      %while3A_109 = arith.constant 1 : i32
      scf.for %while3A_152 = %mul3A_97 to %while3A_108 step %while3A_109  : i32 {
        %mul3A_153 = arith.constant 128 : i32
        %mul3A_154 = arith.muli %while3A_152, %mul3A_153 : i32
        %run_scoped3A = arith.constant 0 : i32
        "tpu.region"() ({
          %run_scoped3A_155 = tpu.sem_alloc : memref<!tpu.dma_semaphore, #tpu.memory_space<semaphore_mem>>
          %dma_start3A_156 = arith.constant 0 : i32
          %dma_start3A_157 = arith.constant 0 : i32
          %dma_start3A_158 = tpu.memref_slice %arg9[%run_scoped3A, %dma_start3A_156, %dma_start3A_157] : memref<2x128x128xf32, #tpu.memory_space<vmem>> -> memref<1x128x128xf32, #tpu.memory_space<vmem>>
          %dma_start3A_159 = tpu.memref_squeeze %dma_start3A_158 : memref<1x128x128xf32, #tpu.memory_space<vmem>> -> memref<128x128xf32, #tpu.memory_space<vmem>>
          %dma_start3A_160 = arith.constant 0 : i32
          %dma_start3A_161 = tpu.memref_slice %arg12[%mul3A_154, %dma_start3A_160] : memref<10112x128xf32, #tpu.memory_space<vmem_shared>> -> memref<128x128xf32, #tpu.memory_space<vmem_shared>>
          %dma_start3A_162 = arith.constant 0 : i32
          %dma_start3A_163 = tpu.memref_slice %arg12[%mul3A_154, %dma_start3A_162] : memref<10112x128xf32, #tpu.memory_space<vmem_shared>> -> memref<128x128xf32, #tpu.memory_space<vmem_shared>>
          %dma_start3A_164 = arith.constant 0 : i32
          %dma_start3A_165 = arith.constant 0 : i32
          %dma_start3A_166 = tpu.memref_slice %arg9[%run_scoped3A, %dma_start3A_164, %dma_start3A_165] : memref<2x128x128xf32, #tpu.memory_space<vmem>> -> memref<1x128x128xf32, #tpu.memory_space<vmem>>
          %dma_start3A_167 = tpu.memref_squeeze %dma_start3A_166 : memref<1x128x128xf32, #tpu.memory_space<vmem>> -> memref<128x128xf32, #tpu.memory_space<vmem>>
          tpu.enqueue_dma source(%dma_start3A_167 : memref<128x128xf32, #tpu.memory_space<vmem>>) target(%dma_start3A_163 : memref<128x128xf32, #tpu.memory_space<vmem_shared>>) target_semaphore(%run_scoped3A_155 : memref<!tpu.dma_semaphore, #tpu.memory_space<semaphore_mem>>)
          %dma_wait3A_168 = arith.constant 0 : i32
          %dma_wait3A_169 = arith.constant 0 : i32
          %dma_wait3A_170 = tpu.memref_slice %arg9[%run_scoped3A, %dma_wait3A_168, %dma_wait3A_169] : memref<2x128x128xf32, #tpu.memory_space<vmem>> -> memref<1x128x128xf32, #tpu.memory_space<vmem>>
          %dma_wait3A_171 = tpu.memref_squeeze %dma_wait3A_170 : memref<1x128x128xf32, #tpu.memory_space<vmem>> -> memref<128x128xf32, #tpu.memory_space<vmem>>
          %dma_wait3A_172 = arith.constant 0 : i32
          %dma_wait3A_173 = tpu.memref_slice %arg12[%mul3A_154, %dma_wait3A_172] : memref<10112x128xf32, #tpu.memory_space<vmem_shared>> -> memref<128x128xf32, #tpu.memory_space<vmem_shared>>
          %dma_wait3A_174 = arith.constant 0 : i32
          %dma_wait3A_175 = tpu.memref_slice %arg12[%mul3A_154, %dma_wait3A_174] : memref<10112x128xf32, #tpu.memory_space<vmem_shared>> -> memref<128x128xf32, #tpu.memory_space<vmem_shared>>
          %dma_wait3A_176 = arith.constant 0 : i32
          %dma_wait3A_177 = arith.constant 0 : i32
          %dma_wait3A_178 = tpu.memref_slice %arg9[%run_scoped3A, %dma_wait3A_176, %dma_wait3A_177] : memref<2x128x128xf32, #tpu.memory_space<vmem>> -> memref<1x128x128xf32, #tpu.memory_space<vmem>>
          %dma_wait3A_179 = tpu.memref_squeeze %dma_wait3A_178 : memref<1x128x128xf32, #tpu.memory_space<vmem>> -> memref<128x128xf32, #tpu.memory_space<vmem>>
          tpu.wait_dma2 semaphore(%run_scoped3A_155 : memref<!tpu.dma_semaphore, #tpu.memory_space<semaphore_mem>>) src(%dma_wait3A_179 : memref<128x128xf32, #tpu.memory_space<vmem>>) dst(%dma_wait3A_175 : memref<128x128xf32, #tpu.memory_space<vmem_shared>>)
          tpu.yield
        }) : () -> ()
      }
      %while3A_110 = arith.constant 1 : i32
      scf.for %while3A_152 = %while3A_108 to %while3A_104 step %while3A_110  : i32 {
        %mul3A_153 = arith.constant 128 : i32
        %mul3A_154 = arith.muli %while3A_152, %mul3A_153 : i32
        %run_scoped3A = arith.constant 0 : i32
        "tpu.region"() ({
          %run_scoped3A_155 = tpu.sem_alloc : memref<!tpu.dma_semaphore, #tpu.memory_space<semaphore_mem>>
          %dma_start3A_156 = arith.constant 0 : i32
          %dma_start3A_157 = arith.constant 0 : i32
          %dma_start3A_158 = tpu.memref_slice %arg9[%run_scoped3A, %dma_start3A_156, %dma_start3A_157] : memref<2x128x128xf32, #tpu.memory_space<vmem>> -> memref<1x128x128xf32, #tpu.memory_space<vmem>>
          %dma_start3A_159 = tpu.memref_squeeze %dma_start3A_158 : memref<1x128x128xf32, #tpu.memory_space<vmem>> -> memref<128x128xf32, #tpu.memory_space<vmem>>
          %dma_start3A_160 = arith.constant 0 : i32
          %dma_start3A_161 = tpu.memref_slice %arg12[%mul3A_154, %dma_start3A_160] : memref<10112x128xf32, #tpu.memory_space<vmem_shared>> -> memref<128x128xf32, #tpu.memory_space<vmem_shared>>
          %dma_start3A_162 = arith.constant 0 : i32
          %dma_start3A_163 = tpu.memref_slice %arg12[%mul3A_154, %dma_start3A_162] : memref<10112x128xf32, #tpu.memory_space<vmem_shared>> -> memref<128x128xf32, #tpu.memory_space<vmem_shared>>
          %dma_start3A_164 = arith.constant 0 : i32
          %dma_start3A_165 = arith.constant 0 : i32
          %dma_start3A_166 = tpu.memref_slice %arg9[%run_scoped3A, %dma_start3A_164, %dma_start3A_165] : memref<2x128x128xf32, #tpu.memory_space<vmem>> -> memref<1x128x128xf32, #tpu.memory_space<vmem>>
          %dma_start3A_167 = tpu.memref_squeeze %dma_start3A_166 : memref<1x128x128xf32, #tpu.memory_space<vmem>> -> memref<128x128xf32, #tpu.memory_space<vmem>>
          tpu.enqueue_dma source(%dma_start3A_167 : memref<128x128xf32, #tpu.memory_space<vmem>>) target(%dma_start3A_163 : memref<128x128xf32, #tpu.memory_space<vmem_shared>>) target_semaphore(%run_scoped3A_155 : memref<!tpu.dma_semaphore, #tpu.memory_space<semaphore_mem>>)
          %dma_wait3A_168 = arith.constant 0 : i32
          %dma_wait3A_169 = arith.constant 0 : i32
          %dma_wait3A_170 = tpu.memref_slice %arg9[%run_scoped3A, %dma_wait3A_168, %dma_wait3A_169] : memref<2x128x128xf32, #tpu.memory_space<vmem>> -> memref<1x128x128xf32, #tpu.memory_space<vmem>>
          %dma_wait3A_171 = tpu.memref_squeeze %dma_wait3A_170 : memref<1x128x128xf32, #tpu.memory_space<vmem>> -> memref<128x128xf32, #tpu.memory_space<vmem>>
          %dma_wait3A_172 = arith.constant 0 : i32
          %dma_wait3A_173 = tpu.memref_slice %arg12[%mul3A_154, %dma_wait3A_172] : memref<10112x128xf32, #tpu.memory_space<vmem_shared>> -> memref<128x128xf32, #tpu.memory_space<vmem_shared>>
          %dma_wait3A_174 = arith.constant 0 : i32
          %dma_wait3A_175 = tpu.memref_slice %arg12[%mul3A_154, %dma_wait3A_174] : memref<10112x128xf32, #tpu.memory_space<vmem_shared>> -> memref<128x128xf32, #tpu.memory_space<vmem_shared>>
          %dma_wait3A_176 = arith.constant 0 : i32
          %dma_wait3A_177 = arith.constant 0 : i32
          %dma_wait3A_178 = tpu.memref_slice %arg9[%run_scoped3A, %dma_wait3A_176, %dma_wait3A_177] : memref<2x128x128xf32, #tpu.memory_space<vmem>> -> memref<1x128x128xf32, #tpu.memory_space<vmem>>
          %dma_wait3A_179 = tpu.memref_squeeze %dma_wait3A_178 : memref<1x128x128xf32, #tpu.memory_space<vmem>> -> memref<128x128xf32, #tpu.memory_space<vmem>>
          tpu.wait_dma2 semaphore(%run_scoped3A_155 : memref<!tpu.dma_semaphore, #tpu.memory_space<semaphore_mem>>) src(%dma_wait3A_179 : memref<128x128xf32, #tpu.memory_space<vmem>>) dst(%dma_wait3A_175 : memref<128x128xf32, #tpu.memory_space<vmem_shared>>)
          tpu.yield
        }) : () -> ()
      }
      %barrier3A_111 = arith.constant 0 : index
      tpu.barrier barrier_id(%barrier3A_111)
      %scan3A_112 = arith.constant 0 : i32
      %scan3A_113 = arith.constant 0 : i32
      %scan3A_114 = arith.constant 8 : i32
      %scan3A_115 = arith.addi %scan3A_113, %scan3A_114 : i32
      %scan3A_116 = arith.constant 1 : i32
      scf.for %scan3A_152 = %scan3A_113 to %scan3A_115 step %scan3A_116  : i32 {
        %mul3A_153 = arith.constant 16 : i32
        %mul3A_154 = arith.muli %scan3A_152, %mul3A_153 : i32
        %get3A = arith.constant 0 : i32
        %get3A_155 = arith.index_cast %get3A : i32 to index
        %get3A_156 = arith.index_cast %mul3A_154 : i32 to index
        %get3A_157 = tpu.vector_load %arg6[%get3A_155, %get3A_156] {strides = array<i32>} : memref<80x128xi32, #tpu.memory_space<vmem>>, vector<1x16xi32>,
        %get3A_158 = vector.shape_cast %get3A_157 : vector<1x16xi32> to vector<16xi32>
        %shift_right_arithmetic3A = arith.constant 16 : i32
        %shift_right_arithmetic3A_159 = vector.broadcast %shift_right_arithmetic3A : i32 to vector<16xi32>
        %shift_right_arithmetic3A_160 = arith.shrsi %get3A_158, %shift_right_arithmetic3A_159 : vector<16xi32>
        %swap3A = arith.constant 0 : i32
        %swap3A_161 = arith.index_cast %swap3A : i32 to index
        %swap3A_162 = arith.index_cast %mul3A_154 : i32 to index
        %swap3A_163 = tpu.vector_load %arg8[%swap3A_161, %swap3A_162] {strides = array<i32>} : memref<2x128xi32, #tpu.memory_space<vmem>>, vector<1x16xi32>,
        %swap3A_164 = vector.shape_cast %swap3A_163 : vector<1x16xi32> to vector<16xi32>
        %swap3A_165 = vector.shape_cast %shift_right_arithmetic3A_160 : vector<16xi32> to vector<1x16xi32>
        tpu.vector_store %arg8[%swap3A_161, %swap3A_162], %swap3A_165 {strides = array<i32>} : memref<2x128xi32, #tpu.memory_space<vmem>>, vector<1x16xi32>,
      }
      %scan3A_117 = arith.constant 8 : i32
      %scan3A_118 = arith.constant 0 : i32
      %scan3A_119 = arith.constant 0 : i32
      %scan3A_120 = arith.constant 1024 : i32
      %scan3A_121 = arith.addi %scan3A_119, %scan3A_120 : i32
      %scan3A_122 = arith.constant 1 : i32
      scf.for %scan3A_152 = %scan3A_119 to %scan3A_121 step %scan3A_122  : i32 {
        %jit3A = arith.constant 8 : i32
        %div3A = arith.divsi %scan3A_152, %jit3A : i32
        %sign3A = arith.constant 0 : i32
        %sign3A_153 = arith.cmpi sgt, %scan3A_152, %sign3A : i32
        %sign3A_154 = arith.extui %sign3A_153 : i1 to i32
        %sign3A_155 = arith.constant 0 : i32
        %sign3A_156 = arith.cmpi slt, %scan3A_152, %sign3A_155 : i32
        %sign3A_157 = arith.extui %sign3A_156 : i1 to i32
        %sign3A_158 = arith.subi %sign3A_154, %sign3A_157 : i32
        %sign3A_159 = arith.constant 0 : i32
        %sign3A_160 = arith.cmpi sgt, %jit3A, %sign3A_159 : i32
        %sign3A_161 = arith.extui %sign3A_160 : i1 to i32
        %sign3A_162 = arith.constant 0 : i32
        %sign3A_163 = arith.cmpi slt, %jit3A, %sign3A_162 : i32
        %sign3A_164 = arith.extui %sign3A_163 : i1 to i32
        %sign3A_165 = arith.subi %sign3A_161, %sign3A_164 : i32
        %ne3A = arith.cmpi ne, %sign3A_158, %sign3A_165 : i32
        %rem3A = arith.remsi %scan3A_152, %jit3A : i32
        %ne3A_166 = arith.constant 0 : i32
        %ne3A_167 = arith.cmpi ne, %rem3A, %ne3A_166 : i32
        %and3A = arith.andi %ne3A, %ne3A_167 : i1
        %sub3A = arith.constant 1 : i32
        %sub3A_168 = arith.subi %div3A, %sub3A : i32
        %select_n3A = arith.select %and3A, %sub3A_168, %div3A : i32
        %jit3A_169 = arith.constant 8 : i32
        %eq3A_170 = arith.constant 0 : i32
        %eq3A_171 = arith.cmpi eq, %jit3A_169, %eq3A_170 : i32
        %jit3A_172 = arith.constant 1 : i32
        %select_n3A_173 = arith.select %eq3A_171, %jit3A_172, %jit3A_169 : i32
        %rem3A_174 = arith.remsi %scan3A_152, %select_n3A_173 : i32
        %ne3A_175 = arith.constant 0 : i32
        %ne3A_176 = arith.cmpi ne, %rem3A_174, %ne3A_175 : i32
        %lt3A = arith.constant 0 : i32
        %lt3A_177 = arith.cmpi slt, %rem3A_174, %lt3A : i32
        %lt3A_178 = arith.constant 0 : i32
        %lt3A_179 = arith.cmpi slt, %select_n3A_173, %lt3A_178 : i32
        %ne3A_180 = arith.xori %lt3A_177, %lt3A_179 : i1
        %and3A_181 = arith.andi %ne3A_180, %ne3A_176 : i1
        %add3A_182 = arith.addi %rem3A_174, %select_n3A_173 : i32
        %select_n3A_183 = arith.select %and3A_181, %add3A_182, %rem3A_174 : i32
        %mul3A_184 = arith.constant 16 : i32
        %mul3A_185 = arith.muli %select_n3A_183, %mul3A_184 : i32
        %swap3A = arith.constant 0 : i32
        %swap3A_186 = arith.index_cast %swap3A : i32 to index
        %swap3A_187 = arith.index_cast %select_n3A : i32 to index
        %swap3A_188 = arith.index_cast %mul3A_185 : i32 to index
        %swap3A_189 = tpu.vector_load %arg9[%swap3A_186, %swap3A_187, %swap3A_188] {strides = array<i32>} : memref<2x128x128xf32, #tpu.memory_space<vmem>>, vector<1x1x16xf32>,
        %swap3A_190 = vector.shape_cast %swap3A_189 : vector<1x1x16xf32> to vector<16xf32>
        %swap3A_191 = vector.shape_cast %broadcast_in_dim3A_2 : vector<16xf32> to vector<1x1x16xf32>
        tpu.vector_store %arg9[%swap3A_186, %swap3A_187, %swap3A_188], %swap3A_191 {strides = array<i32>} : memref<2x128x128xf32, #tpu.memory_space<vmem>>, vector<1x1x16xf32>,
      }
      %scan3A_123 = arith.constant 1024 : i32
      %scan3A_124 = arith.constant 0 : i32
      %scan3A_125 = arith.constant 0 : i32
      %scan3A_126 = arith.constant 80 : i32
      %scan3A_127 = arith.addi %scan3A_125, %scan3A_126 : i32
      %scan3A_128 = arith.constant 1 : i32
      scf.for %scan3A_152 = %scan3A_125 to %scan3A_127 step %scan3A_128  : i32 {
        %rem3A = arith.constant 2 : i32
        %rem3A_153 = arith.remsi %scan3A_152, %rem3A : i32
        %add3A_154 = arith.constant 1 : i32
        %add3A_155 = arith.addi %scan3A_152, %add3A_154 : i32
        %rem3A_156 = arith.constant 2 : i32
        %rem3A_157 = arith.remsi %add3A_155, %rem3A_156 : i32
        %dma_start3A_158 = arith.constant 0 : i32
        %dma_start3A_159 = arith.constant 0 : i32
        %dma_start3A_160 = arith.constant 0 : i32
        %dma_start3A_161 = tpu.memref_slice %arg9[%dma_start3A_158, %dma_start3A_159, %dma_start3A_160] : memref<2x128x128xf32, #tpu.memory_space<vmem>> -> memref<1x128x128xf32, #tpu.memory_space<vmem>>
        %dma_start3A_162 = tpu.memref_squeeze %dma_start3A_161 : memref<1x128x128xf32, #tpu.memory_space<vmem>> -> memref<128x128xf32, #tpu.memory_space<vmem>>
        %dma_start3A_163 = arith.constant 0 : i32
        %dma_start3A_164 = tpu.memref_slice %arg8[%rem3A_153, %dma_start3A_163] : memref<2x128xi32, #tpu.memory_space<vmem>> -> memref<1x128xi32, #tpu.memory_space<vmem>>
        %dma_start3A_165 = tpu.memref_squeeze %dma_start3A_164 : memref<1x128xi32, #tpu.memory_space<vmem>> -> memref<128xi32, #tpu.memory_space<vmem>>
        %dma_start3A_166 = arith.constant 0 : i32
        %dma_start3A_167 = arith.constant 0 : i32
        %dma_start3A_168 = tpu.memref_slice %arg12[%dma_start3A_166, %dma_start3A_167] : memref<10112x128xf32, #tpu.memory_space<vmem_shared>> -> memref<10112x128xf32, #tpu.memory_space<vmem_shared>>
        tpu.enqueue_indirect_dma source(%dma_start3A_162 : memref<128x128xf32, #tpu.memory_space<vmem>>) target(%dma_start3A_168 : memref<10112x128xf32, #tpu.memory_space<vmem_shared>>) offsets(%dma_start3A_165 : memref<128xi32, #tpu.memory_space<vmem>>) semaphore(%arg11 : memref<!tpu.dma_semaphore, #tpu.memory_space<semaphore_mem>>) {add = true}
        %lt3A = arith.constant 79 : i32
        %lt3A_169 = arith.cmpi slt, %scan3A_152, %lt3A : i32
        %convert_element_type3A_170 = arith.extui %lt3A_169 : i1 to i32
        %cond3A_171 = arith.constant 0 : i32
        %cond3A_172 = arith.cmpi ne, %convert_element_type3A_170, %cond3A_171 : i32
        scf.if %cond3A_172 {
          %add3A_184 = arith.constant 1 : i32
          %add3A_185 = arith.addi %scan3A_152, %add3A_184 : i32
          %scan3A_186 = arith.constant 0 : i32
          %scan3A_187 = arith.constant 0 : i32
          %scan3A_188 = arith.constant 8 : i32
          %scan3A_189 = arith.addi %scan3A_187, %scan3A_188 : i32
          %scan3A_190 = arith.constant 1 : i32
          scf.for %scan3A_192 = %scan3A_187 to %scan3A_189 step %scan3A_190  : i32 {
            %mul3A_193 = arith.constant 16 : i32
            %mul3A_194 = arith.muli %scan3A_192, %mul3A_193 : i32
            %get3A = arith.index_cast %add3A_185 : i32 to index
            %get3A_195 = arith.index_cast %mul3A_194 : i32 to index
            %get3A_196 = tpu.vector_load %arg6[%get3A, %get3A_195] {strides = array<i32>} : memref<80x128xi32, #tpu.memory_space<vmem>>, vector<1x16xi32>,
            %get3A_197 = vector.shape_cast %get3A_196 : vector<1x16xi32> to vector<16xi32>
            %shift_right_arithmetic3A = arith.constant 16 : i32
            %shift_right_arithmetic3A_198 = vector.broadcast %shift_right_arithmetic3A : i32 to vector<16xi32>
            %shift_right_arithmetic3A_199 = arith.shrsi %get3A_197, %shift_right_arithmetic3A_198 : vector<16xi32>
            %swap3A = arith.index_cast %rem3A_157 : i32 to index
            %swap3A_200 = arith.index_cast %mul3A_194 : i32 to index
            %swap3A_201 = tpu.vector_load %arg8[%swap3A, %swap3A_200] {strides = array<i32>} : memref<2x128xi32, #tpu.memory_space<vmem>>, vector<1x16xi32>,
            %swap3A_202 = vector.shape_cast %swap3A_201 : vector<1x16xi32> to vector<16xi32>
            %swap3A_203 = vector.shape_cast %shift_right_arithmetic3A_199 : vector<16xi32> to vector<1x16xi32>
            tpu.vector_store %arg8[%swap3A, %swap3A_200], %swap3A_203 {strides = array<i32>} : memref<2x128xi32, #tpu.memory_space<vmem>>, vector<1x16xi32>,
          }
          %scan3A_191 = arith.constant 8 : i32
        } else {
        }
        %dma_wait3A_173 = arith.constant 0 : i32
        %dma_wait3A_174 = arith.constant 0 : i32
        %dma_wait3A_175 = arith.constant 0 : i32
        %dma_wait3A_176 = tpu.memref_slice %arg9[%dma_wait3A_173, %dma_wait3A_174, %dma_wait3A_175] : memref<2x128x128xf32, #tpu.memory_space<vmem>> -> memref<1x128x128xf32, #tpu.memory_space<vmem>>
        %dma_wait3A_177 = tpu.memref_squeeze %dma_wait3A_176 : memref<1x128x128xf32, #tpu.memory_space<vmem>> -> memref<128x128xf32, #tpu.memory_space<vmem>>
        %dma_wait3A_178 = arith.constant 0 : i32
        %dma_wait3A_179 = tpu.memref_slice %arg8[%rem3A_153, %dma_wait3A_178] : memref<2x128xi32, #tpu.memory_space<vmem>> -> memref<1x128xi32, #tpu.memory_space<vmem>>
        %dma_wait3A_180 = tpu.memref_squeeze %dma_wait3A_179 : memref<1x128xi32, #tpu.memory_space<vmem>> -> memref<128xi32, #tpu.memory_space<vmem>>
        %dma_wait3A_181 = arith.constant 0 : i32
        %dma_wait3A_182 = arith.constant 0 : i32
        %dma_wait3A_183 = tpu.memref_slice %arg12[%dma_wait3A_181, %dma_wait3A_182] : memref<10112x128xf32, #tpu.memory_space<vmem_shared>> -> memref<10112x128xf32, #tpu.memory_space<vmem_shared>>
        tpu.wait_indirect_dma semaphore(%arg11 : memref<!tpu.dma_semaphore, #tpu.memory_space<semaphore_mem>>) src(%dma_wait3A_177 : memref<128x128xf32, #tpu.memory_space<vmem>>) dst(%dma_wait3A_183 : memref<10112x128xf32, #tpu.memory_space<vmem_shared>>)
      }
      %scan3A_129 = arith.constant 80 : i32
      %barrier3A_130 = arith.constant 0 : index
      tpu.barrier barrier_id(%barrier3A_130)
      %mul3A_131 = arith.constant 5 : i32
      %mul3A_132 = arith.muli %arg1, %mul3A_131 : i32
      %add3A_133 = arith.constant 5 : i32
      %add3A_134 = arith.addi %mul3A_132, %add3A_133 : i32
      %min3A_135 = arith.constant 78 : i32
      %min3A_136 = arith.minsi %min3A_135, %add3A_134 : i32
      %while3A_137 = arith.constant 0 : i32
      %while3A_138 = arith.subi %min3A_136, %mul3A_132 : i32
      %while3A_139 = arith.addi %mul3A_132, %while3A_138 : i32
      %while3A_140 = arith.constant 1 : i32
      %while3A_141 = arith.divsi %while3A_138, %while3A_140 : i32
      %while3A_142 = arith.muli %while3A_141, %while3A_140 : i32
      %while3A_143 = arith.addi %mul3A_132, %while3A_142 : i32
      %while3A_144 = arith.constant 1 : i32
      scf.for %while3A_152 = %mul3A_132 to %while3A_143 step %while3A_144  : i32 {
        %mul3A_153 = arith.constant 128 : i32
        %mul3A_154 = arith.muli %while3A_152, %mul3A_153 : i32
        %run_scoped3A = arith.constant 0 : i32
        "tpu.region"() ({
          %run_scoped3A_158 = tpu.sem_alloc : memref<!tpu.dma_semaphore, #tpu.memory_space<semaphore_mem>>
          %dma_start3A_159 = arith.constant 0 : i32
          %dma_start3A_160 = arith.constant 0 : i32
          %dma_start3A_161 = tpu.memref_slice %arg9[%run_scoped3A, %dma_start3A_159, %dma_start3A_160] : memref<2x128x128xf32, #tpu.memory_space<vmem>> -> memref<1x128x128xf32, #tpu.memory_space<vmem>>
          %dma_start3A_162 = tpu.memref_squeeze %dma_start3A_161 : memref<1x128x128xf32, #tpu.memory_space<vmem>> -> memref<128x128xf32, #tpu.memory_space<vmem>>
          %dma_start3A_163 = arith.constant 0 : i32
          %dma_start3A_164 = tpu.memref_slice %arg12[%mul3A_154, %dma_start3A_163] : memref<10112x128xf32, #tpu.memory_space<vmem_shared>> -> memref<128x128xf32, #tpu.memory_space<vmem_shared>>
          %dma_start3A_165 = arith.constant 0 : i32
          %dma_start3A_166 = arith.constant 0 : i32
          %dma_start3A_167 = tpu.memref_slice %arg9[%run_scoped3A, %dma_start3A_165, %dma_start3A_166] : memref<2x128x128xf32, #tpu.memory_space<vmem>> -> memref<1x128x128xf32, #tpu.memory_space<vmem>>
          %dma_start3A_168 = tpu.memref_squeeze %dma_start3A_167 : memref<1x128x128xf32, #tpu.memory_space<vmem>> -> memref<128x128xf32, #tpu.memory_space<vmem>>
          %dma_start3A_169 = arith.constant 0 : i32
          %dma_start3A_170 = tpu.memref_slice %arg12[%mul3A_154, %dma_start3A_169] : memref<10112x128xf32, #tpu.memory_space<vmem_shared>> -> memref<128x128xf32, #tpu.memory_space<vmem_shared>>
          tpu.enqueue_dma source(%dma_start3A_170 : memref<128x128xf32, #tpu.memory_space<vmem_shared>>) target(%dma_start3A_168 : memref<128x128xf32, #tpu.memory_space<vmem>>) target_semaphore(%run_scoped3A_158 : memref<!tpu.dma_semaphore, #tpu.memory_space<semaphore_mem>>)
          %dma_wait3A_171 = arith.constant 0 : i32
          %dma_wait3A_172 = arith.constant 0 : i32
          %dma_wait3A_173 = tpu.memref_slice %arg9[%run_scoped3A, %dma_wait3A_171, %dma_wait3A_172] : memref<2x128x128xf32, #tpu.memory_space<vmem>> -> memref<1x128x128xf32, #tpu.memory_space<vmem>>
          %dma_wait3A_174 = tpu.memref_squeeze %dma_wait3A_173 : memref<1x128x128xf32, #tpu.memory_space<vmem>> -> memref<128x128xf32, #tpu.memory_space<vmem>>
          %dma_wait3A_175 = arith.constant 0 : i32
          %dma_wait3A_176 = tpu.memref_slice %arg12[%mul3A_154, %dma_wait3A_175] : memref<10112x128xf32, #tpu.memory_space<vmem_shared>> -> memref<128x128xf32, #tpu.memory_space<vmem_shared>>
          %dma_wait3A_177 = arith.constant 0 : i32
          %dma_wait3A_178 = arith.constant 0 : i32
          %dma_wait3A_179 = tpu.memref_slice %arg9[%run_scoped3A, %dma_wait3A_177, %dma_wait3A_178] : memref<2x128x128xf32, #tpu.memory_space<vmem>> -> memref<1x128x128xf32, #tpu.memory_space<vmem>>
          %dma_wait3A_180 = tpu.memref_squeeze %dma_wait3A_179 : memref<1x128x128xf32, #tpu.memory_space<vmem>> -> memref<128x128xf32, #tpu.memory_space<vmem>>
          %dma_wait3A_181 = arith.constant 0 : i32
          %dma_wait3A_182 = tpu.memref_slice %arg12[%mul3A_154, %dma_wait3A_181] : memref<10112x128xf32, #tpu.memory_space<vmem_shared>> -> memref<128x128xf32, #tpu.memory_space<vmem_shared>>
          tpu.wait_dma2 semaphore(%run_scoped3A_158 : memref<!tpu.dma_semaphore, #tpu.memory_space<semaphore_mem>>) src(%dma_wait3A_182 : memref<128x128xf32, #tpu.memory_space<vmem_shared>>) dst(%dma_wait3A_180 : memref<128x128xf32, #tpu.memory_space<vmem>>)
          tpu.yield
        }) : () -> ()
        %add3A_155 = arith.constant 0 : i32
        %add3A_156 = arith.addi %add3A_155, %mul3A_154 : i32
        %run_scoped3A_157 = arith.constant 0 : i32
        "tpu.region"() ({
          %run_scoped3A_158 = tpu.sem_alloc : memref<!tpu.dma_semaphore, #tpu.memory_space<semaphore_mem>>
          %dma_start3A_159 = arith.constant 0 : i32
          %dma_start3A_160 = arith.constant 0 : i32
          %dma_start3A_161 = tpu.memref_slice %arg9[%run_scoped3A_157, %dma_start3A_159, %dma_start3A_160] : memref<2x128x128xf32, #tpu.memory_space<vmem>> -> memref<1x128x128xf32, #tpu.memory_space<vmem>>
          %dma_start3A_162 = tpu.memref_squeeze %dma_start3A_161 : memref<1x128x128xf32, #tpu.memory_space<vmem>> -> memref<128x128xf32, #tpu.memory_space<vmem>>
          %dma_start3A_163 = arith.constant 0 : i32
          %dma_start3A_164 = tpu.memref_slice %arg5[%add3A_156, %dma_start3A_163] : memref<10000x128xf32, #tpu.memory_space<hbm>> -> memref<128x128xf32, #tpu.memory_space<hbm>>
          %dma_start3A_165 = arith.constant 0 : i32
          %dma_start3A_166 = tpu.memref_slice %arg5[%add3A_156, %dma_start3A_165] : memref<10000x128xf32, #tpu.memory_space<hbm>> -> memref<128x128xf32, #tpu.memory_space<hbm>>
          %dma_start3A_167 = arith.constant 0 : i32
          %dma_start3A_168 = arith.constant 0 : i32
          %dma_start3A_169 = tpu.memref_slice %arg9[%run_scoped3A_157, %dma_start3A_167, %dma_start3A_168] : memref<2x128x128xf32, #tpu.memory_space<vmem>> -> memref<1x128x128xf32, #tpu.memory_space<vmem>>
          %dma_start3A_170 = tpu.memref_squeeze %dma_start3A_169 : memref<1x128x128xf32, #tpu.memory_space<vmem>> -> memref<128x128xf32, #tpu.memory_space<vmem>>
          tpu.enqueue_dma source(%dma_start3A_170 : memref<128x128xf32, #tpu.memory_space<vmem>>) target(%dma_start3A_166 : memref<128x128xf32, #tpu.memory_space<hbm>>) target_semaphore(%run_scoped3A_158 : memref<!tpu.dma_semaphore, #tpu.memory_space<semaphore_mem>>)
          %dma_wait3A_171 = arith.constant 0 : i32
          %dma_wait3A_172 = arith.constant 0 : i32
          %dma_wait3A_173 = tpu.memref_slice %arg9[%run_scoped3A_157, %dma_wait3A_171, %dma_wait3A_172] : memref<2x128x128xf32, #tpu.memory_space<vmem>> -> memref<1x128x128xf32, #tpu.memory_space<vmem>>
          %dma_wait3A_174 = tpu.memref_squeeze %dma_wait3A_173 : memref<1x128x128xf32, #tpu.memory_space<vmem>> -> memref<128x128xf32, #tpu.memory_space<vmem>>
          %dma_wait3A_175 = arith.constant 0 : i32
          %dma_wait3A_176 = tpu.memref_slice %arg5[%add3A_156, %dma_wait3A_175] : memref<10000x128xf32, #tpu.memory_space<hbm>> -> memref<128x128xf32, #tpu.memory_space<hbm>>
          %dma_wait3A_177 = arith.constant 0 : i32
          %dma_wait3A_178 = tpu.memref_slice %arg5[%add3A_156, %dma_wait3A_177] : memref<10000x128xf32, #tpu.memory_space<hbm>> -> memref<128x128xf32, #tpu.memory_space<hbm>>
          %dma_wait3A_179 = arith.constant 0 : i32
          %dma_wait3A_180 = arith.constant 0 : i32
          %dma_wait3A_181 = tpu.memref_slice %arg9[%run_scoped3A_157, %dma_wait3A_179, %dma_wait3A_180] : memref<2x128x128xf32, #tpu.memory_space<vmem>> -> memref<1x128x128xf32, #tpu.memory_space<vmem>>
          %dma_wait3A_182 = tpu.memref_squeeze %dma_wait3A_181 : memref<1x128x128xf32, #tpu.memory_space<vmem>> -> memref<128x128xf32, #tpu.memory_space<vmem>>
          tpu.wait_dma2 semaphore(%run_scoped3A_158 : memref<!tpu.dma_semaphore, #tpu.memory_space<semaphore_mem>>) src(%dma_wait3A_182 : memref<128x128xf32, #tpu.memory_space<vmem>>) dst(%dma_wait3A_178 : memref<128x128xf32, #tpu.memory_space<hbm>>)
          tpu.yield
        }) : () -> ()
      }
      %while3A_145 = arith.constant 1 : i32
      scf.for %while3A_152 = %while3A_143 to %while3A_139 step %while3A_145  : i32 {
        %mul3A_153 = arith.constant 128 : i32
        %mul3A_154 = arith.muli %while3A_152, %mul3A_153 : i32
        %run_scoped3A = arith.constant 0 : i32
        "tpu.region"() ({
          %run_scoped3A_158 = tpu.sem_alloc : memref<!tpu.dma_semaphore, #tpu.memory_space<semaphore_mem>>
          %dma_start3A_159 = arith.constant 0 : i32
          %dma_start3A_160 = arith.constant 0 : i32
          %dma_start3A_161 = tpu.memref_slice %arg9[%run_scoped3A, %dma_start3A_159, %dma_start3A_160] : memref<2x128x128xf32, #tpu.memory_space<vmem>> -> memref<1x128x128xf32, #tpu.memory_space<vmem>>
          %dma_start3A_162 = tpu.memref_squeeze %dma_start3A_161 : memref<1x128x128xf32, #tpu.memory_space<vmem>> -> memref<128x128xf32, #tpu.memory_space<vmem>>
          %dma_start3A_163 = arith.constant 0 : i32
          %dma_start3A_164 = tpu.memref_slice %arg12[%mul3A_154, %dma_start3A_163] : memref<10112x128xf32, #tpu.memory_space<vmem_shared>> -> memref<128x128xf32, #tpu.memory_space<vmem_shared>>
          %dma_start3A_165 = arith.constant 0 : i32
          %dma_start3A_166 = arith.constant 0 : i32
          %dma_start3A_167 = tpu.memref_slice %arg9[%run_scoped3A, %dma_start3A_165, %dma_start3A_166] : memref<2x128x128xf32, #tpu.memory_space<vmem>> -> memref<1x128x128xf32, #tpu.memory_space<vmem>>
          %dma_start3A_168 = tpu.memref_squeeze %dma_start3A_167 : memref<1x128x128xf32, #tpu.memory_space<vmem>> -> memref<128x128xf32, #tpu.memory_space<vmem>>
          %dma_start3A_169 = arith.constant 0 : i32
          %dma_start3A_170 = tpu.memref_slice %arg12[%mul3A_154, %dma_start3A_169] : memref<10112x128xf32, #tpu.memory_space<vmem_shared>> -> memref<128x128xf32, #tpu.memory_space<vmem_shared>>
          tpu.enqueue_dma source(%dma_start3A_170 : memref<128x128xf32, #tpu.memory_space<vmem_shared>>) target(%dma_start3A_168 : memref<128x128xf32, #tpu.memory_space<vmem>>) target_semaphore(%run_scoped3A_158 : memref<!tpu.dma_semaphore, #tpu.memory_space<semaphore_mem>>)
          %dma_wait3A_171 = arith.constant 0 : i32
          %dma_wait3A_172 = arith.constant 0 : i32
          %dma_wait3A_173 = tpu.memref_slice %arg9[%run_scoped3A, %dma_wait3A_171, %dma_wait3A_172] : memref<2x128x128xf32, #tpu.memory_space<vmem>> -> memref<1x128x128xf32, #tpu.memory_space<vmem>>
          %dma_wait3A_174 = tpu.memref_squeeze %dma_wait3A_173 : memref<1x128x128xf32, #tpu.memory_space<vmem>> -> memref<128x128xf32, #tpu.memory_space<vmem>>
          %dma_wait3A_175 = arith.constant 0 : i32
          %dma_wait3A_176 = tpu.memref_slice %arg12[%mul3A_154, %dma_wait3A_175] : memref<10112x128xf32, #tpu.memory_space<vmem_shared>> -> memref<128x128xf32, #tpu.memory_space<vmem_shared>>
          %dma_wait3A_177 = arith.constant 0 : i32
          %dma_wait3A_178 = arith.constant 0 : i32
          %dma_wait3A_179 = tpu.memref_slice %arg9[%run_scoped3A, %dma_wait3A_177, %dma_wait3A_178] : memref<2x128x128xf32, #tpu.memory_space<vmem>> -> memref<1x128x128xf32, #tpu.memory_space<vmem>>
          %dma_wait3A_180 = tpu.memref_squeeze %dma_wait3A_179 : memref<1x128x128xf32, #tpu.memory_space<vmem>> -> memref<128x128xf32, #tpu.memory_space<vmem>>
          %dma_wait3A_181 = arith.constant 0 : i32
          %dma_wait3A_182 = tpu.memref_slice %arg12[%mul3A_154, %dma_wait3A_181] : memref<10112x128xf32, #tpu.memory_space<vmem_shared>> -> memref<128x128xf32, #tpu.memory_space<vmem_shared>>
          tpu.wait_dma2 semaphore(%run_scoped3A_158 : memref<!tpu.dma_semaphore, #tpu.memory_space<semaphore_mem>>) src(%dma_wait3A_182 : memref<128x128xf32, #tpu.memory_space<vmem_shared>>) dst(%dma_wait3A_180 : memref<128x128xf32, #tpu.memory_space<vmem>>)
          tpu.yield
        }) : () -> ()
        %add3A_155 = arith.constant 0 : i32
        %add3A_156 = arith.addi %add3A_155, %mul3A_154 : i32
        %run_scoped3A_157 = arith.constant 0 : i32
        "tpu.region"() ({
          %run_scoped3A_158 = tpu.sem_alloc : memref<!tpu.dma_semaphore, #tpu.memory_space<semaphore_mem>>
          %dma_start3A_159 = arith.constant 0 : i32
          %dma_start3A_160 = arith.constant 0 : i32
          %dma_start3A_161 = tpu.memref_slice %arg9[%run_scoped3A_157, %dma_start3A_159, %dma_start3A_160] : memref<2x128x128xf32, #tpu.memory_space<vmem>> -> memref<1x128x128xf32, #tpu.memory_space<vmem>>
          %dma_start3A_162 = tpu.memref_squeeze %dma_start3A_161 : memref<1x128x128xf32, #tpu.memory_space<vmem>> -> memref<128x128xf32, #tpu.memory_space<vmem>>
          %dma_start3A_163 = arith.constant 0 : i32
          %dma_start3A_164 = tpu.memref_slice %arg5[%add3A_156, %dma_start3A_163] : memref<10000x128xf32, #tpu.memory_space<hbm>> -> memref<128x128xf32, #tpu.memory_space<hbm>>
          %dma_start3A_165 = arith.constant 0 : i32
          %dma_start3A_166 = tpu.memref_slice %arg5[%add3A_156, %dma_start3A_165] : memref<10000x128xf32, #tpu.memory_space<hbm>> -> memref<128x128xf32, #tpu.memory_space<hbm>>
          %dma_start3A_167 = arith.constant 0 : i32
          %dma_start3A_168 = arith.constant 0 : i32
          %dma_start3A_169 = tpu.memref_slice %arg9[%run_scoped3A_157, %dma_start3A_167, %dma_start3A_168] : memref<2x128x128xf32, #tpu.memory_space<vmem>> -> memref<1x128x128xf32, #tpu.memory_space<vmem>>
          %dma_start3A_170 = tpu.memref_squeeze %dma_start3A_169 : memref<1x128x128xf32, #tpu.memory_space<vmem>> -> memref<128x128xf32, #tpu.memory_space<vmem>>
          tpu.enqueue_dma source(%dma_start3A_170 : memref<128x128xf32, #tpu.memory_space<vmem>>) target(%dma_start3A_166 : memref<128x128xf32, #tpu.memory_space<hbm>>) target_semaphore(%run_scoped3A_158 : memref<!tpu.dma_semaphore, #tpu.memory_space<semaphore_mem>>)
          %dma_wait3A_171 = arith.constant 0 : i32
          %dma_wait3A_172 = arith.constant 0 : i32
          %dma_wait3A_173 = tpu.memref_slice %arg9[%run_scoped3A_157, %dma_wait3A_171, %dma_wait3A_172] : memref<2x128x128xf32, #tpu.memory_space<vmem>> -> memref<1x128x128xf32, #tpu.memory_space<vmem>>
          %dma_wait3A_174 = tpu.memref_squeeze %dma_wait3A_173 : memref<1x128x128xf32, #tpu.memory_space<vmem>> -> memref<128x128xf32, #tpu.memory_space<vmem>>
          %dma_wait3A_175 = arith.constant 0 : i32
          %dma_wait3A_176 = tpu.memref_slice %arg5[%add3A_156, %dma_wait3A_175] : memref<10000x128xf32, #tpu.memory_space<hbm>> -> memref<128x128xf32, #tpu.memory_space<hbm>>
          %dma_wait3A_177 = arith.constant 0 : i32
          %dma_wait3A_178 = tpu.memref_slice %arg5[%add3A_156, %dma_wait3A_177] : memref<10000x128xf32, #tpu.memory_space<hbm>> -> memref<128x128xf32, #tpu.memory_space<hbm>>
          %dma_wait3A_179 = arith.constant 0 : i32
          %dma_wait3A_180 = arith.constant 0 : i32
          %dma_wait3A_181 = tpu.memref_slice %arg9[%run_scoped3A_157, %dma_wait3A_179, %dma_wait3A_180] : memref<2x128x128xf32, #tpu.memory_space<vmem>> -> memref<1x128x128xf32, #tpu.memory_space<vmem>>
          %dma_wait3A_182 = tpu.memref_squeeze %dma_wait3A_181 : memref<1x128x128xf32, #tpu.memory_space<vmem>> -> memref<128x128xf32, #tpu.memory_space<vmem>>
          tpu.wait_dma2 semaphore(%run_scoped3A_158 : memref<!tpu.dma_semaphore, #tpu.memory_space<semaphore_mem>>) src(%dma_wait3A_182 : memref<128x128xf32, #tpu.memory_space<vmem>>) dst(%dma_wait3A_178 : memref<128x128xf32, #tpu.memory_space<hbm>>)
          tpu.yield
        }) : () -> ()
      }
      %eq3A_146 = arith.constant 15 : i32
      %eq3A_147 = arith.cmpi eq, %arg1, %eq3A_146 : i32
      %convert_element_type3A_148 = arith.extui %eq3A_147 : i1 to i32
      %cond3A_149 = arith.constant 0 : i32
      %cond3A_150 = arith.cmpi ne, %convert_element_type3A_148, %cond3A_149 : i32
      scf.if %cond3A_150 {
        %run_scoped3A = arith.constant 0 : i32
        "tpu.region"() ({
          %run_scoped3A_153 = tpu.sem_alloc : memref<!tpu.dma_semaphore, #tpu.memory_space<semaphore_mem>>
          %dma_start3A_154 = arith.constant 0 : i32
          %dma_start3A_155 = arith.constant 0 : i32
          %dma_start3A_156 = tpu.memref_slice %arg9[%run_scoped3A, %dma_start3A_154, %dma_start3A_155] : memref<2x128x128xf32, #tpu.memory_space<vmem>> -> memref<1x16x128xf32, #tpu.memory_space<vmem>>
          %dma_start3A_157 = tpu.memref_squeeze %dma_start3A_156 : memref<1x16x128xf32, #tpu.memory_space<vmem>> -> memref<16x128xf32, #tpu.memory_space<vmem>>
          %dma_start3A_158 = arith.constant 9984 : i32
          %dma_start3A_159 = arith.constant 0 : i32
          %dma_start3A_160 = tpu.memref_slice %arg12[%dma_start3A_158, %dma_start3A_159] : memref<10112x128xf32, #tpu.memory_space<vmem_shared>> -> memref<16x128xf32, #tpu.memory_space<vmem_shared>>
          %dma_start3A_161 = arith.constant 0 : i32
          %dma_start3A_162 = arith.constant 0 : i32
          %dma_start3A_163 = tpu.memref_slice %arg9[%run_scoped3A, %dma_start3A_161, %dma_start3A_162] : memref<2x128x128xf32, #tpu.memory_space<vmem>> -> memref<1x16x128xf32, #tpu.memory_space<vmem>>
          %dma_start3A_164 = tpu.memref_squeeze %dma_start3A_163 : memref<1x16x128xf32, #tpu.memory_space<vmem>> -> memref<16x128xf32, #tpu.memory_space<vmem>>
          %dma_start3A_165 = arith.constant 9984 : i32
          %dma_start3A_166 = arith.constant 0 : i32
          %dma_start3A_167 = tpu.memref_slice %arg12[%dma_start3A_165, %dma_start3A_166] : memref<10112x128xf32, #tpu.memory_space<vmem_shared>> -> memref<16x128xf32, #tpu.memory_space<vmem_shared>>
          tpu.enqueue_dma source(%dma_start3A_167 : memref<16x128xf32, #tpu.memory_space<vmem_shared>>) target(%dma_start3A_164 : memref<16x128xf32, #tpu.memory_space<vmem>>) target_semaphore(%run_scoped3A_153 : memref<!tpu.dma_semaphore, #tpu.memory_space<semaphore_mem>>)
          %dma_wait3A_168 = arith.constant 0 : i32
          %dma_wait3A_169 = arith.constant 0 : i32
          %dma_wait3A_170 = tpu.memref_slice %arg9[%run_scoped3A, %dma_wait3A_168, %dma_wait3A_169] : memref<2x128x128xf32, #tpu.memory_space<vmem>> -> memref<1x16x128xf32, #tpu.memory_space<vmem>>
          %dma_wait3A_171 = tpu.memref_squeeze %dma_wait3A_170 : memref<1x16x128xf32, #tpu.memory_space<vmem>> -> memref<16x128xf32, #tpu.memory_space<vmem>>
          %dma_wait3A_172 = arith.constant 9984 : i32
          %dma_wait3A_173 = arith.constant 0 : i32
          %dma_wait3A_174 = tpu.memref_slice %arg12[%dma_wait3A_172, %dma_wait3A_173] : memref<10112x128xf32, #tpu.memory_space<vmem_shared>> -> memref<16x128xf32, #tpu.memory_space<vmem_shared>>
          %dma_wait3A_175 = arith.constant 0 : i32
          %dma_wait3A_176 = arith.constant 0 : i32
          %dma_wait3A_177 = tpu.memref_slice %arg9[%run_scoped3A, %dma_wait3A_175, %dma_wait3A_176] : memref<2x128x128xf32, #tpu.memory_space<vmem>> -> memref<1x16x128xf32, #tpu.memory_space<vmem>>
          %dma_wait3A_178 = tpu.memref_squeeze %dma_wait3A_177 : memref<1x16x128xf32, #tpu.memory_space<vmem>> -> memref<16x128xf32, #tpu.memory_space<vmem>>
          %dma_wait3A_179 = arith.constant 9984 : i32
          %dma_wait3A_180 = arith.constant 0 : i32
          %dma_wait3A_181 = tpu.memref_slice %arg12[%dma_wait3A_179, %dma_wait3A_180] : memref<10112x128xf32, #tpu.memory_space<vmem_shared>> -> memref<16x128xf32, #tpu.memory_space<vmem_shared>>
          tpu.wait_dma2 semaphore(%run_scoped3A_153 : memref<!tpu.dma_semaphore, #tpu.memory_space<semaphore_mem>>) src(%dma_wait3A_181 : memref<16x128xf32, #tpu.memory_space<vmem_shared>>) dst(%dma_wait3A_178 : memref<16x128xf32, #tpu.memory_space<vmem>>)
          tpu.yield
        }) : () -> ()
        %run_scoped3A_152 = arith.constant 0 : i32
        "tpu.region"() ({
          %run_scoped3A_153 = tpu.sem_alloc : memref<!tpu.dma_semaphore, #tpu.memory_space<semaphore_mem>>
          %dma_start3A_154 = arith.constant 0 : i32
          %dma_start3A_155 = arith.constant 0 : i32
          %dma_start3A_156 = tpu.memref_slice %arg9[%run_scoped3A_152, %dma_start3A_154, %dma_start3A_155] : memref<2x128x128xf32, #tpu.memory_space<vmem>> -> memref<1x16x128xf32, #tpu.memory_space<vmem>>
          %dma_start3A_157 = tpu.memref_squeeze %dma_start3A_156 : memref<1x16x128xf32, #tpu.memory_space<vmem>> -> memref<16x128xf32, #tpu.memory_space<vmem>>
          %dma_start3A_158 = arith.constant 9984 : i32
          %dma_start3A_159 = arith.constant 0 : i32
          %dma_start3A_160 = tpu.memref_slice %arg5[%dma_start3A_158, %dma_start3A_159] : memref<10000x128xf32, #tpu.memory_space<hbm>> -> memref<16x128xf32, #tpu.memory_space<hbm>>
          %dma_start3A_161 = arith.constant 9984 : i32
          %dma_start3A_162 = arith.constant 0 : i32
          %dma_start3A_163 = tpu.memref_slice %arg5[%dma_start3A_161, %dma_start3A_162] : memref<10000x128xf32, #tpu.memory_space<hbm>> -> memref<16x128xf32, #tpu.memory_space<hbm>>
          %dma_start3A_164 = arith.constant 0 : i32
          %dma_start3A_165 = arith.constant 0 : i32
          %dma_start3A_166 = tpu.memref_slice %arg9[%run_scoped3A_152, %dma_start3A_164, %dma_start3A_165] : memref<2x128x128xf32, #tpu.memory_space<vmem>> -> memref<1x16x128xf32, #tpu.memory_space<vmem>>
          %dma_start3A_167 = tpu.memref_squeeze %dma_start3A_166 : memref<1x16x128xf32, #tpu.memory_space<vmem>> -> memref<16x128xf32, #tpu.memory_space<vmem>>
          tpu.enqueue_dma source(%dma_start3A_167 : memref<16x128xf32, #tpu.memory_space<vmem>>) target(%dma_start3A_163 : memref<16x128xf32, #tpu.memory_space<hbm>>) target_semaphore(%run_scoped3A_153 : memref<!tpu.dma_semaphore, #tpu.memory_space<semaphore_mem>>)
          %dma_wait3A_168 = arith.constant 0 : i32
          %dma_wait3A_169 = arith.constant 0 : i32
          %dma_wait3A_170 = tpu.memref_slice %arg9[%run_scoped3A_152, %dma_wait3A_168, %dma_wait3A_169] : memref<2x128x128xf32, #tpu.memory_space<vmem>> -> memref<1x16x128xf32, #tpu.memory_space<vmem>>
          %dma_wait3A_171 = tpu.memref_squeeze %dma_wait3A_170 : memref<1x16x128xf32, #tpu.memory_space<vmem>> -> memref<16x128xf32, #tpu.memory_space<vmem>>
          %dma_wait3A_172 = arith.constant 9984 : i32
          %dma_wait3A_173 = arith.constant 0 : i32
          %dma_wait3A_174 = tpu.memref_slice %arg5[%dma_wait3A_172, %dma_wait3A_173] : memref<10000x128xf32, #tpu.memory_space<hbm>> -> memref<16x128xf32, #tpu.memory_space<hbm>>
          %dma_wait3A_175 = arith.constant 9984 : i32
          %dma_wait3A_176 = arith.constant 0 : i32
          %dma_wait3A_177 = tpu.memref_slice %arg5[%dma_wait3A_175, %dma_wait3A_176] : memref<10000x128xf32, #tpu.memory_space<hbm>> -> memref<16x128xf32, #tpu.memory_space<hbm>>
          %dma_wait3A_178 = arith.constant 0 : i32
          %dma_wait3A_179 = arith.constant 0 : i32
          %dma_wait3A_180 = tpu.memref_slice %arg9[%run_scoped3A_152, %dma_wait3A_178, %dma_wait3A_179] : memref<2x128x128xf32, #tpu.memory_space<vmem>> -> memref<1x16x128xf32, #tpu.memory_space<vmem>>
          %dma_wait3A_181 = tpu.memref_squeeze %dma_wait3A_180 : memref<1x16x128xf32, #tpu.memory_space<vmem>> -> memref<16x128xf32, #tpu.memory_space<vmem>>
          tpu.wait_dma2 semaphore(%run_scoped3A_153 : memref<!tpu.dma_semaphore, #tpu.memory_space<semaphore_mem>>) src(%dma_wait3A_181 : memref<16x128xf32, #tpu.memory_space<vmem>>) dst(%dma_wait3A_177 : memref<16x128xf32, #tpu.memory_space<hbm>>)
          tpu.yield
        }) : () -> ()
      } else {
      }
      %barrier3A_151 = arith.constant 0 : index
      tpu.barrier barrier_id(%barrier3A_151)
    } else {
    }
    return
  }
}

#map = affine_map<(d0, d1) -> (0, 0)>
module attributes {stable_mosaic.version = 14 : i64} {
  func.func @sc_agg4(%arg0: i32, %arg1: i32, %arg2: memref<40000x128xf32, #tpu.memory_space<hbm>>, %arg3: memref<1280x128xi32, #tpu.memory_space<hbm>>, %arg4: memref<40000x128xf32, #tpu.memory_space<hbm>>, %arg5: memref<80x128xi32, #tpu.memory_space<vmem>>, %arg6: memref<2x128xi32, #tpu.memory_space<vmem>>, %arg7: memref<2x128xi32, #tpu.memory_space<vmem>>, %arg8: memref<2x128x128xf32, #tpu.memory_space<vmem>>, %arg9: memref<!tpu.dma_semaphore, #tpu.memory_space<semaphore_mem>>, %arg10: memref<!tpu.dma_semaphore, #tpu.memory_space<semaphore_mem>>, %arg11: memref<10112x128xf32, #tpu.memory_space<vmem_shared>>) attributes {dimension_semantics = [#tpu.dimension_semantics<core_parallel>, #tpu.dimension_semantics<subcore_parallel>], iteration_bounds = array<i64: 2, 16>, scalar_prefetch = 0 : i64, scratch_operands = 7 : i64, tpu.core_type = #tpu.core_type<sc_vector_subcore>, window_params = [{transform_indices = #map}, {transform_indices = #map}, {transform_indices = #map}]} {
    %broadcast_in_dim3A = arith.constant 0.000000e+00 : f32
    %broadcast_in_dim3A_0 = vector.broadcast %broadcast_in_dim3A : f32 to vector<16xf32>
    %broadcast_in_dim3A_1 = arith.constant 1.000000e+00 : f32
    %broadcast_in_dim3A_2 = vector.broadcast %broadcast_in_dim3A_1 : f32 to vector<16xf32>
    %mul3A = arith.constant 80 : i32
    %mul3A_3 = arith.muli %arg1, %mul3A : i32
    "tpu.region"() ({
      %run_scoped3A = tpu.sem_alloc : memref<!tpu.dma_semaphore, #tpu.memory_space<semaphore_mem>>
      %dma_start3A_172 = arith.constant 0 : i32
      %dma_start3A_173 = tpu.memref_slice %arg3[%mul3A_3, %dma_start3A_172] : memref<1280x128xi32, #tpu.memory_space<hbm>> -> memref<80x128xi32, #tpu.memory_space<hbm>>
      %dma_start3A_174 = arith.constant 0 : i32
      %dma_start3A_175 = tpu.memref_slice %arg3[%mul3A_3, %dma_start3A_174] : memref<1280x128xi32, #tpu.memory_space<hbm>> -> memref<80x128xi32, #tpu.memory_space<hbm>>
      tpu.enqueue_dma source(%dma_start3A_175 : memref<80x128xi32, #tpu.memory_space<hbm>>) target(%arg5 : memref<80x128xi32, #tpu.memory_space<vmem>>) target_semaphore(%run_scoped3A : memref<!tpu.dma_semaphore, #tpu.memory_space<semaphore_mem>>)
      %dma_wait3A_176 = arith.constant 0 : i32
      %dma_wait3A_177 = tpu.memref_slice %arg3[%mul3A_3, %dma_wait3A_176] : memref<1280x128xi32, #tpu.memory_space<hbm>> -> memref<80x128xi32, #tpu.memory_space<hbm>>
      %dma_wait3A_178 = arith.constant 0 : i32
      %dma_wait3A_179 = tpu.memref_slice %arg3[%mul3A_3, %dma_wait3A_178] : memref<1280x128xi32, #tpu.memory_space<hbm>> -> memref<80x128xi32, #tpu.memory_space<hbm>>
      tpu.wait_dma2 semaphore(%run_scoped3A : memref<!tpu.dma_semaphore, #tpu.memory_space<semaphore_mem>>) src(%dma_wait3A_179 : memref<80x128xi32, #tpu.memory_space<hbm>>) dst(%arg5 : memref<80x128xi32, #tpu.memory_space<vmem>>)
      tpu.yield
    }) : () -> ()
    %mul3A_4 = arith.constant 2 : i32
    %mul3A_5 = arith.muli %arg0, %mul3A_4 : i32
    %add3A = arith.constant 0 : i32
    %add3A_6 = arith.addi %mul3A_5, %add3A : i32
    %mul3A_7 = arith.constant 10000 : i32
    %mul3A_8 = arith.muli %add3A_6, %mul3A_7 : i32
    %mul3A_9 = arith.constant 10000 : i32
    %mul3A_10 = arith.muli %add3A_6, %mul3A_9 : i32
    %broadcast_in_dim3A_11 = vector.broadcast %mul3A_10 : i32 to vector<16xi32>
    %scan3A = arith.constant 0 : i32
    %scan3A_12 = arith.constant 0 : i32
    %scan3A_13 = arith.constant 1024 : i32
    %scan3A_14 = arith.addi %scan3A_12, %scan3A_13 : i32
    %scan3A_15 = arith.constant 1 : i32
    scf.for %scan3A_172 = %scan3A_12 to %scan3A_14 step %scan3A_15  : i32 {
      %jit3A = arith.constant 8 : i32
      %div3A = arith.divsi %scan3A_172, %jit3A : i32
      %sign3A = arith.constant 0 : i32
      %sign3A_173 = arith.cmpi sgt, %scan3A_172, %sign3A : i32
      %sign3A_174 = arith.extui %sign3A_173 : i1 to i32
      %sign3A_175 = arith.constant 0 : i32
      %sign3A_176 = arith.cmpi slt, %scan3A_172, %sign3A_175 : i32
      %sign3A_177 = arith.extui %sign3A_176 : i1 to i32
      %sign3A_178 = arith.subi %sign3A_174, %sign3A_177 : i32
      %sign3A_179 = arith.constant 0 : i32
      %sign3A_180 = arith.cmpi sgt, %jit3A, %sign3A_179 : i32
      %sign3A_181 = arith.extui %sign3A_180 : i1 to i32
      %sign3A_182 = arith.constant 0 : i32
      %sign3A_183 = arith.cmpi slt, %jit3A, %sign3A_182 : i32
      %sign3A_184 = arith.extui %sign3A_183 : i1 to i32
      %sign3A_185 = arith.subi %sign3A_181, %sign3A_184 : i32
      %ne3A = arith.cmpi ne, %sign3A_178, %sign3A_185 : i32
      %rem3A = arith.remsi %scan3A_172, %jit3A : i32
      %ne3A_186 = arith.constant 0 : i32
      %ne3A_187 = arith.cmpi ne, %rem3A, %ne3A_186 : i32
      %and3A = arith.andi %ne3A, %ne3A_187 : i1
      %sub3A = arith.constant 1 : i32
      %sub3A_188 = arith.subi %div3A, %sub3A : i32
      %select_n3A = arith.select %and3A, %sub3A_188, %div3A : i32
      %jit3A_189 = arith.constant 8 : i32
      %eq3A_190 = arith.constant 0 : i32
      %eq3A_191 = arith.cmpi eq, %jit3A_189, %eq3A_190 : i32
      %jit3A_192 = arith.constant 1 : i32
      %select_n3A_193 = arith.select %eq3A_191, %jit3A_192, %jit3A_189 : i32
      %rem3A_194 = arith.remsi %scan3A_172, %select_n3A_193 : i32
      %ne3A_195 = arith.constant 0 : i32
      %ne3A_196 = arith.cmpi ne, %rem3A_194, %ne3A_195 : i32
      %lt3A = arith.constant 0 : i32
      %lt3A_197 = arith.cmpi slt, %rem3A_194, %lt3A : i32
      %lt3A_198 = arith.constant 0 : i32
      %lt3A_199 = arith.cmpi slt, %select_n3A_193, %lt3A_198 : i32
      %ne3A_200 = arith.xori %lt3A_197, %lt3A_199 : i1
      %and3A_201 = arith.andi %ne3A_200, %ne3A_196 : i1
      %add3A_202 = arith.addi %rem3A_194, %select_n3A_193 : i32
      %select_n3A_203 = arith.select %and3A_201, %add3A_202, %rem3A_194 : i32
      %mul3A_204 = arith.constant 16 : i32
      %mul3A_205 = arith.muli %select_n3A_203, %mul3A_204 : i32
      %swap3A = arith.constant 0 : i32
      %swap3A_206 = arith.index_cast %swap3A : i32 to index
      %swap3A_207 = arith.index_cast %select_n3A : i32 to index
      %swap3A_208 = arith.index_cast %mul3A_205 : i32 to index
      %swap3A_209 = tpu.vector_load %arg8[%swap3A_206, %swap3A_207, %swap3A_208] {strides = array<i32>} : memref<2x128x128xf32, #tpu.memory_space<vmem>>, vector<1x1x16xf32>,
      %swap3A_210 = vector.shape_cast %swap3A_209 : vector<1x1x16xf32> to vector<16xf32>
      %swap3A_211 = vector.shape_cast %broadcast_in_dim3A_0 : vector<16xf32> to vector<1x1x16xf32>
      tpu.vector_store %arg8[%swap3A_206, %swap3A_207, %swap3A_208], %swap3A_211 {strides = array<i32>} : memref<2x128x128xf32, #tpu.memory_space<vmem>>, vector<1x1x16xf32>,
    }
    %scan3A_16 = arith.constant 1024 : i32
    %mul3A_17 = arith.constant 5 : i32
    %mul3A_18 = arith.muli %arg1, %mul3A_17 : i32
    %add3A_19 = arith.constant 5 : i32
    %add3A_20 = arith.addi %mul3A_18, %add3A_19 : i32
    %min3A = arith.constant 79 : i32
    %min3A_21 = arith.minsi %min3A, %add3A_20 : i32
    %while3A = arith.constant 0 : i32
    %while3A_22 = arith.subi %min3A_21, %mul3A_18 : i32
    %while3A_23 = arith.addi %mul3A_18, %while3A_22 : i32
    %while3A_24 = arith.constant 1 : i32
    %while3A_25 = arith.divsi %while3A_22, %while3A_24 : i32
    %while3A_26 = arith.muli %while3A_25, %while3A_24 : i32
    %while3A_27 = arith.addi %mul3A_18, %while3A_26 : i32
    %while3A_28 = arith.constant 1 : i32
    scf.for %while3A_172 = %mul3A_18 to %while3A_27 step %while3A_28  : i32 {
      %mul3A_173 = arith.constant 128 : i32
      %mul3A_174 = arith.muli %while3A_172, %mul3A_173 : i32
      %run_scoped3A = arith.constant 0 : i32
      "tpu.region"() ({
        %run_scoped3A_175 = tpu.sem_alloc : memref<!tpu.dma_semaphore, #tpu.memory_space<semaphore_mem>>
        %dma_start3A_176 = arith.constant 0 : i32
        %dma_start3A_177 = arith.constant 0 : i32
        %dma_start3A_178 = tpu.memref_slice %arg8[%run_scoped3A, %dma_start3A_176, %dma_start3A_177] : memref<2x128x128xf32, #tpu.memory_space<vmem>> -> memref<1x128x128xf32, #tpu.memory_space<vmem>>
        %dma_start3A_179 = tpu.memref_squeeze %dma_start3A_178 : memref<1x128x128xf32, #tpu.memory_space<vmem>> -> memref<128x128xf32, #tpu.memory_space<vmem>>
        %dma_start3A_180 = arith.constant 0 : i32
        %dma_start3A_181 = tpu.memref_slice %arg11[%mul3A_174, %dma_start3A_180] : memref<10112x128xf32, #tpu.memory_space<vmem_shared>> -> memref<128x128xf32, #tpu.memory_space<vmem_shared>>
        %dma_start3A_182 = arith.constant 0 : i32
        %dma_start3A_183 = tpu.memref_slice %arg11[%mul3A_174, %dma_start3A_182] : memref<10112x128xf32, #tpu.memory_space<vmem_shared>> -> memref<128x128xf32, #tpu.memory_space<vmem_shared>>
        %dma_start3A_184 = arith.constant 0 : i32
        %dma_start3A_185 = arith.constant 0 : i32
        %dma_start3A_186 = tpu.memref_slice %arg8[%run_scoped3A, %dma_start3A_184, %dma_start3A_185] : memref<2x128x128xf32, #tpu.memory_space<vmem>> -> memref<1x128x128xf32, #tpu.memory_space<vmem>>
        %dma_start3A_187 = tpu.memref_squeeze %dma_start3A_186 : memref<1x128x128xf32, #tpu.memory_space<vmem>> -> memref<128x128xf32, #tpu.memory_space<vmem>>
        tpu.enqueue_dma source(%dma_start3A_187 : memref<128x128xf32, #tpu.memory_space<vmem>>) target(%dma_start3A_183 : memref<128x128xf32, #tpu.memory_space<vmem_shared>>) target_semaphore(%run_scoped3A_175 : memref<!tpu.dma_semaphore, #tpu.memory_space<semaphore_mem>>)
        %dma_wait3A_188 = arith.constant 0 : i32
        %dma_wait3A_189 = arith.constant 0 : i32
        %dma_wait3A_190 = tpu.memref_slice %arg8[%run_scoped3A, %dma_wait3A_188, %dma_wait3A_189] : memref<2x128x128xf32, #tpu.memory_space<vmem>> -> memref<1x128x128xf32, #tpu.memory_space<vmem>>
        %dma_wait3A_191 = tpu.memref_squeeze %dma_wait3A_190 : memref<1x128x128xf32, #tpu.memory_space<vmem>> -> memref<128x128xf32, #tpu.memory_space<vmem>>
        %dma_wait3A_192 = arith.constant 0 : i32
        %dma_wait3A_193 = tpu.memref_slice %arg11[%mul3A_174, %dma_wait3A_192] : memref<10112x128xf32, #tpu.memory_space<vmem_shared>> -> memref<128x128xf32, #tpu.memory_space<vmem_shared>>
        %dma_wait3A_194 = arith.constant 0 : i32
        %dma_wait3A_195 = tpu.memref_slice %arg11[%mul3A_174, %dma_wait3A_194] : memref<10112x128xf32, #tpu.memory_space<vmem_shared>> -> memref<128x128xf32, #tpu.memory_space<vmem_shared>>
        %dma_wait3A_196 = arith.constant 0 : i32
        %dma_wait3A_197 = arith.constant 0 : i32
        %dma_wait3A_198 = tpu.memref_slice %arg8[%run_scoped3A, %dma_wait3A_196, %dma_wait3A_197] : memref<2x128x128xf32, #tpu.memory_space<vmem>> -> memref<1x128x128xf32, #tpu.memory_space<vmem>>
        %dma_wait3A_199 = tpu.memref_squeeze %dma_wait3A_198 : memref<1x128x128xf32, #tpu.memory_space<vmem>> -> memref<128x128xf32, #tpu.memory_space<vmem>>
        tpu.wait_dma2 semaphore(%run_scoped3A_175 : memref<!tpu.dma_semaphore, #tpu.memory_space<semaphore_mem>>) src(%dma_wait3A_199 : memref<128x128xf32, #tpu.memory_space<vmem>>) dst(%dma_wait3A_195 : memref<128x128xf32, #tpu.memory_space<vmem_shared>>)
        tpu.yield
      }) : () -> ()
    }
    %while3A_29 = arith.constant 1 : i32
    scf.for %while3A_172 = %while3A_27 to %while3A_23 step %while3A_29  : i32 {
      %mul3A_173 = arith.constant 128 : i32
      %mul3A_174 = arith.muli %while3A_172, %mul3A_173 : i32
      %run_scoped3A = arith.constant 0 : i32
      "tpu.region"() ({
        %run_scoped3A_175 = tpu.sem_alloc : memref<!tpu.dma_semaphore, #tpu.memory_space<semaphore_mem>>
        %dma_start3A_176 = arith.constant 0 : i32
        %dma_start3A_177 = arith.constant 0 : i32
        %dma_start3A_178 = tpu.memref_slice %arg8[%run_scoped3A, %dma_start3A_176, %dma_start3A_177] : memref<2x128x128xf32, #tpu.memory_space<vmem>> -> memref<1x128x128xf32, #tpu.memory_space<vmem>>
        %dma_start3A_179 = tpu.memref_squeeze %dma_start3A_178 : memref<1x128x128xf32, #tpu.memory_space<vmem>> -> memref<128x128xf32, #tpu.memory_space<vmem>>
        %dma_start3A_180 = arith.constant 0 : i32
        %dma_start3A_181 = tpu.memref_slice %arg11[%mul3A_174, %dma_start3A_180] : memref<10112x128xf32, #tpu.memory_space<vmem_shared>> -> memref<128x128xf32, #tpu.memory_space<vmem_shared>>
        %dma_start3A_182 = arith.constant 0 : i32
        %dma_start3A_183 = tpu.memref_slice %arg11[%mul3A_174, %dma_start3A_182] : memref<10112x128xf32, #tpu.memory_space<vmem_shared>> -> memref<128x128xf32, #tpu.memory_space<vmem_shared>>
        %dma_start3A_184 = arith.constant 0 : i32
        %dma_start3A_185 = arith.constant 0 : i32
        %dma_start3A_186 = tpu.memref_slice %arg8[%run_scoped3A, %dma_start3A_184, %dma_start3A_185] : memref<2x128x128xf32, #tpu.memory_space<vmem>> -> memref<1x128x128xf32, #tpu.memory_space<vmem>>
        %dma_start3A_187 = tpu.memref_squeeze %dma_start3A_186 : memref<1x128x128xf32, #tpu.memory_space<vmem>> -> memref<128x128xf32, #tpu.memory_space<vmem>>
        tpu.enqueue_dma source(%dma_start3A_187 : memref<128x128xf32, #tpu.memory_space<vmem>>) target(%dma_start3A_183 : memref<128x128xf32, #tpu.memory_space<vmem_shared>>) target_semaphore(%run_scoped3A_175 : memref<!tpu.dma_semaphore, #tpu.memory_space<semaphore_mem>>)
        %dma_wait3A_188 = arith.constant 0 : i32
        %dma_wait3A_189 = arith.constant 0 : i32
        %dma_wait3A_190 = tpu.memref_slice %arg8[%run_scoped3A, %dma_wait3A_188, %dma_wait3A_189] : memref<2x128x128xf32, #tpu.memory_space<vmem>> -> memref<1x128x128xf32, #tpu.memory_space<vmem>>
        %dma_wait3A_191 = tpu.memref_squeeze %dma_wait3A_190 : memref<1x128x128xf32, #tpu.memory_space<vmem>> -> memref<128x128xf32, #tpu.memory_space<vmem>>
        %dma_wait3A_192 = arith.constant 0 : i32
        %dma_wait3A_193 = tpu.memref_slice %arg11[%mul3A_174, %dma_wait3A_192] : memref<10112x128xf32, #tpu.memory_space<vmem_shared>> -> memref<128x128xf32, #tpu.memory_space<vmem_shared>>
        %dma_wait3A_194 = arith.constant 0 : i32
        %dma_wait3A_195 = tpu.memref_slice %arg11[%mul3A_174, %dma_wait3A_194] : memref<10112x128xf32, #tpu.memory_space<vmem_shared>> -> memref<128x128xf32, #tpu.memory_space<vmem_shared>>
        %dma_wait3A_196 = arith.constant 0 : i32
        %dma_wait3A_197 = arith.constant 0 : i32
        %dma_wait3A_198 = tpu.memref_slice %arg8[%run_scoped3A, %dma_wait3A_196, %dma_wait3A_197] : memref<2x128x128xf32, #tpu.memory_space<vmem>> -> memref<1x128x128xf32, #tpu.memory_space<vmem>>
        %dma_wait3A_199 = tpu.memref_squeeze %dma_wait3A_198 : memref<1x128x128xf32, #tpu.memory_space<vmem>> -> memref<128x128xf32, #tpu.memory_space<vmem>>
        tpu.wait_dma2 semaphore(%run_scoped3A_175 : memref<!tpu.dma_semaphore, #tpu.memory_space<semaphore_mem>>) src(%dma_wait3A_199 : memref<128x128xf32, #tpu.memory_space<vmem>>) dst(%dma_wait3A_195 : memref<128x128xf32, #tpu.memory_space<vmem_shared>>)
        tpu.yield
      }) : () -> ()
    }
    %barrier3A = arith.constant 0 : index
    tpu.barrier barrier_id(%barrier3A)
    %scan3A_30 = arith.constant 0 : i32
    %scan3A_31 = arith.constant 0 : i32
    %scan3A_32 = arith.constant 8 : i32
    %scan3A_33 = arith.addi %scan3A_31, %scan3A_32 : i32
    %scan3A_34 = arith.constant 1 : i32
    scf.for %scan3A_172 = %scan3A_31 to %scan3A_33 step %scan3A_34  : i32 {
      %mul3A_173 = arith.constant 16 : i32
      %mul3A_174 = arith.muli %scan3A_172, %mul3A_173 : i32
      %get3A = arith.constant 0 : i32
      %get3A_175 = arith.index_cast %get3A : i32 to index
      %get3A_176 = arith.index_cast %mul3A_174 : i32 to index
      %get3A_177 = tpu.vector_load %arg5[%get3A_175, %get3A_176] {strides = array<i32>} : memref<80x128xi32, #tpu.memory_space<vmem>>, vector<1x16xi32>,
      %get3A_178 = vector.shape_cast %get3A_177 : vector<1x16xi32> to vector<16xi32>
      %shift_right_arithmetic3A = arith.constant 16 : i32
      %shift_right_arithmetic3A_179 = vector.broadcast %shift_right_arithmetic3A : i32 to vector<16xi32>
      %shift_right_arithmetic3A_180 = arith.shrsi %get3A_178, %shift_right_arithmetic3A_179 : vector<16xi32>
      %swap3A = arith.constant 0 : i32
      %swap3A_181 = arith.index_cast %swap3A : i32 to index
      %swap3A_182 = arith.index_cast %mul3A_174 : i32 to index
      %swap3A_183 = tpu.vector_load %arg7[%swap3A_181, %swap3A_182] {strides = array<i32>} : memref<2x128xi32, #tpu.memory_space<vmem>>, vector<1x16xi32>,
      %swap3A_184 = vector.shape_cast %swap3A_183 : vector<1x16xi32> to vector<16xi32>
      %swap3A_185 = vector.shape_cast %shift_right_arithmetic3A_180 : vector<16xi32> to vector<1x16xi32>
      tpu.vector_store %arg7[%swap3A_181, %swap3A_182], %swap3A_185 {strides = array<i32>} : memref<2x128xi32, #tpu.memory_space<vmem>>, vector<1x16xi32>,
      %and3A = arith.constant 65535 : i32
      %and3A_186 = vector.broadcast %and3A : i32 to vector<16xi32>
      %and3A_187 = arith.andi %get3A_178, %and3A_186 : vector<16xi32>
      %add3A_188 = arith.addi %and3A_187, %broadcast_in_dim3A_11 : vector<16xi32>
      %swap3A_189 = arith.constant 0 : i32
      %swap3A_190 = arith.index_cast %swap3A_189 : i32 to index
      %swap3A_191 = arith.index_cast %mul3A_174 : i32 to index
      %swap3A_192 = tpu.vector_load %arg6[%swap3A_190, %swap3A_191] {strides = array<i32>} : memref<2x128xi32, #tpu.memory_space<vmem>>, vector<1x16xi32>,
      %swap3A_193 = vector.shape_cast %swap3A_192 : vector<1x16xi32> to vector<16xi32>
      %swap3A_194 = vector.shape_cast %add3A_188 : vector<16xi32> to vector<1x16xi32>
      tpu.vector_store %arg6[%swap3A_190, %swap3A_191], %swap3A_194 {strides = array<i32>} : memref<2x128xi32, #tpu.memory_space<vmem>>, vector<1x16xi32>,
    }
    %scan3A_35 = arith.constant 8 : i32
    %dma_start3A = arith.constant 0 : i32
    %dma_start3A_36 = arith.constant 0 : i32
    %dma_start3A_37 = arith.constant 0 : i32
    %dma_start3A_38 = arith.constant 0 : i32
    %dma_start3A_39 = tpu.memref_slice %arg8[%dma_start3A_36, %dma_start3A_37, %dma_start3A_38] : memref<2x128x128xf32, #tpu.memory_space<vmem>> -> memref<1x128x128xf32, #tpu.memory_space<vmem>>
    %dma_start3A_40 = tpu.memref_squeeze %dma_start3A_39 : memref<1x128x128xf32, #tpu.memory_space<vmem>> -> memref<128x128xf32, #tpu.memory_space<vmem>>
    %dma_start3A_41 = arith.constant 0 : i32
    %dma_start3A_42 = tpu.memref_slice %arg6[%dma_start3A, %dma_start3A_41] : memref<2x128xi32, #tpu.memory_space<vmem>> -> memref<1x128xi32, #tpu.memory_space<vmem>>
    %dma_start3A_43 = tpu.memref_squeeze %dma_start3A_42 : memref<1x128xi32, #tpu.memory_space<vmem>> -> memref<128xi32, #tpu.memory_space<vmem>>
    %dma_start3A_44 = arith.constant 0 : i32
    %dma_start3A_45 = arith.constant 0 : i32
    %dma_start3A_46 = tpu.memref_slice %arg2[%dma_start3A_44, %dma_start3A_45] : memref<40000x128xf32, #tpu.memory_space<hbm>> -> memref<40000x128xf32, #tpu.memory_space<hbm>>
    tpu.enqueue_indirect_dma source(%dma_start3A_46 : memref<40000x128xf32, #tpu.memory_space<hbm>>) target(%dma_start3A_40 : memref<128x128xf32, #tpu.memory_space<vmem>>) offsets(%dma_start3A_43 : memref<128xi32, #tpu.memory_space<vmem>>) semaphore(%arg9 : memref<!tpu.dma_semaphore, #tpu.memory_space<semaphore_mem>>)
    %dma_wait3A = arith.constant 0 : i32
    %dma_wait3A_47 = arith.constant 0 : i32
    %dma_wait3A_48 = arith.constant 0 : i32
    %dma_wait3A_49 = arith.constant 0 : i32
    %dma_wait3A_50 = tpu.memref_slice %arg8[%dma_wait3A_47, %dma_wait3A_48, %dma_wait3A_49] : memref<2x128x128xf32, #tpu.memory_space<vmem>> -> memref<1x128x128xf32, #tpu.memory_space<vmem>>
    %dma_wait3A_51 = tpu.memref_squeeze %dma_wait3A_50 : memref<1x128x128xf32, #tpu.memory_space<vmem>> -> memref<128x128xf32, #tpu.memory_space<vmem>>
    %dma_wait3A_52 = arith.constant 0 : i32
    %dma_wait3A_53 = tpu.memref_slice %arg6[%dma_wait3A, %dma_wait3A_52] : memref<2x128xi32, #tpu.memory_space<vmem>> -> memref<1x128xi32, #tpu.memory_space<vmem>>
    %dma_wait3A_54 = tpu.memref_squeeze %dma_wait3A_53 : memref<1x128xi32, #tpu.memory_space<vmem>> -> memref<128xi32, #tpu.memory_space<vmem>>
    %dma_wait3A_55 = arith.constant 0 : i32
    %dma_wait3A_56 = arith.constant 0 : i32
    %dma_wait3A_57 = tpu.memref_slice %arg2[%dma_wait3A_55, %dma_wait3A_56] : memref<40000x128xf32, #tpu.memory_space<hbm>> -> memref<40000x128xf32, #tpu.memory_space<hbm>>
    tpu.wait_indirect_dma semaphore(%arg9 : memref<!tpu.dma_semaphore, #tpu.memory_space<semaphore_mem>>) src(%dma_wait3A_57 : memref<40000x128xf32, #tpu.memory_space<hbm>>) dst(%dma_wait3A_51 : memref<128x128xf32, #tpu.memory_space<vmem>>)
    %scan3A_58 = arith.constant 0 : i32
    %scan3A_59 = arith.constant 0 : i32
    %scan3A_60 = arith.constant 80 : i32
    %scan3A_61 = arith.addi %scan3A_59, %scan3A_60 : i32
    %scan3A_62 = arith.constant 1 : i32
    scf.for %scan3A_172 = %scan3A_59 to %scan3A_61 step %scan3A_62  : i32 {
      %rem3A = arith.constant 2 : i32
      %rem3A_173 = arith.remsi %scan3A_172, %rem3A : i32
      %add3A_174 = arith.constant 1 : i32
      %add3A_175 = arith.addi %scan3A_172, %add3A_174 : i32
      %rem3A_176 = arith.constant 2 : i32
      %rem3A_177 = arith.remsi %add3A_175, %rem3A_176 : i32
      %dma_start3A_178 = arith.constant 0 : i32
      %dma_start3A_179 = arith.constant 0 : i32
      %dma_start3A_180 = tpu.memref_slice %arg8[%rem3A_173, %dma_start3A_178, %dma_start3A_179] : memref<2x128x128xf32, #tpu.memory_space<vmem>> -> memref<1x128x128xf32, #tpu.memory_space<vmem>>
      %dma_start3A_181 = tpu.memref_squeeze %dma_start3A_180 : memref<1x128x128xf32, #tpu.memory_space<vmem>> -> memref<128x128xf32, #tpu.memory_space<vmem>>
      %dma_start3A_182 = arith.constant 0 : i32
      %dma_start3A_183 = tpu.memref_slice %arg7[%rem3A_173, %dma_start3A_182] : memref<2x128xi32, #tpu.memory_space<vmem>> -> memref<1x128xi32, #tpu.memory_space<vmem>>
      %dma_start3A_184 = tpu.memref_squeeze %dma_start3A_183 : memref<1x128xi32, #tpu.memory_space<vmem>> -> memref<128xi32, #tpu.memory_space<vmem>>
      %dma_start3A_185 = arith.constant 0 : i32
      %dma_start3A_186 = arith.constant 0 : i32
      %dma_start3A_187 = tpu.memref_slice %arg11[%dma_start3A_185, %dma_start3A_186] : memref<10112x128xf32, #tpu.memory_space<vmem_shared>> -> memref<10112x128xf32, #tpu.memory_space<vmem_shared>>
      tpu.enqueue_indirect_dma source(%dma_start3A_181 : memref<128x128xf32, #tpu.memory_space<vmem>>) target(%dma_start3A_187 : memref<10112x128xf32, #tpu.memory_space<vmem_shared>>) offsets(%dma_start3A_184 : memref<128xi32, #tpu.memory_space<vmem>>) semaphore(%arg10 : memref<!tpu.dma_semaphore, #tpu.memory_space<semaphore_mem>>) {add = true}
      %lt3A = arith.constant 79 : i32
      %lt3A_188 = arith.cmpi slt, %scan3A_172, %lt3A : i32
      %convert_element_type3A_189 = arith.extui %lt3A_188 : i1 to i32
      %cond3A_190 = arith.constant 0 : i32
      %cond3A_191 = arith.cmpi ne, %convert_element_type3A_189, %cond3A_190 : i32
      scf.if %cond3A_191 {
        %add3A_202 = arith.constant 1 : i32
        %add3A_203 = arith.addi %scan3A_172, %add3A_202 : i32
        %scan3A_204 = arith.constant 0 : i32
        %scan3A_205 = arith.constant 0 : i32
        %scan3A_206 = arith.constant 8 : i32
        %scan3A_207 = arith.addi %scan3A_205, %scan3A_206 : i32
        %scan3A_208 = arith.constant 1 : i32
        scf.for %scan3A_230 = %scan3A_205 to %scan3A_207 step %scan3A_208  : i32 {
          %mul3A_231 = arith.constant 16 : i32
          %mul3A_232 = arith.muli %scan3A_230, %mul3A_231 : i32
          %get3A = arith.index_cast %add3A_203 : i32 to index
          %get3A_233 = arith.index_cast %mul3A_232 : i32 to index
          %get3A_234 = tpu.vector_load %arg5[%get3A, %get3A_233] {strides = array<i32>} : memref<80x128xi32, #tpu.memory_space<vmem>>, vector<1x16xi32>,
          %get3A_235 = vector.shape_cast %get3A_234 : vector<1x16xi32> to vector<16xi32>
          %shift_right_arithmetic3A = arith.constant 16 : i32
          %shift_right_arithmetic3A_236 = vector.broadcast %shift_right_arithmetic3A : i32 to vector<16xi32>
          %shift_right_arithmetic3A_237 = arith.shrsi %get3A_235, %shift_right_arithmetic3A_236 : vector<16xi32>
          %swap3A = arith.index_cast %rem3A_177 : i32 to index
          %swap3A_238 = arith.index_cast %mul3A_232 : i32 to index
          %swap3A_239 = tpu.vector_load %arg7[%swap3A, %swap3A_238] {strides = array<i32>} : memref<2x128xi32, #tpu.memory_space<vmem>>, vector<1x16xi32>,
          %swap3A_240 = vector.shape_cast %swap3A_239 : vector<1x16xi32> to vector<16xi32>
          %swap3A_241 = vector.shape_cast %shift_right_arithmetic3A_237 : vector<16xi32> to vector<1x16xi32>
          tpu.vector_store %arg7[%swap3A, %swap3A_238], %swap3A_241 {strides = array<i32>} : memref<2x128xi32, #tpu.memory_space<vmem>>, vector<1x16xi32>,
          %and3A = arith.constant 65535 : i32
          %and3A_242 = vector.broadcast %and3A : i32 to vector<16xi32>
          %and3A_243 = arith.andi %get3A_235, %and3A_242 : vector<16xi32>
          %add3A_244 = arith.addi %and3A_243, %broadcast_in_dim3A_11 : vector<16xi32>
          %swap3A_245 = arith.index_cast %rem3A_177 : i32 to index
          %swap3A_246 = arith.index_cast %mul3A_232 : i32 to index
          %swap3A_247 = tpu.vector_load %arg6[%swap3A_245, %swap3A_246] {strides = array<i32>} : memref<2x128xi32, #tpu.memory_space<vmem>>, vector<1x16xi32>,
          %swap3A_248 = vector.shape_cast %swap3A_247 : vector<1x16xi32> to vector<16xi32>
          %swap3A_249 = vector.shape_cast %add3A_244 : vector<16xi32> to vector<1x16xi32>
          tpu.vector_store %arg6[%swap3A_245, %swap3A_246], %swap3A_249 {strides = array<i32>} : memref<2x128xi32, #tpu.memory_space<vmem>>, vector<1x16xi32>,
        }
        %scan3A_209 = arith.constant 8 : i32
        %dma_start3A_210 = arith.constant 0 : i32
        %dma_start3A_211 = arith.constant 0 : i32
        %dma_start3A_212 = tpu.memref_slice %arg8[%rem3A_177, %dma_start3A_210, %dma_start3A_211] : memref<2x128x128xf32, #tpu.memory_space<vmem>> -> memref<1x128x128xf32, #tpu.memory_space<vmem>>
        %dma_start3A_213 = tpu.memref_squeeze %dma_start3A_212 : memref<1x128x128xf32, #tpu.memory_space<vmem>> -> memref<128x128xf32, #tpu.memory_space<vmem>>
        %dma_start3A_214 = arith.constant 0 : i32
        %dma_start3A_215 = tpu.memref_slice %arg6[%rem3A_177, %dma_start3A_214] : memref<2x128xi32, #tpu.memory_space<vmem>> -> memref<1x128xi32, #tpu.memory_space<vmem>>
        %dma_start3A_216 = tpu.memref_squeeze %dma_start3A_215 : memref<1x128xi32, #tpu.memory_space<vmem>> -> memref<128xi32, #tpu.memory_space<vmem>>
        %dma_start3A_217 = arith.constant 0 : i32
        %dma_start3A_218 = arith.constant 0 : i32
        %dma_start3A_219 = tpu.memref_slice %arg2[%dma_start3A_217, %dma_start3A_218] : memref<40000x128xf32, #tpu.memory_space<hbm>> -> memref<40000x128xf32, #tpu.memory_space<hbm>>
        tpu.enqueue_indirect_dma source(%dma_start3A_219 : memref<40000x128xf32, #tpu.memory_space<hbm>>) target(%dma_start3A_213 : memref<128x128xf32, #tpu.memory_space<vmem>>) offsets(%dma_start3A_216 : memref<128xi32, #tpu.memory_space<vmem>>) semaphore(%arg9 : memref<!tpu.dma_semaphore, #tpu.memory_space<semaphore_mem>>)
        %dma_wait3A_220 = arith.constant 0 : i32
        %dma_wait3A_221 = arith.constant 0 : i32
        %dma_wait3A_222 = tpu.memref_slice %arg8[%rem3A_177, %dma_wait3A_220, %dma_wait3A_221] : memref<2x128x128xf32, #tpu.memory_space<vmem>> -> memref<1x128x128xf32, #tpu.memory_space<vmem>>
        %dma_wait3A_223 = tpu.memref_squeeze %dma_wait3A_222 : memref<1x128x128xf32, #tpu.memory_space<vmem>> -> memref<128x128xf32, #tpu.memory_space<vmem>>
        %dma_wait3A_224 = arith.constant 0 : i32
        %dma_wait3A_225 = tpu.memref_slice %arg6[%rem3A_177, %dma_wait3A_224] : memref<2x128xi32, #tpu.memory_space<vmem>> -> memref<1x128xi32, #tpu.memory_space<vmem>>
        %dma_wait3A_226 = tpu.memref_squeeze %dma_wait3A_225 : memref<1x128xi32, #tpu.memory_space<vmem>> -> memref<128xi32, #tpu.memory_space<vmem>>
        %dma_wait3A_227 = arith.constant 0 : i32
        %dma_wait3A_228 = arith.constant 0 : i32
        %dma_wait3A_229 = tpu.memref_slice %arg2[%dma_wait3A_227, %dma_wait3A_228] : memref<40000x128xf32, #tpu.memory_space<hbm>> -> memref<40000x128xf32, #tpu.memory_space<hbm>>
        tpu.wait_indirect_dma semaphore(%arg9 : memref<!tpu.dma_semaphore, #tpu.memory_space<semaphore_mem>>) src(%dma_wait3A_229 : memref<40000x128xf32, #tpu.memory_space<hbm>>) dst(%dma_wait3A_223 : memref<128x128xf32, #tpu.memory_space<vmem>>)
      } else {
      }
      %dma_wait3A_192 = arith.constant 0 : i32
      %dma_wait3A_193 = arith.constant 0 : i32
      %dma_wait3A_194 = tpu.memref_slice %arg8[%rem3A_173, %dma_wait3A_192, %dma_wait3A_193] : memref<2x128x128xf32, #tpu.memory_space<vmem>> -> memref<1x128x128xf32, #tpu.memory_space<vmem>>
      %dma_wait3A_195 = tpu.memref_squeeze %dma_wait3A_194 : memref<1x128x128xf32, #tpu.memory_space<vmem>> -> memref<128x128xf32, #tpu.memory_space<vmem>>
      %dma_wait3A_196 = arith.constant 0 : i32
      %dma_wait3A_197 = tpu.memref_slice %arg7[%rem3A_173, %dma_wait3A_196] : memref<2x128xi32, #tpu.memory_space<vmem>> -> memref<1x128xi32, #tpu.memory_space<vmem>>
      %dma_wait3A_198 = tpu.memref_squeeze %dma_wait3A_197 : memref<1x128xi32, #tpu.memory_space<vmem>> -> memref<128xi32, #tpu.memory_space<vmem>>
      %dma_wait3A_199 = arith.constant 0 : i32
      %dma_wait3A_200 = arith.constant 0 : i32
      %dma_wait3A_201 = tpu.memref_slice %arg11[%dma_wait3A_199, %dma_wait3A_200] : memref<10112x128xf32, #tpu.memory_space<vmem_shared>> -> memref<10112x128xf32, #tpu.memory_space<vmem_shared>>
      tpu.wait_indirect_dma semaphore(%arg10 : memref<!tpu.dma_semaphore, #tpu.memory_space<semaphore_mem>>) src(%dma_wait3A_195 : memref<128x128xf32, #tpu.memory_space<vmem>>) dst(%dma_wait3A_201 : memref<10112x128xf32, #tpu.memory_space<vmem_shared>>)
    }
    %scan3A_63 = arith.constant 80 : i32
    %barrier3A_64 = arith.constant 0 : index
    tpu.barrier barrier_id(%barrier3A_64)
    %mul3A_65 = arith.constant 5 : i32
    %mul3A_66 = arith.muli %arg1, %mul3A_65 : i32
    %add3A_67 = arith.constant 5 : i32
    %add3A_68 = arith.addi %mul3A_66, %add3A_67 : i32
    %min3A_69 = arith.constant 78 : i32
    %min3A_70 = arith.minsi %min3A_69, %add3A_68 : i32
    %while3A_71 = arith.constant 0 : i32
    %while3A_72 = arith.subi %min3A_70, %mul3A_66 : i32
    %while3A_73 = arith.addi %mul3A_66, %while3A_72 : i32
    %while3A_74 = arith.constant 1 : i32
    %while3A_75 = arith.divsi %while3A_72, %while3A_74 : i32
    %while3A_76 = arith.muli %while3A_75, %while3A_74 : i32
    %while3A_77 = arith.addi %mul3A_66, %while3A_76 : i32
    %while3A_78 = arith.constant 1 : i32
    scf.for %while3A_172 = %mul3A_66 to %while3A_77 step %while3A_78  : i32 {
      %mul3A_173 = arith.constant 128 : i32
      %mul3A_174 = arith.muli %while3A_172, %mul3A_173 : i32
      %run_scoped3A = arith.constant 0 : i32
      "tpu.region"() ({
        %run_scoped3A_177 = tpu.sem_alloc : memref<!tpu.dma_semaphore, #tpu.memory_space<semaphore_mem>>
        %dma_start3A_178 = arith.constant 0 : i32
        %dma_start3A_179 = arith.constant 0 : i32
        %dma_start3A_180 = tpu.memref_slice %arg8[%run_scoped3A, %dma_start3A_178, %dma_start3A_179] : memref<2x128x128xf32, #tpu.memory_space<vmem>> -> memref<1x128x128xf32, #tpu.memory_space<vmem>>
        %dma_start3A_181 = tpu.memref_squeeze %dma_start3A_180 : memref<1x128x128xf32, #tpu.memory_space<vmem>> -> memref<128x128xf32, #tpu.memory_space<vmem>>
        %dma_start3A_182 = arith.constant 0 : i32
        %dma_start3A_183 = tpu.memref_slice %arg11[%mul3A_174, %dma_start3A_182] : memref<10112x128xf32, #tpu.memory_space<vmem_shared>> -> memref<128x128xf32, #tpu.memory_space<vmem_shared>>
        %dma_start3A_184 = arith.constant 0 : i32
        %dma_start3A_185 = arith.constant 0 : i32
        %dma_start3A_186 = tpu.memref_slice %arg8[%run_scoped3A, %dma_start3A_184, %dma_start3A_185] : memref<2x128x128xf32, #tpu.memory_space<vmem>> -> memref<1x128x128xf32, #tpu.memory_space<vmem>>
        %dma_start3A_187 = tpu.memref_squeeze %dma_start3A_186 : memref<1x128x128xf32, #tpu.memory_space<vmem>> -> memref<128x128xf32, #tpu.memory_space<vmem>>
        %dma_start3A_188 = arith.constant 0 : i32
        %dma_start3A_189 = tpu.memref_slice %arg11[%mul3A_174, %dma_start3A_188] : memref<10112x128xf32, #tpu.memory_space<vmem_shared>> -> memref<128x128xf32, #tpu.memory_space<vmem_shared>>
        tpu.enqueue_dma source(%dma_start3A_189 : memref<128x128xf32, #tpu.memory_space<vmem_shared>>) target(%dma_start3A_187 : memref<128x128xf32, #tpu.memory_space<vmem>>) target_semaphore(%run_scoped3A_177 : memref<!tpu.dma_semaphore, #tpu.memory_space<semaphore_mem>>)
        %dma_wait3A_190 = arith.constant 0 : i32
        %dma_wait3A_191 = arith.constant 0 : i32
        %dma_wait3A_192 = tpu.memref_slice %arg8[%run_scoped3A, %dma_wait3A_190, %dma_wait3A_191] : memref<2x128x128xf32, #tpu.memory_space<vmem>> -> memref<1x128x128xf32, #tpu.memory_space<vmem>>
        %dma_wait3A_193 = tpu.memref_squeeze %dma_wait3A_192 : memref<1x128x128xf32, #tpu.memory_space<vmem>> -> memref<128x128xf32, #tpu.memory_space<vmem>>
        %dma_wait3A_194 = arith.constant 0 : i32
        %dma_wait3A_195 = tpu.memref_slice %arg11[%mul3A_174, %dma_wait3A_194] : memref<10112x128xf32, #tpu.memory_space<vmem_shared>> -> memref<128x128xf32, #tpu.memory_space<vmem_shared>>
        %dma_wait3A_196 = arith.constant 0 : i32
        %dma_wait3A_197 = arith.constant 0 : i32
        %dma_wait3A_198 = tpu.memref_slice %arg8[%run_scoped3A, %dma_wait3A_196, %dma_wait3A_197] : memref<2x128x128xf32, #tpu.memory_space<vmem>> -> memref<1x128x128xf32, #tpu.memory_space<vmem>>
        %dma_wait3A_199 = tpu.memref_squeeze %dma_wait3A_198 : memref<1x128x128xf32, #tpu.memory_space<vmem>> -> memref<128x128xf32, #tpu.memory_space<vmem>>
        %dma_wait3A_200 = arith.constant 0 : i32
        %dma_wait3A_201 = tpu.memref_slice %arg11[%mul3A_174, %dma_wait3A_200] : memref<10112x128xf32, #tpu.memory_space<vmem_shared>> -> memref<128x128xf32, #tpu.memory_space<vmem_shared>>
        tpu.wait_dma2 semaphore(%run_scoped3A_177 : memref<!tpu.dma_semaphore, #tpu.memory_space<semaphore_mem>>) src(%dma_wait3A_201 : memref<128x128xf32, #tpu.memory_space<vmem_shared>>) dst(%dma_wait3A_199 : memref<128x128xf32, #tpu.memory_space<vmem>>)
        tpu.yield
      }) : () -> ()
      %add3A_175 = arith.addi %mul3A_8, %mul3A_174 : i32
      %run_scoped3A_176 = arith.constant 0 : i32
      "tpu.region"() ({
        %run_scoped3A_177 = tpu.sem_alloc : memref<!tpu.dma_semaphore, #tpu.memory_space<semaphore_mem>>
        %dma_start3A_178 = arith.constant 0 : i32
        %dma_start3A_179 = arith.constant 0 : i32
        %dma_start3A_180 = tpu.memref_slice %arg8[%run_scoped3A_176, %dma_start3A_178, %dma_start3A_179] : memref<2x128x128xf32, #tpu.memory_space<vmem>> -> memref<1x128x128xf32, #tpu.memory_space<vmem>>
        %dma_start3A_181 = tpu.memref_squeeze %dma_start3A_180 : memref<1x128x128xf32, #tpu.memory_space<vmem>> -> memref<128x128xf32, #tpu.memory_space<vmem>>
        %dma_start3A_182 = arith.constant 0 : i32
        %dma_start3A_183 = tpu.memref_slice %arg4[%add3A_175, %dma_start3A_182] : memref<40000x128xf32, #tpu.memory_space<hbm>> -> memref<128x128xf32, #tpu.memory_space<hbm>>
        %dma_start3A_184 = arith.constant 0 : i32
        %dma_start3A_185 = tpu.memref_slice %arg4[%add3A_175, %dma_start3A_184] : memref<40000x128xf32, #tpu.memory_space<hbm>> -> memref<128x128xf32, #tpu.memory_space<hbm>>
        %dma_start3A_186 = arith.constant 0 : i32
        %dma_start3A_187 = arith.constant 0 : i32
        %dma_start3A_188 = tpu.memref_slice %arg8[%run_scoped3A_176, %dma_start3A_186, %dma_start3A_187] : memref<2x128x128xf32, #tpu.memory_space<vmem>> -> memref<1x128x128xf32, #tpu.memory_space<vmem>>
        %dma_start3A_189 = tpu.memref_squeeze %dma_start3A_188 : memref<1x128x128xf32, #tpu.memory_space<vmem>> -> memref<128x128xf32, #tpu.memory_space<vmem>>
        tpu.enqueue_dma source(%dma_start3A_189 : memref<128x128xf32, #tpu.memory_space<vmem>>) target(%dma_start3A_185 : memref<128x128xf32, #tpu.memory_space<hbm>>) target_semaphore(%run_scoped3A_177 : memref<!tpu.dma_semaphore, #tpu.memory_space<semaphore_mem>>)
        %dma_wait3A_190 = arith.constant 0 : i32
        %dma_wait3A_191 = arith.constant 0 : i32
        %dma_wait3A_192 = tpu.memref_slice %arg8[%run_scoped3A_176, %dma_wait3A_190, %dma_wait3A_191] : memref<2x128x128xf32, #tpu.memory_space<vmem>> -> memref<1x128x128xf32, #tpu.memory_space<vmem>>
        %dma_wait3A_193 = tpu.memref_squeeze %dma_wait3A_192 : memref<1x128x128xf32, #tpu.memory_space<vmem>> -> memref<128x128xf32, #tpu.memory_space<vmem>>
        %dma_wait3A_194 = arith.constant 0 : i32
        %dma_wait3A_195 = tpu.memref_slice %arg4[%add3A_175, %dma_wait3A_194] : memref<40000x128xf32, #tpu.memory_space<hbm>> -> memref<128x128xf32, #tpu.memory_space<hbm>>
        %dma_wait3A_196 = arith.constant 0 : i32
        %dma_wait3A_197 = tpu.memref_slice %arg4[%add3A_175, %dma_wait3A_196] : memref<40000x128xf32, #tpu.memory_space<hbm>> -> memref<128x128xf32, #tpu.memory_space<hbm>>
        %dma_wait3A_198 = arith.constant 0 : i32
        %dma_wait3A_199 = arith.constant 0 : i32
        %dma_wait3A_200 = tpu.memref_slice %arg8[%run_scoped3A_176, %dma_wait3A_198, %dma_wait3A_199] : memref<2x128x128xf32, #tpu.memory_space<vmem>> -> memref<1x128x128xf32, #tpu.memory_space<vmem>>
        %dma_wait3A_201 = tpu.memref_squeeze %dma_wait3A_200 : memref<1x128x128xf32, #tpu.memory_space<vmem>> -> memref<128x128xf32, #tpu.memory_space<vmem>>
        tpu.wait_dma2 semaphore(%run_scoped3A_177 : memref<!tpu.dma_semaphore, #tpu.memory_space<semaphore_mem>>) src(%dma_wait3A_201 : memref<128x128xf32, #tpu.memory_space<vmem>>) dst(%dma_wait3A_197 : memref<128x128xf32, #tpu.memory_space<hbm>>)
        tpu.yield
      }) : () -> ()
    }
    %while3A_79 = arith.constant 1 : i32
    scf.for %while3A_172 = %while3A_77 to %while3A_73 step %while3A_79  : i32 {
      %mul3A_173 = arith.constant 128 : i32
      %mul3A_174 = arith.muli %while3A_172, %mul3A_173 : i32
      %run_scoped3A = arith.constant 0 : i32
      "tpu.region"() ({
        %run_scoped3A_177 = tpu.sem_alloc : memref<!tpu.dma_semaphore, #tpu.memory_space<semaphore_mem>>
        %dma_start3A_178 = arith.constant 0 : i32
        %dma_start3A_179 = arith.constant 0 : i32
        %dma_start3A_180 = tpu.memref_slice %arg8[%run_scoped3A, %dma_start3A_178, %dma_start3A_179] : memref<2x128x128xf32, #tpu.memory_space<vmem>> -> memref<1x128x128xf32, #tpu.memory_space<vmem>>
        %dma_start3A_181 = tpu.memref_squeeze %dma_start3A_180 : memref<1x128x128xf32, #tpu.memory_space<vmem>> -> memref<128x128xf32, #tpu.memory_space<vmem>>
        %dma_start3A_182 = arith.constant 0 : i32
        %dma_start3A_183 = tpu.memref_slice %arg11[%mul3A_174, %dma_start3A_182] : memref<10112x128xf32, #tpu.memory_space<vmem_shared>> -> memref<128x128xf32, #tpu.memory_space<vmem_shared>>
        %dma_start3A_184 = arith.constant 0 : i32
        %dma_start3A_185 = arith.constant 0 : i32
        %dma_start3A_186 = tpu.memref_slice %arg8[%run_scoped3A, %dma_start3A_184, %dma_start3A_185] : memref<2x128x128xf32, #tpu.memory_space<vmem>> -> memref<1x128x128xf32, #tpu.memory_space<vmem>>
        %dma_start3A_187 = tpu.memref_squeeze %dma_start3A_186 : memref<1x128x128xf32, #tpu.memory_space<vmem>> -> memref<128x128xf32, #tpu.memory_space<vmem>>
        %dma_start3A_188 = arith.constant 0 : i32
        %dma_start3A_189 = tpu.memref_slice %arg11[%mul3A_174, %dma_start3A_188] : memref<10112x128xf32, #tpu.memory_space<vmem_shared>> -> memref<128x128xf32, #tpu.memory_space<vmem_shared>>
        tpu.enqueue_dma source(%dma_start3A_189 : memref<128x128xf32, #tpu.memory_space<vmem_shared>>) target(%dma_start3A_187 : memref<128x128xf32, #tpu.memory_space<vmem>>) target_semaphore(%run_scoped3A_177 : memref<!tpu.dma_semaphore, #tpu.memory_space<semaphore_mem>>)
        %dma_wait3A_190 = arith.constant 0 : i32
        %dma_wait3A_191 = arith.constant 0 : i32
        %dma_wait3A_192 = tpu.memref_slice %arg8[%run_scoped3A, %dma_wait3A_190, %dma_wait3A_191] : memref<2x128x128xf32, #tpu.memory_space<vmem>> -> memref<1x128x128xf32, #tpu.memory_space<vmem>>
        %dma_wait3A_193 = tpu.memref_squeeze %dma_wait3A_192 : memref<1x128x128xf32, #tpu.memory_space<vmem>> -> memref<128x128xf32, #tpu.memory_space<vmem>>
        %dma_wait3A_194 = arith.constant 0 : i32
        %dma_wait3A_195 = tpu.memref_slice %arg11[%mul3A_174, %dma_wait3A_194] : memref<10112x128xf32, #tpu.memory_space<vmem_shared>> -> memref<128x128xf32, #tpu.memory_space<vmem_shared>>
        %dma_wait3A_196 = arith.constant 0 : i32
        %dma_wait3A_197 = arith.constant 0 : i32
        %dma_wait3A_198 = tpu.memref_slice %arg8[%run_scoped3A, %dma_wait3A_196, %dma_wait3A_197] : memref<2x128x128xf32, #tpu.memory_space<vmem>> -> memref<1x128x128xf32, #tpu.memory_space<vmem>>
        %dma_wait3A_199 = tpu.memref_squeeze %dma_wait3A_198 : memref<1x128x128xf32, #tpu.memory_space<vmem>> -> memref<128x128xf32, #tpu.memory_space<vmem>>
        %dma_wait3A_200 = arith.constant 0 : i32
        %dma_wait3A_201 = tpu.memref_slice %arg11[%mul3A_174, %dma_wait3A_200] : memref<10112x128xf32, #tpu.memory_space<vmem_shared>> -> memref<128x128xf32, #tpu.memory_space<vmem_shared>>
        tpu.wait_dma2 semaphore(%run_scoped3A_177 : memref<!tpu.dma_semaphore, #tpu.memory_space<semaphore_mem>>) src(%dma_wait3A_201 : memref<128x128xf32, #tpu.memory_space<vmem_shared>>) dst(%dma_wait3A_199 : memref<128x128xf32, #tpu.memory_space<vmem>>)
        tpu.yield
      }) : () -> ()
      %add3A_175 = arith.addi %mul3A_8, %mul3A_174 : i32
      %run_scoped3A_176 = arith.constant 0 : i32
      "tpu.region"() ({
        %run_scoped3A_177 = tpu.sem_alloc : memref<!tpu.dma_semaphore, #tpu.memory_space<semaphore_mem>>
        %dma_start3A_178 = arith.constant 0 : i32
        %dma_start3A_179 = arith.constant 0 : i32
        %dma_start3A_180 = tpu.memref_slice %arg8[%run_scoped3A_176, %dma_start3A_178, %dma_start3A_179] : memref<2x128x128xf32, #tpu.memory_space<vmem>> -> memref<1x128x128xf32, #tpu.memory_space<vmem>>
        %dma_start3A_181 = tpu.memref_squeeze %dma_start3A_180 : memref<1x128x128xf32, #tpu.memory_space<vmem>> -> memref<128x128xf32, #tpu.memory_space<vmem>>
        %dma_start3A_182 = arith.constant 0 : i32
        %dma_start3A_183 = tpu.memref_slice %arg4[%add3A_175, %dma_start3A_182] : memref<40000x128xf32, #tpu.memory_space<hbm>> -> memref<128x128xf32, #tpu.memory_space<hbm>>
        %dma_start3A_184 = arith.constant 0 : i32
        %dma_start3A_185 = tpu.memref_slice %arg4[%add3A_175, %dma_start3A_184] : memref<40000x128xf32, #tpu.memory_space<hbm>> -> memref<128x128xf32, #tpu.memory_space<hbm>>
        %dma_start3A_186 = arith.constant 0 : i32
        %dma_start3A_187 = arith.constant 0 : i32
        %dma_start3A_188 = tpu.memref_slice %arg8[%run_scoped3A_176, %dma_start3A_186, %dma_start3A_187] : memref<2x128x128xf32, #tpu.memory_space<vmem>> -> memref<1x128x128xf32, #tpu.memory_space<vmem>>
        %dma_start3A_189 = tpu.memref_squeeze %dma_start3A_188 : memref<1x128x128xf32, #tpu.memory_space<vmem>> -> memref<128x128xf32, #tpu.memory_space<vmem>>
        tpu.enqueue_dma source(%dma_start3A_189 : memref<128x128xf32, #tpu.memory_space<vmem>>) target(%dma_start3A_185 : memref<128x128xf32, #tpu.memory_space<hbm>>) target_semaphore(%run_scoped3A_177 : memref<!tpu.dma_semaphore, #tpu.memory_space<semaphore_mem>>)
        %dma_wait3A_190 = arith.constant 0 : i32
        %dma_wait3A_191 = arith.constant 0 : i32
        %dma_wait3A_192 = tpu.memref_slice %arg8[%run_scoped3A_176, %dma_wait3A_190, %dma_wait3A_191] : memref<2x128x128xf32, #tpu.memory_space<vmem>> -> memref<1x128x128xf32, #tpu.memory_space<vmem>>
        %dma_wait3A_193 = tpu.memref_squeeze %dma_wait3A_192 : memref<1x128x128xf32, #tpu.memory_space<vmem>> -> memref<128x128xf32, #tpu.memory_space<vmem>>
        %dma_wait3A_194 = arith.constant 0 : i32
        %dma_wait3A_195 = tpu.memref_slice %arg4[%add3A_175, %dma_wait3A_194] : memref<40000x128xf32, #tpu.memory_space<hbm>> -> memref<128x128xf32, #tpu.memory_space<hbm>>
        %dma_wait3A_196 = arith.constant 0 : i32
        %dma_wait3A_197 = tpu.memref_slice %arg4[%add3A_175, %dma_wait3A_196] : memref<40000x128xf32, #tpu.memory_space<hbm>> -> memref<128x128xf32, #tpu.memory_space<hbm>>
        %dma_wait3A_198 = arith.constant 0 : i32
        %dma_wait3A_199 = arith.constant 0 : i32
        %dma_wait3A_200 = tpu.memref_slice %arg8[%run_scoped3A_176, %dma_wait3A_198, %dma_wait3A_199] : memref<2x128x128xf32, #tpu.memory_space<vmem>> -> memref<1x128x128xf32, #tpu.memory_space<vmem>>
        %dma_wait3A_201 = tpu.memref_squeeze %dma_wait3A_200 : memref<1x128x128xf32, #tpu.memory_space<vmem>> -> memref<128x128xf32, #tpu.memory_space<vmem>>
        tpu.wait_dma2 semaphore(%run_scoped3A_177 : memref<!tpu.dma_semaphore, #tpu.memory_space<semaphore_mem>>) src(%dma_wait3A_201 : memref<128x128xf32, #tpu.memory_space<vmem>>) dst(%dma_wait3A_197 : memref<128x128xf32, #tpu.memory_space<hbm>>)
        tpu.yield
      }) : () -> ()
    }
    %eq3A = arith.constant 15 : i32
    %eq3A_80 = arith.cmpi eq, %arg1, %eq3A : i32
    %convert_element_type3A = arith.extui %eq3A_80 : i1 to i32
    %cond3A = arith.constant 0 : i32
    %cond3A_81 = arith.cmpi ne, %convert_element_type3A, %cond3A : i32
    scf.if %cond3A_81 {
      %run_scoped3A = arith.constant 0 : i32
      "tpu.region"() ({
        %run_scoped3A_175 = tpu.sem_alloc : memref<!tpu.dma_semaphore, #tpu.memory_space<semaphore_mem>>
        %dma_start3A_176 = arith.constant 0 : i32
        %dma_start3A_177 = arith.constant 0 : i32
        %dma_start3A_178 = tpu.memref_slice %arg8[%run_scoped3A, %dma_start3A_176, %dma_start3A_177] : memref<2x128x128xf32, #tpu.memory_space<vmem>> -> memref<1x16x128xf32, #tpu.memory_space<vmem>>
        %dma_start3A_179 = tpu.memref_squeeze %dma_start3A_178 : memref<1x16x128xf32, #tpu.memory_space<vmem>> -> memref<16x128xf32, #tpu.memory_space<vmem>>
        %dma_start3A_180 = arith.constant 9984 : i32
        %dma_start3A_181 = arith.constant 0 : i32
        %dma_start3A_182 = tpu.memref_slice %arg11[%dma_start3A_180, %dma_start3A_181] : memref<10112x128xf32, #tpu.memory_space<vmem_shared>> -> memref<16x128xf32, #tpu.memory_space<vmem_shared>>
        %dma_start3A_183 = arith.constant 0 : i32
        %dma_start3A_184 = arith.constant 0 : i32
        %dma_start3A_185 = tpu.memref_slice %arg8[%run_scoped3A, %dma_start3A_183, %dma_start3A_184] : memref<2x128x128xf32, #tpu.memory_space<vmem>> -> memref<1x16x128xf32, #tpu.memory_space<vmem>>
        %dma_start3A_186 = tpu.memref_squeeze %dma_start3A_185 : memref<1x16x128xf32, #tpu.memory_space<vmem>> -> memref<16x128xf32, #tpu.memory_space<vmem>>
        %dma_start3A_187 = arith.constant 9984 : i32
        %dma_start3A_188 = arith.constant 0 : i32
        %dma_start3A_189 = tpu.memref_slice %arg11[%dma_start3A_187, %dma_start3A_188] : memref<10112x128xf32, #tpu.memory_space<vmem_shared>> -> memref<16x128xf32, #tpu.memory_space<vmem_shared>>
        tpu.enqueue_dma source(%dma_start3A_189 : memref<16x128xf32, #tpu.memory_space<vmem_shared>>) target(%dma_start3A_186 : memref<16x128xf32, #tpu.memory_space<vmem>>) target_semaphore(%run_scoped3A_175 : memref<!tpu.dma_semaphore, #tpu.memory_space<semaphore_mem>>)
        %dma_wait3A_190 = arith.constant 0 : i32
        %dma_wait3A_191 = arith.constant 0 : i32
        %dma_wait3A_192 = tpu.memref_slice %arg8[%run_scoped3A, %dma_wait3A_190, %dma_wait3A_191] : memref<2x128x128xf32, #tpu.memory_space<vmem>> -> memref<1x16x128xf32, #tpu.memory_space<vmem>>
        %dma_wait3A_193 = tpu.memref_squeeze %dma_wait3A_192 : memref<1x16x128xf32, #tpu.memory_space<vmem>> -> memref<16x128xf32, #tpu.memory_space<vmem>>
        %dma_wait3A_194 = arith.constant 9984 : i32
        %dma_wait3A_195 = arith.constant 0 : i32
        %dma_wait3A_196 = tpu.memref_slice %arg11[%dma_wait3A_194, %dma_wait3A_195] : memref<10112x128xf32, #tpu.memory_space<vmem_shared>> -> memref<16x128xf32, #tpu.memory_space<vmem_shared>>
        %dma_wait3A_197 = arith.constant 0 : i32
        %dma_wait3A_198 = arith.constant 0 : i32
        %dma_wait3A_199 = tpu.memref_slice %arg8[%run_scoped3A, %dma_wait3A_197, %dma_wait3A_198] : memref<2x128x128xf32, #tpu.memory_space<vmem>> -> memref<1x16x128xf32, #tpu.memory_space<vmem>>
        %dma_wait3A_200 = tpu.memref_squeeze %dma_wait3A_199 : memref<1x16x128xf32, #tpu.memory_space<vmem>> -> memref<16x128xf32, #tpu.memory_space<vmem>>
        %dma_wait3A_201 = arith.constant 9984 : i32
        %dma_wait3A_202 = arith.constant 0 : i32
        %dma_wait3A_203 = tpu.memref_slice %arg11[%dma_wait3A_201, %dma_wait3A_202] : memref<10112x128xf32, #tpu.memory_space<vmem_shared>> -> memref<16x128xf32, #tpu.memory_space<vmem_shared>>
        tpu.wait_dma2 semaphore(%run_scoped3A_175 : memref<!tpu.dma_semaphore, #tpu.memory_space<semaphore_mem>>) src(%dma_wait3A_203 : memref<16x128xf32, #tpu.memory_space<vmem_shared>>) dst(%dma_wait3A_200 : memref<16x128xf32, #tpu.memory_space<vmem>>)
        tpu.yield
      }) : () -> ()
      %add3A_172 = arith.constant 9984 : i32
      %add3A_173 = arith.addi %mul3A_8, %add3A_172 : i32
      %run_scoped3A_174 = arith.constant 0 : i32
      "tpu.region"() ({
        %run_scoped3A_175 = tpu.sem_alloc : memref<!tpu.dma_semaphore, #tpu.memory_space<semaphore_mem>>
        %dma_start3A_176 = arith.constant 0 : i32
        %dma_start3A_177 = arith.constant 0 : i32
        %dma_start3A_178 = tpu.memref_slice %arg8[%run_scoped3A_174, %dma_start3A_176, %dma_start3A_177] : memref<2x128x128xf32, #tpu.memory_space<vmem>> -> memref<1x16x128xf32, #tpu.memory_space<vmem>>
        %dma_start3A_179 = tpu.memref_squeeze %dma_start3A_178 : memref<1x16x128xf32, #tpu.memory_space<vmem>> -> memref<16x128xf32, #tpu.memory_space<vmem>>
        %dma_start3A_180 = arith.constant 0 : i32
        %dma_start3A_181 = tpu.memref_slice %arg4[%add3A_173, %dma_start3A_180] : memref<40000x128xf32, #tpu.memory_space<hbm>> -> memref<16x128xf32, #tpu.memory_space<hbm>>
        %dma_start3A_182 = arith.constant 0 : i32
        %dma_start3A_183 = tpu.memref_slice %arg4[%add3A_173, %dma_start3A_182] : memref<40000x128xf32, #tpu.memory_space<hbm>> -> memref<16x128xf32, #tpu.memory_space<hbm>>
        %dma_start3A_184 = arith.constant 0 : i32
        %dma_start3A_185 = arith.constant 0 : i32
        %dma_start3A_186 = tpu.memref_slice %arg8[%run_scoped3A_174, %dma_start3A_184, %dma_start3A_185] : memref<2x128x128xf32, #tpu.memory_space<vmem>> -> memref<1x16x128xf32, #tpu.memory_space<vmem>>
        %dma_start3A_187 = tpu.memref_squeeze %dma_start3A_186 : memref<1x16x128xf32, #tpu.memory_space<vmem>> -> memref<16x128xf32, #tpu.memory_space<vmem>>
        tpu.enqueue_dma source(%dma_start3A_187 : memref<16x128xf32, #tpu.memory_space<vmem>>) target(%dma_start3A_183 : memref<16x128xf32, #tpu.memory_space<hbm>>) target_semaphore(%run_scoped3A_175 : memref<!tpu.dma_semaphore, #tpu.memory_space<semaphore_mem>>)
        %dma_wait3A_188 = arith.constant 0 : i32
        %dma_wait3A_189 = arith.constant 0 : i32
        %dma_wait3A_190 = tpu.memref_slice %arg8[%run_scoped3A_174, %dma_wait3A_188, %dma_wait3A_189] : memref<2x128x128xf32, #tpu.memory_space<vmem>> -> memref<1x16x128xf32, #tpu.memory_space<vmem>>
        %dma_wait3A_191 = tpu.memref_squeeze %dma_wait3A_190 : memref<1x16x128xf32, #tpu.memory_space<vmem>> -> memref<16x128xf32, #tpu.memory_space<vmem>>
        %dma_wait3A_192 = arith.constant 0 : i32
        %dma_wait3A_193 = tpu.memref_slice %arg4[%add3A_173, %dma_wait3A_192] : memref<40000x128xf32, #tpu.memory_space<hbm>> -> memref<16x128xf32, #tpu.memory_space<hbm>>
        %dma_wait3A_194 = arith.constant 0 : i32
        %dma_wait3A_195 = tpu.memref_slice %arg4[%add3A_173, %dma_wait3A_194] : memref<40000x128xf32, #tpu.memory_space<hbm>> -> memref<16x128xf32, #tpu.memory_space<hbm>>
        %dma_wait3A_196 = arith.constant 0 : i32
        %dma_wait3A_197 = arith.constant 0 : i32
        %dma_wait3A_198 = tpu.memref_slice %arg8[%run_scoped3A_174, %dma_wait3A_196, %dma_wait3A_197] : memref<2x128x128xf32, #tpu.memory_space<vmem>> -> memref<1x16x128xf32, #tpu.memory_space<vmem>>
        %dma_wait3A_199 = tpu.memref_squeeze %dma_wait3A_198 : memref<1x16x128xf32, #tpu.memory_space<vmem>> -> memref<16x128xf32, #tpu.memory_space<vmem>>
        tpu.wait_dma2 semaphore(%run_scoped3A_175 : memref<!tpu.dma_semaphore, #tpu.memory_space<semaphore_mem>>) src(%dma_wait3A_199 : memref<16x128xf32, #tpu.memory_space<vmem>>) dst(%dma_wait3A_195 : memref<16x128xf32, #tpu.memory_space<hbm>>)
        tpu.yield
      }) : () -> ()
    } else {
    }
    %barrier3A_82 = arith.constant 0 : index
    tpu.barrier barrier_id(%barrier3A_82)
    %mul3A_83 = arith.constant 2 : i32
    %mul3A_84 = arith.muli %arg0, %mul3A_83 : i32
    %add3A_85 = arith.constant 1 : i32
    %add3A_86 = arith.addi %mul3A_84, %add3A_85 : i32
    %mul3A_87 = arith.constant 10000 : i32
    %mul3A_88 = arith.muli %add3A_86, %mul3A_87 : i32
    %mul3A_89 = arith.constant 10000 : i32
    %mul3A_90 = arith.muli %add3A_86, %mul3A_89 : i32
    %broadcast_in_dim3A_91 = vector.broadcast %mul3A_90 : i32 to vector<16xi32>
    %scan3A_92 = arith.constant 0 : i32
    %scan3A_93 = arith.constant 0 : i32
    %scan3A_94 = arith.constant 1024 : i32
    %scan3A_95 = arith.addi %scan3A_93, %scan3A_94 : i32
    %scan3A_96 = arith.constant 1 : i32
    scf.for %scan3A_172 = %scan3A_93 to %scan3A_95 step %scan3A_96  : i32 {
      %jit3A = arith.constant 8 : i32
      %div3A = arith.divsi %scan3A_172, %jit3A : i32
      %sign3A = arith.constant 0 : i32
      %sign3A_173 = arith.cmpi sgt, %scan3A_172, %sign3A : i32
      %sign3A_174 = arith.extui %sign3A_173 : i1 to i32
      %sign3A_175 = arith.constant 0 : i32
      %sign3A_176 = arith.cmpi slt, %scan3A_172, %sign3A_175 : i32
      %sign3A_177 = arith.extui %sign3A_176 : i1 to i32
      %sign3A_178 = arith.subi %sign3A_174, %sign3A_177 : i32
      %sign3A_179 = arith.constant 0 : i32
      %sign3A_180 = arith.cmpi sgt, %jit3A, %sign3A_179 : i32
      %sign3A_181 = arith.extui %sign3A_180 : i1 to i32
      %sign3A_182 = arith.constant 0 : i32
      %sign3A_183 = arith.cmpi slt, %jit3A, %sign3A_182 : i32
      %sign3A_184 = arith.extui %sign3A_183 : i1 to i32
      %sign3A_185 = arith.subi %sign3A_181, %sign3A_184 : i32
      %ne3A = arith.cmpi ne, %sign3A_178, %sign3A_185 : i32
      %rem3A = arith.remsi %scan3A_172, %jit3A : i32
      %ne3A_186 = arith.constant 0 : i32
      %ne3A_187 = arith.cmpi ne, %rem3A, %ne3A_186 : i32
      %and3A = arith.andi %ne3A, %ne3A_187 : i1
      %sub3A = arith.constant 1 : i32
      %sub3A_188 = arith.subi %div3A, %sub3A : i32
      %select_n3A = arith.select %and3A, %sub3A_188, %div3A : i32
      %jit3A_189 = arith.constant 8 : i32
      %eq3A_190 = arith.constant 0 : i32
      %eq3A_191 = arith.cmpi eq, %jit3A_189, %eq3A_190 : i32
      %jit3A_192 = arith.constant 1 : i32
      %select_n3A_193 = arith.select %eq3A_191, %jit3A_192, %jit3A_189 : i32
      %rem3A_194 = arith.remsi %scan3A_172, %select_n3A_193 : i32
      %ne3A_195 = arith.constant 0 : i32
      %ne3A_196 = arith.cmpi ne, %rem3A_194, %ne3A_195 : i32
      %lt3A = arith.constant 0 : i32
      %lt3A_197 = arith.cmpi slt, %rem3A_194, %lt3A : i32
      %lt3A_198 = arith.constant 0 : i32
      %lt3A_199 = arith.cmpi slt, %select_n3A_193, %lt3A_198 : i32
      %ne3A_200 = arith.xori %lt3A_197, %lt3A_199 : i1
      %and3A_201 = arith.andi %ne3A_200, %ne3A_196 : i1
      %add3A_202 = arith.addi %rem3A_194, %select_n3A_193 : i32
      %select_n3A_203 = arith.select %and3A_201, %add3A_202, %rem3A_194 : i32
      %mul3A_204 = arith.constant 16 : i32
      %mul3A_205 = arith.muli %select_n3A_203, %mul3A_204 : i32
      %swap3A = arith.constant 0 : i32
      %swap3A_206 = arith.index_cast %swap3A : i32 to index
      %swap3A_207 = arith.index_cast %select_n3A : i32 to index
      %swap3A_208 = arith.index_cast %mul3A_205 : i32 to index
      %swap3A_209 = tpu.vector_load %arg8[%swap3A_206, %swap3A_207, %swap3A_208] {strides = array<i32>} : memref<2x128x128xf32, #tpu.memory_space<vmem>>, vector<1x1x16xf32>,
      %swap3A_210 = vector.shape_cast %swap3A_209 : vector<1x1x16xf32> to vector<16xf32>
      %swap3A_211 = vector.shape_cast %broadcast_in_dim3A_0 : vector<16xf32> to vector<1x1x16xf32>
      tpu.vector_store %arg8[%swap3A_206, %swap3A_207, %swap3A_208], %swap3A_211 {strides = array<i32>} : memref<2x128x128xf32, #tpu.memory_space<vmem>>, vector<1x1x16xf32>,
    }
    %scan3A_97 = arith.constant 1024 : i32
    %mul3A_98 = arith.constant 5 : i32
    %mul3A_99 = arith.muli %arg1, %mul3A_98 : i32
    %add3A_100 = arith.constant 5 : i32
    %add3A_101 = arith.addi %mul3A_99, %add3A_100 : i32
    %min3A_102 = arith.constant 79 : i32
    %min3A_103 = arith.minsi %min3A_102, %add3A_101 : i32
    %while3A_104 = arith.constant 0 : i32
    %while3A_105 = arith.subi %min3A_103, %mul3A_99 : i32
    %while3A_106 = arith.addi %mul3A_99, %while3A_105 : i32
    %while3A_107 = arith.constant 1 : i32
    %while3A_108 = arith.divsi %while3A_105, %while3A_107 : i32
    %while3A_109 = arith.muli %while3A_108, %while3A_107 : i32
    %while3A_110 = arith.addi %mul3A_99, %while3A_109 : i32
    %while3A_111 = arith.constant 1 : i32
    scf.for %while3A_172 = %mul3A_99 to %while3A_110 step %while3A_111  : i32 {
      %mul3A_173 = arith.constant 128 : i32
      %mul3A_174 = arith.muli %while3A_172, %mul3A_173 : i32
      %run_scoped3A = arith.constant 0 : i32
      "tpu.region"() ({
        %run_scoped3A_175 = tpu.sem_alloc : memref<!tpu.dma_semaphore, #tpu.memory_space<semaphore_mem>>
        %dma_start3A_176 = arith.constant 0 : i32
        %dma_start3A_177 = arith.constant 0 : i32
        %dma_start3A_178 = tpu.memref_slice %arg8[%run_scoped3A, %dma_start3A_176, %dma_start3A_177] : memref<2x128x128xf32, #tpu.memory_space<vmem>> -> memref<1x128x128xf32, #tpu.memory_space<vmem>>
        %dma_start3A_179 = tpu.memref_squeeze %dma_start3A_178 : memref<1x128x128xf32, #tpu.memory_space<vmem>> -> memref<128x128xf32, #tpu.memory_space<vmem>>
        %dma_start3A_180 = arith.constant 0 : i32
        %dma_start3A_181 = tpu.memref_slice %arg11[%mul3A_174, %dma_start3A_180] : memref<10112x128xf32, #tpu.memory_space<vmem_shared>> -> memref<128x128xf32, #tpu.memory_space<vmem_shared>>
        %dma_start3A_182 = arith.constant 0 : i32
        %dma_start3A_183 = tpu.memref_slice %arg11[%mul3A_174, %dma_start3A_182] : memref<10112x128xf32, #tpu.memory_space<vmem_shared>> -> memref<128x128xf32, #tpu.memory_space<vmem_shared>>
        %dma_start3A_184 = arith.constant 0 : i32
        %dma_start3A_185 = arith.constant 0 : i32
        %dma_start3A_186 = tpu.memref_slice %arg8[%run_scoped3A, %dma_start3A_184, %dma_start3A_185] : memref<2x128x128xf32, #tpu.memory_space<vmem>> -> memref<1x128x128xf32, #tpu.memory_space<vmem>>
        %dma_start3A_187 = tpu.memref_squeeze %dma_start3A_186 : memref<1x128x128xf32, #tpu.memory_space<vmem>> -> memref<128x128xf32, #tpu.memory_space<vmem>>
        tpu.enqueue_dma source(%dma_start3A_187 : memref<128x128xf32, #tpu.memory_space<vmem>>) target(%dma_start3A_183 : memref<128x128xf32, #tpu.memory_space<vmem_shared>>) target_semaphore(%run_scoped3A_175 : memref<!tpu.dma_semaphore, #tpu.memory_space<semaphore_mem>>)
        %dma_wait3A_188 = arith.constant 0 : i32
        %dma_wait3A_189 = arith.constant 0 : i32
        %dma_wait3A_190 = tpu.memref_slice %arg8[%run_scoped3A, %dma_wait3A_188, %dma_wait3A_189] : memref<2x128x128xf32, #tpu.memory_space<vmem>> -> memref<1x128x128xf32, #tpu.memory_space<vmem>>
        %dma_wait3A_191 = tpu.memref_squeeze %dma_wait3A_190 : memref<1x128x128xf32, #tpu.memory_space<vmem>> -> memref<128x128xf32, #tpu.memory_space<vmem>>
        %dma_wait3A_192 = arith.constant 0 : i32
        %dma_wait3A_193 = tpu.memref_slice %arg11[%mul3A_174, %dma_wait3A_192] : memref<10112x128xf32, #tpu.memory_space<vmem_shared>> -> memref<128x128xf32, #tpu.memory_space<vmem_shared>>
        %dma_wait3A_194 = arith.constant 0 : i32
        %dma_wait3A_195 = tpu.memref_slice %arg11[%mul3A_174, %dma_wait3A_194] : memref<10112x128xf32, #tpu.memory_space<vmem_shared>> -> memref<128x128xf32, #tpu.memory_space<vmem_shared>>
        %dma_wait3A_196 = arith.constant 0 : i32
        %dma_wait3A_197 = arith.constant 0 : i32
        %dma_wait3A_198 = tpu.memref_slice %arg8[%run_scoped3A, %dma_wait3A_196, %dma_wait3A_197] : memref<2x128x128xf32, #tpu.memory_space<vmem>> -> memref<1x128x128xf32, #tpu.memory_space<vmem>>
        %dma_wait3A_199 = tpu.memref_squeeze %dma_wait3A_198 : memref<1x128x128xf32, #tpu.memory_space<vmem>> -> memref<128x128xf32, #tpu.memory_space<vmem>>
        tpu.wait_dma2 semaphore(%run_scoped3A_175 : memref<!tpu.dma_semaphore, #tpu.memory_space<semaphore_mem>>) src(%dma_wait3A_199 : memref<128x128xf32, #tpu.memory_space<vmem>>) dst(%dma_wait3A_195 : memref<128x128xf32, #tpu.memory_space<vmem_shared>>)
        tpu.yield
      }) : () -> ()
    }
    %while3A_112 = arith.constant 1 : i32
    scf.for %while3A_172 = %while3A_110 to %while3A_106 step %while3A_112  : i32 {
      %mul3A_173 = arith.constant 128 : i32
      %mul3A_174 = arith.muli %while3A_172, %mul3A_173 : i32
      %run_scoped3A = arith.constant 0 : i32
      "tpu.region"() ({
        %run_scoped3A_175 = tpu.sem_alloc : memref<!tpu.dma_semaphore, #tpu.memory_space<semaphore_mem>>
        %dma_start3A_176 = arith.constant 0 : i32
        %dma_start3A_177 = arith.constant 0 : i32
        %dma_start3A_178 = tpu.memref_slice %arg8[%run_scoped3A, %dma_start3A_176, %dma_start3A_177] : memref<2x128x128xf32, #tpu.memory_space<vmem>> -> memref<1x128x128xf32, #tpu.memory_space<vmem>>
        %dma_start3A_179 = tpu.memref_squeeze %dma_start3A_178 : memref<1x128x128xf32, #tpu.memory_space<vmem>> -> memref<128x128xf32, #tpu.memory_space<vmem>>
        %dma_start3A_180 = arith.constant 0 : i32
        %dma_start3A_181 = tpu.memref_slice %arg11[%mul3A_174, %dma_start3A_180] : memref<10112x128xf32, #tpu.memory_space<vmem_shared>> -> memref<128x128xf32, #tpu.memory_space<vmem_shared>>
        %dma_start3A_182 = arith.constant 0 : i32
        %dma_start3A_183 = tpu.memref_slice %arg11[%mul3A_174, %dma_start3A_182] : memref<10112x128xf32, #tpu.memory_space<vmem_shared>> -> memref<128x128xf32, #tpu.memory_space<vmem_shared>>
        %dma_start3A_184 = arith.constant 0 : i32
        %dma_start3A_185 = arith.constant 0 : i32
        %dma_start3A_186 = tpu.memref_slice %arg8[%run_scoped3A, %dma_start3A_184, %dma_start3A_185] : memref<2x128x128xf32, #tpu.memory_space<vmem>> -> memref<1x128x128xf32, #tpu.memory_space<vmem>>
        %dma_start3A_187 = tpu.memref_squeeze %dma_start3A_186 : memref<1x128x128xf32, #tpu.memory_space<vmem>> -> memref<128x128xf32, #tpu.memory_space<vmem>>
        tpu.enqueue_dma source(%dma_start3A_187 : memref<128x128xf32, #tpu.memory_space<vmem>>) target(%dma_start3A_183 : memref<128x128xf32, #tpu.memory_space<vmem_shared>>) target_semaphore(%run_scoped3A_175 : memref<!tpu.dma_semaphore, #tpu.memory_space<semaphore_mem>>)
        %dma_wait3A_188 = arith.constant 0 : i32
        %dma_wait3A_189 = arith.constant 0 : i32
        %dma_wait3A_190 = tpu.memref_slice %arg8[%run_scoped3A, %dma_wait3A_188, %dma_wait3A_189] : memref<2x128x128xf32, #tpu.memory_space<vmem>> -> memref<1x128x128xf32, #tpu.memory_space<vmem>>
        %dma_wait3A_191 = tpu.memref_squeeze %dma_wait3A_190 : memref<1x128x128xf32, #tpu.memory_space<vmem>> -> memref<128x128xf32, #tpu.memory_space<vmem>>
        %dma_wait3A_192 = arith.constant 0 : i32
        %dma_wait3A_193 = tpu.memref_slice %arg11[%mul3A_174, %dma_wait3A_192] : memref<10112x128xf32, #tpu.memory_space<vmem_shared>> -> memref<128x128xf32, #tpu.memory_space<vmem_shared>>
        %dma_wait3A_194 = arith.constant 0 : i32
        %dma_wait3A_195 = tpu.memref_slice %arg11[%mul3A_174, %dma_wait3A_194] : memref<10112x128xf32, #tpu.memory_space<vmem_shared>> -> memref<128x128xf32, #tpu.memory_space<vmem_shared>>
        %dma_wait3A_196 = arith.constant 0 : i32
        %dma_wait3A_197 = arith.constant 0 : i32
        %dma_wait3A_198 = tpu.memref_slice %arg8[%run_scoped3A, %dma_wait3A_196, %dma_wait3A_197] : memref<2x128x128xf32, #tpu.memory_space<vmem>> -> memref<1x128x128xf32, #tpu.memory_space<vmem>>
        %dma_wait3A_199 = tpu.memref_squeeze %dma_wait3A_198 : memref<1x128x128xf32, #tpu.memory_space<vmem>> -> memref<128x128xf32, #tpu.memory_space<vmem>>
        tpu.wait_dma2 semaphore(%run_scoped3A_175 : memref<!tpu.dma_semaphore, #tpu.memory_space<semaphore_mem>>) src(%dma_wait3A_199 : memref<128x128xf32, #tpu.memory_space<vmem>>) dst(%dma_wait3A_195 : memref<128x128xf32, #tpu.memory_space<vmem_shared>>)
        tpu.yield
      }) : () -> ()
    }
    %barrier3A_113 = arith.constant 0 : index
    tpu.barrier barrier_id(%barrier3A_113)
    %scan3A_114 = arith.constant 0 : i32
    %scan3A_115 = arith.constant 0 : i32
    %scan3A_116 = arith.constant 8 : i32
    %scan3A_117 = arith.addi %scan3A_115, %scan3A_116 : i32
    %scan3A_118 = arith.constant 1 : i32
    scf.for %scan3A_172 = %scan3A_115 to %scan3A_117 step %scan3A_118  : i32 {
      %mul3A_173 = arith.constant 16 : i32
      %mul3A_174 = arith.muli %scan3A_172, %mul3A_173 : i32
      %get3A = arith.constant 0 : i32
      %get3A_175 = arith.index_cast %get3A : i32 to index
      %get3A_176 = arith.index_cast %mul3A_174 : i32 to index
      %get3A_177 = tpu.vector_load %arg5[%get3A_175, %get3A_176] {strides = array<i32>} : memref<80x128xi32, #tpu.memory_space<vmem>>, vector<1x16xi32>,
      %get3A_178 = vector.shape_cast %get3A_177 : vector<1x16xi32> to vector<16xi32>
      %shift_right_arithmetic3A = arith.constant 16 : i32
      %shift_right_arithmetic3A_179 = vector.broadcast %shift_right_arithmetic3A : i32 to vector<16xi32>
      %shift_right_arithmetic3A_180 = arith.shrsi %get3A_178, %shift_right_arithmetic3A_179 : vector<16xi32>
      %swap3A = arith.constant 0 : i32
      %swap3A_181 = arith.index_cast %swap3A : i32 to index
      %swap3A_182 = arith.index_cast %mul3A_174 : i32 to index
      %swap3A_183 = tpu.vector_load %arg7[%swap3A_181, %swap3A_182] {strides = array<i32>} : memref<2x128xi32, #tpu.memory_space<vmem>>, vector<1x16xi32>,
      %swap3A_184 = vector.shape_cast %swap3A_183 : vector<1x16xi32> to vector<16xi32>
      %swap3A_185 = vector.shape_cast %shift_right_arithmetic3A_180 : vector<16xi32> to vector<1x16xi32>
      tpu.vector_store %arg7[%swap3A_181, %swap3A_182], %swap3A_185 {strides = array<i32>} : memref<2x128xi32, #tpu.memory_space<vmem>>, vector<1x16xi32>,
      %and3A = arith.constant 65535 : i32
      %and3A_186 = vector.broadcast %and3A : i32 to vector<16xi32>
      %and3A_187 = arith.andi %get3A_178, %and3A_186 : vector<16xi32>
      %add3A_188 = arith.addi %and3A_187, %broadcast_in_dim3A_91 : vector<16xi32>
      %swap3A_189 = arith.constant 0 : i32
      %swap3A_190 = arith.index_cast %swap3A_189 : i32 to index
      %swap3A_191 = arith.index_cast %mul3A_174 : i32 to index
      %swap3A_192 = tpu.vector_load %arg6[%swap3A_190, %swap3A_191] {strides = array<i32>} : memref<2x128xi32, #tpu.memory_space<vmem>>, vector<1x16xi32>,
      %swap3A_193 = vector.shape_cast %swap3A_192 : vector<1x16xi32> to vector<16xi32>
      %swap3A_194 = vector.shape_cast %add3A_188 : vector<16xi32> to vector<1x16xi32>
      tpu.vector_store %arg6[%swap3A_190, %swap3A_191], %swap3A_194 {strides = array<i32>} : memref<2x128xi32, #tpu.memory_space<vmem>>, vector<1x16xi32>,
    }
    %scan3A_119 = arith.constant 8 : i32
    %dma_start3A_120 = arith.constant 0 : i32
    %dma_start3A_121 = arith.constant 0 : i32
    %dma_start3A_122 = arith.constant 0 : i32
    %dma_start3A_123 = arith.constant 0 : i32
    %dma_start3A_124 = tpu.memref_slice %arg8[%dma_start3A_121, %dma_start3A_122, %dma_start3A_123] : memref<2x128x128xf32, #tpu.memory_space<vmem>> -> memref<1x128x128xf32, #tpu.memory_space<vmem>>
    %dma_start3A_125 = tpu.memref_squeeze %dma_start3A_124 : memref<1x128x128xf32, #tpu.memory_space<vmem>> -> memref<128x128xf32, #tpu.memory_space<vmem>>
    %dma_start3A_126 = arith.constant 0 : i32
    %dma_start3A_127 = tpu.memref_slice %arg6[%dma_start3A_120, %dma_start3A_126] : memref<2x128xi32, #tpu.memory_space<vmem>> -> memref<1x128xi32, #tpu.memory_space<vmem>>
    %dma_start3A_128 = tpu.memref_squeeze %dma_start3A_127 : memref<1x128xi32, #tpu.memory_space<vmem>> -> memref<128xi32, #tpu.memory_space<vmem>>
    %dma_start3A_129 = arith.constant 0 : i32
    %dma_start3A_130 = arith.constant 0 : i32
    %dma_start3A_131 = tpu.memref_slice %arg2[%dma_start3A_129, %dma_start3A_130] : memref<40000x128xf32, #tpu.memory_space<hbm>> -> memref<40000x128xf32, #tpu.memory_space<hbm>>
    tpu.enqueue_indirect_dma source(%dma_start3A_131 : memref<40000x128xf32, #tpu.memory_space<hbm>>) target(%dma_start3A_125 : memref<128x128xf32, #tpu.memory_space<vmem>>) offsets(%dma_start3A_128 : memref<128xi32, #tpu.memory_space<vmem>>) semaphore(%arg9 : memref<!tpu.dma_semaphore, #tpu.memory_space<semaphore_mem>>)
    %dma_wait3A_132 = arith.constant 0 : i32
    %dma_wait3A_133 = arith.constant 0 : i32
    %dma_wait3A_134 = arith.constant 0 : i32
    %dma_wait3A_135 = arith.constant 0 : i32
    %dma_wait3A_136 = tpu.memref_slice %arg8[%dma_wait3A_133, %dma_wait3A_134, %dma_wait3A_135] : memref<2x128x128xf32, #tpu.memory_space<vmem>> -> memref<1x128x128xf32, #tpu.memory_space<vmem>>
    %dma_wait3A_137 = tpu.memref_squeeze %dma_wait3A_136 : memref<1x128x128xf32, #tpu.memory_space<vmem>> -> memref<128x128xf32, #tpu.memory_space<vmem>>
    %dma_wait3A_138 = arith.constant 0 : i32
    %dma_wait3A_139 = tpu.memref_slice %arg6[%dma_wait3A_132, %dma_wait3A_138] : memref<2x128xi32, #tpu.memory_space<vmem>> -> memref<1x128xi32, #tpu.memory_space<vmem>>
    %dma_wait3A_140 = tpu.memref_squeeze %dma_wait3A_139 : memref<1x128xi32, #tpu.memory_space<vmem>> -> memref<128xi32, #tpu.memory_space<vmem>>
    %dma_wait3A_141 = arith.constant 0 : i32
    %dma_wait3A_142 = arith.constant 0 : i32
    %dma_wait3A_143 = tpu.memref_slice %arg2[%dma_wait3A_141, %dma_wait3A_142] : memref<40000x128xf32, #tpu.memory_space<hbm>> -> memref<40000x128xf32, #tpu.memory_space<hbm>>
    tpu.wait_indirect_dma semaphore(%arg9 : memref<!tpu.dma_semaphore, #tpu.memory_space<semaphore_mem>>) src(%dma_wait3A_143 : memref<40000x128xf32, #tpu.memory_space<hbm>>) dst(%dma_wait3A_137 : memref<128x128xf32, #tpu.memory_space<vmem>>)
    %scan3A_144 = arith.constant 0 : i32
    %scan3A_145 = arith.constant 0 : i32
    %scan3A_146 = arith.constant 80 : i32
    %scan3A_147 = arith.addi %scan3A_145, %scan3A_146 : i32
    %scan3A_148 = arith.constant 1 : i32
    scf.for %scan3A_172 = %scan3A_145 to %scan3A_147 step %scan3A_148  : i32 {
      %rem3A = arith.constant 2 : i32
      %rem3A_173 = arith.remsi %scan3A_172, %rem3A : i32
      %add3A_174 = arith.constant 1 : i32
      %add3A_175 = arith.addi %scan3A_172, %add3A_174 : i32
      %rem3A_176 = arith.constant 2 : i32
      %rem3A_177 = arith.remsi %add3A_175, %rem3A_176 : i32
      %dma_start3A_178 = arith.constant 0 : i32
      %dma_start3A_179 = arith.constant 0 : i32
      %dma_start3A_180 = tpu.memref_slice %arg8[%rem3A_173, %dma_start3A_178, %dma_start3A_179] : memref<2x128x128xf32, #tpu.memory_space<vmem>> -> memref<1x128x128xf32, #tpu.memory_space<vmem>>
      %dma_start3A_181 = tpu.memref_squeeze %dma_start3A_180 : memref<1x128x128xf32, #tpu.memory_space<vmem>> -> memref<128x128xf32, #tpu.memory_space<vmem>>
      %dma_start3A_182 = arith.constant 0 : i32
      %dma_start3A_183 = tpu.memref_slice %arg7[%rem3A_173, %dma_start3A_182] : memref<2x128xi32, #tpu.memory_space<vmem>> -> memref<1x128xi32, #tpu.memory_space<vmem>>
      %dma_start3A_184 = tpu.memref_squeeze %dma_start3A_183 : memref<1x128xi32, #tpu.memory_space<vmem>> -> memref<128xi32, #tpu.memory_space<vmem>>
      %dma_start3A_185 = arith.constant 0 : i32
      %dma_start3A_186 = arith.constant 0 : i32
      %dma_start3A_187 = tpu.memref_slice %arg11[%dma_start3A_185, %dma_start3A_186] : memref<10112x128xf32, #tpu.memory_space<vmem_shared>> -> memref<10112x128xf32, #tpu.memory_space<vmem_shared>>
      tpu.enqueue_indirect_dma source(%dma_start3A_181 : memref<128x128xf32, #tpu.memory_space<vmem>>) target(%dma_start3A_187 : memref<10112x128xf32, #tpu.memory_space<vmem_shared>>) offsets(%dma_start3A_184 : memref<128xi32, #tpu.memory_space<vmem>>) semaphore(%arg10 : memref<!tpu.dma_semaphore, #tpu.memory_space<semaphore_mem>>) {add = true}
      %lt3A = arith.constant 79 : i32
      %lt3A_188 = arith.cmpi slt, %scan3A_172, %lt3A : i32
      %convert_element_type3A_189 = arith.extui %lt3A_188 : i1 to i32
      %cond3A_190 = arith.constant 0 : i32
      %cond3A_191 = arith.cmpi ne, %convert_element_type3A_189, %cond3A_190 : i32
      scf.if %cond3A_191 {
        %add3A_202 = arith.constant 1 : i32
        %add3A_203 = arith.addi %scan3A_172, %add3A_202 : i32
        %scan3A_204 = arith.constant 0 : i32
        %scan3A_205 = arith.constant 0 : i32
        %scan3A_206 = arith.constant 8 : i32
        %scan3A_207 = arith.addi %scan3A_205, %scan3A_206 : i32
        %scan3A_208 = arith.constant 1 : i32
        scf.for %scan3A_230 = %scan3A_205 to %scan3A_207 step %scan3A_208  : i32 {
          %mul3A_231 = arith.constant 16 : i32
          %mul3A_232 = arith.muli %scan3A_230, %mul3A_231 : i32
          %get3A = arith.index_cast %add3A_203 : i32 to index
          %get3A_233 = arith.index_cast %mul3A_232 : i32 to index
          %get3A_234 = tpu.vector_load %arg5[%get3A, %get3A_233] {strides = array<i32>} : memref<80x128xi32, #tpu.memory_space<vmem>>, vector<1x16xi32>,
          %get3A_235 = vector.shape_cast %get3A_234 : vector<1x16xi32> to vector<16xi32>
          %shift_right_arithmetic3A = arith.constant 16 : i32
          %shift_right_arithmetic3A_236 = vector.broadcast %shift_right_arithmetic3A : i32 to vector<16xi32>
          %shift_right_arithmetic3A_237 = arith.shrsi %get3A_235, %shift_right_arithmetic3A_236 : vector<16xi32>
          %swap3A = arith.index_cast %rem3A_177 : i32 to index
          %swap3A_238 = arith.index_cast %mul3A_232 : i32 to index
          %swap3A_239 = tpu.vector_load %arg7[%swap3A, %swap3A_238] {strides = array<i32>} : memref<2x128xi32, #tpu.memory_space<vmem>>, vector<1x16xi32>,
          %swap3A_240 = vector.shape_cast %swap3A_239 : vector<1x16xi32> to vector<16xi32>
          %swap3A_241 = vector.shape_cast %shift_right_arithmetic3A_237 : vector<16xi32> to vector<1x16xi32>
          tpu.vector_store %arg7[%swap3A, %swap3A_238], %swap3A_241 {strides = array<i32>} : memref<2x128xi32, #tpu.memory_space<vmem>>, vector<1x16xi32>,
          %and3A = arith.constant 65535 : i32
          %and3A_242 = vector.broadcast %and3A : i32 to vector<16xi32>
          %and3A_243 = arith.andi %get3A_235, %and3A_242 : vector<16xi32>
          %add3A_244 = arith.addi %and3A_243, %broadcast_in_dim3A_91 : vector<16xi32>
          %swap3A_245 = arith.index_cast %rem3A_177 : i32 to index
          %swap3A_246 = arith.index_cast %mul3A_232 : i32 to index
          %swap3A_247 = tpu.vector_load %arg6[%swap3A_245, %swap3A_246] {strides = array<i32>} : memref<2x128xi32, #tpu.memory_space<vmem>>, vector<1x16xi32>,
          %swap3A_248 = vector.shape_cast %swap3A_247 : vector<1x16xi32> to vector<16xi32>
          %swap3A_249 = vector.shape_cast %add3A_244 : vector<16xi32> to vector<1x16xi32>
          tpu.vector_store %arg6[%swap3A_245, %swap3A_246], %swap3A_249 {strides = array<i32>} : memref<2x128xi32, #tpu.memory_space<vmem>>, vector<1x16xi32>,
        }
        %scan3A_209 = arith.constant 8 : i32
        %dma_start3A_210 = arith.constant 0 : i32
        %dma_start3A_211 = arith.constant 0 : i32
        %dma_start3A_212 = tpu.memref_slice %arg8[%rem3A_177, %dma_start3A_210, %dma_start3A_211] : memref<2x128x128xf32, #tpu.memory_space<vmem>> -> memref<1x128x128xf32, #tpu.memory_space<vmem>>
        %dma_start3A_213 = tpu.memref_squeeze %dma_start3A_212 : memref<1x128x128xf32, #tpu.memory_space<vmem>> -> memref<128x128xf32, #tpu.memory_space<vmem>>
        %dma_start3A_214 = arith.constant 0 : i32
        %dma_start3A_215 = tpu.memref_slice %arg6[%rem3A_177, %dma_start3A_214] : memref<2x128xi32, #tpu.memory_space<vmem>> -> memref<1x128xi32, #tpu.memory_space<vmem>>
        %dma_start3A_216 = tpu.memref_squeeze %dma_start3A_215 : memref<1x128xi32, #tpu.memory_space<vmem>> -> memref<128xi32, #tpu.memory_space<vmem>>
        %dma_start3A_217 = arith.constant 0 : i32
        %dma_start3A_218 = arith.constant 0 : i32
        %dma_start3A_219 = tpu.memref_slice %arg2[%dma_start3A_217, %dma_start3A_218] : memref<40000x128xf32, #tpu.memory_space<hbm>> -> memref<40000x128xf32, #tpu.memory_space<hbm>>
        tpu.enqueue_indirect_dma source(%dma_start3A_219 : memref<40000x128xf32, #tpu.memory_space<hbm>>) target(%dma_start3A_213 : memref<128x128xf32, #tpu.memory_space<vmem>>) offsets(%dma_start3A_216 : memref<128xi32, #tpu.memory_space<vmem>>) semaphore(%arg9 : memref<!tpu.dma_semaphore, #tpu.memory_space<semaphore_mem>>)
        %dma_wait3A_220 = arith.constant 0 : i32
        %dma_wait3A_221 = arith.constant 0 : i32
        %dma_wait3A_222 = tpu.memref_slice %arg8[%rem3A_177, %dma_wait3A_220, %dma_wait3A_221] : memref<2x128x128xf32, #tpu.memory_space<vmem>> -> memref<1x128x128xf32, #tpu.memory_space<vmem>>
        %dma_wait3A_223 = tpu.memref_squeeze %dma_wait3A_222 : memref<1x128x128xf32, #tpu.memory_space<vmem>> -> memref<128x128xf32, #tpu.memory_space<vmem>>
        %dma_wait3A_224 = arith.constant 0 : i32
        %dma_wait3A_225 = tpu.memref_slice %arg6[%rem3A_177, %dma_wait3A_224] : memref<2x128xi32, #tpu.memory_space<vmem>> -> memref<1x128xi32, #tpu.memory_space<vmem>>
        %dma_wait3A_226 = tpu.memref_squeeze %dma_wait3A_225 : memref<1x128xi32, #tpu.memory_space<vmem>> -> memref<128xi32, #tpu.memory_space<vmem>>
        %dma_wait3A_227 = arith.constant 0 : i32
        %dma_wait3A_228 = arith.constant 0 : i32
        %dma_wait3A_229 = tpu.memref_slice %arg2[%dma_wait3A_227, %dma_wait3A_228] : memref<40000x128xf32, #tpu.memory_space<hbm>> -> memref<40000x128xf32, #tpu.memory_space<hbm>>
        tpu.wait_indirect_dma semaphore(%arg9 : memref<!tpu.dma_semaphore, #tpu.memory_space<semaphore_mem>>) src(%dma_wait3A_229 : memref<40000x128xf32, #tpu.memory_space<hbm>>) dst(%dma_wait3A_223 : memref<128x128xf32, #tpu.memory_space<vmem>>)
      } else {
      }
      %dma_wait3A_192 = arith.constant 0 : i32
      %dma_wait3A_193 = arith.constant 0 : i32
      %dma_wait3A_194 = tpu.memref_slice %arg8[%rem3A_173, %dma_wait3A_192, %dma_wait3A_193] : memref<2x128x128xf32, #tpu.memory_space<vmem>> -> memref<1x128x128xf32, #tpu.memory_space<vmem>>
      %dma_wait3A_195 = tpu.memref_squeeze %dma_wait3A_194 : memref<1x128x128xf32, #tpu.memory_space<vmem>> -> memref<128x128xf32, #tpu.memory_space<vmem>>
      %dma_wait3A_196 = arith.constant 0 : i32
      %dma_wait3A_197 = tpu.memref_slice %arg7[%rem3A_173, %dma_wait3A_196] : memref<2x128xi32, #tpu.memory_space<vmem>> -> memref<1x128xi32, #tpu.memory_space<vmem>>
      %dma_wait3A_198 = tpu.memref_squeeze %dma_wait3A_197 : memref<1x128xi32, #tpu.memory_space<vmem>> -> memref<128xi32, #tpu.memory_space<vmem>>
      %dma_wait3A_199 = arith.constant 0 : i32
      %dma_wait3A_200 = arith.constant 0 : i32
      %dma_wait3A_201 = tpu.memref_slice %arg11[%dma_wait3A_199, %dma_wait3A_200] : memref<10112x128xf32, #tpu.memory_space<vmem_shared>> -> memref<10112x128xf32, #tpu.memory_space<vmem_shared>>
      tpu.wait_indirect_dma semaphore(%arg10 : memref<!tpu.dma_semaphore, #tpu.memory_space<semaphore_mem>>) src(%dma_wait3A_195 : memref<128x128xf32, #tpu.memory_space<vmem>>) dst(%dma_wait3A_201 : memref<10112x128xf32, #tpu.memory_space<vmem_shared>>)
    }
    %scan3A_149 = arith.constant 80 : i32
    %barrier3A_150 = arith.constant 0 : index
    tpu.barrier barrier_id(%barrier3A_150)
    %mul3A_151 = arith.constant 5 : i32
    %mul3A_152 = arith.muli %arg1, %mul3A_151 : i32
    %add3A_153 = arith.constant 5 : i32
    %add3A_154 = arith.addi %mul3A_152, %add3A_153 : i32
    %min3A_155 = arith.constant 78 : i32
    %min3A_156 = arith.minsi %min3A_155, %add3A_154 : i32
    %while3A_157 = arith.constant 0 : i32
    %while3A_158 = arith.subi %min3A_156, %mul3A_152 : i32
    %while3A_159 = arith.addi %mul3A_152, %while3A_158 : i32
    %while3A_160 = arith.constant 1 : i32
    %while3A_161 = arith.divsi %while3A_158, %while3A_160 : i32
    %while3A_162 = arith.muli %while3A_161, %while3A_160 : i32
    %while3A_163 = arith.addi %mul3A_152, %while3A_162 : i32
    %while3A_164 = arith.constant 1 : i32
    scf.for %while3A_172 = %mul3A_152 to %while3A_163 step %while3A_164  : i32 {
      %mul3A_173 = arith.constant 128 : i32
      %mul3A_174 = arith.muli %while3A_172, %mul3A_173 : i32
      %run_scoped3A = arith.constant 0 : i32
      "tpu.region"() ({
        %run_scoped3A_177 = tpu.sem_alloc : memref<!tpu.dma_semaphore, #tpu.memory_space<semaphore_mem>>
        %dma_start3A_178 = arith.constant 0 : i32
        %dma_start3A_179 = arith.constant 0 : i32
        %dma_start3A_180 = tpu.memref_slice %arg8[%run_scoped3A, %dma_start3A_178, %dma_start3A_179] : memref<2x128x128xf32, #tpu.memory_space<vmem>> -> memref<1x128x128xf32, #tpu.memory_space<vmem>>
        %dma_start3A_181 = tpu.memref_squeeze %dma_start3A_180 : memref<1x128x128xf32, #tpu.memory_space<vmem>> -> memref<128x128xf32, #tpu.memory_space<vmem>>
        %dma_start3A_182 = arith.constant 0 : i32
        %dma_start3A_183 = tpu.memref_slice %arg11[%mul3A_174, %dma_start3A_182] : memref<10112x128xf32, #tpu.memory_space<vmem_shared>> -> memref<128x128xf32, #tpu.memory_space<vmem_shared>>
        %dma_start3A_184 = arith.constant 0 : i32
        %dma_start3A_185 = arith.constant 0 : i32
        %dma_start3A_186 = tpu.memref_slice %arg8[%run_scoped3A, %dma_start3A_184, %dma_start3A_185] : memref<2x128x128xf32, #tpu.memory_space<vmem>> -> memref<1x128x128xf32, #tpu.memory_space<vmem>>
        %dma_start3A_187 = tpu.memref_squeeze %dma_start3A_186 : memref<1x128x128xf32, #tpu.memory_space<vmem>> -> memref<128x128xf32, #tpu.memory_space<vmem>>
        %dma_start3A_188 = arith.constant 0 : i32
        %dma_start3A_189 = tpu.memref_slice %arg11[%mul3A_174, %dma_start3A_188] : memref<10112x128xf32, #tpu.memory_space<vmem_shared>> -> memref<128x128xf32, #tpu.memory_space<vmem_shared>>
        tpu.enqueue_dma source(%dma_start3A_189 : memref<128x128xf32, #tpu.memory_space<vmem_shared>>) target(%dma_start3A_187 : memref<128x128xf32, #tpu.memory_space<vmem>>) target_semaphore(%run_scoped3A_177 : memref<!tpu.dma_semaphore, #tpu.memory_space<semaphore_mem>>)
        %dma_wait3A_190 = arith.constant 0 : i32
        %dma_wait3A_191 = arith.constant 0 : i32
        %dma_wait3A_192 = tpu.memref_slice %arg8[%run_scoped3A, %dma_wait3A_190, %dma_wait3A_191] : memref<2x128x128xf32, #tpu.memory_space<vmem>> -> memref<1x128x128xf32, #tpu.memory_space<vmem>>
        %dma_wait3A_193 = tpu.memref_squeeze %dma_wait3A_192 : memref<1x128x128xf32, #tpu.memory_space<vmem>> -> memref<128x128xf32, #tpu.memory_space<vmem>>
        %dma_wait3A_194 = arith.constant 0 : i32
        %dma_wait3A_195 = tpu.memref_slice %arg11[%mul3A_174, %dma_wait3A_194] : memref<10112x128xf32, #tpu.memory_space<vmem_shared>> -> memref<128x128xf32, #tpu.memory_space<vmem_shared>>
        %dma_wait3A_196 = arith.constant 0 : i32
        %dma_wait3A_197 = arith.constant 0 : i32
        %dma_wait3A_198 = tpu.memref_slice %arg8[%run_scoped3A, %dma_wait3A_196, %dma_wait3A_197] : memref<2x128x128xf32, #tpu.memory_space<vmem>> -> memref<1x128x128xf32, #tpu.memory_space<vmem>>
        %dma_wait3A_199 = tpu.memref_squeeze %dma_wait3A_198 : memref<1x128x128xf32, #tpu.memory_space<vmem>> -> memref<128x128xf32, #tpu.memory_space<vmem>>
        %dma_wait3A_200 = arith.constant 0 : i32
        %dma_wait3A_201 = tpu.memref_slice %arg11[%mul3A_174, %dma_wait3A_200] : memref<10112x128xf32, #tpu.memory_space<vmem_shared>> -> memref<128x128xf32, #tpu.memory_space<vmem_shared>>
        tpu.wait_dma2 semaphore(%run_scoped3A_177 : memref<!tpu.dma_semaphore, #tpu.memory_space<semaphore_mem>>) src(%dma_wait3A_201 : memref<128x128xf32, #tpu.memory_space<vmem_shared>>) dst(%dma_wait3A_199 : memref<128x128xf32, #tpu.memory_space<vmem>>)
        tpu.yield
      }) : () -> ()
      %add3A_175 = arith.addi %mul3A_88, %mul3A_174 : i32
      %run_scoped3A_176 = arith.constant 0 : i32
      "tpu.region"() ({
        %run_scoped3A_177 = tpu.sem_alloc : memref<!tpu.dma_semaphore, #tpu.memory_space<semaphore_mem>>
        %dma_start3A_178 = arith.constant 0 : i32
        %dma_start3A_179 = arith.constant 0 : i32
        %dma_start3A_180 = tpu.memref_slice %arg8[%run_scoped3A_176, %dma_start3A_178, %dma_start3A_179] : memref<2x128x128xf32, #tpu.memory_space<vmem>> -> memref<1x128x128xf32, #tpu.memory_space<vmem>>
        %dma_start3A_181 = tpu.memref_squeeze %dma_start3A_180 : memref<1x128x128xf32, #tpu.memory_space<vmem>> -> memref<128x128xf32, #tpu.memory_space<vmem>>
        %dma_start3A_182 = arith.constant 0 : i32
        %dma_start3A_183 = tpu.memref_slice %arg4[%add3A_175, %dma_start3A_182] : memref<40000x128xf32, #tpu.memory_space<hbm>> -> memref<128x128xf32, #tpu.memory_space<hbm>>
        %dma_start3A_184 = arith.constant 0 : i32
        %dma_start3A_185 = tpu.memref_slice %arg4[%add3A_175, %dma_start3A_184] : memref<40000x128xf32, #tpu.memory_space<hbm>> -> memref<128x128xf32, #tpu.memory_space<hbm>>
        %dma_start3A_186 = arith.constant 0 : i32
        %dma_start3A_187 = arith.constant 0 : i32
        %dma_start3A_188 = tpu.memref_slice %arg8[%run_scoped3A_176, %dma_start3A_186, %dma_start3A_187] : memref<2x128x128xf32, #tpu.memory_space<vmem>> -> memref<1x128x128xf32, #tpu.memory_space<vmem>>
        %dma_start3A_189 = tpu.memref_squeeze %dma_start3A_188 : memref<1x128x128xf32, #tpu.memory_space<vmem>> -> memref<128x128xf32, #tpu.memory_space<vmem>>
        tpu.enqueue_dma source(%dma_start3A_189 : memref<128x128xf32, #tpu.memory_space<vmem>>) target(%dma_start3A_185 : memref<128x128xf32, #tpu.memory_space<hbm>>) target_semaphore(%run_scoped3A_177 : memref<!tpu.dma_semaphore, #tpu.memory_space<semaphore_mem>>)
        %dma_wait3A_190 = arith.constant 0 : i32
        %dma_wait3A_191 = arith.constant 0 : i32
        %dma_wait3A_192 = tpu.memref_slice %arg8[%run_scoped3A_176, %dma_wait3A_190, %dma_wait3A_191] : memref<2x128x128xf32, #tpu.memory_space<vmem>> -> memref<1x128x128xf32, #tpu.memory_space<vmem>>
        %dma_wait3A_193 = tpu.memref_squeeze %dma_wait3A_192 : memref<1x128x128xf32, #tpu.memory_space<vmem>> -> memref<128x128xf32, #tpu.memory_space<vmem>>
        %dma_wait3A_194 = arith.constant 0 : i32
        %dma_wait3A_195 = tpu.memref_slice %arg4[%add3A_175, %dma_wait3A_194] : memref<40000x128xf32, #tpu.memory_space<hbm>> -> memref<128x128xf32, #tpu.memory_space<hbm>>
        %dma_wait3A_196 = arith.constant 0 : i32
        %dma_wait3A_197 = tpu.memref_slice %arg4[%add3A_175, %dma_wait3A_196] : memref<40000x128xf32, #tpu.memory_space<hbm>> -> memref<128x128xf32, #tpu.memory_space<hbm>>
        %dma_wait3A_198 = arith.constant 0 : i32
        %dma_wait3A_199 = arith.constant 0 : i32
        %dma_wait3A_200 = tpu.memref_slice %arg8[%run_scoped3A_176, %dma_wait3A_198, %dma_wait3A_199] : memref<2x128x128xf32, #tpu.memory_space<vmem>> -> memref<1x128x128xf32, #tpu.memory_space<vmem>>
        %dma_wait3A_201 = tpu.memref_squeeze %dma_wait3A_200 : memref<1x128x128xf32, #tpu.memory_space<vmem>> -> memref<128x128xf32, #tpu.memory_space<vmem>>
        tpu.wait_dma2 semaphore(%run_scoped3A_177 : memref<!tpu.dma_semaphore, #tpu.memory_space<semaphore_mem>>) src(%dma_wait3A_201 : memref<128x128xf32, #tpu.memory_space<vmem>>) dst(%dma_wait3A_197 : memref<128x128xf32, #tpu.memory_space<hbm>>)
        tpu.yield
      }) : () -> ()
    }
    %while3A_165 = arith.constant 1 : i32
    scf.for %while3A_172 = %while3A_163 to %while3A_159 step %while3A_165  : i32 {
      %mul3A_173 = arith.constant 128 : i32
      %mul3A_174 = arith.muli %while3A_172, %mul3A_173 : i32
      %run_scoped3A = arith.constant 0 : i32
      "tpu.region"() ({
        %run_scoped3A_177 = tpu.sem_alloc : memref<!tpu.dma_semaphore, #tpu.memory_space<semaphore_mem>>
        %dma_start3A_178 = arith.constant 0 : i32
        %dma_start3A_179 = arith.constant 0 : i32
        %dma_start3A_180 = tpu.memref_slice %arg8[%run_scoped3A, %dma_start3A_178, %dma_start3A_179] : memref<2x128x128xf32, #tpu.memory_space<vmem>> -> memref<1x128x128xf32, #tpu.memory_space<vmem>>
        %dma_start3A_181 = tpu.memref_squeeze %dma_start3A_180 : memref<1x128x128xf32, #tpu.memory_space<vmem>> -> memref<128x128xf32, #tpu.memory_space<vmem>>
        %dma_start3A_182 = arith.constant 0 : i32
        %dma_start3A_183 = tpu.memref_slice %arg11[%mul3A_174, %dma_start3A_182] : memref<10112x128xf32, #tpu.memory_space<vmem_shared>> -> memref<128x128xf32, #tpu.memory_space<vmem_shared>>
        %dma_start3A_184 = arith.constant 0 : i32
        %dma_start3A_185 = arith.constant 0 : i32
        %dma_start3A_186 = tpu.memref_slice %arg8[%run_scoped3A, %dma_start3A_184, %dma_start3A_185] : memref<2x128x128xf32, #tpu.memory_space<vmem>> -> memref<1x128x128xf32, #tpu.memory_space<vmem>>
        %dma_start3A_187 = tpu.memref_squeeze %dma_start3A_186 : memref<1x128x128xf32, #tpu.memory_space<vmem>> -> memref<128x128xf32, #tpu.memory_space<vmem>>
        %dma_start3A_188 = arith.constant 0 : i32
        %dma_start3A_189 = tpu.memref_slice %arg11[%mul3A_174, %dma_start3A_188] : memref<10112x128xf32, #tpu.memory_space<vmem_shared>> -> memref<128x128xf32, #tpu.memory_space<vmem_shared>>
        tpu.enqueue_dma source(%dma_start3A_189 : memref<128x128xf32, #tpu.memory_space<vmem_shared>>) target(%dma_start3A_187 : memref<128x128xf32, #tpu.memory_space<vmem>>) target_semaphore(%run_scoped3A_177 : memref<!tpu.dma_semaphore, #tpu.memory_space<semaphore_mem>>)
        %dma_wait3A_190 = arith.constant 0 : i32
        %dma_wait3A_191 = arith.constant 0 : i32
        %dma_wait3A_192 = tpu.memref_slice %arg8[%run_scoped3A, %dma_wait3A_190, %dma_wait3A_191] : memref<2x128x128xf32, #tpu.memory_space<vmem>> -> memref<1x128x128xf32, #tpu.memory_space<vmem>>
        %dma_wait3A_193 = tpu.memref_squeeze %dma_wait3A_192 : memref<1x128x128xf32, #tpu.memory_space<vmem>> -> memref<128x128xf32, #tpu.memory_space<vmem>>
        %dma_wait3A_194 = arith.constant 0 : i32
        %dma_wait3A_195 = tpu.memref_slice %arg11[%mul3A_174, %dma_wait3A_194] : memref<10112x128xf32, #tpu.memory_space<vmem_shared>> -> memref<128x128xf32, #tpu.memory_space<vmem_shared>>
        %dma_wait3A_196 = arith.constant 0 : i32
        %dma_wait3A_197 = arith.constant 0 : i32
        %dma_wait3A_198 = tpu.memref_slice %arg8[%run_scoped3A, %dma_wait3A_196, %dma_wait3A_197] : memref<2x128x128xf32, #tpu.memory_space<vmem>> -> memref<1x128x128xf32, #tpu.memory_space<vmem>>
        %dma_wait3A_199 = tpu.memref_squeeze %dma_wait3A_198 : memref<1x128x128xf32, #tpu.memory_space<vmem>> -> memref<128x128xf32, #tpu.memory_space<vmem>>
        %dma_wait3A_200 = arith.constant 0 : i32
        %dma_wait3A_201 = tpu.memref_slice %arg11[%mul3A_174, %dma_wait3A_200] : memref<10112x128xf32, #tpu.memory_space<vmem_shared>> -> memref<128x128xf32, #tpu.memory_space<vmem_shared>>
        tpu.wait_dma2 semaphore(%run_scoped3A_177 : memref<!tpu.dma_semaphore, #tpu.memory_space<semaphore_mem>>) src(%dma_wait3A_201 : memref<128x128xf32, #tpu.memory_space<vmem_shared>>) dst(%dma_wait3A_199 : memref<128x128xf32, #tpu.memory_space<vmem>>)
        tpu.yield
      }) : () -> ()
      %add3A_175 = arith.addi %mul3A_88, %mul3A_174 : i32
      %run_scoped3A_176 = arith.constant 0 : i32
      "tpu.region"() ({
        %run_scoped3A_177 = tpu.sem_alloc : memref<!tpu.dma_semaphore, #tpu.memory_space<semaphore_mem>>
        %dma_start3A_178 = arith.constant 0 : i32
        %dma_start3A_179 = arith.constant 0 : i32
        %dma_start3A_180 = tpu.memref_slice %arg8[%run_scoped3A_176, %dma_start3A_178, %dma_start3A_179] : memref<2x128x128xf32, #tpu.memory_space<vmem>> -> memref<1x128x128xf32, #tpu.memory_space<vmem>>
        %dma_start3A_181 = tpu.memref_squeeze %dma_start3A_180 : memref<1x128x128xf32, #tpu.memory_space<vmem>> -> memref<128x128xf32, #tpu.memory_space<vmem>>
        %dma_start3A_182 = arith.constant 0 : i32
        %dma_start3A_183 = tpu.memref_slice %arg4[%add3A_175, %dma_start3A_182] : memref<40000x128xf32, #tpu.memory_space<hbm>> -> memref<128x128xf32, #tpu.memory_space<hbm>>
        %dma_start3A_184 = arith.constant 0 : i32
        %dma_start3A_185 = tpu.memref_slice %arg4[%add3A_175, %dma_start3A_184] : memref<40000x128xf32, #tpu.memory_space<hbm>> -> memref<128x128xf32, #tpu.memory_space<hbm>>
        %dma_start3A_186 = arith.constant 0 : i32
        %dma_start3A_187 = arith.constant 0 : i32
        %dma_start3A_188 = tpu.memref_slice %arg8[%run_scoped3A_176, %dma_start3A_186, %dma_start3A_187] : memref<2x128x128xf32, #tpu.memory_space<vmem>> -> memref<1x128x128xf32, #tpu.memory_space<vmem>>
        %dma_start3A_189 = tpu.memref_squeeze %dma_start3A_188 : memref<1x128x128xf32, #tpu.memory_space<vmem>> -> memref<128x128xf32, #tpu.memory_space<vmem>>
        tpu.enqueue_dma source(%dma_start3A_189 : memref<128x128xf32, #tpu.memory_space<vmem>>) target(%dma_start3A_185 : memref<128x128xf32, #tpu.memory_space<hbm>>) target_semaphore(%run_scoped3A_177 : memref<!tpu.dma_semaphore, #tpu.memory_space<semaphore_mem>>)
        %dma_wait3A_190 = arith.constant 0 : i32
        %dma_wait3A_191 = arith.constant 0 : i32
        %dma_wait3A_192 = tpu.memref_slice %arg8[%run_scoped3A_176, %dma_wait3A_190, %dma_wait3A_191] : memref<2x128x128xf32, #tpu.memory_space<vmem>> -> memref<1x128x128xf32, #tpu.memory_space<vmem>>
        %dma_wait3A_193 = tpu.memref_squeeze %dma_wait3A_192 : memref<1x128x128xf32, #tpu.memory_space<vmem>> -> memref<128x128xf32, #tpu.memory_space<vmem>>
        %dma_wait3A_194 = arith.constant 0 : i32
        %dma_wait3A_195 = tpu.memref_slice %arg4[%add3A_175, %dma_wait3A_194] : memref<40000x128xf32, #tpu.memory_space<hbm>> -> memref<128x128xf32, #tpu.memory_space<hbm>>
        %dma_wait3A_196 = arith.constant 0 : i32
        %dma_wait3A_197 = tpu.memref_slice %arg4[%add3A_175, %dma_wait3A_196] : memref<40000x128xf32, #tpu.memory_space<hbm>> -> memref<128x128xf32, #tpu.memory_space<hbm>>
        %dma_wait3A_198 = arith.constant 0 : i32
        %dma_wait3A_199 = arith.constant 0 : i32
        %dma_wait3A_200 = tpu.memref_slice %arg8[%run_scoped3A_176, %dma_wait3A_198, %dma_wait3A_199] : memref<2x128x128xf32, #tpu.memory_space<vmem>> -> memref<1x128x128xf32, #tpu.memory_space<vmem>>
        %dma_wait3A_201 = tpu.memref_squeeze %dma_wait3A_200 : memref<1x128x128xf32, #tpu.memory_space<vmem>> -> memref<128x128xf32, #tpu.memory_space<vmem>>
        tpu.wait_dma2 semaphore(%run_scoped3A_177 : memref<!tpu.dma_semaphore, #tpu.memory_space<semaphore_mem>>) src(%dma_wait3A_201 : memref<128x128xf32, #tpu.memory_space<vmem>>) dst(%dma_wait3A_197 : memref<128x128xf32, #tpu.memory_space<hbm>>)
        tpu.yield
      }) : () -> ()
    }
    %eq3A_166 = arith.constant 15 : i32
    %eq3A_167 = arith.cmpi eq, %arg1, %eq3A_166 : i32
    %convert_element_type3A_168 = arith.extui %eq3A_167 : i1 to i32
    %cond3A_169 = arith.constant 0 : i32
    %cond3A_170 = arith.cmpi ne, %convert_element_type3A_168, %cond3A_169 : i32
    scf.if %cond3A_170 {
      %run_scoped3A = arith.constant 0 : i32
      "tpu.region"() ({
        %run_scoped3A_175 = tpu.sem_alloc : memref<!tpu.dma_semaphore, #tpu.memory_space<semaphore_mem>>
        %dma_start3A_176 = arith.constant 0 : i32
        %dma_start3A_177 = arith.constant 0 : i32
        %dma_start3A_178 = tpu.memref_slice %arg8[%run_scoped3A, %dma_start3A_176, %dma_start3A_177] : memref<2x128x128xf32, #tpu.memory_space<vmem>> -> memref<1x16x128xf32, #tpu.memory_space<vmem>>
        %dma_start3A_179 = tpu.memref_squeeze %dma_start3A_178 : memref<1x16x128xf32, #tpu.memory_space<vmem>> -> memref<16x128xf32, #tpu.memory_space<vmem>>
        %dma_start3A_180 = arith.constant 9984 : i32
        %dma_start3A_181 = arith.constant 0 : i32
        %dma_start3A_182 = tpu.memref_slice %arg11[%dma_start3A_180, %dma_start3A_181] : memref<10112x128xf32, #tpu.memory_space<vmem_shared>> -> memref<16x128xf32, #tpu.memory_space<vmem_shared>>
        %dma_start3A_183 = arith.constant 0 : i32
        %dma_start3A_184 = arith.constant 0 : i32
        %dma_start3A_185 = tpu.memref_slice %arg8[%run_scoped3A, %dma_start3A_183, %dma_start3A_184] : memref<2x128x128xf32, #tpu.memory_space<vmem>> -> memref<1x16x128xf32, #tpu.memory_space<vmem>>
        %dma_start3A_186 = tpu.memref_squeeze %dma_start3A_185 : memref<1x16x128xf32, #tpu.memory_space<vmem>> -> memref<16x128xf32, #tpu.memory_space<vmem>>
        %dma_start3A_187 = arith.constant 9984 : i32
        %dma_start3A_188 = arith.constant 0 : i32
        %dma_start3A_189 = tpu.memref_slice %arg11[%dma_start3A_187, %dma_start3A_188] : memref<10112x128xf32, #tpu.memory_space<vmem_shared>> -> memref<16x128xf32, #tpu.memory_space<vmem_shared>>
        tpu.enqueue_dma source(%dma_start3A_189 : memref<16x128xf32, #tpu.memory_space<vmem_shared>>) target(%dma_start3A_186 : memref<16x128xf32, #tpu.memory_space<vmem>>) target_semaphore(%run_scoped3A_175 : memref<!tpu.dma_semaphore, #tpu.memory_space<semaphore_mem>>)
        %dma_wait3A_190 = arith.constant 0 : i32
        %dma_wait3A_191 = arith.constant 0 : i32
        %dma_wait3A_192 = tpu.memref_slice %arg8[%run_scoped3A, %dma_wait3A_190, %dma_wait3A_191] : memref<2x128x128xf32, #tpu.memory_space<vmem>> -> memref<1x16x128xf32, #tpu.memory_space<vmem>>
        %dma_wait3A_193 = tpu.memref_squeeze %dma_wait3A_192 : memref<1x16x128xf32, #tpu.memory_space<vmem>> -> memref<16x128xf32, #tpu.memory_space<vmem>>
        %dma_wait3A_194 = arith.constant 9984 : i32
        %dma_wait3A_195 = arith.constant 0 : i32
        %dma_wait3A_196 = tpu.memref_slice %arg11[%dma_wait3A_194, %dma_wait3A_195] : memref<10112x128xf32, #tpu.memory_space<vmem_shared>> -> memref<16x128xf32, #tpu.memory_space<vmem_shared>>
        %dma_wait3A_197 = arith.constant 0 : i32
        %dma_wait3A_198 = arith.constant 0 : i32
        %dma_wait3A_199 = tpu.memref_slice %arg8[%run_scoped3A, %dma_wait3A_197, %dma_wait3A_198] : memref<2x128x128xf32, #tpu.memory_space<vmem>> -> memref<1x16x128xf32, #tpu.memory_space<vmem>>
        %dma_wait3A_200 = tpu.memref_squeeze %dma_wait3A_199 : memref<1x16x128xf32, #tpu.memory_space<vmem>> -> memref<16x128xf32, #tpu.memory_space<vmem>>
        %dma_wait3A_201 = arith.constant 9984 : i32
        %dma_wait3A_202 = arith.constant 0 : i32
        %dma_wait3A_203 = tpu.memref_slice %arg11[%dma_wait3A_201, %dma_wait3A_202] : memref<10112x128xf32, #tpu.memory_space<vmem_shared>> -> memref<16x128xf32, #tpu.memory_space<vmem_shared>>
        tpu.wait_dma2 semaphore(%run_scoped3A_175 : memref<!tpu.dma_semaphore, #tpu.memory_space<semaphore_mem>>) src(%dma_wait3A_203 : memref<16x128xf32, #tpu.memory_space<vmem_shared>>) dst(%dma_wait3A_200 : memref<16x128xf32, #tpu.memory_space<vmem>>)
        tpu.yield
      }) : () -> ()
      %add3A_172 = arith.constant 9984 : i32
      %add3A_173 = arith.addi %mul3A_88, %add3A_172 : i32
      %run_scoped3A_174 = arith.constant 0 : i32
      "tpu.region"() ({
        %run_scoped3A_175 = tpu.sem_alloc : memref<!tpu.dma_semaphore, #tpu.memory_space<semaphore_mem>>
        %dma_start3A_176 = arith.constant 0 : i32
        %dma_start3A_177 = arith.constant 0 : i32
        %dma_start3A_178 = tpu.memref_slice %arg8[%run_scoped3A_174, %dma_start3A_176, %dma_start3A_177] : memref<2x128x128xf32, #tpu.memory_space<vmem>> -> memref<1x16x128xf32, #tpu.memory_space<vmem>>
        %dma_start3A_179 = tpu.memref_squeeze %dma_start3A_178 : memref<1x16x128xf32, #tpu.memory_space<vmem>> -> memref<16x128xf32, #tpu.memory_space<vmem>>
        %dma_start3A_180 = arith.constant 0 : i32
        %dma_start3A_181 = tpu.memref_slice %arg4[%add3A_173, %dma_start3A_180] : memref<40000x128xf32, #tpu.memory_space<hbm>> -> memref<16x128xf32, #tpu.memory_space<hbm>>
        %dma_start3A_182 = arith.constant 0 : i32
        %dma_start3A_183 = tpu.memref_slice %arg4[%add3A_173, %dma_start3A_182] : memref<40000x128xf32, #tpu.memory_space<hbm>> -> memref<16x128xf32, #tpu.memory_space<hbm>>
        %dma_start3A_184 = arith.constant 0 : i32
        %dma_start3A_185 = arith.constant 0 : i32
        %dma_start3A_186 = tpu.memref_slice %arg8[%run_scoped3A_174, %dma_start3A_184, %dma_start3A_185] : memref<2x128x128xf32, #tpu.memory_space<vmem>> -> memref<1x16x128xf32, #tpu.memory_space<vmem>>
        %dma_start3A_187 = tpu.memref_squeeze %dma_start3A_186 : memref<1x16x128xf32, #tpu.memory_space<vmem>> -> memref<16x128xf32, #tpu.memory_space<vmem>>
        tpu.enqueue_dma source(%dma_start3A_187 : memref<16x128xf32, #tpu.memory_space<vmem>>) target(%dma_start3A_183 : memref<16x128xf32, #tpu.memory_space<hbm>>) target_semaphore(%run_scoped3A_175 : memref<!tpu.dma_semaphore, #tpu.memory_space<semaphore_mem>>)
        %dma_wait3A_188 = arith.constant 0 : i32
        %dma_wait3A_189 = arith.constant 0 : i32
        %dma_wait3A_190 = tpu.memref_slice %arg8[%run_scoped3A_174, %dma_wait3A_188, %dma_wait3A_189] : memref<2x128x128xf32, #tpu.memory_space<vmem>> -> memref<1x16x128xf32, #tpu.memory_space<vmem>>
        %dma_wait3A_191 = tpu.memref_squeeze %dma_wait3A_190 : memref<1x16x128xf32, #tpu.memory_space<vmem>> -> memref<16x128xf32, #tpu.memory_space<vmem>>
        %dma_wait3A_192 = arith.constant 0 : i32
        %dma_wait3A_193 = tpu.memref_slice %arg4[%add3A_173, %dma_wait3A_192] : memref<40000x128xf32, #tpu.memory_space<hbm>> -> memref<16x128xf32, #tpu.memory_space<hbm>>
        %dma_wait3A_194 = arith.constant 0 : i32
        %dma_wait3A_195 = tpu.memref_slice %arg4[%add3A_173, %dma_wait3A_194] : memref<40000x128xf32, #tpu.memory_space<hbm>> -> memref<16x128xf32, #tpu.memory_space<hbm>>
        %dma_wait3A_196 = arith.constant 0 : i32
        %dma_wait3A_197 = arith.constant 0 : i32
        %dma_wait3A_198 = tpu.memref_slice %arg8[%run_scoped3A_174, %dma_wait3A_196, %dma_wait3A_197] : memref<2x128x128xf32, #tpu.memory_space<vmem>> -> memref<1x16x128xf32, #tpu.memory_space<vmem>>
        %dma_wait3A_199 = tpu.memref_squeeze %dma_wait3A_198 : memref<1x16x128xf32, #tpu.memory_space<vmem>> -> memref<16x128xf32, #tpu.memory_space<vmem>>
        tpu.wait_dma2 semaphore(%run_scoped3A_175 : memref<!tpu.dma_semaphore, #tpu.memory_space<semaphore_mem>>) src(%dma_wait3A_199 : memref<16x128xf32, #tpu.memory_space<vmem>>) dst(%dma_wait3A_195 : memref<16x128xf32, #tpu.memory_space<hbm>>)
        tpu.yield
      }) : () -> ()
    } else {
    }
    %barrier3A_171 = arith.constant 0 : index
    tpu.barrier barrier_id(%barrier3A_171)
    return
  }
}

#map = affine_map<(d0, d1) -> (0, 0)>
module attributes {stable_mosaic.version = 14 : i64} {
  func.func @sc_agg4(%arg0: i32, %arg1: i32, %arg2: memref<40000x128xf32, #tpu.memory_space<hbm>>, %arg3: memref<1280x128xi32, #tpu.memory_space<hbm>>, %arg4: memref<40000x128xf32, #tpu.memory_space<hbm>>, %arg5: memref<80x128xi32, #tpu.memory_space<vmem>>, %arg6: memref<2x128xi32, #tpu.memory_space<vmem>>, %arg7: memref<2x128xi32, #tpu.memory_space<vmem>>, %arg8: memref<2x128x128xf32, #tpu.memory_space<vmem>>, %arg9: memref<!tpu.dma_semaphore, #tpu.memory_space<semaphore_mem>>, %arg10: memref<!tpu.dma_semaphore, #tpu.memory_space<semaphore_mem>>, %arg11: memref<10112x128xf32, #tpu.memory_space<vmem_shared>>) attributes {dimension_semantics = [#tpu.dimension_semantics<core_parallel>, #tpu.dimension_semantics<subcore_parallel>], iteration_bounds = array<i64: 2, 16>, scalar_prefetch = 0 : i64, scratch_operands = 7 : i64, tpu.core_type = #tpu.core_type<sc_vector_subcore>, window_params = [{transform_indices = #map}, {transform_indices = #map}, {transform_indices = #map}]} {
    %broadcast_in_dim3A = arith.constant 0.000000e+00 : f32
    %broadcast_in_dim3A_0 = vector.broadcast %broadcast_in_dim3A : f32 to vector<16xf32>
    %broadcast_in_dim3A_1 = arith.constant 1.000000e+00 : f32
    %broadcast_in_dim3A_2 = vector.broadcast %broadcast_in_dim3A_1 : f32 to vector<16xf32>
    %mul3A = arith.constant 80 : i32
    %mul3A_3 = arith.muli %arg1, %mul3A : i32
    "tpu.region"() ({
      %run_scoped3A = tpu.sem_alloc : memref<!tpu.dma_semaphore, #tpu.memory_space<semaphore_mem>>
      %dma_start3A_172 = arith.constant 0 : i32
      %dma_start3A_173 = tpu.memref_slice %arg3[%mul3A_3, %dma_start3A_172] : memref<1280x128xi32, #tpu.memory_space<hbm>> -> memref<80x128xi32, #tpu.memory_space<hbm>>
      %dma_start3A_174 = arith.constant 0 : i32
      %dma_start3A_175 = tpu.memref_slice %arg3[%mul3A_3, %dma_start3A_174] : memref<1280x128xi32, #tpu.memory_space<hbm>> -> memref<80x128xi32, #tpu.memory_space<hbm>>
      tpu.enqueue_dma source(%dma_start3A_175 : memref<80x128xi32, #tpu.memory_space<hbm>>) target(%arg5 : memref<80x128xi32, #tpu.memory_space<vmem>>) target_semaphore(%run_scoped3A : memref<!tpu.dma_semaphore, #tpu.memory_space<semaphore_mem>>)
      %dma_wait3A_176 = arith.constant 0 : i32
      %dma_wait3A_177 = tpu.memref_slice %arg3[%mul3A_3, %dma_wait3A_176] : memref<1280x128xi32, #tpu.memory_space<hbm>> -> memref<80x128xi32, #tpu.memory_space<hbm>>
      %dma_wait3A_178 = arith.constant 0 : i32
      %dma_wait3A_179 = tpu.memref_slice %arg3[%mul3A_3, %dma_wait3A_178] : memref<1280x128xi32, #tpu.memory_space<hbm>> -> memref<80x128xi32, #tpu.memory_space<hbm>>
      tpu.wait_dma2 semaphore(%run_scoped3A : memref<!tpu.dma_semaphore, #tpu.memory_space<semaphore_mem>>) src(%dma_wait3A_179 : memref<80x128xi32, #tpu.memory_space<hbm>>) dst(%arg5 : memref<80x128xi32, #tpu.memory_space<vmem>>)
      tpu.yield
    }) : () -> ()
    %mul3A_4 = arith.constant 2 : i32
    %mul3A_5 = arith.muli %arg0, %mul3A_4 : i32
    %add3A = arith.constant 0 : i32
    %add3A_6 = arith.addi %mul3A_5, %add3A : i32
    %mul3A_7 = arith.constant 10000 : i32
    %mul3A_8 = arith.muli %add3A_6, %mul3A_7 : i32
    %mul3A_9 = arith.constant 10000 : i32
    %mul3A_10 = arith.muli %add3A_6, %mul3A_9 : i32
    %broadcast_in_dim3A_11 = vector.broadcast %mul3A_10 : i32 to vector<16xi32>
    %scan3A = arith.constant 0 : i32
    %scan3A_12 = arith.constant 0 : i32
    %scan3A_13 = arith.constant 1024 : i32
    %scan3A_14 = arith.addi %scan3A_12, %scan3A_13 : i32
    %scan3A_15 = arith.constant 1 : i32
    scf.for %scan3A_172 = %scan3A_12 to %scan3A_14 step %scan3A_15  : i32 {
      %jit3A = arith.constant 8 : i32
      %div3A = arith.divsi %scan3A_172, %jit3A : i32
      %sign3A = arith.constant 0 : i32
      %sign3A_173 = arith.cmpi sgt, %scan3A_172, %sign3A : i32
      %sign3A_174 = arith.extui %sign3A_173 : i1 to i32
      %sign3A_175 = arith.constant 0 : i32
      %sign3A_176 = arith.cmpi slt, %scan3A_172, %sign3A_175 : i32
      %sign3A_177 = arith.extui %sign3A_176 : i1 to i32
      %sign3A_178 = arith.subi %sign3A_174, %sign3A_177 : i32
      %sign3A_179 = arith.constant 0 : i32
      %sign3A_180 = arith.cmpi sgt, %jit3A, %sign3A_179 : i32
      %sign3A_181 = arith.extui %sign3A_180 : i1 to i32
      %sign3A_182 = arith.constant 0 : i32
      %sign3A_183 = arith.cmpi slt, %jit3A, %sign3A_182 : i32
      %sign3A_184 = arith.extui %sign3A_183 : i1 to i32
      %sign3A_185 = arith.subi %sign3A_181, %sign3A_184 : i32
      %ne3A = arith.cmpi ne, %sign3A_178, %sign3A_185 : i32
      %rem3A = arith.remsi %scan3A_172, %jit3A : i32
      %ne3A_186 = arith.constant 0 : i32
      %ne3A_187 = arith.cmpi ne, %rem3A, %ne3A_186 : i32
      %and3A = arith.andi %ne3A, %ne3A_187 : i1
      %sub3A = arith.constant 1 : i32
      %sub3A_188 = arith.subi %div3A, %sub3A : i32
      %select_n3A = arith.select %and3A, %sub3A_188, %div3A : i32
      %jit3A_189 = arith.constant 8 : i32
      %eq3A_190 = arith.constant 0 : i32
      %eq3A_191 = arith.cmpi eq, %jit3A_189, %eq3A_190 : i32
      %jit3A_192 = arith.constant 1 : i32
      %select_n3A_193 = arith.select %eq3A_191, %jit3A_192, %jit3A_189 : i32
      %rem3A_194 = arith.remsi %scan3A_172, %select_n3A_193 : i32
      %ne3A_195 = arith.constant 0 : i32
      %ne3A_196 = arith.cmpi ne, %rem3A_194, %ne3A_195 : i32
      %lt3A = arith.constant 0 : i32
      %lt3A_197 = arith.cmpi slt, %rem3A_194, %lt3A : i32
      %lt3A_198 = arith.constant 0 : i32
      %lt3A_199 = arith.cmpi slt, %select_n3A_193, %lt3A_198 : i32
      %ne3A_200 = arith.xori %lt3A_197, %lt3A_199 : i1
      %and3A_201 = arith.andi %ne3A_200, %ne3A_196 : i1
      %add3A_202 = arith.addi %rem3A_194, %select_n3A_193 : i32
      %select_n3A_203 = arith.select %and3A_201, %add3A_202, %rem3A_194 : i32
      %mul3A_204 = arith.constant 16 : i32
      %mul3A_205 = arith.muli %select_n3A_203, %mul3A_204 : i32
      %swap3A = arith.constant 0 : i32
      %swap3A_206 = arith.index_cast %swap3A : i32 to index
      %swap3A_207 = arith.index_cast %select_n3A : i32 to index
      %swap3A_208 = arith.index_cast %mul3A_205 : i32 to index
      %swap3A_209 = tpu.vector_load %arg8[%swap3A_206, %swap3A_207, %swap3A_208] {strides = array<i32>} : memref<2x128x128xf32, #tpu.memory_space<vmem>>, vector<1x1x16xf32>,
      %swap3A_210 = vector.shape_cast %swap3A_209 : vector<1x1x16xf32> to vector<16xf32>
      %swap3A_211 = vector.shape_cast %broadcast_in_dim3A_0 : vector<16xf32> to vector<1x1x16xf32>
      tpu.vector_store %arg8[%swap3A_206, %swap3A_207, %swap3A_208], %swap3A_211 {strides = array<i32>} : memref<2x128x128xf32, #tpu.memory_space<vmem>>, vector<1x1x16xf32>,
    }
    %scan3A_16 = arith.constant 1024 : i32
    %mul3A_17 = arith.constant 5 : i32
    %mul3A_18 = arith.muli %arg1, %mul3A_17 : i32
    %add3A_19 = arith.constant 5 : i32
    %add3A_20 = arith.addi %mul3A_18, %add3A_19 : i32
    %min3A = arith.constant 79 : i32
    %min3A_21 = arith.minsi %min3A, %add3A_20 : i32
    %while3A = arith.constant 0 : i32
    %while3A_22 = arith.subi %min3A_21, %mul3A_18 : i32
    %while3A_23 = arith.addi %mul3A_18, %while3A_22 : i32
    %while3A_24 = arith.constant 1 : i32
    %while3A_25 = arith.divsi %while3A_22, %while3A_24 : i32
    %while3A_26 = arith.muli %while3A_25, %while3A_24 : i32
    %while3A_27 = arith.addi %mul3A_18, %while3A_26 : i32
    %while3A_28 = arith.constant 1 : i32
    scf.for %while3A_172 = %mul3A_18 to %while3A_27 step %while3A_28  : i32 {
      %mul3A_173 = arith.constant 128 : i32
      %mul3A_174 = arith.muli %while3A_172, %mul3A_173 : i32
      %run_scoped3A = arith.constant 0 : i32
      "tpu.region"() ({
        %run_scoped3A_175 = tpu.sem_alloc : memref<!tpu.dma_semaphore, #tpu.memory_space<semaphore_mem>>
        %dma_start3A_176 = arith.constant 0 : i32
        %dma_start3A_177 = arith.constant 0 : i32
        %dma_start3A_178 = tpu.memref_slice %arg8[%run_scoped3A, %dma_start3A_176, %dma_start3A_177] : memref<2x128x128xf32, #tpu.memory_space<vmem>> -> memref<1x128x128xf32, #tpu.memory_space<vmem>>
        %dma_start3A_179 = tpu.memref_squeeze %dma_start3A_178 : memref<1x128x128xf32, #tpu.memory_space<vmem>> -> memref<128x128xf32, #tpu.memory_space<vmem>>
        %dma_start3A_180 = arith.constant 0 : i32
        %dma_start3A_181 = tpu.memref_slice %arg11[%mul3A_174, %dma_start3A_180] : memref<10112x128xf32, #tpu.memory_space<vmem_shared>> -> memref<128x128xf32, #tpu.memory_space<vmem_shared>>
        %dma_start3A_182 = arith.constant 0 : i32
        %dma_start3A_183 = tpu.memref_slice %arg11[%mul3A_174, %dma_start3A_182] : memref<10112x128xf32, #tpu.memory_space<vmem_shared>> -> memref<128x128xf32, #tpu.memory_space<vmem_shared>>
        %dma_start3A_184 = arith.constant 0 : i32
        %dma_start3A_185 = arith.constant 0 : i32
        %dma_start3A_186 = tpu.memref_slice %arg8[%run_scoped3A, %dma_start3A_184, %dma_start3A_185] : memref<2x128x128xf32, #tpu.memory_space<vmem>> -> memref<1x128x128xf32, #tpu.memory_space<vmem>>
        %dma_start3A_187 = tpu.memref_squeeze %dma_start3A_186 : memref<1x128x128xf32, #tpu.memory_space<vmem>> -> memref<128x128xf32, #tpu.memory_space<vmem>>
        tpu.enqueue_dma source(%dma_start3A_187 : memref<128x128xf32, #tpu.memory_space<vmem>>) target(%dma_start3A_183 : memref<128x128xf32, #tpu.memory_space<vmem_shared>>) target_semaphore(%run_scoped3A_175 : memref<!tpu.dma_semaphore, #tpu.memory_space<semaphore_mem>>)
        %dma_wait3A_188 = arith.constant 0 : i32
        %dma_wait3A_189 = arith.constant 0 : i32
        %dma_wait3A_190 = tpu.memref_slice %arg8[%run_scoped3A, %dma_wait3A_188, %dma_wait3A_189] : memref<2x128x128xf32, #tpu.memory_space<vmem>> -> memref<1x128x128xf32, #tpu.memory_space<vmem>>
        %dma_wait3A_191 = tpu.memref_squeeze %dma_wait3A_190 : memref<1x128x128xf32, #tpu.memory_space<vmem>> -> memref<128x128xf32, #tpu.memory_space<vmem>>
        %dma_wait3A_192 = arith.constant 0 : i32
        %dma_wait3A_193 = tpu.memref_slice %arg11[%mul3A_174, %dma_wait3A_192] : memref<10112x128xf32, #tpu.memory_space<vmem_shared>> -> memref<128x128xf32, #tpu.memory_space<vmem_shared>>
        %dma_wait3A_194 = arith.constant 0 : i32
        %dma_wait3A_195 = tpu.memref_slice %arg11[%mul3A_174, %dma_wait3A_194] : memref<10112x128xf32, #tpu.memory_space<vmem_shared>> -> memref<128x128xf32, #tpu.memory_space<vmem_shared>>
        %dma_wait3A_196 = arith.constant 0 : i32
        %dma_wait3A_197 = arith.constant 0 : i32
        %dma_wait3A_198 = tpu.memref_slice %arg8[%run_scoped3A, %dma_wait3A_196, %dma_wait3A_197] : memref<2x128x128xf32, #tpu.memory_space<vmem>> -> memref<1x128x128xf32, #tpu.memory_space<vmem>>
        %dma_wait3A_199 = tpu.memref_squeeze %dma_wait3A_198 : memref<1x128x128xf32, #tpu.memory_space<vmem>> -> memref<128x128xf32, #tpu.memory_space<vmem>>
        tpu.wait_dma2 semaphore(%run_scoped3A_175 : memref<!tpu.dma_semaphore, #tpu.memory_space<semaphore_mem>>) src(%dma_wait3A_199 : memref<128x128xf32, #tpu.memory_space<vmem>>) dst(%dma_wait3A_195 : memref<128x128xf32, #tpu.memory_space<vmem_shared>>)
        tpu.yield
      }) : () -> ()
    }
    %while3A_29 = arith.constant 1 : i32
    scf.for %while3A_172 = %while3A_27 to %while3A_23 step %while3A_29  : i32 {
      %mul3A_173 = arith.constant 128 : i32
      %mul3A_174 = arith.muli %while3A_172, %mul3A_173 : i32
      %run_scoped3A = arith.constant 0 : i32
      "tpu.region"() ({
        %run_scoped3A_175 = tpu.sem_alloc : memref<!tpu.dma_semaphore, #tpu.memory_space<semaphore_mem>>
        %dma_start3A_176 = arith.constant 0 : i32
        %dma_start3A_177 = arith.constant 0 : i32
        %dma_start3A_178 = tpu.memref_slice %arg8[%run_scoped3A, %dma_start3A_176, %dma_start3A_177] : memref<2x128x128xf32, #tpu.memory_space<vmem>> -> memref<1x128x128xf32, #tpu.memory_space<vmem>>
        %dma_start3A_179 = tpu.memref_squeeze %dma_start3A_178 : memref<1x128x128xf32, #tpu.memory_space<vmem>> -> memref<128x128xf32, #tpu.memory_space<vmem>>
        %dma_start3A_180 = arith.constant 0 : i32
        %dma_start3A_181 = tpu.memref_slice %arg11[%mul3A_174, %dma_start3A_180] : memref<10112x128xf32, #tpu.memory_space<vmem_shared>> -> memref<128x128xf32, #tpu.memory_space<vmem_shared>>
        %dma_start3A_182 = arith.constant 0 : i32
        %dma_start3A_183 = tpu.memref_slice %arg11[%mul3A_174, %dma_start3A_182] : memref<10112x128xf32, #tpu.memory_space<vmem_shared>> -> memref<128x128xf32, #tpu.memory_space<vmem_shared>>
        %dma_start3A_184 = arith.constant 0 : i32
        %dma_start3A_185 = arith.constant 0 : i32
        %dma_start3A_186 = tpu.memref_slice %arg8[%run_scoped3A, %dma_start3A_184, %dma_start3A_185] : memref<2x128x128xf32, #tpu.memory_space<vmem>> -> memref<1x128x128xf32, #tpu.memory_space<vmem>>
        %dma_start3A_187 = tpu.memref_squeeze %dma_start3A_186 : memref<1x128x128xf32, #tpu.memory_space<vmem>> -> memref<128x128xf32, #tpu.memory_space<vmem>>
        tpu.enqueue_dma source(%dma_start3A_187 : memref<128x128xf32, #tpu.memory_space<vmem>>) target(%dma_start3A_183 : memref<128x128xf32, #tpu.memory_space<vmem_shared>>) target_semaphore(%run_scoped3A_175 : memref<!tpu.dma_semaphore, #tpu.memory_space<semaphore_mem>>)
        %dma_wait3A_188 = arith.constant 0 : i32
        %dma_wait3A_189 = arith.constant 0 : i32
        %dma_wait3A_190 = tpu.memref_slice %arg8[%run_scoped3A, %dma_wait3A_188, %dma_wait3A_189] : memref<2x128x128xf32, #tpu.memory_space<vmem>> -> memref<1x128x128xf32, #tpu.memory_space<vmem>>
        %dma_wait3A_191 = tpu.memref_squeeze %dma_wait3A_190 : memref<1x128x128xf32, #tpu.memory_space<vmem>> -> memref<128x128xf32, #tpu.memory_space<vmem>>
        %dma_wait3A_192 = arith.constant 0 : i32
        %dma_wait3A_193 = tpu.memref_slice %arg11[%mul3A_174, %dma_wait3A_192] : memref<10112x128xf32, #tpu.memory_space<vmem_shared>> -> memref<128x128xf32, #tpu.memory_space<vmem_shared>>
        %dma_wait3A_194 = arith.constant 0 : i32
        %dma_wait3A_195 = tpu.memref_slice %arg11[%mul3A_174, %dma_wait3A_194] : memref<10112x128xf32, #tpu.memory_space<vmem_shared>> -> memref<128x128xf32, #tpu.memory_space<vmem_shared>>
        %dma_wait3A_196 = arith.constant 0 : i32
        %dma_wait3A_197 = arith.constant 0 : i32
        %dma_wait3A_198 = tpu.memref_slice %arg8[%run_scoped3A, %dma_wait3A_196, %dma_wait3A_197] : memref<2x128x128xf32, #tpu.memory_space<vmem>> -> memref<1x128x128xf32, #tpu.memory_space<vmem>>
        %dma_wait3A_199 = tpu.memref_squeeze %dma_wait3A_198 : memref<1x128x128xf32, #tpu.memory_space<vmem>> -> memref<128x128xf32, #tpu.memory_space<vmem>>
        tpu.wait_dma2 semaphore(%run_scoped3A_175 : memref<!tpu.dma_semaphore, #tpu.memory_space<semaphore_mem>>) src(%dma_wait3A_199 : memref<128x128xf32, #tpu.memory_space<vmem>>) dst(%dma_wait3A_195 : memref<128x128xf32, #tpu.memory_space<vmem_shared>>)
        tpu.yield
      }) : () -> ()
    }
    %barrier3A = arith.constant 0 : index
    tpu.barrier barrier_id(%barrier3A)
    %scan3A_30 = arith.constant 0 : i32
    %scan3A_31 = arith.constant 0 : i32
    %scan3A_32 = arith.constant 8 : i32
    %scan3A_33 = arith.addi %scan3A_31, %scan3A_32 : i32
    %scan3A_34 = arith.constant 1 : i32
    scf.for %scan3A_172 = %scan3A_31 to %scan3A_33 step %scan3A_34  : i32 {
      %mul3A_173 = arith.constant 16 : i32
      %mul3A_174 = arith.muli %scan3A_172, %mul3A_173 : i32
      %get3A = arith.constant 0 : i32
      %get3A_175 = arith.index_cast %get3A : i32 to index
      %get3A_176 = arith.index_cast %mul3A_174 : i32 to index
      %get3A_177 = tpu.vector_load %arg5[%get3A_175, %get3A_176] {strides = array<i32>} : memref<80x128xi32, #tpu.memory_space<vmem>>, vector<1x16xi32>,
      %get3A_178 = vector.shape_cast %get3A_177 : vector<1x16xi32> to vector<16xi32>
      %shift_right_arithmetic3A = arith.constant 16 : i32
      %shift_right_arithmetic3A_179 = vector.broadcast %shift_right_arithmetic3A : i32 to vector<16xi32>
      %shift_right_arithmetic3A_180 = arith.shrsi %get3A_178, %shift_right_arithmetic3A_179 : vector<16xi32>
      %swap3A = arith.constant 0 : i32
      %swap3A_181 = arith.index_cast %swap3A : i32 to index
      %swap3A_182 = arith.index_cast %mul3A_174 : i32 to index
      %swap3A_183 = tpu.vector_load %arg7[%swap3A_181, %swap3A_182] {strides = array<i32>} : memref<2x128xi32, #tpu.memory_space<vmem>>, vector<1x16xi32>,
      %swap3A_184 = vector.shape_cast %swap3A_183 : vector<1x16xi32> to vector<16xi32>
      %swap3A_185 = vector.shape_cast %shift_right_arithmetic3A_180 : vector<16xi32> to vector<1x16xi32>
      tpu.vector_store %arg7[%swap3A_181, %swap3A_182], %swap3A_185 {strides = array<i32>} : memref<2x128xi32, #tpu.memory_space<vmem>>, vector<1x16xi32>,
      %and3A = arith.constant 65535 : i32
      %and3A_186 = vector.broadcast %and3A : i32 to vector<16xi32>
      %and3A_187 = arith.andi %get3A_178, %and3A_186 : vector<16xi32>
      %add3A_188 = arith.addi %and3A_187, %broadcast_in_dim3A_11 : vector<16xi32>
      %swap3A_189 = arith.constant 0 : i32
      %swap3A_190 = arith.index_cast %swap3A_189 : i32 to index
      %swap3A_191 = arith.index_cast %mul3A_174 : i32 to index
      %swap3A_192 = tpu.vector_load %arg6[%swap3A_190, %swap3A_191] {strides = array<i32>} : memref<2x128xi32, #tpu.memory_space<vmem>>, vector<1x16xi32>,
      %swap3A_193 = vector.shape_cast %swap3A_192 : vector<1x16xi32> to vector<16xi32>
      %swap3A_194 = vector.shape_cast %add3A_188 : vector<16xi32> to vector<1x16xi32>
      tpu.vector_store %arg6[%swap3A_190, %swap3A_191], %swap3A_194 {strides = array<i32>} : memref<2x128xi32, #tpu.memory_space<vmem>>, vector<1x16xi32>,
    }
    %scan3A_35 = arith.constant 8 : i32
    %dma_start3A = arith.constant 0 : i32
    %dma_start3A_36 = arith.constant 0 : i32
    %dma_start3A_37 = arith.constant 0 : i32
    %dma_start3A_38 = arith.constant 0 : i32
    %dma_start3A_39 = tpu.memref_slice %arg8[%dma_start3A_36, %dma_start3A_37, %dma_start3A_38] : memref<2x128x128xf32, #tpu.memory_space<vmem>> -> memref<1x128x128xf32, #tpu.memory_space<vmem>>
    %dma_start3A_40 = tpu.memref_squeeze %dma_start3A_39 : memref<1x128x128xf32, #tpu.memory_space<vmem>> -> memref<128x128xf32, #tpu.memory_space<vmem>>
    %dma_start3A_41 = arith.constant 0 : i32
    %dma_start3A_42 = tpu.memref_slice %arg6[%dma_start3A, %dma_start3A_41] : memref<2x128xi32, #tpu.memory_space<vmem>> -> memref<1x128xi32, #tpu.memory_space<vmem>>
    %dma_start3A_43 = tpu.memref_squeeze %dma_start3A_42 : memref<1x128xi32, #tpu.memory_space<vmem>> -> memref<128xi32, #tpu.memory_space<vmem>>
    %dma_start3A_44 = arith.constant 0 : i32
    %dma_start3A_45 = arith.constant 0 : i32
    %dma_start3A_46 = tpu.memref_slice %arg2[%dma_start3A_44, %dma_start3A_45] : memref<40000x128xf32, #tpu.memory_space<hbm>> -> memref<40000x128xf32, #tpu.memory_space<hbm>>
    tpu.enqueue_indirect_dma source(%dma_start3A_46 : memref<40000x128xf32, #tpu.memory_space<hbm>>) target(%dma_start3A_40 : memref<128x128xf32, #tpu.memory_space<vmem>>) offsets(%dma_start3A_43 : memref<128xi32, #tpu.memory_space<vmem>>) semaphore(%arg9 : memref<!tpu.dma_semaphore, #tpu.memory_space<semaphore_mem>>)
    %dma_wait3A = arith.constant 0 : i32
    %dma_wait3A_47 = arith.constant 0 : i32
    %dma_wait3A_48 = arith.constant 0 : i32
    %dma_wait3A_49 = arith.constant 0 : i32
    %dma_wait3A_50 = tpu.memref_slice %arg8[%dma_wait3A_47, %dma_wait3A_48, %dma_wait3A_49] : memref<2x128x128xf32, #tpu.memory_space<vmem>> -> memref<1x128x128xf32, #tpu.memory_space<vmem>>
    %dma_wait3A_51 = tpu.memref_squeeze %dma_wait3A_50 : memref<1x128x128xf32, #tpu.memory_space<vmem>> -> memref<128x128xf32, #tpu.memory_space<vmem>>
    %dma_wait3A_52 = arith.constant 0 : i32
    %dma_wait3A_53 = tpu.memref_slice %arg6[%dma_wait3A, %dma_wait3A_52] : memref<2x128xi32, #tpu.memory_space<vmem>> -> memref<1x128xi32, #tpu.memory_space<vmem>>
    %dma_wait3A_54 = tpu.memref_squeeze %dma_wait3A_53 : memref<1x128xi32, #tpu.memory_space<vmem>> -> memref<128xi32, #tpu.memory_space<vmem>>
    %dma_wait3A_55 = arith.constant 0 : i32
    %dma_wait3A_56 = arith.constant 0 : i32
    %dma_wait3A_57 = tpu.memref_slice %arg2[%dma_wait3A_55, %dma_wait3A_56] : memref<40000x128xf32, #tpu.memory_space<hbm>> -> memref<40000x128xf32, #tpu.memory_space<hbm>>
    tpu.wait_indirect_dma semaphore(%arg9 : memref<!tpu.dma_semaphore, #tpu.memory_space<semaphore_mem>>) src(%dma_wait3A_57 : memref<40000x128xf32, #tpu.memory_space<hbm>>) dst(%dma_wait3A_51 : memref<128x128xf32, #tpu.memory_space<vmem>>)
    %scan3A_58 = arith.constant 0 : i32
    %scan3A_59 = arith.constant 0 : i32
    %scan3A_60 = arith.constant 80 : i32
    %scan3A_61 = arith.addi %scan3A_59, %scan3A_60 : i32
    %scan3A_62 = arith.constant 1 : i32
    scf.for %scan3A_172 = %scan3A_59 to %scan3A_61 step %scan3A_62  : i32 {
      %rem3A = arith.constant 2 : i32
      %rem3A_173 = arith.remsi %scan3A_172, %rem3A : i32
      %add3A_174 = arith.constant 1 : i32
      %add3A_175 = arith.addi %scan3A_172, %add3A_174 : i32
      %rem3A_176 = arith.constant 2 : i32
      %rem3A_177 = arith.remsi %add3A_175, %rem3A_176 : i32
      %dma_start3A_178 = arith.constant 0 : i32
      %dma_start3A_179 = arith.constant 0 : i32
      %dma_start3A_180 = tpu.memref_slice %arg8[%rem3A_173, %dma_start3A_178, %dma_start3A_179] : memref<2x128x128xf32, #tpu.memory_space<vmem>> -> memref<1x128x128xf32, #tpu.memory_space<vmem>>
      %dma_start3A_181 = tpu.memref_squeeze %dma_start3A_180 : memref<1x128x128xf32, #tpu.memory_space<vmem>> -> memref<128x128xf32, #tpu.memory_space<vmem>>
      %dma_start3A_182 = arith.constant 0 : i32
      %dma_start3A_183 = tpu.memref_slice %arg7[%rem3A_173, %dma_start3A_182] : memref<2x128xi32, #tpu.memory_space<vmem>> -> memref<1x128xi32, #tpu.memory_space<vmem>>
      %dma_start3A_184 = tpu.memref_squeeze %dma_start3A_183 : memref<1x128xi32, #tpu.memory_space<vmem>> -> memref<128xi32, #tpu.memory_space<vmem>>
      %dma_start3A_185 = arith.constant 0 : i32
      %dma_start3A_186 = arith.constant 0 : i32
      %dma_start3A_187 = tpu.memref_slice %arg11[%dma_start3A_185, %dma_start3A_186] : memref<10112x128xf32, #tpu.memory_space<vmem_shared>> -> memref<10112x128xf32, #tpu.memory_space<vmem_shared>>
      tpu.enqueue_indirect_dma source(%dma_start3A_181 : memref<128x128xf32, #tpu.memory_space<vmem>>) target(%dma_start3A_187 : memref<10112x128xf32, #tpu.memory_space<vmem_shared>>) offsets(%dma_start3A_184 : memref<128xi32, #tpu.memory_space<vmem>>) semaphore(%arg10 : memref<!tpu.dma_semaphore, #tpu.memory_space<semaphore_mem>>) {add = true}
      %lt3A = arith.constant 79 : i32
      %lt3A_188 = arith.cmpi slt, %scan3A_172, %lt3A : i32
      %convert_element_type3A_189 = arith.extui %lt3A_188 : i1 to i32
      %cond3A_190 = arith.constant 0 : i32
      %cond3A_191 = arith.cmpi ne, %convert_element_type3A_189, %cond3A_190 : i32
      scf.if %cond3A_191 {
        %add3A_202 = arith.constant 1 : i32
        %add3A_203 = arith.addi %scan3A_172, %add3A_202 : i32
        %scan3A_204 = arith.constant 0 : i32
        %scan3A_205 = arith.constant 0 : i32
        %scan3A_206 = arith.constant 8 : i32
        %scan3A_207 = arith.addi %scan3A_205, %scan3A_206 : i32
        %scan3A_208 = arith.constant 1 : i32
        scf.for %scan3A_230 = %scan3A_205 to %scan3A_207 step %scan3A_208  : i32 {
          %mul3A_231 = arith.constant 16 : i32
          %mul3A_232 = arith.muli %scan3A_230, %mul3A_231 : i32
          %get3A = arith.index_cast %add3A_203 : i32 to index
          %get3A_233 = arith.index_cast %mul3A_232 : i32 to index
          %get3A_234 = tpu.vector_load %arg5[%get3A, %get3A_233] {strides = array<i32>} : memref<80x128xi32, #tpu.memory_space<vmem>>, vector<1x16xi32>,
          %get3A_235 = vector.shape_cast %get3A_234 : vector<1x16xi32> to vector<16xi32>
          %shift_right_arithmetic3A = arith.constant 16 : i32
          %shift_right_arithmetic3A_236 = vector.broadcast %shift_right_arithmetic3A : i32 to vector<16xi32>
          %shift_right_arithmetic3A_237 = arith.shrsi %get3A_235, %shift_right_arithmetic3A_236 : vector<16xi32>
          %swap3A = arith.index_cast %rem3A_177 : i32 to index
          %swap3A_238 = arith.index_cast %mul3A_232 : i32 to index
          %swap3A_239 = tpu.vector_load %arg7[%swap3A, %swap3A_238] {strides = array<i32>} : memref<2x128xi32, #tpu.memory_space<vmem>>, vector<1x16xi32>,
          %swap3A_240 = vector.shape_cast %swap3A_239 : vector<1x16xi32> to vector<16xi32>
          %swap3A_241 = vector.shape_cast %shift_right_arithmetic3A_237 : vector<16xi32> to vector<1x16xi32>
          tpu.vector_store %arg7[%swap3A, %swap3A_238], %swap3A_241 {strides = array<i32>} : memref<2x128xi32, #tpu.memory_space<vmem>>, vector<1x16xi32>,
          %and3A = arith.constant 65535 : i32
          %and3A_242 = vector.broadcast %and3A : i32 to vector<16xi32>
          %and3A_243 = arith.andi %get3A_235, %and3A_242 : vector<16xi32>
          %add3A_244 = arith.addi %and3A_243, %broadcast_in_dim3A_11 : vector<16xi32>
          %swap3A_245 = arith.index_cast %rem3A_177 : i32 to index
          %swap3A_246 = arith.index_cast %mul3A_232 : i32 to index
          %swap3A_247 = tpu.vector_load %arg6[%swap3A_245, %swap3A_246] {strides = array<i32>} : memref<2x128xi32, #tpu.memory_space<vmem>>, vector<1x16xi32>,
          %swap3A_248 = vector.shape_cast %swap3A_247 : vector<1x16xi32> to vector<16xi32>
          %swap3A_249 = vector.shape_cast %add3A_244 : vector<16xi32> to vector<1x16xi32>
          tpu.vector_store %arg6[%swap3A_245, %swap3A_246], %swap3A_249 {strides = array<i32>} : memref<2x128xi32, #tpu.memory_space<vmem>>, vector<1x16xi32>,
        }
        %scan3A_209 = arith.constant 8 : i32
        %dma_start3A_210 = arith.constant 0 : i32
        %dma_start3A_211 = arith.constant 0 : i32
        %dma_start3A_212 = tpu.memref_slice %arg8[%rem3A_177, %dma_start3A_210, %dma_start3A_211] : memref<2x128x128xf32, #tpu.memory_space<vmem>> -> memref<1x128x128xf32, #tpu.memory_space<vmem>>
        %dma_start3A_213 = tpu.memref_squeeze %dma_start3A_212 : memref<1x128x128xf32, #tpu.memory_space<vmem>> -> memref<128x128xf32, #tpu.memory_space<vmem>>
        %dma_start3A_214 = arith.constant 0 : i32
        %dma_start3A_215 = tpu.memref_slice %arg6[%rem3A_177, %dma_start3A_214] : memref<2x128xi32, #tpu.memory_space<vmem>> -> memref<1x128xi32, #tpu.memory_space<vmem>>
        %dma_start3A_216 = tpu.memref_squeeze %dma_start3A_215 : memref<1x128xi32, #tpu.memory_space<vmem>> -> memref<128xi32, #tpu.memory_space<vmem>>
        %dma_start3A_217 = arith.constant 0 : i32
        %dma_start3A_218 = arith.constant 0 : i32
        %dma_start3A_219 = tpu.memref_slice %arg2[%dma_start3A_217, %dma_start3A_218] : memref<40000x128xf32, #tpu.memory_space<hbm>> -> memref<40000x128xf32, #tpu.memory_space<hbm>>
        tpu.enqueue_indirect_dma source(%dma_start3A_219 : memref<40000x128xf32, #tpu.memory_space<hbm>>) target(%dma_start3A_213 : memref<128x128xf32, #tpu.memory_space<vmem>>) offsets(%dma_start3A_216 : memref<128xi32, #tpu.memory_space<vmem>>) semaphore(%arg9 : memref<!tpu.dma_semaphore, #tpu.memory_space<semaphore_mem>>)
        %dma_wait3A_220 = arith.constant 0 : i32
        %dma_wait3A_221 = arith.constant 0 : i32
        %dma_wait3A_222 = tpu.memref_slice %arg8[%rem3A_177, %dma_wait3A_220, %dma_wait3A_221] : memref<2x128x128xf32, #tpu.memory_space<vmem>> -> memref<1x128x128xf32, #tpu.memory_space<vmem>>
        %dma_wait3A_223 = tpu.memref_squeeze %dma_wait3A_222 : memref<1x128x128xf32, #tpu.memory_space<vmem>> -> memref<128x128xf32, #tpu.memory_space<vmem>>
        %dma_wait3A_224 = arith.constant 0 : i32
        %dma_wait3A_225 = tpu.memref_slice %arg6[%rem3A_177, %dma_wait3A_224] : memref<2x128xi32, #tpu.memory_space<vmem>> -> memref<1x128xi32, #tpu.memory_space<vmem>>
        %dma_wait3A_226 = tpu.memref_squeeze %dma_wait3A_225 : memref<1x128xi32, #tpu.memory_space<vmem>> -> memref<128xi32, #tpu.memory_space<vmem>>
        %dma_wait3A_227 = arith.constant 0 : i32
        %dma_wait3A_228 = arith.constant 0 : i32
        %dma_wait3A_229 = tpu.memref_slice %arg2[%dma_wait3A_227, %dma_wait3A_228] : memref<40000x128xf32, #tpu.memory_space<hbm>> -> memref<40000x128xf32, #tpu.memory_space<hbm>>
        tpu.wait_indirect_dma semaphore(%arg9 : memref<!tpu.dma_semaphore, #tpu.memory_space<semaphore_mem>>) src(%dma_wait3A_229 : memref<40000x128xf32, #tpu.memory_space<hbm>>) dst(%dma_wait3A_223 : memref<128x128xf32, #tpu.memory_space<vmem>>)
      } else {
      }
      %dma_wait3A_192 = arith.constant 0 : i32
      %dma_wait3A_193 = arith.constant 0 : i32
      %dma_wait3A_194 = tpu.memref_slice %arg8[%rem3A_173, %dma_wait3A_192, %dma_wait3A_193] : memref<2x128x128xf32, #tpu.memory_space<vmem>> -> memref<1x128x128xf32, #tpu.memory_space<vmem>>
      %dma_wait3A_195 = tpu.memref_squeeze %dma_wait3A_194 : memref<1x128x128xf32, #tpu.memory_space<vmem>> -> memref<128x128xf32, #tpu.memory_space<vmem>>
      %dma_wait3A_196 = arith.constant 0 : i32
      %dma_wait3A_197 = tpu.memref_slice %arg7[%rem3A_173, %dma_wait3A_196] : memref<2x128xi32, #tpu.memory_space<vmem>> -> memref<1x128xi32, #tpu.memory_space<vmem>>
      %dma_wait3A_198 = tpu.memref_squeeze %dma_wait3A_197 : memref<1x128xi32, #tpu.memory_space<vmem>> -> memref<128xi32, #tpu.memory_space<vmem>>
      %dma_wait3A_199 = arith.constant 0 : i32
      %dma_wait3A_200 = arith.constant 0 : i32
      %dma_wait3A_201 = tpu.memref_slice %arg11[%dma_wait3A_199, %dma_wait3A_200] : memref<10112x128xf32, #tpu.memory_space<vmem_shared>> -> memref<10112x128xf32, #tpu.memory_space<vmem_shared>>
      tpu.wait_indirect_dma semaphore(%arg10 : memref<!tpu.dma_semaphore, #tpu.memory_space<semaphore_mem>>) src(%dma_wait3A_195 : memref<128x128xf32, #tpu.memory_space<vmem>>) dst(%dma_wait3A_201 : memref<10112x128xf32, #tpu.memory_space<vmem_shared>>)
    }
    %scan3A_63 = arith.constant 80 : i32
    %barrier3A_64 = arith.constant 0 : index
    tpu.barrier barrier_id(%barrier3A_64)
    %mul3A_65 = arith.constant 5 : i32
    %mul3A_66 = arith.muli %arg1, %mul3A_65 : i32
    %add3A_67 = arith.constant 5 : i32
    %add3A_68 = arith.addi %mul3A_66, %add3A_67 : i32
    %min3A_69 = arith.constant 78 : i32
    %min3A_70 = arith.minsi %min3A_69, %add3A_68 : i32
    %while3A_71 = arith.constant 0 : i32
    %while3A_72 = arith.subi %min3A_70, %mul3A_66 : i32
    %while3A_73 = arith.addi %mul3A_66, %while3A_72 : i32
    %while3A_74 = arith.constant 1 : i32
    %while3A_75 = arith.divsi %while3A_72, %while3A_74 : i32
    %while3A_76 = arith.muli %while3A_75, %while3A_74 : i32
    %while3A_77 = arith.addi %mul3A_66, %while3A_76 : i32
    %while3A_78 = arith.constant 1 : i32
    scf.for %while3A_172 = %mul3A_66 to %while3A_77 step %while3A_78  : i32 {
      %mul3A_173 = arith.constant 128 : i32
      %mul3A_174 = arith.muli %while3A_172, %mul3A_173 : i32
      %run_scoped3A = arith.constant 0 : i32
      "tpu.region"() ({
        %run_scoped3A_177 = tpu.sem_alloc : memref<!tpu.dma_semaphore, #tpu.memory_space<semaphore_mem>>
        %dma_start3A_178 = arith.constant 0 : i32
        %dma_start3A_179 = arith.constant 0 : i32
        %dma_start3A_180 = tpu.memref_slice %arg8[%run_scoped3A, %dma_start3A_178, %dma_start3A_179] : memref<2x128x128xf32, #tpu.memory_space<vmem>> -> memref<1x128x128xf32, #tpu.memory_space<vmem>>
        %dma_start3A_181 = tpu.memref_squeeze %dma_start3A_180 : memref<1x128x128xf32, #tpu.memory_space<vmem>> -> memref<128x128xf32, #tpu.memory_space<vmem>>
        %dma_start3A_182 = arith.constant 0 : i32
        %dma_start3A_183 = tpu.memref_slice %arg11[%mul3A_174, %dma_start3A_182] : memref<10112x128xf32, #tpu.memory_space<vmem_shared>> -> memref<128x128xf32, #tpu.memory_space<vmem_shared>>
        %dma_start3A_184 = arith.constant 0 : i32
        %dma_start3A_185 = arith.constant 0 : i32
        %dma_start3A_186 = tpu.memref_slice %arg8[%run_scoped3A, %dma_start3A_184, %dma_start3A_185] : memref<2x128x128xf32, #tpu.memory_space<vmem>> -> memref<1x128x128xf32, #tpu.memory_space<vmem>>
        %dma_start3A_187 = tpu.memref_squeeze %dma_start3A_186 : memref<1x128x128xf32, #tpu.memory_space<vmem>> -> memref<128x128xf32, #tpu.memory_space<vmem>>
        %dma_start3A_188 = arith.constant 0 : i32
        %dma_start3A_189 = tpu.memref_slice %arg11[%mul3A_174, %dma_start3A_188] : memref<10112x128xf32, #tpu.memory_space<vmem_shared>> -> memref<128x128xf32, #tpu.memory_space<vmem_shared>>
        tpu.enqueue_dma source(%dma_start3A_189 : memref<128x128xf32, #tpu.memory_space<vmem_shared>>) target(%dma_start3A_187 : memref<128x128xf32, #tpu.memory_space<vmem>>) target_semaphore(%run_scoped3A_177 : memref<!tpu.dma_semaphore, #tpu.memory_space<semaphore_mem>>)
        %dma_wait3A_190 = arith.constant 0 : i32
        %dma_wait3A_191 = arith.constant 0 : i32
        %dma_wait3A_192 = tpu.memref_slice %arg8[%run_scoped3A, %dma_wait3A_190, %dma_wait3A_191] : memref<2x128x128xf32, #tpu.memory_space<vmem>> -> memref<1x128x128xf32, #tpu.memory_space<vmem>>
        %dma_wait3A_193 = tpu.memref_squeeze %dma_wait3A_192 : memref<1x128x128xf32, #tpu.memory_space<vmem>> -> memref<128x128xf32, #tpu.memory_space<vmem>>
        %dma_wait3A_194 = arith.constant 0 : i32
        %dma_wait3A_195 = tpu.memref_slice %arg11[%mul3A_174, %dma_wait3A_194] : memref<10112x128xf32, #tpu.memory_space<vmem_shared>> -> memref<128x128xf32, #tpu.memory_space<vmem_shared>>
        %dma_wait3A_196 = arith.constant 0 : i32
        %dma_wait3A_197 = arith.constant 0 : i32
        %dma_wait3A_198 = tpu.memref_slice %arg8[%run_scoped3A, %dma_wait3A_196, %dma_wait3A_197] : memref<2x128x128xf32, #tpu.memory_space<vmem>> -> memref<1x128x128xf32, #tpu.memory_space<vmem>>
        %dma_wait3A_199 = tpu.memref_squeeze %dma_wait3A_198 : memref<1x128x128xf32, #tpu.memory_space<vmem>> -> memref<128x128xf32, #tpu.memory_space<vmem>>
        %dma_wait3A_200 = arith.constant 0 : i32
        %dma_wait3A_201 = tpu.memref_slice %arg11[%mul3A_174, %dma_wait3A_200] : memref<10112x128xf32, #tpu.memory_space<vmem_shared>> -> memref<128x128xf32, #tpu.memory_space<vmem_shared>>
        tpu.wait_dma2 semaphore(%run_scoped3A_177 : memref<!tpu.dma_semaphore, #tpu.memory_space<semaphore_mem>>) src(%dma_wait3A_201 : memref<128x128xf32, #tpu.memory_space<vmem_shared>>) dst(%dma_wait3A_199 : memref<128x128xf32, #tpu.memory_space<vmem>>)
        tpu.yield
      }) : () -> ()
      %add3A_175 = arith.addi %mul3A_8, %mul3A_174 : i32
      %run_scoped3A_176 = arith.constant 0 : i32
      "tpu.region"() ({
        %run_scoped3A_177 = tpu.sem_alloc : memref<!tpu.dma_semaphore, #tpu.memory_space<semaphore_mem>>
        %dma_start3A_178 = arith.constant 0 : i32
        %dma_start3A_179 = arith.constant 0 : i32
        %dma_start3A_180 = tpu.memref_slice %arg8[%run_scoped3A_176, %dma_start3A_178, %dma_start3A_179] : memref<2x128x128xf32, #tpu.memory_space<vmem>> -> memref<1x128x128xf32, #tpu.memory_space<vmem>>
        %dma_start3A_181 = tpu.memref_squeeze %dma_start3A_180 : memref<1x128x128xf32, #tpu.memory_space<vmem>> -> memref<128x128xf32, #tpu.memory_space<vmem>>
        %dma_start3A_182 = arith.constant 0 : i32
        %dma_start3A_183 = tpu.memref_slice %arg4[%add3A_175, %dma_start3A_182] : memref<40000x128xf32, #tpu.memory_space<hbm>> -> memref<128x128xf32, #tpu.memory_space<hbm>>
        %dma_start3A_184 = arith.constant 0 : i32
        %dma_start3A_185 = tpu.memref_slice %arg4[%add3A_175, %dma_start3A_184] : memref<40000x128xf32, #tpu.memory_space<hbm>> -> memref<128x128xf32, #tpu.memory_space<hbm>>
        %dma_start3A_186 = arith.constant 0 : i32
        %dma_start3A_187 = arith.constant 0 : i32
        %dma_start3A_188 = tpu.memref_slice %arg8[%run_scoped3A_176, %dma_start3A_186, %dma_start3A_187] : memref<2x128x128xf32, #tpu.memory_space<vmem>> -> memref<1x128x128xf32, #tpu.memory_space<vmem>>
        %dma_start3A_189 = tpu.memref_squeeze %dma_start3A_188 : memref<1x128x128xf32, #tpu.memory_space<vmem>> -> memref<128x128xf32, #tpu.memory_space<vmem>>
        tpu.enqueue_dma source(%dma_start3A_189 : memref<128x128xf32, #tpu.memory_space<vmem>>) target(%dma_start3A_185 : memref<128x128xf32, #tpu.memory_space<hbm>>) target_semaphore(%run_scoped3A_177 : memref<!tpu.dma_semaphore, #tpu.memory_space<semaphore_mem>>)
        %dma_wait3A_190 = arith.constant 0 : i32
        %dma_wait3A_191 = arith.constant 0 : i32
        %dma_wait3A_192 = tpu.memref_slice %arg8[%run_scoped3A_176, %dma_wait3A_190, %dma_wait3A_191] : memref<2x128x128xf32, #tpu.memory_space<vmem>> -> memref<1x128x128xf32, #tpu.memory_space<vmem>>
        %dma_wait3A_193 = tpu.memref_squeeze %dma_wait3A_192 : memref<1x128x128xf32, #tpu.memory_space<vmem>> -> memref<128x128xf32, #tpu.memory_space<vmem>>
        %dma_wait3A_194 = arith.constant 0 : i32
        %dma_wait3A_195 = tpu.memref_slice %arg4[%add3A_175, %dma_wait3A_194] : memref<40000x128xf32, #tpu.memory_space<hbm>> -> memref<128x128xf32, #tpu.memory_space<hbm>>
        %dma_wait3A_196 = arith.constant 0 : i32
        %dma_wait3A_197 = tpu.memref_slice %arg4[%add3A_175, %dma_wait3A_196] : memref<40000x128xf32, #tpu.memory_space<hbm>> -> memref<128x128xf32, #tpu.memory_space<hbm>>
        %dma_wait3A_198 = arith.constant 0 : i32
        %dma_wait3A_199 = arith.constant 0 : i32
        %dma_wait3A_200 = tpu.memref_slice %arg8[%run_scoped3A_176, %dma_wait3A_198, %dma_wait3A_199] : memref<2x128x128xf32, #tpu.memory_space<vmem>> -> memref<1x128x128xf32, #tpu.memory_space<vmem>>
        %dma_wait3A_201 = tpu.memref_squeeze %dma_wait3A_200 : memref<1x128x128xf32, #tpu.memory_space<vmem>> -> memref<128x128xf32, #tpu.memory_space<vmem>>
        tpu.wait_dma2 semaphore(%run_scoped3A_177 : memref<!tpu.dma_semaphore, #tpu.memory_space<semaphore_mem>>) src(%dma_wait3A_201 : memref<128x128xf32, #tpu.memory_space<vmem>>) dst(%dma_wait3A_197 : memref<128x128xf32, #tpu.memory_space<hbm>>)
        tpu.yield
      }) : () -> ()
    }
    %while3A_79 = arith.constant 1 : i32
    scf.for %while3A_172 = %while3A_77 to %while3A_73 step %while3A_79  : i32 {
      %mul3A_173 = arith.constant 128 : i32
      %mul3A_174 = arith.muli %while3A_172, %mul3A_173 : i32
      %run_scoped3A = arith.constant 0 : i32
      "tpu.region"() ({
        %run_scoped3A_177 = tpu.sem_alloc : memref<!tpu.dma_semaphore, #tpu.memory_space<semaphore_mem>>
        %dma_start3A_178 = arith.constant 0 : i32
        %dma_start3A_179 = arith.constant 0 : i32
        %dma_start3A_180 = tpu.memref_slice %arg8[%run_scoped3A, %dma_start3A_178, %dma_start3A_179] : memref<2x128x128xf32, #tpu.memory_space<vmem>> -> memref<1x128x128xf32, #tpu.memory_space<vmem>>
        %dma_start3A_181 = tpu.memref_squeeze %dma_start3A_180 : memref<1x128x128xf32, #tpu.memory_space<vmem>> -> memref<128x128xf32, #tpu.memory_space<vmem>>
        %dma_start3A_182 = arith.constant 0 : i32
        %dma_start3A_183 = tpu.memref_slice %arg11[%mul3A_174, %dma_start3A_182] : memref<10112x128xf32, #tpu.memory_space<vmem_shared>> -> memref<128x128xf32, #tpu.memory_space<vmem_shared>>
        %dma_start3A_184 = arith.constant 0 : i32
        %dma_start3A_185 = arith.constant 0 : i32
        %dma_start3A_186 = tpu.memref_slice %arg8[%run_scoped3A, %dma_start3A_184, %dma_start3A_185] : memref<2x128x128xf32, #tpu.memory_space<vmem>> -> memref<1x128x128xf32, #tpu.memory_space<vmem>>
        %dma_start3A_187 = tpu.memref_squeeze %dma_start3A_186 : memref<1x128x128xf32, #tpu.memory_space<vmem>> -> memref<128x128xf32, #tpu.memory_space<vmem>>
        %dma_start3A_188 = arith.constant 0 : i32
        %dma_start3A_189 = tpu.memref_slice %arg11[%mul3A_174, %dma_start3A_188] : memref<10112x128xf32, #tpu.memory_space<vmem_shared>> -> memref<128x128xf32, #tpu.memory_space<vmem_shared>>
        tpu.enqueue_dma source(%dma_start3A_189 : memref<128x128xf32, #tpu.memory_space<vmem_shared>>) target(%dma_start3A_187 : memref<128x128xf32, #tpu.memory_space<vmem>>) target_semaphore(%run_scoped3A_177 : memref<!tpu.dma_semaphore, #tpu.memory_space<semaphore_mem>>)
        %dma_wait3A_190 = arith.constant 0 : i32
        %dma_wait3A_191 = arith.constant 0 : i32
        %dma_wait3A_192 = tpu.memref_slice %arg8[%run_scoped3A, %dma_wait3A_190, %dma_wait3A_191] : memref<2x128x128xf32, #tpu.memory_space<vmem>> -> memref<1x128x128xf32, #tpu.memory_space<vmem>>
        %dma_wait3A_193 = tpu.memref_squeeze %dma_wait3A_192 : memref<1x128x128xf32, #tpu.memory_space<vmem>> -> memref<128x128xf32, #tpu.memory_space<vmem>>
        %dma_wait3A_194 = arith.constant 0 : i32
        %dma_wait3A_195 = tpu.memref_slice %arg11[%mul3A_174, %dma_wait3A_194] : memref<10112x128xf32, #tpu.memory_space<vmem_shared>> -> memref<128x128xf32, #tpu.memory_space<vmem_shared>>
        %dma_wait3A_196 = arith.constant 0 : i32
        %dma_wait3A_197 = arith.constant 0 : i32
        %dma_wait3A_198 = tpu.memref_slice %arg8[%run_scoped3A, %dma_wait3A_196, %dma_wait3A_197] : memref<2x128x128xf32, #tpu.memory_space<vmem>> -> memref<1x128x128xf32, #tpu.memory_space<vmem>>
        %dma_wait3A_199 = tpu.memref_squeeze %dma_wait3A_198 : memref<1x128x128xf32, #tpu.memory_space<vmem>> -> memref<128x128xf32, #tpu.memory_space<vmem>>
        %dma_wait3A_200 = arith.constant 0 : i32
        %dma_wait3A_201 = tpu.memref_slice %arg11[%mul3A_174, %dma_wait3A_200] : memref<10112x128xf32, #tpu.memory_space<vmem_shared>> -> memref<128x128xf32, #tpu.memory_space<vmem_shared>>
        tpu.wait_dma2 semaphore(%run_scoped3A_177 : memref<!tpu.dma_semaphore, #tpu.memory_space<semaphore_mem>>) src(%dma_wait3A_201 : memref<128x128xf32, #tpu.memory_space<vmem_shared>>) dst(%dma_wait3A_199 : memref<128x128xf32, #tpu.memory_space<vmem>>)
        tpu.yield
      }) : () -> ()
      %add3A_175 = arith.addi %mul3A_8, %mul3A_174 : i32
      %run_scoped3A_176 = arith.constant 0 : i32
      "tpu.region"() ({
        %run_scoped3A_177 = tpu.sem_alloc : memref<!tpu.dma_semaphore, #tpu.memory_space<semaphore_mem>>
        %dma_start3A_178 = arith.constant 0 : i32
        %dma_start3A_179 = arith.constant 0 : i32
        %dma_start3A_180 = tpu.memref_slice %arg8[%run_scoped3A_176, %dma_start3A_178, %dma_start3A_179] : memref<2x128x128xf32, #tpu.memory_space<vmem>> -> memref<1x128x128xf32, #tpu.memory_space<vmem>>
        %dma_start3A_181 = tpu.memref_squeeze %dma_start3A_180 : memref<1x128x128xf32, #tpu.memory_space<vmem>> -> memref<128x128xf32, #tpu.memory_space<vmem>>
        %dma_start3A_182 = arith.constant 0 : i32
        %dma_start3A_183 = tpu.memref_slice %arg4[%add3A_175, %dma_start3A_182] : memref<40000x128xf32, #tpu.memory_space<hbm>> -> memref<128x128xf32, #tpu.memory_space<hbm>>
        %dma_start3A_184 = arith.constant 0 : i32
        %dma_start3A_185 = tpu.memref_slice %arg4[%add3A_175, %dma_start3A_184] : memref<40000x128xf32, #tpu.memory_space<hbm>> -> memref<128x128xf32, #tpu.memory_space<hbm>>
        %dma_start3A_186 = arith.constant 0 : i32
        %dma_start3A_187 = arith.constant 0 : i32
        %dma_start3A_188 = tpu.memref_slice %arg8[%run_scoped3A_176, %dma_start3A_186, %dma_start3A_187] : memref<2x128x128xf32, #tpu.memory_space<vmem>> -> memref<1x128x128xf32, #tpu.memory_space<vmem>>
        %dma_start3A_189 = tpu.memref_squeeze %dma_start3A_188 : memref<1x128x128xf32, #tpu.memory_space<vmem>> -> memref<128x128xf32, #tpu.memory_space<vmem>>
        tpu.enqueue_dma source(%dma_start3A_189 : memref<128x128xf32, #tpu.memory_space<vmem>>) target(%dma_start3A_185 : memref<128x128xf32, #tpu.memory_space<hbm>>) target_semaphore(%run_scoped3A_177 : memref<!tpu.dma_semaphore, #tpu.memory_space<semaphore_mem>>)
        %dma_wait3A_190 = arith.constant 0 : i32
        %dma_wait3A_191 = arith.constant 0 : i32
        %dma_wait3A_192 = tpu.memref_slice %arg8[%run_scoped3A_176, %dma_wait3A_190, %dma_wait3A_191] : memref<2x128x128xf32, #tpu.memory_space<vmem>> -> memref<1x128x128xf32, #tpu.memory_space<vmem>>
        %dma_wait3A_193 = tpu.memref_squeeze %dma_wait3A_192 : memref<1x128x128xf32, #tpu.memory_space<vmem>> -> memref<128x128xf32, #tpu.memory_space<vmem>>
        %dma_wait3A_194 = arith.constant 0 : i32
        %dma_wait3A_195 = tpu.memref_slice %arg4[%add3A_175, %dma_wait3A_194] : memref<40000x128xf32, #tpu.memory_space<hbm>> -> memref<128x128xf32, #tpu.memory_space<hbm>>
        %dma_wait3A_196 = arith.constant 0 : i32
        %dma_wait3A_197 = tpu.memref_slice %arg4[%add3A_175, %dma_wait3A_196] : memref<40000x128xf32, #tpu.memory_space<hbm>> -> memref<128x128xf32, #tpu.memory_space<hbm>>
        %dma_wait3A_198 = arith.constant 0 : i32
        %dma_wait3A_199 = arith.constant 0 : i32
        %dma_wait3A_200 = tpu.memref_slice %arg8[%run_scoped3A_176, %dma_wait3A_198, %dma_wait3A_199] : memref<2x128x128xf32, #tpu.memory_space<vmem>> -> memref<1x128x128xf32, #tpu.memory_space<vmem>>
        %dma_wait3A_201 = tpu.memref_squeeze %dma_wait3A_200 : memref<1x128x128xf32, #tpu.memory_space<vmem>> -> memref<128x128xf32, #tpu.memory_space<vmem>>
        tpu.wait_dma2 semaphore(%run_scoped3A_177 : memref<!tpu.dma_semaphore, #tpu.memory_space<semaphore_mem>>) src(%dma_wait3A_201 : memref<128x128xf32, #tpu.memory_space<vmem>>) dst(%dma_wait3A_197 : memref<128x128xf32, #tpu.memory_space<hbm>>)
        tpu.yield
      }) : () -> ()
    }
    %eq3A = arith.constant 15 : i32
    %eq3A_80 = arith.cmpi eq, %arg1, %eq3A : i32
    %convert_element_type3A = arith.extui %eq3A_80 : i1 to i32
    %cond3A = arith.constant 0 : i32
    %cond3A_81 = arith.cmpi ne, %convert_element_type3A, %cond3A : i32
    scf.if %cond3A_81 {
      %run_scoped3A = arith.constant 0 : i32
      "tpu.region"() ({
        %run_scoped3A_175 = tpu.sem_alloc : memref<!tpu.dma_semaphore, #tpu.memory_space<semaphore_mem>>
        %dma_start3A_176 = arith.constant 0 : i32
        %dma_start3A_177 = arith.constant 0 : i32
        %dma_start3A_178 = tpu.memref_slice %arg8[%run_scoped3A, %dma_start3A_176, %dma_start3A_177] : memref<2x128x128xf32, #tpu.memory_space<vmem>> -> memref<1x16x128xf32, #tpu.memory_space<vmem>>
        %dma_start3A_179 = tpu.memref_squeeze %dma_start3A_178 : memref<1x16x128xf32, #tpu.memory_space<vmem>> -> memref<16x128xf32, #tpu.memory_space<vmem>>
        %dma_start3A_180 = arith.constant 9984 : i32
        %dma_start3A_181 = arith.constant 0 : i32
        %dma_start3A_182 = tpu.memref_slice %arg11[%dma_start3A_180, %dma_start3A_181] : memref<10112x128xf32, #tpu.memory_space<vmem_shared>> -> memref<16x128xf32, #tpu.memory_space<vmem_shared>>
        %dma_start3A_183 = arith.constant 0 : i32
        %dma_start3A_184 = arith.constant 0 : i32
        %dma_start3A_185 = tpu.memref_slice %arg8[%run_scoped3A, %dma_start3A_183, %dma_start3A_184] : memref<2x128x128xf32, #tpu.memory_space<vmem>> -> memref<1x16x128xf32, #tpu.memory_space<vmem>>
        %dma_start3A_186 = tpu.memref_squeeze %dma_start3A_185 : memref<1x16x128xf32, #tpu.memory_space<vmem>> -> memref<16x128xf32, #tpu.memory_space<vmem>>
        %dma_start3A_187 = arith.constant 9984 : i32
        %dma_start3A_188 = arith.constant 0 : i32
        %dma_start3A_189 = tpu.memref_slice %arg11[%dma_start3A_187, %dma_start3A_188] : memref<10112x128xf32, #tpu.memory_space<vmem_shared>> -> memref<16x128xf32, #tpu.memory_space<vmem_shared>>
        tpu.enqueue_dma source(%dma_start3A_189 : memref<16x128xf32, #tpu.memory_space<vmem_shared>>) target(%dma_start3A_186 : memref<16x128xf32, #tpu.memory_space<vmem>>) target_semaphore(%run_scoped3A_175 : memref<!tpu.dma_semaphore, #tpu.memory_space<semaphore_mem>>)
        %dma_wait3A_190 = arith.constant 0 : i32
        %dma_wait3A_191 = arith.constant 0 : i32
        %dma_wait3A_192 = tpu.memref_slice %arg8[%run_scoped3A, %dma_wait3A_190, %dma_wait3A_191] : memref<2x128x128xf32, #tpu.memory_space<vmem>> -> memref<1x16x128xf32, #tpu.memory_space<vmem>>
        %dma_wait3A_193 = tpu.memref_squeeze %dma_wait3A_192 : memref<1x16x128xf32, #tpu.memory_space<vmem>> -> memref<16x128xf32, #tpu.memory_space<vmem>>
        %dma_wait3A_194 = arith.constant 9984 : i32
        %dma_wait3A_195 = arith.constant 0 : i32
        %dma_wait3A_196 = tpu.memref_slice %arg11[%dma_wait3A_194, %dma_wait3A_195] : memref<10112x128xf32, #tpu.memory_space<vmem_shared>> -> memref<16x128xf32, #tpu.memory_space<vmem_shared>>
        %dma_wait3A_197 = arith.constant 0 : i32
        %dma_wait3A_198 = arith.constant 0 : i32
        %dma_wait3A_199 = tpu.memref_slice %arg8[%run_scoped3A, %dma_wait3A_197, %dma_wait3A_198] : memref<2x128x128xf32, #tpu.memory_space<vmem>> -> memref<1x16x128xf32, #tpu.memory_space<vmem>>
        %dma_wait3A_200 = tpu.memref_squeeze %dma_wait3A_199 : memref<1x16x128xf32, #tpu.memory_space<vmem>> -> memref<16x128xf32, #tpu.memory_space<vmem>>
        %dma_wait3A_201 = arith.constant 9984 : i32
        %dma_wait3A_202 = arith.constant 0 : i32
        %dma_wait3A_203 = tpu.memref_slice %arg11[%dma_wait3A_201, %dma_wait3A_202] : memref<10112x128xf32, #tpu.memory_space<vmem_shared>> -> memref<16x128xf32, #tpu.memory_space<vmem_shared>>
        tpu.wait_dma2 semaphore(%run_scoped3A_175 : memref<!tpu.dma_semaphore, #tpu.memory_space<semaphore_mem>>) src(%dma_wait3A_203 : memref<16x128xf32, #tpu.memory_space<vmem_shared>>) dst(%dma_wait3A_200 : memref<16x128xf32, #tpu.memory_space<vmem>>)
        tpu.yield
      }) : () -> ()
      %add3A_172 = arith.constant 9984 : i32
      %add3A_173 = arith.addi %mul3A_8, %add3A_172 : i32
      %run_scoped3A_174 = arith.constant 0 : i32
      "tpu.region"() ({
        %run_scoped3A_175 = tpu.sem_alloc : memref<!tpu.dma_semaphore, #tpu.memory_space<semaphore_mem>>
        %dma_start3A_176 = arith.constant 0 : i32
        %dma_start3A_177 = arith.constant 0 : i32
        %dma_start3A_178 = tpu.memref_slice %arg8[%run_scoped3A_174, %dma_start3A_176, %dma_start3A_177] : memref<2x128x128xf32, #tpu.memory_space<vmem>> -> memref<1x16x128xf32, #tpu.memory_space<vmem>>
        %dma_start3A_179 = tpu.memref_squeeze %dma_start3A_178 : memref<1x16x128xf32, #tpu.memory_space<vmem>> -> memref<16x128xf32, #tpu.memory_space<vmem>>
        %dma_start3A_180 = arith.constant 0 : i32
        %dma_start3A_181 = tpu.memref_slice %arg4[%add3A_173, %dma_start3A_180] : memref<40000x128xf32, #tpu.memory_space<hbm>> -> memref<16x128xf32, #tpu.memory_space<hbm>>
        %dma_start3A_182 = arith.constant 0 : i32
        %dma_start3A_183 = tpu.memref_slice %arg4[%add3A_173, %dma_start3A_182] : memref<40000x128xf32, #tpu.memory_space<hbm>> -> memref<16x128xf32, #tpu.memory_space<hbm>>
        %dma_start3A_184 = arith.constant 0 : i32
        %dma_start3A_185 = arith.constant 0 : i32
        %dma_start3A_186 = tpu.memref_slice %arg8[%run_scoped3A_174, %dma_start3A_184, %dma_start3A_185] : memref<2x128x128xf32, #tpu.memory_space<vmem>> -> memref<1x16x128xf32, #tpu.memory_space<vmem>>
        %dma_start3A_187 = tpu.memref_squeeze %dma_start3A_186 : memref<1x16x128xf32, #tpu.memory_space<vmem>> -> memref<16x128xf32, #tpu.memory_space<vmem>>
        tpu.enqueue_dma source(%dma_start3A_187 : memref<16x128xf32, #tpu.memory_space<vmem>>) target(%dma_start3A_183 : memref<16x128xf32, #tpu.memory_space<hbm>>) target_semaphore(%run_scoped3A_175 : memref<!tpu.dma_semaphore, #tpu.memory_space<semaphore_mem>>)
        %dma_wait3A_188 = arith.constant 0 : i32
        %dma_wait3A_189 = arith.constant 0 : i32
        %dma_wait3A_190 = tpu.memref_slice %arg8[%run_scoped3A_174, %dma_wait3A_188, %dma_wait3A_189] : memref<2x128x128xf32, #tpu.memory_space<vmem>> -> memref<1x16x128xf32, #tpu.memory_space<vmem>>
        %dma_wait3A_191 = tpu.memref_squeeze %dma_wait3A_190 : memref<1x16x128xf32, #tpu.memory_space<vmem>> -> memref<16x128xf32, #tpu.memory_space<vmem>>
        %dma_wait3A_192 = arith.constant 0 : i32
        %dma_wait3A_193 = tpu.memref_slice %arg4[%add3A_173, %dma_wait3A_192] : memref<40000x128xf32, #tpu.memory_space<hbm>> -> memref<16x128xf32, #tpu.memory_space<hbm>>
        %dma_wait3A_194 = arith.constant 0 : i32
        %dma_wait3A_195 = tpu.memref_slice %arg4[%add3A_173, %dma_wait3A_194] : memref<40000x128xf32, #tpu.memory_space<hbm>> -> memref<16x128xf32, #tpu.memory_space<hbm>>
        %dma_wait3A_196 = arith.constant 0 : i32
        %dma_wait3A_197 = arith.constant 0 : i32
        %dma_wait3A_198 = tpu.memref_slice %arg8[%run_scoped3A_174, %dma_wait3A_196, %dma_wait3A_197] : memref<2x128x128xf32, #tpu.memory_space<vmem>> -> memref<1x16x128xf32, #tpu.memory_space<vmem>>
        %dma_wait3A_199 = tpu.memref_squeeze %dma_wait3A_198 : memref<1x16x128xf32, #tpu.memory_space<vmem>> -> memref<16x128xf32, #tpu.memory_space<vmem>>
        tpu.wait_dma2 semaphore(%run_scoped3A_175 : memref<!tpu.dma_semaphore, #tpu.memory_space<semaphore_mem>>) src(%dma_wait3A_199 : memref<16x128xf32, #tpu.memory_space<vmem>>) dst(%dma_wait3A_195 : memref<16x128xf32, #tpu.memory_space<hbm>>)
        tpu.yield
      }) : () -> ()
    } else {
    }
    %barrier3A_82 = arith.constant 0 : index
    tpu.barrier barrier_id(%barrier3A_82)
    %mul3A_83 = arith.constant 2 : i32
    %mul3A_84 = arith.muli %arg0, %mul3A_83 : i32
    %add3A_85 = arith.constant 1 : i32
    %add3A_86 = arith.addi %mul3A_84, %add3A_85 : i32
    %mul3A_87 = arith.constant 10000 : i32
    %mul3A_88 = arith.muli %add3A_86, %mul3A_87 : i32
    %mul3A_89 = arith.constant 10000 : i32
    %mul3A_90 = arith.muli %add3A_86, %mul3A_89 : i32
    %broadcast_in_dim3A_91 = vector.broadcast %mul3A_90 : i32 to vector<16xi32>
    %scan3A_92 = arith.constant 0 : i32
    %scan3A_93 = arith.constant 0 : i32
    %scan3A_94 = arith.constant 1024 : i32
    %scan3A_95 = arith.addi %scan3A_93, %scan3A_94 : i32
    %scan3A_96 = arith.constant 1 : i32
    scf.for %scan3A_172 = %scan3A_93 to %scan3A_95 step %scan3A_96  : i32 {
      %jit3A = arith.constant 8 : i32
      %div3A = arith.divsi %scan3A_172, %jit3A : i32
      %sign3A = arith.constant 0 : i32
      %sign3A_173 = arith.cmpi sgt, %scan3A_172, %sign3A : i32
      %sign3A_174 = arith.extui %sign3A_173 : i1 to i32
      %sign3A_175 = arith.constant 0 : i32
      %sign3A_176 = arith.cmpi slt, %scan3A_172, %sign3A_175 : i32
      %sign3A_177 = arith.extui %sign3A_176 : i1 to i32
      %sign3A_178 = arith.subi %sign3A_174, %sign3A_177 : i32
      %sign3A_179 = arith.constant 0 : i32
      %sign3A_180 = arith.cmpi sgt, %jit3A, %sign3A_179 : i32
      %sign3A_181 = arith.extui %sign3A_180 : i1 to i32
      %sign3A_182 = arith.constant 0 : i32
      %sign3A_183 = arith.cmpi slt, %jit3A, %sign3A_182 : i32
      %sign3A_184 = arith.extui %sign3A_183 : i1 to i32
      %sign3A_185 = arith.subi %sign3A_181, %sign3A_184 : i32
      %ne3A = arith.cmpi ne, %sign3A_178, %sign3A_185 : i32
      %rem3A = arith.remsi %scan3A_172, %jit3A : i32
      %ne3A_186 = arith.constant 0 : i32
      %ne3A_187 = arith.cmpi ne, %rem3A, %ne3A_186 : i32
      %and3A = arith.andi %ne3A, %ne3A_187 : i1
      %sub3A = arith.constant 1 : i32
      %sub3A_188 = arith.subi %div3A, %sub3A : i32
      %select_n3A = arith.select %and3A, %sub3A_188, %div3A : i32
      %jit3A_189 = arith.constant 8 : i32
      %eq3A_190 = arith.constant 0 : i32
      %eq3A_191 = arith.cmpi eq, %jit3A_189, %eq3A_190 : i32
      %jit3A_192 = arith.constant 1 : i32
      %select_n3A_193 = arith.select %eq3A_191, %jit3A_192, %jit3A_189 : i32
      %rem3A_194 = arith.remsi %scan3A_172, %select_n3A_193 : i32
      %ne3A_195 = arith.constant 0 : i32
      %ne3A_196 = arith.cmpi ne, %rem3A_194, %ne3A_195 : i32
      %lt3A = arith.constant 0 : i32
      %lt3A_197 = arith.cmpi slt, %rem3A_194, %lt3A : i32
      %lt3A_198 = arith.constant 0 : i32
      %lt3A_199 = arith.cmpi slt, %select_n3A_193, %lt3A_198 : i32
      %ne3A_200 = arith.xori %lt3A_197, %lt3A_199 : i1
      %and3A_201 = arith.andi %ne3A_200, %ne3A_196 : i1
      %add3A_202 = arith.addi %rem3A_194, %select_n3A_193 : i32
      %select_n3A_203 = arith.select %and3A_201, %add3A_202, %rem3A_194 : i32
      %mul3A_204 = arith.constant 16 : i32
      %mul3A_205 = arith.muli %select_n3A_203, %mul3A_204 : i32
      %swap3A = arith.constant 0 : i32
      %swap3A_206 = arith.index_cast %swap3A : i32 to index
      %swap3A_207 = arith.index_cast %select_n3A : i32 to index
      %swap3A_208 = arith.index_cast %mul3A_205 : i32 to index
      %swap3A_209 = tpu.vector_load %arg8[%swap3A_206, %swap3A_207, %swap3A_208] {strides = array<i32>} : memref<2x128x128xf32, #tpu.memory_space<vmem>>, vector<1x1x16xf32>,
      %swap3A_210 = vector.shape_cast %swap3A_209 : vector<1x1x16xf32> to vector<16xf32>
      %swap3A_211 = vector.shape_cast %broadcast_in_dim3A_0 : vector<16xf32> to vector<1x1x16xf32>
      tpu.vector_store %arg8[%swap3A_206, %swap3A_207, %swap3A_208], %swap3A_211 {strides = array<i32>} : memref<2x128x128xf32, #tpu.memory_space<vmem>>, vector<1x1x16xf32>,
    }
    %scan3A_97 = arith.constant 1024 : i32
    %mul3A_98 = arith.constant 5 : i32
    %mul3A_99 = arith.muli %arg1, %mul3A_98 : i32
    %add3A_100 = arith.constant 5 : i32
    %add3A_101 = arith.addi %mul3A_99, %add3A_100 : i32
    %min3A_102 = arith.constant 79 : i32
    %min3A_103 = arith.minsi %min3A_102, %add3A_101 : i32
    %while3A_104 = arith.constant 0 : i32
    %while3A_105 = arith.subi %min3A_103, %mul3A_99 : i32
    %while3A_106 = arith.addi %mul3A_99, %while3A_105 : i32
    %while3A_107 = arith.constant 1 : i32
    %while3A_108 = arith.divsi %while3A_105, %while3A_107 : i32
    %while3A_109 = arith.muli %while3A_108, %while3A_107 : i32
    %while3A_110 = arith.addi %mul3A_99, %while3A_109 : i32
    %while3A_111 = arith.constant 1 : i32
    scf.for %while3A_172 = %mul3A_99 to %while3A_110 step %while3A_111  : i32 {
      %mul3A_173 = arith.constant 128 : i32
      %mul3A_174 = arith.muli %while3A_172, %mul3A_173 : i32
      %run_scoped3A = arith.constant 0 : i32
      "tpu.region"() ({
        %run_scoped3A_175 = tpu.sem_alloc : memref<!tpu.dma_semaphore, #tpu.memory_space<semaphore_mem>>
        %dma_start3A_176 = arith.constant 0 : i32
        %dma_start3A_177 = arith.constant 0 : i32
        %dma_start3A_178 = tpu.memref_slice %arg8[%run_scoped3A, %dma_start3A_176, %dma_start3A_177] : memref<2x128x128xf32, #tpu.memory_space<vmem>> -> memref<1x128x128xf32, #tpu.memory_space<vmem>>
        %dma_start3A_179 = tpu.memref_squeeze %dma_start3A_178 : memref<1x128x128xf32, #tpu.memory_space<vmem>> -> memref<128x128xf32, #tpu.memory_space<vmem>>
        %dma_start3A_180 = arith.constant 0 : i32
        %dma_start3A_181 = tpu.memref_slice %arg11[%mul3A_174, %dma_start3A_180] : memref<10112x128xf32, #tpu.memory_space<vmem_shared>> -> memref<128x128xf32, #tpu.memory_space<vmem_shared>>
        %dma_start3A_182 = arith.constant 0 : i32
        %dma_start3A_183 = tpu.memref_slice %arg11[%mul3A_174, %dma_start3A_182] : memref<10112x128xf32, #tpu.memory_space<vmem_shared>> -> memref<128x128xf32, #tpu.memory_space<vmem_shared>>
        %dma_start3A_184 = arith.constant 0 : i32
        %dma_start3A_185 = arith.constant 0 : i32
        %dma_start3A_186 = tpu.memref_slice %arg8[%run_scoped3A, %dma_start3A_184, %dma_start3A_185] : memref<2x128x128xf32, #tpu.memory_space<vmem>> -> memref<1x128x128xf32, #tpu.memory_space<vmem>>
        %dma_start3A_187 = tpu.memref_squeeze %dma_start3A_186 : memref<1x128x128xf32, #tpu.memory_space<vmem>> -> memref<128x128xf32, #tpu.memory_space<vmem>>
        tpu.enqueue_dma source(%dma_start3A_187 : memref<128x128xf32, #tpu.memory_space<vmem>>) target(%dma_start3A_183 : memref<128x128xf32, #tpu.memory_space<vmem_shared>>) target_semaphore(%run_scoped3A_175 : memref<!tpu.dma_semaphore, #tpu.memory_space<semaphore_mem>>)
        %dma_wait3A_188 = arith.constant 0 : i32
        %dma_wait3A_189 = arith.constant 0 : i32
        %dma_wait3A_190 = tpu.memref_slice %arg8[%run_scoped3A, %dma_wait3A_188, %dma_wait3A_189] : memref<2x128x128xf32, #tpu.memory_space<vmem>> -> memref<1x128x128xf32, #tpu.memory_space<vmem>>
        %dma_wait3A_191 = tpu.memref_squeeze %dma_wait3A_190 : memref<1x128x128xf32, #tpu.memory_space<vmem>> -> memref<128x128xf32, #tpu.memory_space<vmem>>
        %dma_wait3A_192 = arith.constant 0 : i32
        %dma_wait3A_193 = tpu.memref_slice %arg11[%mul3A_174, %dma_wait3A_192] : memref<10112x128xf32, #tpu.memory_space<vmem_shared>> -> memref<128x128xf32, #tpu.memory_space<vmem_shared>>
        %dma_wait3A_194 = arith.constant 0 : i32
        %dma_wait3A_195 = tpu.memref_slice %arg11[%mul3A_174, %dma_wait3A_194] : memref<10112x128xf32, #tpu.memory_space<vmem_shared>> -> memref<128x128xf32, #tpu.memory_space<vmem_shared>>
        %dma_wait3A_196 = arith.constant 0 : i32
        %dma_wait3A_197 = arith.constant 0 : i32
        %dma_wait3A_198 = tpu.memref_slice %arg8[%run_scoped3A, %dma_wait3A_196, %dma_wait3A_197] : memref<2x128x128xf32, #tpu.memory_space<vmem>> -> memref<1x128x128xf32, #tpu.memory_space<vmem>>
        %dma_wait3A_199 = tpu.memref_squeeze %dma_wait3A_198 : memref<1x128x128xf32, #tpu.memory_space<vmem>> -> memref<128x128xf32, #tpu.memory_space<vmem>>
        tpu.wait_dma2 semaphore(%run_scoped3A_175 : memref<!tpu.dma_semaphore, #tpu.memory_space<semaphore_mem>>) src(%dma_wait3A_199 : memref<128x128xf32, #tpu.memory_space<vmem>>) dst(%dma_wait3A_195 : memref<128x128xf32, #tpu.memory_space<vmem_shared>>)
        tpu.yield
      }) : () -> ()
    }
    %while3A_112 = arith.constant 1 : i32
    scf.for %while3A_172 = %while3A_110 to %while3A_106 step %while3A_112  : i32 {
      %mul3A_173 = arith.constant 128 : i32
      %mul3A_174 = arith.muli %while3A_172, %mul3A_173 : i32
      %run_scoped3A = arith.constant 0 : i32
      "tpu.region"() ({
        %run_scoped3A_175 = tpu.sem_alloc : memref<!tpu.dma_semaphore, #tpu.memory_space<semaphore_mem>>
        %dma_start3A_176 = arith.constant 0 : i32
        %dma_start3A_177 = arith.constant 0 : i32
        %dma_start3A_178 = tpu.memref_slice %arg8[%run_scoped3A, %dma_start3A_176, %dma_start3A_177] : memref<2x128x128xf32, #tpu.memory_space<vmem>> -> memref<1x128x128xf32, #tpu.memory_space<vmem>>
        %dma_start3A_179 = tpu.memref_squeeze %dma_start3A_178 : memref<1x128x128xf32, #tpu.memory_space<vmem>> -> memref<128x128xf32, #tpu.memory_space<vmem>>
        %dma_start3A_180 = arith.constant 0 : i32
        %dma_start3A_181 = tpu.memref_slice %arg11[%mul3A_174, %dma_start3A_180] : memref<10112x128xf32, #tpu.memory_space<vmem_shared>> -> memref<128x128xf32, #tpu.memory_space<vmem_shared>>
        %dma_start3A_182 = arith.constant 0 : i32
        %dma_start3A_183 = tpu.memref_slice %arg11[%mul3A_174, %dma_start3A_182] : memref<10112x128xf32, #tpu.memory_space<vmem_shared>> -> memref<128x128xf32, #tpu.memory_space<vmem_shared>>
        %dma_start3A_184 = arith.constant 0 : i32
        %dma_start3A_185 = arith.constant 0 : i32
        %dma_start3A_186 = tpu.memref_slice %arg8[%run_scoped3A, %dma_start3A_184, %dma_start3A_185] : memref<2x128x128xf32, #tpu.memory_space<vmem>> -> memref<1x128x128xf32, #tpu.memory_space<vmem>>
        %dma_start3A_187 = tpu.memref_squeeze %dma_start3A_186 : memref<1x128x128xf32, #tpu.memory_space<vmem>> -> memref<128x128xf32, #tpu.memory_space<vmem>>
        tpu.enqueue_dma source(%dma_start3A_187 : memref<128x128xf32, #tpu.memory_space<vmem>>) target(%dma_start3A_183 : memref<128x128xf32, #tpu.memory_space<vmem_shared>>) target_semaphore(%run_scoped3A_175 : memref<!tpu.dma_semaphore, #tpu.memory_space<semaphore_mem>>)
        %dma_wait3A_188 = arith.constant 0 : i32
        %dma_wait3A_189 = arith.constant 0 : i32
        %dma_wait3A_190 = tpu.memref_slice %arg8[%run_scoped3A, %dma_wait3A_188, %dma_wait3A_189] : memref<2x128x128xf32, #tpu.memory_space<vmem>> -> memref<1x128x128xf32, #tpu.memory_space<vmem>>
        %dma_wait3A_191 = tpu.memref_squeeze %dma_wait3A_190 : memref<1x128x128xf32, #tpu.memory_space<vmem>> -> memref<128x128xf32, #tpu.memory_space<vmem>>
        %dma_wait3A_192 = arith.constant 0 : i32
        %dma_wait3A_193 = tpu.memref_slice %arg11[%mul3A_174, %dma_wait3A_192] : memref<10112x128xf32, #tpu.memory_space<vmem_shared>> -> memref<128x128xf32, #tpu.memory_space<vmem_shared>>
        %dma_wait3A_194 = arith.constant 0 : i32
        %dma_wait3A_195 = tpu.memref_slice %arg11[%mul3A_174, %dma_wait3A_194] : memref<10112x128xf32, #tpu.memory_space<vmem_shared>> -> memref<128x128xf32, #tpu.memory_space<vmem_shared>>
        %dma_wait3A_196 = arith.constant 0 : i32
        %dma_wait3A_197 = arith.constant 0 : i32
        %dma_wait3A_198 = tpu.memref_slice %arg8[%run_scoped3A, %dma_wait3A_196, %dma_wait3A_197] : memref<2x128x128xf32, #tpu.memory_space<vmem>> -> memref<1x128x128xf32, #tpu.memory_space<vmem>>
        %dma_wait3A_199 = tpu.memref_squeeze %dma_wait3A_198 : memref<1x128x128xf32, #tpu.memory_space<vmem>> -> memref<128x128xf32, #tpu.memory_space<vmem>>
        tpu.wait_dma2 semaphore(%run_scoped3A_175 : memref<!tpu.dma_semaphore, #tpu.memory_space<semaphore_mem>>) src(%dma_wait3A_199 : memref<128x128xf32, #tpu.memory_space<vmem>>) dst(%dma_wait3A_195 : memref<128x128xf32, #tpu.memory_space<vmem_shared>>)
        tpu.yield
      }) : () -> ()
    }
    %barrier3A_113 = arith.constant 0 : index
    tpu.barrier barrier_id(%barrier3A_113)
    %scan3A_114 = arith.constant 0 : i32
    %scan3A_115 = arith.constant 0 : i32
    %scan3A_116 = arith.constant 8 : i32
    %scan3A_117 = arith.addi %scan3A_115, %scan3A_116 : i32
    %scan3A_118 = arith.constant 1 : i32
    scf.for %scan3A_172 = %scan3A_115 to %scan3A_117 step %scan3A_118  : i32 {
      %mul3A_173 = arith.constant 16 : i32
      %mul3A_174 = arith.muli %scan3A_172, %mul3A_173 : i32
      %get3A = arith.constant 0 : i32
      %get3A_175 = arith.index_cast %get3A : i32 to index
      %get3A_176 = arith.index_cast %mul3A_174 : i32 to index
      %get3A_177 = tpu.vector_load %arg5[%get3A_175, %get3A_176] {strides = array<i32>} : memref<80x128xi32, #tpu.memory_space<vmem>>, vector<1x16xi32>,
      %get3A_178 = vector.shape_cast %get3A_177 : vector<1x16xi32> to vector<16xi32>
      %shift_right_arithmetic3A = arith.constant 16 : i32
      %shift_right_arithmetic3A_179 = vector.broadcast %shift_right_arithmetic3A : i32 to vector<16xi32>
      %shift_right_arithmetic3A_180 = arith.shrsi %get3A_178, %shift_right_arithmetic3A_179 : vector<16xi32>
      %swap3A = arith.constant 0 : i32
      %swap3A_181 = arith.index_cast %swap3A : i32 to index
      %swap3A_182 = arith.index_cast %mul3A_174 : i32 to index
      %swap3A_183 = tpu.vector_load %arg7[%swap3A_181, %swap3A_182] {strides = array<i32>} : memref<2x128xi32, #tpu.memory_space<vmem>>, vector<1x16xi32>,
      %swap3A_184 = vector.shape_cast %swap3A_183 : vector<1x16xi32> to vector<16xi32>
      %swap3A_185 = vector.shape_cast %shift_right_arithmetic3A_180 : vector<16xi32> to vector<1x16xi32>
      tpu.vector_store %arg7[%swap3A_181, %swap3A_182], %swap3A_185 {strides = array<i32>} : memref<2x128xi32, #tpu.memory_space<vmem>>, vector<1x16xi32>,
      %and3A = arith.constant 65535 : i32
      %and3A_186 = vector.broadcast %and3A : i32 to vector<16xi32>
      %and3A_187 = arith.andi %get3A_178, %and3A_186 : vector<16xi32>
      %add3A_188 = arith.addi %and3A_187, %broadcast_in_dim3A_91 : vector<16xi32>
      %swap3A_189 = arith.constant 0 : i32
      %swap3A_190 = arith.index_cast %swap3A_189 : i32 to index
      %swap3A_191 = arith.index_cast %mul3A_174 : i32 to index
      %swap3A_192 = tpu.vector_load %arg6[%swap3A_190, %swap3A_191] {strides = array<i32>} : memref<2x128xi32, #tpu.memory_space<vmem>>, vector<1x16xi32>,
      %swap3A_193 = vector.shape_cast %swap3A_192 : vector<1x16xi32> to vector<16xi32>
      %swap3A_194 = vector.shape_cast %add3A_188 : vector<16xi32> to vector<1x16xi32>
      tpu.vector_store %arg6[%swap3A_190, %swap3A_191], %swap3A_194 {strides = array<i32>} : memref<2x128xi32, #tpu.memory_space<vmem>>, vector<1x16xi32>,
    }
    %scan3A_119 = arith.constant 8 : i32
    %dma_start3A_120 = arith.constant 0 : i32
    %dma_start3A_121 = arith.constant 0 : i32
    %dma_start3A_122 = arith.constant 0 : i32
    %dma_start3A_123 = arith.constant 0 : i32
    %dma_start3A_124 = tpu.memref_slice %arg8[%dma_start3A_121, %dma_start3A_122, %dma_start3A_123] : memref<2x128x128xf32, #tpu.memory_space<vmem>> -> memref<1x128x128xf32, #tpu.memory_space<vmem>>
    %dma_start3A_125 = tpu.memref_squeeze %dma_start3A_124 : memref<1x128x128xf32, #tpu.memory_space<vmem>> -> memref<128x128xf32, #tpu.memory_space<vmem>>
    %dma_start3A_126 = arith.constant 0 : i32
    %dma_start3A_127 = tpu.memref_slice %arg6[%dma_start3A_120, %dma_start3A_126] : memref<2x128xi32, #tpu.memory_space<vmem>> -> memref<1x128xi32, #tpu.memory_space<vmem>>
    %dma_start3A_128 = tpu.memref_squeeze %dma_start3A_127 : memref<1x128xi32, #tpu.memory_space<vmem>> -> memref<128xi32, #tpu.memory_space<vmem>>
    %dma_start3A_129 = arith.constant 0 : i32
    %dma_start3A_130 = arith.constant 0 : i32
    %dma_start3A_131 = tpu.memref_slice %arg2[%dma_start3A_129, %dma_start3A_130] : memref<40000x128xf32, #tpu.memory_space<hbm>> -> memref<40000x128xf32, #tpu.memory_space<hbm>>
    tpu.enqueue_indirect_dma source(%dma_start3A_131 : memref<40000x128xf32, #tpu.memory_space<hbm>>) target(%dma_start3A_125 : memref<128x128xf32, #tpu.memory_space<vmem>>) offsets(%dma_start3A_128 : memref<128xi32, #tpu.memory_space<vmem>>) semaphore(%arg9 : memref<!tpu.dma_semaphore, #tpu.memory_space<semaphore_mem>>)
    %dma_wait3A_132 = arith.constant 0 : i32
    %dma_wait3A_133 = arith.constant 0 : i32
    %dma_wait3A_134 = arith.constant 0 : i32
    %dma_wait3A_135 = arith.constant 0 : i32
    %dma_wait3A_136 = tpu.memref_slice %arg8[%dma_wait3A_133, %dma_wait3A_134, %dma_wait3A_135] : memref<2x128x128xf32, #tpu.memory_space<vmem>> -> memref<1x128x128xf32, #tpu.memory_space<vmem>>
    %dma_wait3A_137 = tpu.memref_squeeze %dma_wait3A_136 : memref<1x128x128xf32, #tpu.memory_space<vmem>> -> memref<128x128xf32, #tpu.memory_space<vmem>>
    %dma_wait3A_138 = arith.constant 0 : i32
    %dma_wait3A_139 = tpu.memref_slice %arg6[%dma_wait3A_132, %dma_wait3A_138] : memref<2x128xi32, #tpu.memory_space<vmem>> -> memref<1x128xi32, #tpu.memory_space<vmem>>
    %dma_wait3A_140 = tpu.memref_squeeze %dma_wait3A_139 : memref<1x128xi32, #tpu.memory_space<vmem>> -> memref<128xi32, #tpu.memory_space<vmem>>
    %dma_wait3A_141 = arith.constant 0 : i32
    %dma_wait3A_142 = arith.constant 0 : i32
    %dma_wait3A_143 = tpu.memref_slice %arg2[%dma_wait3A_141, %dma_wait3A_142] : memref<40000x128xf32, #tpu.memory_space<hbm>> -> memref<40000x128xf32, #tpu.memory_space<hbm>>
    tpu.wait_indirect_dma semaphore(%arg9 : memref<!tpu.dma_semaphore, #tpu.memory_space<semaphore_mem>>) src(%dma_wait3A_143 : memref<40000x128xf32, #tpu.memory_space<hbm>>) dst(%dma_wait3A_137 : memref<128x128xf32, #tpu.memory_space<vmem>>)
    %scan3A_144 = arith.constant 0 : i32
    %scan3A_145 = arith.constant 0 : i32
    %scan3A_146 = arith.constant 80 : i32
    %scan3A_147 = arith.addi %scan3A_145, %scan3A_146 : i32
    %scan3A_148 = arith.constant 1 : i32
    scf.for %scan3A_172 = %scan3A_145 to %scan3A_147 step %scan3A_148  : i32 {
      %rem3A = arith.constant 2 : i32
      %rem3A_173 = arith.remsi %scan3A_172, %rem3A : i32
      %add3A_174 = arith.constant 1 : i32
      %add3A_175 = arith.addi %scan3A_172, %add3A_174 : i32
      %rem3A_176 = arith.constant 2 : i32
      %rem3A_177 = arith.remsi %add3A_175, %rem3A_176 : i32
      %dma_start3A_178 = arith.constant 0 : i32
      %dma_start3A_179 = arith.constant 0 : i32
      %dma_start3A_180 = tpu.memref_slice %arg8[%rem3A_173, %dma_start3A_178, %dma_start3A_179] : memref<2x128x128xf32, #tpu.memory_space<vmem>> -> memref<1x128x128xf32, #tpu.memory_space<vmem>>
      %dma_start3A_181 = tpu.memref_squeeze %dma_start3A_180 : memref<1x128x128xf32, #tpu.memory_space<vmem>> -> memref<128x128xf32, #tpu.memory_space<vmem>>
      %dma_start3A_182 = arith.constant 0 : i32
      %dma_start3A_183 = tpu.memref_slice %arg7[%rem3A_173, %dma_start3A_182] : memref<2x128xi32, #tpu.memory_space<vmem>> -> memref<1x128xi32, #tpu.memory_space<vmem>>
      %dma_start3A_184 = tpu.memref_squeeze %dma_start3A_183 : memref<1x128xi32, #tpu.memory_space<vmem>> -> memref<128xi32, #tpu.memory_space<vmem>>
      %dma_start3A_185 = arith.constant 0 : i32
      %dma_start3A_186 = arith.constant 0 : i32
      %dma_start3A_187 = tpu.memref_slice %arg11[%dma_start3A_185, %dma_start3A_186] : memref<10112x128xf32, #tpu.memory_space<vmem_shared>> -> memref<10112x128xf32, #tpu.memory_space<vmem_shared>>
      tpu.enqueue_indirect_dma source(%dma_start3A_181 : memref<128x128xf32, #tpu.memory_space<vmem>>) target(%dma_start3A_187 : memref<10112x128xf32, #tpu.memory_space<vmem_shared>>) offsets(%dma_start3A_184 : memref<128xi32, #tpu.memory_space<vmem>>) semaphore(%arg10 : memref<!tpu.dma_semaphore, #tpu.memory_space<semaphore_mem>>) {add = true}
      %lt3A = arith.constant 79 : i32
      %lt3A_188 = arith.cmpi slt, %scan3A_172, %lt3A : i32
      %convert_element_type3A_189 = arith.extui %lt3A_188 : i1 to i32
      %cond3A_190 = arith.constant 0 : i32
      %cond3A_191 = arith.cmpi ne, %convert_element_type3A_189, %cond3A_190 : i32
      scf.if %cond3A_191 {
        %add3A_202 = arith.constant 1 : i32
        %add3A_203 = arith.addi %scan3A_172, %add3A_202 : i32
        %scan3A_204 = arith.constant 0 : i32
        %scan3A_205 = arith.constant 0 : i32
        %scan3A_206 = arith.constant 8 : i32
        %scan3A_207 = arith.addi %scan3A_205, %scan3A_206 : i32
        %scan3A_208 = arith.constant 1 : i32
        scf.for %scan3A_230 = %scan3A_205 to %scan3A_207 step %scan3A_208  : i32 {
          %mul3A_231 = arith.constant 16 : i32
          %mul3A_232 = arith.muli %scan3A_230, %mul3A_231 : i32
          %get3A = arith.index_cast %add3A_203 : i32 to index
          %get3A_233 = arith.index_cast %mul3A_232 : i32 to index
          %get3A_234 = tpu.vector_load %arg5[%get3A, %get3A_233] {strides = array<i32>} : memref<80x128xi32, #tpu.memory_space<vmem>>, vector<1x16xi32>,
          %get3A_235 = vector.shape_cast %get3A_234 : vector<1x16xi32> to vector<16xi32>
          %shift_right_arithmetic3A = arith.constant 16 : i32
          %shift_right_arithmetic3A_236 = vector.broadcast %shift_right_arithmetic3A : i32 to vector<16xi32>
          %shift_right_arithmetic3A_237 = arith.shrsi %get3A_235, %shift_right_arithmetic3A_236 : vector<16xi32>
          %swap3A = arith.index_cast %rem3A_177 : i32 to index
          %swap3A_238 = arith.index_cast %mul3A_232 : i32 to index
          %swap3A_239 = tpu.vector_load %arg7[%swap3A, %swap3A_238] {strides = array<i32>} : memref<2x128xi32, #tpu.memory_space<vmem>>, vector<1x16xi32>,
          %swap3A_240 = vector.shape_cast %swap3A_239 : vector<1x16xi32> to vector<16xi32>
          %swap3A_241 = vector.shape_cast %shift_right_arithmetic3A_237 : vector<16xi32> to vector<1x16xi32>
          tpu.vector_store %arg7[%swap3A, %swap3A_238], %swap3A_241 {strides = array<i32>} : memref<2x128xi32, #tpu.memory_space<vmem>>, vector<1x16xi32>,
          %and3A = arith.constant 65535 : i32
          %and3A_242 = vector.broadcast %and3A : i32 to vector<16xi32>
          %and3A_243 = arith.andi %get3A_235, %and3A_242 : vector<16xi32>
          %add3A_244 = arith.addi %and3A_243, %broadcast_in_dim3A_91 : vector<16xi32>
          %swap3A_245 = arith.index_cast %rem3A_177 : i32 to index
          %swap3A_246 = arith.index_cast %mul3A_232 : i32 to index
          %swap3A_247 = tpu.vector_load %arg6[%swap3A_245, %swap3A_246] {strides = array<i32>} : memref<2x128xi32, #tpu.memory_space<vmem>>, vector<1x16xi32>,
          %swap3A_248 = vector.shape_cast %swap3A_247 : vector<1x16xi32> to vector<16xi32>
          %swap3A_249 = vector.shape_cast %add3A_244 : vector<16xi32> to vector<1x16xi32>
          tpu.vector_store %arg6[%swap3A_245, %swap3A_246], %swap3A_249 {strides = array<i32>} : memref<2x128xi32, #tpu.memory_space<vmem>>, vector<1x16xi32>,
        }
        %scan3A_209 = arith.constant 8 : i32
        %dma_start3A_210 = arith.constant 0 : i32
        %dma_start3A_211 = arith.constant 0 : i32
        %dma_start3A_212 = tpu.memref_slice %arg8[%rem3A_177, %dma_start3A_210, %dma_start3A_211] : memref<2x128x128xf32, #tpu.memory_space<vmem>> -> memref<1x128x128xf32, #tpu.memory_space<vmem>>
        %dma_start3A_213 = tpu.memref_squeeze %dma_start3A_212 : memref<1x128x128xf32, #tpu.memory_space<vmem>> -> memref<128x128xf32, #tpu.memory_space<vmem>>
        %dma_start3A_214 = arith.constant 0 : i32
        %dma_start3A_215 = tpu.memref_slice %arg6[%rem3A_177, %dma_start3A_214] : memref<2x128xi32, #tpu.memory_space<vmem>> -> memref<1x128xi32, #tpu.memory_space<vmem>>
        %dma_start3A_216 = tpu.memref_squeeze %dma_start3A_215 : memref<1x128xi32, #tpu.memory_space<vmem>> -> memref<128xi32, #tpu.memory_space<vmem>>
        %dma_start3A_217 = arith.constant 0 : i32
        %dma_start3A_218 = arith.constant 0 : i32
        %dma_start3A_219 = tpu.memref_slice %arg2[%dma_start3A_217, %dma_start3A_218] : memref<40000x128xf32, #tpu.memory_space<hbm>> -> memref<40000x128xf32, #tpu.memory_space<hbm>>
        tpu.enqueue_indirect_dma source(%dma_start3A_219 : memref<40000x128xf32, #tpu.memory_space<hbm>>) target(%dma_start3A_213 : memref<128x128xf32, #tpu.memory_space<vmem>>) offsets(%dma_start3A_216 : memref<128xi32, #tpu.memory_space<vmem>>) semaphore(%arg9 : memref<!tpu.dma_semaphore, #tpu.memory_space<semaphore_mem>>)
        %dma_wait3A_220 = arith.constant 0 : i32
        %dma_wait3A_221 = arith.constant 0 : i32
        %dma_wait3A_222 = tpu.memref_slice %arg8[%rem3A_177, %dma_wait3A_220, %dma_wait3A_221] : memref<2x128x128xf32, #tpu.memory_space<vmem>> -> memref<1x128x128xf32, #tpu.memory_space<vmem>>
        %dma_wait3A_223 = tpu.memref_squeeze %dma_wait3A_222 : memref<1x128x128xf32, #tpu.memory_space<vmem>> -> memref<128x128xf32, #tpu.memory_space<vmem>>
        %dma_wait3A_224 = arith.constant 0 : i32
        %dma_wait3A_225 = tpu.memref_slice %arg6[%rem3A_177, %dma_wait3A_224] : memref<2x128xi32, #tpu.memory_space<vmem>> -> memref<1x128xi32, #tpu.memory_space<vmem>>
        %dma_wait3A_226 = tpu.memref_squeeze %dma_wait3A_225 : memref<1x128xi32, #tpu.memory_space<vmem>> -> memref<128xi32, #tpu.memory_space<vmem>>
        %dma_wait3A_227 = arith.constant 0 : i32
        %dma_wait3A_228 = arith.constant 0 : i32
        %dma_wait3A_229 = tpu.memref_slice %arg2[%dma_wait3A_227, %dma_wait3A_228] : memref<40000x128xf32, #tpu.memory_space<hbm>> -> memref<40000x128xf32, #tpu.memory_space<hbm>>
        tpu.wait_indirect_dma semaphore(%arg9 : memref<!tpu.dma_semaphore, #tpu.memory_space<semaphore_mem>>) src(%dma_wait3A_229 : memref<40000x128xf32, #tpu.memory_space<hbm>>) dst(%dma_wait3A_223 : memref<128x128xf32, #tpu.memory_space<vmem>>)
      } else {
      }
      %dma_wait3A_192 = arith.constant 0 : i32
      %dma_wait3A_193 = arith.constant 0 : i32
      %dma_wait3A_194 = tpu.memref_slice %arg8[%rem3A_173, %dma_wait3A_192, %dma_wait3A_193] : memref<2x128x128xf32, #tpu.memory_space<vmem>> -> memref<1x128x128xf32, #tpu.memory_space<vmem>>
      %dma_wait3A_195 = tpu.memref_squeeze %dma_wait3A_194 : memref<1x128x128xf32, #tpu.memory_space<vmem>> -> memref<128x128xf32, #tpu.memory_space<vmem>>
      %dma_wait3A_196 = arith.constant 0 : i32
      %dma_wait3A_197 = tpu.memref_slice %arg7[%rem3A_173, %dma_wait3A_196] : memref<2x128xi32, #tpu.memory_space<vmem>> -> memref<1x128xi32, #tpu.memory_space<vmem>>
      %dma_wait3A_198 = tpu.memref_squeeze %dma_wait3A_197 : memref<1x128xi32, #tpu.memory_space<vmem>> -> memref<128xi32, #tpu.memory_space<vmem>>
      %dma_wait3A_199 = arith.constant 0 : i32
      %dma_wait3A_200 = arith.constant 0 : i32
      %dma_wait3A_201 = tpu.memref_slice %arg11[%dma_wait3A_199, %dma_wait3A_200] : memref<10112x128xf32, #tpu.memory_space<vmem_shared>> -> memref<10112x128xf32, #tpu.memory_space<vmem_shared>>
      tpu.wait_indirect_dma semaphore(%arg10 : memref<!tpu.dma_semaphore, #tpu.memory_space<semaphore_mem>>) src(%dma_wait3A_195 : memref<128x128xf32, #tpu.memory_space<vmem>>) dst(%dma_wait3A_201 : memref<10112x128xf32, #tpu.memory_space<vmem_shared>>)
    }
    %scan3A_149 = arith.constant 80 : i32
    %barrier3A_150 = arith.constant 0 : index
    tpu.barrier barrier_id(%barrier3A_150)
    %mul3A_151 = arith.constant 5 : i32
    %mul3A_152 = arith.muli %arg1, %mul3A_151 : i32
    %add3A_153 = arith.constant 5 : i32
    %add3A_154 = arith.addi %mul3A_152, %add3A_153 : i32
    %min3A_155 = arith.constant 78 : i32
    %min3A_156 = arith.minsi %min3A_155, %add3A_154 : i32
    %while3A_157 = arith.constant 0 : i32
    %while3A_158 = arith.subi %min3A_156, %mul3A_152 : i32
    %while3A_159 = arith.addi %mul3A_152, %while3A_158 : i32
    %while3A_160 = arith.constant 1 : i32
    %while3A_161 = arith.divsi %while3A_158, %while3A_160 : i32
    %while3A_162 = arith.muli %while3A_161, %while3A_160 : i32
    %while3A_163 = arith.addi %mul3A_152, %while3A_162 : i32
    %while3A_164 = arith.constant 1 : i32
    scf.for %while3A_172 = %mul3A_152 to %while3A_163 step %while3A_164  : i32 {
      %mul3A_173 = arith.constant 128 : i32
      %mul3A_174 = arith.muli %while3A_172, %mul3A_173 : i32
      %run_scoped3A = arith.constant 0 : i32
      "tpu.region"() ({
        %run_scoped3A_177 = tpu.sem_alloc : memref<!tpu.dma_semaphore, #tpu.memory_space<semaphore_mem>>
        %dma_start3A_178 = arith.constant 0 : i32
        %dma_start3A_179 = arith.constant 0 : i32
        %dma_start3A_180 = tpu.memref_slice %arg8[%run_scoped3A, %dma_start3A_178, %dma_start3A_179] : memref<2x128x128xf32, #tpu.memory_space<vmem>> -> memref<1x128x128xf32, #tpu.memory_space<vmem>>
        %dma_start3A_181 = tpu.memref_squeeze %dma_start3A_180 : memref<1x128x128xf32, #tpu.memory_space<vmem>> -> memref<128x128xf32, #tpu.memory_space<vmem>>
        %dma_start3A_182 = arith.constant 0 : i32
        %dma_start3A_183 = tpu.memref_slice %arg11[%mul3A_174, %dma_start3A_182] : memref<10112x128xf32, #tpu.memory_space<vmem_shared>> -> memref<128x128xf32, #tpu.memory_space<vmem_shared>>
        %dma_start3A_184 = arith.constant 0 : i32
        %dma_start3A_185 = arith.constant 0 : i32
        %dma_start3A_186 = tpu.memref_slice %arg8[%run_scoped3A, %dma_start3A_184, %dma_start3A_185] : memref<2x128x128xf32, #tpu.memory_space<vmem>> -> memref<1x128x128xf32, #tpu.memory_space<vmem>>
        %dma_start3A_187 = tpu.memref_squeeze %dma_start3A_186 : memref<1x128x128xf32, #tpu.memory_space<vmem>> -> memref<128x128xf32, #tpu.memory_space<vmem>>
        %dma_start3A_188 = arith.constant 0 : i32
        %dma_start3A_189 = tpu.memref_slice %arg11[%mul3A_174, %dma_start3A_188] : memref<10112x128xf32, #tpu.memory_space<vmem_shared>> -> memref<128x128xf32, #tpu.memory_space<vmem_shared>>
        tpu.enqueue_dma source(%dma_start3A_189 : memref<128x128xf32, #tpu.memory_space<vmem_shared>>) target(%dma_start3A_187 : memref<128x128xf32, #tpu.memory_space<vmem>>) target_semaphore(%run_scoped3A_177 : memref<!tpu.dma_semaphore, #tpu.memory_space<semaphore_mem>>)
        %dma_wait3A_190 = arith.constant 0 : i32
        %dma_wait3A_191 = arith.constant 0 : i32
        %dma_wait3A_192 = tpu.memref_slice %arg8[%run_scoped3A, %dma_wait3A_190, %dma_wait3A_191] : memref<2x128x128xf32, #tpu.memory_space<vmem>> -> memref<1x128x128xf32, #tpu.memory_space<vmem>>
        %dma_wait3A_193 = tpu.memref_squeeze %dma_wait3A_192 : memref<1x128x128xf32, #tpu.memory_space<vmem>> -> memref<128x128xf32, #tpu.memory_space<vmem>>
        %dma_wait3A_194 = arith.constant 0 : i32
        %dma_wait3A_195 = tpu.memref_slice %arg11[%mul3A_174, %dma_wait3A_194] : memref<10112x128xf32, #tpu.memory_space<vmem_shared>> -> memref<128x128xf32, #tpu.memory_space<vmem_shared>>
        %dma_wait3A_196 = arith.constant 0 : i32
        %dma_wait3A_197 = arith.constant 0 : i32
        %dma_wait3A_198 = tpu.memref_slice %arg8[%run_scoped3A, %dma_wait3A_196, %dma_wait3A_197] : memref<2x128x128xf32, #tpu.memory_space<vmem>> -> memref<1x128x128xf32, #tpu.memory_space<vmem>>
        %dma_wait3A_199 = tpu.memref_squeeze %dma_wait3A_198 : memref<1x128x128xf32, #tpu.memory_space<vmem>> -> memref<128x128xf32, #tpu.memory_space<vmem>>
        %dma_wait3A_200 = arith.constant 0 : i32
        %dma_wait3A_201 = tpu.memref_slice %arg11[%mul3A_174, %dma_wait3A_200] : memref<10112x128xf32, #tpu.memory_space<vmem_shared>> -> memref<128x128xf32, #tpu.memory_space<vmem_shared>>
        tpu.wait_dma2 semaphore(%run_scoped3A_177 : memref<!tpu.dma_semaphore, #tpu.memory_space<semaphore_mem>>) src(%dma_wait3A_201 : memref<128x128xf32, #tpu.memory_space<vmem_shared>>) dst(%dma_wait3A_199 : memref<128x128xf32, #tpu.memory_space<vmem>>)
        tpu.yield
      }) : () -> ()
      %add3A_175 = arith.addi %mul3A_88, %mul3A_174 : i32
      %run_scoped3A_176 = arith.constant 0 : i32
      "tpu.region"() ({
        %run_scoped3A_177 = tpu.sem_alloc : memref<!tpu.dma_semaphore, #tpu.memory_space<semaphore_mem>>
        %dma_start3A_178 = arith.constant 0 : i32
        %dma_start3A_179 = arith.constant 0 : i32
        %dma_start3A_180 = tpu.memref_slice %arg8[%run_scoped3A_176, %dma_start3A_178, %dma_start3A_179] : memref<2x128x128xf32, #tpu.memory_space<vmem>> -> memref<1x128x128xf32, #tpu.memory_space<vmem>>
        %dma_start3A_181 = tpu.memref_squeeze %dma_start3A_180 : memref<1x128x128xf32, #tpu.memory_space<vmem>> -> memref<128x128xf32, #tpu.memory_space<vmem>>
        %dma_start3A_182 = arith.constant 0 : i32
        %dma_start3A_183 = tpu.memref_slice %arg4[%add3A_175, %dma_start3A_182] : memref<40000x128xf32, #tpu.memory_space<hbm>> -> memref<128x128xf32, #tpu.memory_space<hbm>>
        %dma_start3A_184 = arith.constant 0 : i32
        %dma_start3A_185 = tpu.memref_slice %arg4[%add3A_175, %dma_start3A_184] : memref<40000x128xf32, #tpu.memory_space<hbm>> -> memref<128x128xf32, #tpu.memory_space<hbm>>
        %dma_start3A_186 = arith.constant 0 : i32
        %dma_start3A_187 = arith.constant 0 : i32
        %dma_start3A_188 = tpu.memref_slice %arg8[%run_scoped3A_176, %dma_start3A_186, %dma_start3A_187] : memref<2x128x128xf32, #tpu.memory_space<vmem>> -> memref<1x128x128xf32, #tpu.memory_space<vmem>>
        %dma_start3A_189 = tpu.memref_squeeze %dma_start3A_188 : memref<1x128x128xf32, #tpu.memory_space<vmem>> -> memref<128x128xf32, #tpu.memory_space<vmem>>
        tpu.enqueue_dma source(%dma_start3A_189 : memref<128x128xf32, #tpu.memory_space<vmem>>) target(%dma_start3A_185 : memref<128x128xf32, #tpu.memory_space<hbm>>) target_semaphore(%run_scoped3A_177 : memref<!tpu.dma_semaphore, #tpu.memory_space<semaphore_mem>>)
        %dma_wait3A_190 = arith.constant 0 : i32
        %dma_wait3A_191 = arith.constant 0 : i32
        %dma_wait3A_192 = tpu.memref_slice %arg8[%run_scoped3A_176, %dma_wait3A_190, %dma_wait3A_191] : memref<2x128x128xf32, #tpu.memory_space<vmem>> -> memref<1x128x128xf32, #tpu.memory_space<vmem>>
        %dma_wait3A_193 = tpu.memref_squeeze %dma_wait3A_192 : memref<1x128x128xf32, #tpu.memory_space<vmem>> -> memref<128x128xf32, #tpu.memory_space<vmem>>
        %dma_wait3A_194 = arith.constant 0 : i32
        %dma_wait3A_195 = tpu.memref_slice %arg4[%add3A_175, %dma_wait3A_194] : memref<40000x128xf32, #tpu.memory_space<hbm>> -> memref<128x128xf32, #tpu.memory_space<hbm>>
        %dma_wait3A_196 = arith.constant 0 : i32
        %dma_wait3A_197 = tpu.memref_slice %arg4[%add3A_175, %dma_wait3A_196] : memref<40000x128xf32, #tpu.memory_space<hbm>> -> memref<128x128xf32, #tpu.memory_space<hbm>>
        %dma_wait3A_198 = arith.constant 0 : i32
        %dma_wait3A_199 = arith.constant 0 : i32
        %dma_wait3A_200 = tpu.memref_slice %arg8[%run_scoped3A_176, %dma_wait3A_198, %dma_wait3A_199] : memref<2x128x128xf32, #tpu.memory_space<vmem>> -> memref<1x128x128xf32, #tpu.memory_space<vmem>>
        %dma_wait3A_201 = tpu.memref_squeeze %dma_wait3A_200 : memref<1x128x128xf32, #tpu.memory_space<vmem>> -> memref<128x128xf32, #tpu.memory_space<vmem>>
        tpu.wait_dma2 semaphore(%run_scoped3A_177 : memref<!tpu.dma_semaphore, #tpu.memory_space<semaphore_mem>>) src(%dma_wait3A_201 : memref<128x128xf32, #tpu.memory_space<vmem>>) dst(%dma_wait3A_197 : memref<128x128xf32, #tpu.memory_space<hbm>>)
        tpu.yield
      }) : () -> ()
    }
    %while3A_165 = arith.constant 1 : i32
    scf.for %while3A_172 = %while3A_163 to %while3A_159 step %while3A_165  : i32 {
      %mul3A_173 = arith.constant 128 : i32
      %mul3A_174 = arith.muli %while3A_172, %mul3A_173 : i32
      %run_scoped3A = arith.constant 0 : i32
      "tpu.region"() ({
        %run_scoped3A_177 = tpu.sem_alloc : memref<!tpu.dma_semaphore, #tpu.memory_space<semaphore_mem>>
        %dma_start3A_178 = arith.constant 0 : i32
        %dma_start3A_179 = arith.constant 0 : i32
        %dma_start3A_180 = tpu.memref_slice %arg8[%run_scoped3A, %dma_start3A_178, %dma_start3A_179] : memref<2x128x128xf32, #tpu.memory_space<vmem>> -> memref<1x128x128xf32, #tpu.memory_space<vmem>>
        %dma_start3A_181 = tpu.memref_squeeze %dma_start3A_180 : memref<1x128x128xf32, #tpu.memory_space<vmem>> -> memref<128x128xf32, #tpu.memory_space<vmem>>
        %dma_start3A_182 = arith.constant 0 : i32
        %dma_start3A_183 = tpu.memref_slice %arg11[%mul3A_174, %dma_start3A_182] : memref<10112x128xf32, #tpu.memory_space<vmem_shared>> -> memref<128x128xf32, #tpu.memory_space<vmem_shared>>
        %dma_start3A_184 = arith.constant 0 : i32
        %dma_start3A_185 = arith.constant 0 : i32
        %dma_start3A_186 = tpu.memref_slice %arg8[%run_scoped3A, %dma_start3A_184, %dma_start3A_185] : memref<2x128x128xf32, #tpu.memory_space<vmem>> -> memref<1x128x128xf32, #tpu.memory_space<vmem>>
        %dma_start3A_187 = tpu.memref_squeeze %dma_start3A_186 : memref<1x128x128xf32, #tpu.memory_space<vmem>> -> memref<128x128xf32, #tpu.memory_space<vmem>>
        %dma_start3A_188 = arith.constant 0 : i32
        %dma_start3A_189 = tpu.memref_slice %arg11[%mul3A_174, %dma_start3A_188] : memref<10112x128xf32, #tpu.memory_space<vmem_shared>> -> memref<128x128xf32, #tpu.memory_space<vmem_shared>>
        tpu.enqueue_dma source(%dma_start3A_189 : memref<128x128xf32, #tpu.memory_space<vmem_shared>>) target(%dma_start3A_187 : memref<128x128xf32, #tpu.memory_space<vmem>>) target_semaphore(%run_scoped3A_177 : memref<!tpu.dma_semaphore, #tpu.memory_space<semaphore_mem>>)
        %dma_wait3A_190 = arith.constant 0 : i32
        %dma_wait3A_191 = arith.constant 0 : i32
        %dma_wait3A_192 = tpu.memref_slice %arg8[%run_scoped3A, %dma_wait3A_190, %dma_wait3A_191] : memref<2x128x128xf32, #tpu.memory_space<vmem>> -> memref<1x128x128xf32, #tpu.memory_space<vmem>>
        %dma_wait3A_193 = tpu.memref_squeeze %dma_wait3A_192 : memref<1x128x128xf32, #tpu.memory_space<vmem>> -> memref<128x128xf32, #tpu.memory_space<vmem>>
        %dma_wait3A_194 = arith.constant 0 : i32
        %dma_wait3A_195 = tpu.memref_slice %arg11[%mul3A_174, %dma_wait3A_194] : memref<10112x128xf32, #tpu.memory_space<vmem_shared>> -> memref<128x128xf32, #tpu.memory_space<vmem_shared>>
        %dma_wait3A_196 = arith.constant 0 : i32
        %dma_wait3A_197 = arith.constant 0 : i32
        %dma_wait3A_198 = tpu.memref_slice %arg8[%run_scoped3A, %dma_wait3A_196, %dma_wait3A_197] : memref<2x128x128xf32, #tpu.memory_space<vmem>> -> memref<1x128x128xf32, #tpu.memory_space<vmem>>
        %dma_wait3A_199 = tpu.memref_squeeze %dma_wait3A_198 : memref<1x128x128xf32, #tpu.memory_space<vmem>> -> memref<128x128xf32, #tpu.memory_space<vmem>>
        %dma_wait3A_200 = arith.constant 0 : i32
        %dma_wait3A_201 = tpu.memref_slice %arg11[%mul3A_174, %dma_wait3A_200] : memref<10112x128xf32, #tpu.memory_space<vmem_shared>> -> memref<128x128xf32, #tpu.memory_space<vmem_shared>>
        tpu.wait_dma2 semaphore(%run_scoped3A_177 : memref<!tpu.dma_semaphore, #tpu.memory_space<semaphore_mem>>) src(%dma_wait3A_201 : memref<128x128xf32, #tpu.memory_space<vmem_shared>>) dst(%dma_wait3A_199 : memref<128x128xf32, #tpu.memory_space<vmem>>)
        tpu.yield
      }) : () -> ()
      %add3A_175 = arith.addi %mul3A_88, %mul3A_174 : i32
      %run_scoped3A_176 = arith.constant 0 : i32
      "tpu.region"() ({
        %run_scoped3A_177 = tpu.sem_alloc : memref<!tpu.dma_semaphore, #tpu.memory_space<semaphore_mem>>
        %dma_start3A_178 = arith.constant 0 : i32
        %dma_start3A_179 = arith.constant 0 : i32
        %dma_start3A_180 = tpu.memref_slice %arg8[%run_scoped3A_176, %dma_start3A_178, %dma_start3A_179] : memref<2x128x128xf32, #tpu.memory_space<vmem>> -> memref<1x128x128xf32, #tpu.memory_space<vmem>>
        %dma_start3A_181 = tpu.memref_squeeze %dma_start3A_180 : memref<1x128x128xf32, #tpu.memory_space<vmem>> -> memref<128x128xf32, #tpu.memory_space<vmem>>
        %dma_start3A_182 = arith.constant 0 : i32
        %dma_start3A_183 = tpu.memref_slice %arg4[%add3A_175, %dma_start3A_182] : memref<40000x128xf32, #tpu.memory_space<hbm>> -> memref<128x128xf32, #tpu.memory_space<hbm>>
        %dma_start3A_184 = arith.constant 0 : i32
        %dma_start3A_185 = tpu.memref_slice %arg4[%add3A_175, %dma_start3A_184] : memref<40000x128xf32, #tpu.memory_space<hbm>> -> memref<128x128xf32, #tpu.memory_space<hbm>>
        %dma_start3A_186 = arith.constant 0 : i32
        %dma_start3A_187 = arith.constant 0 : i32
        %dma_start3A_188 = tpu.memref_slice %arg8[%run_scoped3A_176, %dma_start3A_186, %dma_start3A_187] : memref<2x128x128xf32, #tpu.memory_space<vmem>> -> memref<1x128x128xf32, #tpu.memory_space<vmem>>
        %dma_start3A_189 = tpu.memref_squeeze %dma_start3A_188 : memref<1x128x128xf32, #tpu.memory_space<vmem>> -> memref<128x128xf32, #tpu.memory_space<vmem>>
        tpu.enqueue_dma source(%dma_start3A_189 : memref<128x128xf32, #tpu.memory_space<vmem>>) target(%dma_start3A_185 : memref<128x128xf32, #tpu.memory_space<hbm>>) target_semaphore(%run_scoped3A_177 : memref<!tpu.dma_semaphore, #tpu.memory_space<semaphore_mem>>)
        %dma_wait3A_190 = arith.constant 0 : i32
        %dma_wait3A_191 = arith.constant 0 : i32
        %dma_wait3A_192 = tpu.memref_slice %arg8[%run_scoped3A_176, %dma_wait3A_190, %dma_wait3A_191] : memref<2x128x128xf32, #tpu.memory_space<vmem>> -> memref<1x128x128xf32, #tpu.memory_space<vmem>>
        %dma_wait3A_193 = tpu.memref_squeeze %dma_wait3A_192 : memref<1x128x128xf32, #tpu.memory_space<vmem>> -> memref<128x128xf32, #tpu.memory_space<vmem>>
        %dma_wait3A_194 = arith.constant 0 : i32
        %dma_wait3A_195 = tpu.memref_slice %arg4[%add3A_175, %dma_wait3A_194] : memref<40000x128xf32, #tpu.memory_space<hbm>> -> memref<128x128xf32, #tpu.memory_space<hbm>>
        %dma_wait3A_196 = arith.constant 0 : i32
        %dma_wait3A_197 = tpu.memref_slice %arg4[%add3A_175, %dma_wait3A_196] : memref<40000x128xf32, #tpu.memory_space<hbm>> -> memref<128x128xf32, #tpu.memory_space<hbm>>
        %dma_wait3A_198 = arith.constant 0 : i32
        %dma_wait3A_199 = arith.constant 0 : i32
        %dma_wait3A_200 = tpu.memref_slice %arg8[%run_scoped3A_176, %dma_wait3A_198, %dma_wait3A_199] : memref<2x128x128xf32, #tpu.memory_space<vmem>> -> memref<1x128x128xf32, #tpu.memory_space<vmem>>
        %dma_wait3A_201 = tpu.memref_squeeze %dma_wait3A_200 : memref<1x128x128xf32, #tpu.memory_space<vmem>> -> memref<128x128xf32, #tpu.memory_space<vmem>>
        tpu.wait_dma2 semaphore(%run_scoped3A_177 : memref<!tpu.dma_semaphore, #tpu.memory_space<semaphore_mem>>) src(%dma_wait3A_201 : memref<128x128xf32, #tpu.memory_space<vmem>>) dst(%dma_wait3A_197 : memref<128x128xf32, #tpu.memory_space<hbm>>)
        tpu.yield
      }) : () -> ()
    }
    %eq3A_166 = arith.constant 15 : i32
    %eq3A_167 = arith.cmpi eq, %arg1, %eq3A_166 : i32
    %convert_element_type3A_168 = arith.extui %eq3A_167 : i1 to i32
    %cond3A_169 = arith.constant 0 : i32
    %cond3A_170 = arith.cmpi ne, %convert_element_type3A_168, %cond3A_169 : i32
    scf.if %cond3A_170 {
      %run_scoped3A = arith.constant 0 : i32
      "tpu.region"() ({
        %run_scoped3A_175 = tpu.sem_alloc : memref<!tpu.dma_semaphore, #tpu.memory_space<semaphore_mem>>
        %dma_start3A_176 = arith.constant 0 : i32
        %dma_start3A_177 = arith.constant 0 : i32
        %dma_start3A_178 = tpu.memref_slice %arg8[%run_scoped3A, %dma_start3A_176, %dma_start3A_177] : memref<2x128x128xf32, #tpu.memory_space<vmem>> -> memref<1x16x128xf32, #tpu.memory_space<vmem>>
        %dma_start3A_179 = tpu.memref_squeeze %dma_start3A_178 : memref<1x16x128xf32, #tpu.memory_space<vmem>> -> memref<16x128xf32, #tpu.memory_space<vmem>>
        %dma_start3A_180 = arith.constant 9984 : i32
        %dma_start3A_181 = arith.constant 0 : i32
        %dma_start3A_182 = tpu.memref_slice %arg11[%dma_start3A_180, %dma_start3A_181] : memref<10112x128xf32, #tpu.memory_space<vmem_shared>> -> memref<16x128xf32, #tpu.memory_space<vmem_shared>>
        %dma_start3A_183 = arith.constant 0 : i32
        %dma_start3A_184 = arith.constant 0 : i32
        %dma_start3A_185 = tpu.memref_slice %arg8[%run_scoped3A, %dma_start3A_183, %dma_start3A_184] : memref<2x128x128xf32, #tpu.memory_space<vmem>> -> memref<1x16x128xf32, #tpu.memory_space<vmem>>
        %dma_start3A_186 = tpu.memref_squeeze %dma_start3A_185 : memref<1x16x128xf32, #tpu.memory_space<vmem>> -> memref<16x128xf32, #tpu.memory_space<vmem>>
        %dma_start3A_187 = arith.constant 9984 : i32
        %dma_start3A_188 = arith.constant 0 : i32
        %dma_start3A_189 = tpu.memref_slice %arg11[%dma_start3A_187, %dma_start3A_188] : memref<10112x128xf32, #tpu.memory_space<vmem_shared>> -> memref<16x128xf32, #tpu.memory_space<vmem_shared>>
        tpu.enqueue_dma source(%dma_start3A_189 : memref<16x128xf32, #tpu.memory_space<vmem_shared>>) target(%dma_start3A_186 : memref<16x128xf32, #tpu.memory_space<vmem>>) target_semaphore(%run_scoped3A_175 : memref<!tpu.dma_semaphore, #tpu.memory_space<semaphore_mem>>)
        %dma_wait3A_190 = arith.constant 0 : i32
        %dma_wait3A_191 = arith.constant 0 : i32
        %dma_wait3A_192 = tpu.memref_slice %arg8[%run_scoped3A, %dma_wait3A_190, %dma_wait3A_191] : memref<2x128x128xf32, #tpu.memory_space<vmem>> -> memref<1x16x128xf32, #tpu.memory_space<vmem>>
        %dma_wait3A_193 = tpu.memref_squeeze %dma_wait3A_192 : memref<1x16x128xf32, #tpu.memory_space<vmem>> -> memref<16x128xf32, #tpu.memory_space<vmem>>
        %dma_wait3A_194 = arith.constant 9984 : i32
        %dma_wait3A_195 = arith.constant 0 : i32
        %dma_wait3A_196 = tpu.memref_slice %arg11[%dma_wait3A_194, %dma_wait3A_195] : memref<10112x128xf32, #tpu.memory_space<vmem_shared>> -> memref<16x128xf32, #tpu.memory_space<vmem_shared>>
        %dma_wait3A_197 = arith.constant 0 : i32
        %dma_wait3A_198 = arith.constant 0 : i32
        %dma_wait3A_199 = tpu.memref_slice %arg8[%run_scoped3A, %dma_wait3A_197, %dma_wait3A_198] : memref<2x128x128xf32, #tpu.memory_space<vmem>> -> memref<1x16x128xf32, #tpu.memory_space<vmem>>
        %dma_wait3A_200 = tpu.memref_squeeze %dma_wait3A_199 : memref<1x16x128xf32, #tpu.memory_space<vmem>> -> memref<16x128xf32, #tpu.memory_space<vmem>>
        %dma_wait3A_201 = arith.constant 9984 : i32
        %dma_wait3A_202 = arith.constant 0 : i32
        %dma_wait3A_203 = tpu.memref_slice %arg11[%dma_wait3A_201, %dma_wait3A_202] : memref<10112x128xf32, #tpu.memory_space<vmem_shared>> -> memref<16x128xf32, #tpu.memory_space<vmem_shared>>
        tpu.wait_dma2 semaphore(%run_scoped3A_175 : memref<!tpu.dma_semaphore, #tpu.memory_space<semaphore_mem>>) src(%dma_wait3A_203 : memref<16x128xf32, #tpu.memory_space<vmem_shared>>) dst(%dma_wait3A_200 : memref<16x128xf32, #tpu.memory_space<vmem>>)
        tpu.yield
      }) : () -> ()
      %add3A_172 = arith.constant 9984 : i32
      %add3A_173 = arith.addi %mul3A_88, %add3A_172 : i32
      %run_scoped3A_174 = arith.constant 0 : i32
      "tpu.region"() ({
        %run_scoped3A_175 = tpu.sem_alloc : memref<!tpu.dma_semaphore, #tpu.memory_space<semaphore_mem>>
        %dma_start3A_176 = arith.constant 0 : i32
        %dma_start3A_177 = arith.constant 0 : i32
        %dma_start3A_178 = tpu.memref_slice %arg8[%run_scoped3A_174, %dma_start3A_176, %dma_start3A_177] : memref<2x128x128xf32, #tpu.memory_space<vmem>> -> memref<1x16x128xf32, #tpu.memory_space<vmem>>
        %dma_start3A_179 = tpu.memref_squeeze %dma_start3A_178 : memref<1x16x128xf32, #tpu.memory_space<vmem>> -> memref<16x128xf32, #tpu.memory_space<vmem>>
        %dma_start3A_180 = arith.constant 0 : i32
        %dma_start3A_181 = tpu.memref_slice %arg4[%add3A_173, %dma_start3A_180] : memref<40000x128xf32, #tpu.memory_space<hbm>> -> memref<16x128xf32, #tpu.memory_space<hbm>>
        %dma_start3A_182 = arith.constant 0 : i32
        %dma_start3A_183 = tpu.memref_slice %arg4[%add3A_173, %dma_start3A_182] : memref<40000x128xf32, #tpu.memory_space<hbm>> -> memref<16x128xf32, #tpu.memory_space<hbm>>
        %dma_start3A_184 = arith.constant 0 : i32
        %dma_start3A_185 = arith.constant 0 : i32
        %dma_start3A_186 = tpu.memref_slice %arg8[%run_scoped3A_174, %dma_start3A_184, %dma_start3A_185] : memref<2x128x128xf32, #tpu.memory_space<vmem>> -> memref<1x16x128xf32, #tpu.memory_space<vmem>>
        %dma_start3A_187 = tpu.memref_squeeze %dma_start3A_186 : memref<1x16x128xf32, #tpu.memory_space<vmem>> -> memref<16x128xf32, #tpu.memory_space<vmem>>
        tpu.enqueue_dma source(%dma_start3A_187 : memref<16x128xf32, #tpu.memory_space<vmem>>) target(%dma_start3A_183 : memref<16x128xf32, #tpu.memory_space<hbm>>) target_semaphore(%run_scoped3A_175 : memref<!tpu.dma_semaphore, #tpu.memory_space<semaphore_mem>>)
        %dma_wait3A_188 = arith.constant 0 : i32
        %dma_wait3A_189 = arith.constant 0 : i32
        %dma_wait3A_190 = tpu.memref_slice %arg8[%run_scoped3A_174, %dma_wait3A_188, %dma_wait3A_189] : memref<2x128x128xf32, #tpu.memory_space<vmem>> -> memref<1x16x128xf32, #tpu.memory_space<vmem>>
        %dma_wait3A_191 = tpu.memref_squeeze %dma_wait3A_190 : memref<1x16x128xf32, #tpu.memory_space<vmem>> -> memref<16x128xf32, #tpu.memory_space<vmem>>
        %dma_wait3A_192 = arith.constant 0 : i32
        %dma_wait3A_193 = tpu.memref_slice %arg4[%add3A_173, %dma_wait3A_192] : memref<40000x128xf32, #tpu.memory_space<hbm>> -> memref<16x128xf32, #tpu.memory_space<hbm>>
        %dma_wait3A_194 = arith.constant 0 : i32
        %dma_wait3A_195 = tpu.memref_slice %arg4[%add3A_173, %dma_wait3A_194] : memref<40000x128xf32, #tpu.memory_space<hbm>> -> memref<16x128xf32, #tpu.memory_space<hbm>>
        %dma_wait3A_196 = arith.constant 0 : i32
        %dma_wait3A_197 = arith.constant 0 : i32
        %dma_wait3A_198 = tpu.memref_slice %arg8[%run_scoped3A_174, %dma_wait3A_196, %dma_wait3A_197] : memref<2x128x128xf32, #tpu.memory_space<vmem>> -> memref<1x16x128xf32, #tpu.memory_space<vmem>>
        %dma_wait3A_199 = tpu.memref_squeeze %dma_wait3A_198 : memref<1x16x128xf32, #tpu.memory_space<vmem>> -> memref<16x128xf32, #tpu.memory_space<vmem>>
        tpu.wait_dma2 semaphore(%run_scoped3A_175 : memref<!tpu.dma_semaphore, #tpu.memory_space<semaphore_mem>>) src(%dma_wait3A_199 : memref<16x128xf32, #tpu.memory_space<vmem>>) dst(%dma_wait3A_195 : memref<16x128xf32, #tpu.memory_space<hbm>>)
        tpu.yield
      }) : () -> ()
    } else {
    }
    %barrier3A_171 = arith.constant 0 : index
    tpu.barrier barrier_id(%barrier3A_171)
    return
  }
}

module attributes {stable_mosaic.version = 14 : i64} {
  func.func @body(%arg0: i32, %arg1: memref<2x400x128xf32, #tpu.memory_space<vmem>>, %arg2: memref<2x400x128xf32, #tpu.memory_space<vmem>>, %arg3: memref<400x128xf32, #tpu.memory_space<vmem>>, %arg4: memref<512x512xf32, #tpu.memory_space<vmem>>, %arg5: memref<1x512xf32, #tpu.memory_space<vmem>>, %arg6: memref<4x400x128xf32, #tpu.memory_space<vmem>>) attributes {dimension_semantics = [#tpu.dimension_semantics<arbitrary>], iteration_bounds = array<i64: 25>, scalar_prefetch = 0 : i64, scratch_operands = 0 : i64, tpu.core_type = #tpu.core_type<tc>, window_params = [{transform_indices = @transform_0, window_bounds = array<i64: 2, 400, 128>}, {transform_indices = @transform_1, window_bounds = array<i64: 2, 400, 128>}, {transform_indices = @transform_2, window_bounds = array<i64: 400, 128>}, {pipeline_mode = #tpu.pipeline_mode<synchronous>, transform_indices = @transform_3, window_bounds = array<i64: 512, 512>}, {pipeline_mode = #tpu.pipeline_mode<synchronous>, transform_indices = @transform_4, window_bounds = array<i64: 1, 512>}, {transform_indices = @transform_5, window_bounds = array<i64: 4, 400, 128>}]} {
    %get3A = arith.constant 0 : index
    %get3A_0 = arith.constant 0 : index
    %get3A_1 = vector.load %arg3[%get3A, %get3A_0] : memref<400x128xf32, #tpu.memory_space<vmem>>, vector<400x1xf32>
    %max3A = arith.constant 1.000000e+00 : f32
    %max3A_2 = vector.broadcast %max3A : f32 to vector<400x1xf32>
    %max3A_3 = arith.maximumf %get3A_1, %max3A_2 : vector<400x1xf32>
    %div3A = arith.constant 1.000000e+00 : f32
    %div3A_4 = vector.broadcast %div3A : f32 to vector<400x1xf32>
    %div3A_5 = arith.divf %div3A_4, %max3A_3 : vector<400x1xf32>
    %get3A_6 = arith.constant 0 : index
    %get3A_7 = arith.constant 0 : index
    %get3A_8 = arith.constant 0 : index
    %get3A_9 = vector.load %arg1[%get3A_6, %get3A_7, %get3A_8] : memref<2x400x128xf32, #tpu.memory_space<vmem>>, vector<1x400x128xf32>
    %get3A_10 = vector.shape_cast %get3A_9 : vector<1x400x128xf32> to vector<400x128xf32>
    %get3A_11 = arith.constant 1 : index
    %get3A_12 = arith.constant 0 : index
    %get3A_13 = arith.constant 0 : index
    %get3A_14 = vector.load %arg1[%get3A_11, %get3A_12, %get3A_13] : memref<2x400x128xf32, #tpu.memory_space<vmem>>, vector<1x400x128xf32>
    %get3A_15 = vector.shape_cast %get3A_14 : vector<1x400x128xf32> to vector<400x128xf32>
    %concatenate3A = tpu.concatenate %get3A_10, %get3A_15 in 1 : vector<400x128xf32>, vector<400x128xf32> -> vector<400x256xf32>
    %mul3A = vector.broadcast %div3A_5 : vector<400x1xf32> to vector<400x256xf32>
    %mul3A_16 = arith.mulf %concatenate3A, %mul3A : vector<400x256xf32>
    %get3A_17 = arith.constant 0 : index
    %get3A_18 = arith.constant 0 : index
    %get3A_19 = arith.constant 0 : index
    %get3A_20 = vector.load %arg2[%get3A_17, %get3A_18, %get3A_19] : memref<2x400x128xf32, #tpu.memory_space<vmem>>, vector<1x400x128xf32>
    %get3A_21 = vector.shape_cast %get3A_20 : vector<1x400x128xf32> to vector<400x128xf32>
    %get3A_22 = arith.constant 1 : index
    %get3A_23 = arith.constant 0 : index
    %get3A_24 = arith.constant 0 : index
    %get3A_25 = vector.load %arg2[%get3A_22, %get3A_23, %get3A_24] : memref<2x400x128xf32, #tpu.memory_space<vmem>>, vector<1x400x128xf32>
    %get3A_26 = vector.shape_cast %get3A_25 : vector<1x400x128xf32> to vector<400x128xf32>
    %concatenate3A_27 = tpu.concatenate %get3A_21, %get3A_26 in 1 : vector<400x128xf32>, vector<400x128xf32> -> vector<400x256xf32>
    %concatenate3A_28 = tpu.concatenate %mul3A_16, %concatenate3A_27 in 1 : vector<400x256xf32>, vector<400x256xf32> -> vector<400x512xf32>
    %get3A_29 = arith.constant 0 : index
    %get3A_30 = arith.constant 0 : index
    %get3A_31 = vector.load %arg4[%get3A_29, %get3A_30] : memref<512x512xf32, #tpu.memory_space<vmem>>, vector<512x512xf32>
    %dot_general3A = arith.constant dense<0.000000e+00> : vector<400x512xf32>
    %dot_general3A_32 = tpu.matmul %concatenate3A_28, %get3A_31, %dot_general3A {dimension_numbers = #tpu.dot_dimension_numbers<[1], [0], [0], [1], [0, 0, 1, 1], [], []>, transpose_lhs_hint = false} : vector<400x512xf32>, vector<512x512xf32>, vector<400x512xf32> -> vector<400x512xf32>
    %get3A_33 = arith.constant 0 : index
    %get3A_34 = arith.constant 0 : index
    %get3A_35 = vector.load %arg5[%get3A_33, %get3A_34] : memref<1x512xf32, #tpu.memory_space<vmem>>, vector<1x512xf32>
    %add3A = vector.broadcast %get3A_35 : vector<1x512xf32> to vector<400x512xf32>
    %add3A_36 = arith.addf %dot_general3A_32, %add3A : vector<400x512xf32>
    %slice3A = vector.extract_strided_slice %add3A_36 {offsets = [0, 0], sizes = [400, 128], strides = [1, 1]} : vector<400x512xf32> to vector<400x128xf32>
    %swap3A = arith.constant 0 : index
    %swap3A_37 = arith.constant 0 : index
    %swap3A_38 = arith.constant 0 : index
    %swap3A_39 = vector.load %arg6[%swap3A, %swap3A_37, %swap3A_38] : memref<4x400x128xf32, #tpu.memory_space<vmem>>, vector<1x400x128xf32>
    %swap3A_40 = vector.shape_cast %swap3A_39 : vector<1x400x128xf32> to vector<400x128xf32>
    %swap3A_41 = vector.shape_cast %slice3A : vector<400x128xf32> to vector<1x400x128xf32>
    tpu.vector_store %arg6[%swap3A, %swap3A_37, %swap3A_38], %swap3A_41 {strides = array<i32>} : memref<4x400x128xf32, #tpu.memory_space<vmem>>, vector<1x400x128xf32>,
    %slice3A_42 = vector.extract_strided_slice %add3A_36 {offsets = [0, 128], sizes = [400, 128], strides = [1, 1]} : vector<400x512xf32> to vector<400x128xf32>
    %swap3A_43 = arith.constant 1 : index
    %swap3A_44 = arith.constant 0 : index
    %swap3A_45 = arith.constant 0 : index
    %swap3A_46 = vector.load %arg6[%swap3A_43, %swap3A_44, %swap3A_45] : memref<4x400x128xf32, #tpu.memory_space<vmem>>, vector<1x400x128xf32>
    %swap3A_47 = vector.shape_cast %swap3A_46 : vector<1x400x128xf32> to vector<400x128xf32>
    %swap3A_48 = vector.shape_cast %slice3A_42 : vector<400x128xf32> to vector<1x400x128xf32>
    tpu.vector_store %arg6[%swap3A_43, %swap3A_44, %swap3A_45], %swap3A_48 {strides = array<i32>} : memref<4x400x128xf32, #tpu.memory_space<vmem>>, vector<1x400x128xf32>,
    %slice3A_49 = vector.extract_strided_slice %add3A_36 {offsets = [0, 256], sizes = [400, 128], strides = [1, 1]} : vector<400x512xf32> to vector<400x128xf32>
    %swap3A_50 = arith.constant 2 : index
    %swap3A_51 = arith.constant 0 : index
    %swap3A_52 = arith.constant 0 : index
    %swap3A_53 = vector.load %arg6[%swap3A_50, %swap3A_51, %swap3A_52] : memref<4x400x128xf32, #tpu.memory_space<vmem>>, vector<1x400x128xf32>
    %swap3A_54 = vector.shape_cast %swap3A_53 : vector<1x400x128xf32> to vector<400x128xf32>
    %swap3A_55 = vector.shape_cast %slice3A_49 : vector<400x128xf32> to vector<1x400x128xf32>
    tpu.vector_store %arg6[%swap3A_50, %swap3A_51, %swap3A_52], %swap3A_55 {strides = array<i32>} : memref<4x400x128xf32, #tpu.memory_space<vmem>>, vector<1x400x128xf32>,
    %slice3A_56 = vector.extract_strided_slice %add3A_36 {offsets = [0, 384], sizes = [400, 128], strides = [1, 1]} : vector<400x512xf32> to vector<400x128xf32>
    %swap3A_57 = arith.constant 3 : index
    %swap3A_58 = arith.constant 0 : index
    %swap3A_59 = arith.constant 0 : index
    %swap3A_60 = vector.load %arg6[%swap3A_57, %swap3A_58, %swap3A_59] : memref<4x400x128xf32, #tpu.memory_space<vmem>>, vector<1x400x128xf32>
    %swap3A_61 = vector.shape_cast %swap3A_60 : vector<1x400x128xf32> to vector<400x128xf32>
    %swap3A_62 = vector.shape_cast %slice3A_56 : vector<400x128xf32> to vector<1x400x128xf32>
    tpu.vector_store %arg6[%swap3A_57, %swap3A_58, %swap3A_59], %swap3A_62 {strides = array<i32>} : memref<4x400x128xf32, #tpu.memory_space<vmem>>, vector<1x400x128xf32>,
    return
  }
  func.func @transform_0(%arg0: i32) -> (i32, i32, i32) {
    %c0_i32 = arith.constant 0 : i32
    %c0_i32_0 = arith.constant 0 : i32
    %c0_i32_1 = arith.constant 0 : i32
    return %c0_i32, %arg0, %c0_i32_0 : i32, i32, i32
  }
  func.func @transform_1(%arg0: i32) -> (i32, i32, i32) {
    %c0_i32 = arith.constant 0 : i32
    %c0_i32_0 = arith.constant 0 : i32
    %c0_i32_1 = arith.constant 0 : i32
    return %c0_i32, %arg0, %c0_i32_0 : i32, i32, i32
  }
  func.func @transform_2(%arg0: i32) -> (i32, i32) {
    %c0_i32 = arith.constant 0 : i32
    %c0_i32_0 = arith.constant 0 : i32
    return %arg0, %c0_i32 : i32, i32
  }
  func.func @transform_3(%arg0: i32) -> (i32, i32) {
    %c0_i32 = arith.constant 0 : i32
    %c0_i32_0 = arith.constant 0 : i32
    %c0_i32_1 = arith.constant 0 : i32
    return %c0_i32, %c0_i32_0 : i32, i32
  }
  func.func @transform_4(%arg0: i32) -> (i32, i32) {
    %c0_i32 = arith.constant 0 : i32
    %c0_i32_0 = arith.constant 0 : i32
    %c0_i32_1 = arith.constant 0 : i32
    return %c0_i32, %c0_i32_0 : i32, i32
  }
  func.func @transform_5(%arg0: i32) -> (i32, i32, i32) {
    %c0_i32 = arith.constant 0 : i32
    %c0_i32_0 = arith.constant 0 : i32
    %c0_i32_1 = arith.constant 0 : i32
    return %c0_i32, %arg0, %c0_i32_0 : i32, i32, i32
  }
}

module attributes {stable_mosaic.version = 14 : i64} {
  func.func @body(%arg0: i32, %arg1: memref<4x400x128xf32, #tpu.memory_space<vmem>>, %arg2: memref<4x400x128xf32, #tpu.memory_space<vmem>>, %arg3: memref<400x128xf32, #tpu.memory_space<vmem>>, %arg4: memref<1024x512xf32, #tpu.memory_space<vmem>>, %arg5: memref<1x512xf32, #tpu.memory_space<vmem>>, %arg6: memref<4x400x128xf32, #tpu.memory_space<vmem>>) attributes {dimension_semantics = [#tpu.dimension_semantics<arbitrary>], iteration_bounds = array<i64: 25>, scalar_prefetch = 0 : i64, scratch_operands = 0 : i64, tpu.core_type = #tpu.core_type<tc>, window_params = [{transform_indices = @transform_0, window_bounds = array<i64: 4, 400, 128>}, {transform_indices = @transform_1, window_bounds = array<i64: 4, 400, 128>}, {transform_indices = @transform_2, window_bounds = array<i64: 400, 128>}, {pipeline_mode = #tpu.pipeline_mode<synchronous>, transform_indices = @transform_3, window_bounds = array<i64: 1024, 512>}, {pipeline_mode = #tpu.pipeline_mode<synchronous>, transform_indices = @transform_4, window_bounds = array<i64: 1, 512>}, {transform_indices = @transform_5, window_bounds = array<i64: 4, 400, 128>}]} {
    %get3A = arith.constant 0 : index
    %get3A_0 = arith.constant 0 : index
    %get3A_1 = vector.load %arg3[%get3A, %get3A_0] : memref<400x128xf32, #tpu.memory_space<vmem>>, vector<400x1xf32>
    %max3A = arith.constant 1.000000e+00 : f32
    %max3A_2 = vector.broadcast %max3A : f32 to vector<400x1xf32>
    %max3A_3 = arith.maximumf %get3A_1, %max3A_2 : vector<400x1xf32>
    %div3A = arith.constant 1.000000e+00 : f32
    %div3A_4 = vector.broadcast %div3A : f32 to vector<400x1xf32>
    %div3A_5 = arith.divf %div3A_4, %max3A_3 : vector<400x1xf32>
    %get3A_6 = arith.constant 0 : index
    %get3A_7 = arith.constant 0 : index
    %get3A_8 = arith.constant 0 : index
    %get3A_9 = vector.load %arg1[%get3A_6, %get3A_7, %get3A_8] : memref<4x400x128xf32, #tpu.memory_space<vmem>>, vector<1x400x128xf32>
    %get3A_10 = vector.shape_cast %get3A_9 : vector<1x400x128xf32> to vector<400x128xf32>
    %get3A_11 = arith.constant 1 : index
    %get3A_12 = arith.constant 0 : index
    %get3A_13 = arith.constant 0 : index
    %get3A_14 = vector.load %arg1[%get3A_11, %get3A_12, %get3A_13] : memref<4x400x128xf32, #tpu.memory_space<vmem>>, vector<1x400x128xf32>
    %get3A_15 = vector.shape_cast %get3A_14 : vector<1x400x128xf32> to vector<400x128xf32>
    %get3A_16 = arith.constant 2 : index
    %get3A_17 = arith.constant 0 : index
    %get3A_18 = arith.constant 0 : index
    %get3A_19 = vector.load %arg1[%get3A_16, %get3A_17, %get3A_18] : memref<4x400x128xf32, #tpu.memory_space<vmem>>, vector<1x400x128xf32>
    %get3A_20 = vector.shape_cast %get3A_19 : vector<1x400x128xf32> to vector<400x128xf32>
    %get3A_21 = arith.constant 3 : index
    %get3A_22 = arith.constant 0 : index
    %get3A_23 = arith.constant 0 : index
    %get3A_24 = vector.load %arg1[%get3A_21, %get3A_22, %get3A_23] : memref<4x400x128xf32, #tpu.memory_space<vmem>>, vector<1x400x128xf32>
    %get3A_25 = vector.shape_cast %get3A_24 : vector<1x400x128xf32> to vector<400x128xf32>
    %concatenate3A = tpu.concatenate %get3A_10, %get3A_15, %get3A_20, %get3A_25 in 1 : vector<400x128xf32>, vector<400x128xf32>, vector<400x128xf32>, vector<400x128xf32> -> vector<400x512xf32>
    %mul3A = vector.broadcast %div3A_5 : vector<400x1xf32> to vector<400x512xf32>
    %mul3A_26 = arith.mulf %concatenate3A, %mul3A : vector<400x512xf32>
    %get3A_27 = arith.constant 0 : index
    %get3A_28 = arith.constant 0 : index
    %get3A_29 = arith.constant 0 : index
    %get3A_30 = vector.load %arg2[%get3A_27, %get3A_28, %get3A_29] : memref<4x400x128xf32, #tpu.memory_space<vmem>>, vector<1x400x128xf32>
    %get3A_31 = vector.shape_cast %get3A_30 : vector<1x400x128xf32> to vector<400x128xf32>
    %get3A_32 = arith.constant 1 : index
    %get3A_33 = arith.constant 0 : index
    %get3A_34 = arith.constant 0 : index
    %get3A_35 = vector.load %arg2[%get3A_32, %get3A_33, %get3A_34] : memref<4x400x128xf32, #tpu.memory_space<vmem>>, vector<1x400x128xf32>
    %get3A_36 = vector.shape_cast %get3A_35 : vector<1x400x128xf32> to vector<400x128xf32>
    %get3A_37 = arith.constant 2 : index
    %get3A_38 = arith.constant 0 : index
    %get3A_39 = arith.constant 0 : index
    %get3A_40 = vector.load %arg2[%get3A_37, %get3A_38, %get3A_39] : memref<4x400x128xf32, #tpu.memory_space<vmem>>, vector<1x400x128xf32>
    %get3A_41 = vector.shape_cast %get3A_40 : vector<1x400x128xf32> to vector<400x128xf32>
    %get3A_42 = arith.constant 3 : index
    %get3A_43 = arith.constant 0 : index
    %get3A_44 = arith.constant 0 : index
    %get3A_45 = vector.load %arg2[%get3A_42, %get3A_43, %get3A_44] : memref<4x400x128xf32, #tpu.memory_space<vmem>>, vector<1x400x128xf32>
    %get3A_46 = vector.shape_cast %get3A_45 : vector<1x400x128xf32> to vector<400x128xf32>
    %concatenate3A_47 = tpu.concatenate %get3A_31, %get3A_36, %get3A_41, %get3A_46 in 1 : vector<400x128xf32>, vector<400x128xf32>, vector<400x128xf32>, vector<400x128xf32> -> vector<400x512xf32>
    %concatenate3A_48 = tpu.concatenate %mul3A_26, %concatenate3A_47 in 1 : vector<400x512xf32>, vector<400x512xf32> -> vector<400x1024xf32>
    %get3A_49 = arith.constant 0 : index
    %get3A_50 = arith.constant 0 : index
    %get3A_51 = vector.load %arg4[%get3A_49, %get3A_50] : memref<1024x512xf32, #tpu.memory_space<vmem>>, vector<1024x512xf32>
    %dot_general3A = arith.constant dense<0.000000e+00> : vector<400x512xf32>
    %dot_general3A_52 = tpu.matmul %concatenate3A_48, %get3A_51, %dot_general3A {dimension_numbers = #tpu.dot_dimension_numbers<[1], [0], [0], [1], [0, 0, 1, 1], [], []>, transpose_lhs_hint = false} : vector<400x1024xf32>, vector<1024x512xf32>, vector<400x512xf32> -> vector<400x512xf32>
    %get3A_53 = arith.constant 0 : index
    %get3A_54 = arith.constant 0 : index
    %get3A_55 = vector.load %arg5[%get3A_53, %get3A_54] : memref<1x512xf32, #tpu.memory_space<vmem>>, vector<1x512xf32>
    %add3A = vector.broadcast %get3A_55 : vector<1x512xf32> to vector<400x512xf32>
    %add3A_56 = arith.addf %dot_general3A_52, %add3A : vector<400x512xf32>
    %slice3A = vector.extract_strided_slice %add3A_56 {offsets = [0, 0], sizes = [400, 128], strides = [1, 1]} : vector<400x512xf32> to vector<400x128xf32>
    %swap3A = arith.constant 0 : index
    %swap3A_57 = arith.constant 0 : index
    %swap3A_58 = arith.constant 0 : index
    %swap3A_59 = vector.load %arg6[%swap3A, %swap3A_57, %swap3A_58] : memref<4x400x128xf32, #tpu.memory_space<vmem>>, vector<1x400x128xf32>
    %swap3A_60 = vector.shape_cast %swap3A_59 : vector<1x400x128xf32> to vector<400x128xf32>
    %swap3A_61 = vector.shape_cast %slice3A : vector<400x128xf32> to vector<1x400x128xf32>
    tpu.vector_store %arg6[%swap3A, %swap3A_57, %swap3A_58], %swap3A_61 {strides = array<i32>} : memref<4x400x128xf32, #tpu.memory_space<vmem>>, vector<1x400x128xf32>,
    %slice3A_62 = vector.extract_strided_slice %add3A_56 {offsets = [0, 128], sizes = [400, 128], strides = [1, 1]} : vector<400x512xf32> to vector<400x128xf32>
    %swap3A_63 = arith.constant 1 : index
    %swap3A_64 = arith.constant 0 : index
    %swap3A_65 = arith.constant 0 : index
    %swap3A_66 = vector.load %arg6[%swap3A_63, %swap3A_64, %swap3A_65] : memref<4x400x128xf32, #tpu.memory_space<vmem>>, vector<1x400x128xf32>
    %swap3A_67 = vector.shape_cast %swap3A_66 : vector<1x400x128xf32> to vector<400x128xf32>
    %swap3A_68 = vector.shape_cast %slice3A_62 : vector<400x128xf32> to vector<1x400x128xf32>
    tpu.vector_store %arg6[%swap3A_63, %swap3A_64, %swap3A_65], %swap3A_68 {strides = array<i32>} : memref<4x400x128xf32, #tpu.memory_space<vmem>>, vector<1x400x128xf32>,
    %slice3A_69 = vector.extract_strided_slice %add3A_56 {offsets = [0, 256], sizes = [400, 128], strides = [1, 1]} : vector<400x512xf32> to vector<400x128xf32>
    %swap3A_70 = arith.constant 2 : index
    %swap3A_71 = arith.constant 0 : index
    %swap3A_72 = arith.constant 0 : index
    %swap3A_73 = vector.load %arg6[%swap3A_70, %swap3A_71, %swap3A_72] : memref<4x400x128xf32, #tpu.memory_space<vmem>>, vector<1x400x128xf32>
    %swap3A_74 = vector.shape_cast %swap3A_73 : vector<1x400x128xf32> to vector<400x128xf32>
    %swap3A_75 = vector.shape_cast %slice3A_69 : vector<400x128xf32> to vector<1x400x128xf32>
    tpu.vector_store %arg6[%swap3A_70, %swap3A_71, %swap3A_72], %swap3A_75 {strides = array<i32>} : memref<4x400x128xf32, #tpu.memory_space<vmem>>, vector<1x400x128xf32>,
    %slice3A_76 = vector.extract_strided_slice %add3A_56 {offsets = [0, 384], sizes = [400, 128], strides = [1, 1]} : vector<400x512xf32> to vector<400x128xf32>
    %swap3A_77 = arith.constant 3 : index
    %swap3A_78 = arith.constant 0 : index
    %swap3A_79 = arith.constant 0 : index
    %swap3A_80 = vector.load %arg6[%swap3A_77, %swap3A_78, %swap3A_79] : memref<4x400x128xf32, #tpu.memory_space<vmem>>, vector<1x400x128xf32>
    %swap3A_81 = vector.shape_cast %swap3A_80 : vector<1x400x128xf32> to vector<400x128xf32>
    %swap3A_82 = vector.shape_cast %slice3A_76 : vector<400x128xf32> to vector<1x400x128xf32>
    tpu.vector_store %arg6[%swap3A_77, %swap3A_78, %swap3A_79], %swap3A_82 {strides = array<i32>} : memref<4x400x128xf32, #tpu.memory_space<vmem>>, vector<1x400x128xf32>,
    return
  }
  func.func @transform_0(%arg0: i32) -> (i32, i32, i32) {
    %c0_i32 = arith.constant 0 : i32
    %c0_i32_0 = arith.constant 0 : i32
    %c0_i32_1 = arith.constant 0 : i32
    return %c0_i32, %arg0, %c0_i32_0 : i32, i32, i32
  }
  func.func @transform_1(%arg0: i32) -> (i32, i32, i32) {
    %c0_i32 = arith.constant 0 : i32
    %c0_i32_0 = arith.constant 0 : i32
    %c0_i32_1 = arith.constant 0 : i32
    return %c0_i32, %arg0, %c0_i32_0 : i32, i32, i32
  }
  func.func @transform_2(%arg0: i32) -> (i32, i32) {
    %c0_i32 = arith.constant 0 : i32
    %c0_i32_0 = arith.constant 0 : i32
    return %arg0, %c0_i32 : i32, i32
  }
  func.func @transform_3(%arg0: i32) -> (i32, i32) {
    %c0_i32 = arith.constant 0 : i32
    %c0_i32_0 = arith.constant 0 : i32
    %c0_i32_1 = arith.constant 0 : i32
    return %c0_i32, %c0_i32_0 : i32, i32
  }
  func.func @transform_4(%arg0: i32) -> (i32, i32) {
    %c0_i32 = arith.constant 0 : i32
    %c0_i32_0 = arith.constant 0 : i32
    %c0_i32_1 = arith.constant 0 : i32
    return %c0_i32, %c0_i32_0 : i32, i32
  }
  func.func @transform_5(%arg0: i32) -> (i32, i32, i32) {
    %c0_i32 = arith.constant 0 : i32
    %c0_i32_0 = arith.constant 0 : i32
    %c0_i32_1 = arith.constant 0 : i32
    return %c0_i32, %arg0, %c0_i32_0 : i32, i32, i32
  }
}

module attributes {stable_mosaic.version = 14 : i64} {
  func.func @body(%arg0: i32, %arg1: memref<4x80x128xf32, #tpu.memory_space<vmem>>, %arg2: memref<4x80x128xf32, #tpu.memory_space<vmem>>, %arg3: memref<4x80x128xf32, #tpu.memory_space<vmem>>, %arg4: memref<1x80x1xi32, #tpu.memory_space<vmem>>, %arg5: memref<1536x512xf32, #tpu.memory_space<vmem>>, %arg6: memref<1x512xf32, #tpu.memory_space<vmem>>, %arg7: memref<512x10xf32, #tpu.memory_space<vmem>>, %arg8: memref<1x10xf32, #tpu.memory_space<vmem>>, %arg9: memref<128x10xf32, #tpu.memory_space<vmem>>, %arg10: memref<128x1536xf32, #tpu.memory_space<vmem>>) attributes {dimension_semantics = [#tpu.dimension_semantics<arbitrary>], iteration_bounds = array<i64: 125>, scalar_prefetch = 0 : i64, scratch_operands = 1 : i64, tpu.core_type = #tpu.core_type<tc>, window_params = [{transform_indices = @transform_0, window_bounds = array<i64: 4, 80, 128>}, {transform_indices = @transform_1, window_bounds = array<i64: 4, 80, 128>}, {transform_indices = @transform_2, window_bounds = array<i64: 4, 80, 128>}, {transform_indices = @transform_3, window_bounds = array<i64: 1, 80, 1>}, {pipeline_mode = #tpu.pipeline_mode<synchronous>, transform_indices = @transform_4, window_bounds = array<i64: 1536, 512>}, {pipeline_mode = #tpu.pipeline_mode<synchronous>, transform_indices = @transform_5, window_bounds = array<i64: 1, 512>}, {pipeline_mode = #tpu.pipeline_mode<synchronous>, transform_indices = @transform_6, window_bounds = array<i64: 512, 10>}, {pipeline_mode = #tpu.pipeline_mode<synchronous>, transform_indices = @transform_7, window_bounds = array<i64: 1, 10>}, {pipeline_mode = #tpu.pipeline_mode<synchronous>, transform_indices = @transform_8, window_bounds = array<i64: 128, 10>}]} {
    %eq3A = arith.constant 0 : i32
    %eq3A_0 = arith.cmpi eq, %arg0, %eq3A : i32
    %convert_element_type3A = arith.extui %eq3A_0 : i1 to i32
    %cond3A = arith.constant 0 : i32
    %cond3A_1 = arith.cmpi ne, %convert_element_type3A, %cond3A : i32
    scf.if %cond3A_1 {
      %broadcast_in_dim3A = arith.constant 0xFF800000 : f32
      %broadcast_in_dim3A_90 = vector.broadcast %broadcast_in_dim3A : f32 to vector<128x1536xf32>
      %swap3A = arith.constant 0 : index
      %swap3A_91 = arith.constant 0 : index
      %swap3A_92 = vector.load %arg10[%swap3A, %swap3A_91] : memref<128x1536xf32, #tpu.memory_space<vmem>>, vector<128x1536xf32>
      tpu.vector_store %arg10[%swap3A, %swap3A_91], %broadcast_in_dim3A_90 {strides = array<i32>} : memref<128x1536xf32, #tpu.memory_space<vmem>>, vector<128x1536xf32>,
    } else {
    }
    %get3A = arith.constant 0 : index
    %get3A_2 = arith.constant 0 : index
    %get3A_3 = arith.constant 0 : index
    %get3A_4 = vector.load %arg1[%get3A, %get3A_2, %get3A_3] : memref<4x80x128xf32, #tpu.memory_space<vmem>>, vector<1x80x128xf32>
    %get3A_5 = vector.shape_cast %get3A_4 : vector<1x80x128xf32> to vector<80x128xf32>
    %get3A_6 = arith.constant 1 : index
    %get3A_7 = arith.constant 0 : index
    %get3A_8 = arith.constant 0 : index
    %get3A_9 = vector.load %arg1[%get3A_6, %get3A_7, %get3A_8] : memref<4x80x128xf32, #tpu.memory_space<vmem>>, vector<1x80x128xf32>
    %get3A_10 = vector.shape_cast %get3A_9 : vector<1x80x128xf32> to vector<80x128xf32>
    %get3A_11 = arith.constant 2 : index
    %get3A_12 = arith.constant 0 : index
    %get3A_13 = arith.constant 0 : index
    %get3A_14 = vector.load %arg1[%get3A_11, %get3A_12, %get3A_13] : memref<4x80x128xf32, #tpu.memory_space<vmem>>, vector<1x80x128xf32>
    %get3A_15 = vector.shape_cast %get3A_14 : vector<1x80x128xf32> to vector<80x128xf32>
    %get3A_16 = arith.constant 3 : index
    %get3A_17 = arith.constant 0 : index
    %get3A_18 = arith.constant 0 : index
    %get3A_19 = vector.load %arg1[%get3A_16, %get3A_17, %get3A_18] : memref<4x80x128xf32, #tpu.memory_space<vmem>>, vector<1x80x128xf32>
    %get3A_20 = vector.shape_cast %get3A_19 : vector<1x80x128xf32> to vector<80x128xf32>
    %get3A_21 = arith.constant 0 : index
    %get3A_22 = arith.constant 0 : index
    %get3A_23 = arith.constant 0 : index
    %get3A_24 = vector.load %arg2[%get3A_21, %get3A_22, %get3A_23] : memref<4x80x128xf32, #tpu.memory_space<vmem>>, vector<1x80x128xf32>
    %get3A_25 = vector.shape_cast %get3A_24 : vector<1x80x128xf32> to vector<80x128xf32>
    %get3A_26 = arith.constant 1 : index
    %get3A_27 = arith.constant 0 : index
    %get3A_28 = arith.constant 0 : index
    %get3A_29 = vector.load %arg2[%get3A_26, %get3A_27, %get3A_28] : memref<4x80x128xf32, #tpu.memory_space<vmem>>, vector<1x80x128xf32>
    %get3A_30 = vector.shape_cast %get3A_29 : vector<1x80x128xf32> to vector<80x128xf32>
    %get3A_31 = arith.constant 2 : index
    %get3A_32 = arith.constant 0 : index
    %get3A_33 = arith.constant 0 : index
    %get3A_34 = vector.load %arg2[%get3A_31, %get3A_32, %get3A_33] : memref<4x80x128xf32, #tpu.memory_space<vmem>>, vector<1x80x128xf32>
    %get3A_35 = vector.shape_cast %get3A_34 : vector<1x80x128xf32> to vector<80x128xf32>
    %get3A_36 = arith.constant 3 : index
    %get3A_37 = arith.constant 0 : index
    %get3A_38 = arith.constant 0 : index
    %get3A_39 = vector.load %arg2[%get3A_36, %get3A_37, %get3A_38] : memref<4x80x128xf32, #tpu.memory_space<vmem>>, vector<1x80x128xf32>
    %get3A_40 = vector.shape_cast %get3A_39 : vector<1x80x128xf32> to vector<80x128xf32>
    %get3A_41 = arith.constant 0 : index
    %get3A_42 = arith.constant 0 : index
    %get3A_43 = arith.constant 0 : index
    %get3A_44 = vector.load %arg3[%get3A_41, %get3A_42, %get3A_43] : memref<4x80x128xf32, #tpu.memory_space<vmem>>, vector<1x80x128xf32>
    %get3A_45 = vector.shape_cast %get3A_44 : vector<1x80x128xf32> to vector<80x128xf32>
    %get3A_46 = arith.constant 1 : index
    %get3A_47 = arith.constant 0 : index
    %get3A_48 = arith.constant 0 : index
    %get3A_49 = vector.load %arg3[%get3A_46, %get3A_47, %get3A_48] : memref<4x80x128xf32, #tpu.memory_space<vmem>>, vector<1x80x128xf32>
    %get3A_50 = vector.shape_cast %get3A_49 : vector<1x80x128xf32> to vector<80x128xf32>
    %get3A_51 = arith.constant 2 : index
    %get3A_52 = arith.constant 0 : index
    %get3A_53 = arith.constant 0 : index
    %get3A_54 = vector.load %arg3[%get3A_51, %get3A_52, %get3A_53] : memref<4x80x128xf32, #tpu.memory_space<vmem>>, vector<1x80x128xf32>
    %get3A_55 = vector.shape_cast %get3A_54 : vector<1x80x128xf32> to vector<80x128xf32>
    %get3A_56 = arith.constant 3 : index
    %get3A_57 = arith.constant 0 : index
    %get3A_58 = arith.constant 0 : index
    %get3A_59 = vector.load %arg3[%get3A_56, %get3A_57, %get3A_58] : memref<4x80x128xf32, #tpu.memory_space<vmem>>, vector<1x80x128xf32>
    %get3A_60 = vector.shape_cast %get3A_59 : vector<1x80x128xf32> to vector<80x128xf32>
    %concatenate3A = tpu.concatenate %get3A_5, %get3A_10, %get3A_15, %get3A_20, %get3A_25, %get3A_30, %get3A_35, %get3A_40, %get3A_45, %get3A_50, %get3A_55, %get3A_60 in 1 : vector<80x128xf32>, vector<80x128xf32>, vector<80x128xf32>, vector<80x128xf32>, vector<80x128xf32>, vector<80x128xf32>, vector<80x128xf32>, vector<80x128xf32>, vector<80x128xf32>, vector<80x128xf32>, vector<80x128xf32>, vector<80x128xf32> -> vector<80x1536xf32>
    %get3A_61 = arith.constant 0 : index
    %get3A_62 = arith.constant 0 : index
    %get3A_63 = arith.constant 0 : index
    %get3A_64 = vector.load %arg4[%get3A_61, %get3A_62, %get3A_63] : memref<1x80x1xi32, #tpu.memory_space<vmem>>, vector<1x80x1xi32>
    %get3A_65 = vector.shape_cast %get3A_64 : vector<1x80x1xi32> to vector<80x1xi32>
    %get3A_66 = arith.constant 0 : index
    %get3A_67 = arith.constant 0 : index
    %get3A_68 = arith.constant 0 : index
    %get3A_69 = vector.load %arg4[%get3A_66, %get3A_67, %get3A_68] : memref<1x80x1xi32, #tpu.memory_space<vmem>>, vector<1x1x1xi32>
    %get3A_70 = vector.extract %get3A_69[0, 0, 0] : i32 from vector<1x1x1xi32>
    %get3A_71 = arith.constant 0 : index
    %get3A_72 = arith.constant 79 : index
    %get3A_73 = arith.constant 0 : index
    %get3A_74 = vector.load %arg4[%get3A_71, %get3A_72, %get3A_73] : memref<1x80x1xi32, #tpu.memory_space<vmem>>, vector<1x1x1xi32>
    %get3A_75 = vector.extract %get3A_74[0, 0, 0] : i32 from vector<1x1x1xi32>
    %add3A = arith.constant 1 : i32
    %add3A_76 = arith.addi %get3A_75, %add3A : i32
    %while3A = arith.constant 0 : i32
    %while3A_77 = arith.subi %add3A_76, %get3A_70 : i32
    %while3A_78 = arith.addi %get3A_70, %while3A_77 : i32
    %while3A_79 = arith.constant 1 : i32
    %while3A_80 = arith.divsi %while3A_77, %while3A_79 : i32
    %while3A_81 = arith.muli %while3A_80, %while3A_79 : i32
    %while3A_82 = arith.addi %get3A_70, %while3A_81 : i32
    %while3A_83 = arith.constant 1 : i32
    scf.for %while3A_90 = %get3A_70 to %while3A_82 step %while3A_83  : i32 {
      %eq3A_91 = vector.broadcast %while3A_90 : i32 to vector<80x1xi32>
      %eq3A_92 = arith.cmpi eq, %get3A_65, %eq3A_91 : vector<80x1xi32>
      %jit3A = arith.constant 0xFF800000 : f32
      %broadcast_in_dim3A = vector.shape_cast %eq3A_92 : vector<80x1xi1> to vector<80x1xi1>
      %broadcast_in_dim3A_93 = vector.broadcast %broadcast_in_dim3A : vector<80x1xi1> to vector<80x1536xi1>
      %broadcast_in_dim3A_94 = vector.broadcast %jit3A : f32 to vector<80x1536xf32>
      %select_n3A = arith.select %broadcast_in_dim3A_93, %concatenate3A, %broadcast_in_dim3A_94 : vector<80x1536xi1>, vector<80x1536xf32>
      %reduce_max3A = arith.constant dense<0xFF800000> : vector<1536xf32>
      %reduce_max3A_95 = vector.multi_reduction <maximumf>, %select_n3A, %reduce_max3A [0] : vector<80x1536xf32> to vector<1536xf32>
      %broadcast_in_dim3A_96 = vector.shape_cast %reduce_max3A_95 : vector<1536xf32> to vector<1x1536xf32>
      %get3A_97 = arith.index_cast %while3A_90 : i32 to index
      %get3A_98 = arith.constant 0 : index
      %get3A_99 = vector.load %arg10[%get3A_97, %get3A_98] : memref<128x1536xf32, #tpu.memory_space<vmem>>, vector<1x1536xf32>
      %max3A = arith.maximumf %get3A_99, %broadcast_in_dim3A_96 : vector<1x1536xf32>
      %swap3A = arith.index_cast %while3A_90 : i32 to index
      %swap3A_100 = arith.constant 0 : index
      %swap3A_101 = vector.load %arg10[%swap3A, %swap3A_100] : memref<128x1536xf32, #tpu.memory_space<vmem>>, vector<1x1536xf32>
      tpu.vector_store %arg10[%swap3A, %swap3A_100], %max3A {strides = array<i32>} : memref<128x1536xf32, #tpu.memory_space<vmem>>, vector<1x1536xf32>,
    }
    %while3A_84 = arith.constant 1 : i32
    scf.for %while3A_90 = %while3A_82 to %while3A_78 step %while3A_84  : i32 {
      %eq3A_91 = vector.broadcast %while3A_90 : i32 to vector<80x1xi32>
      %eq3A_92 = arith.cmpi eq, %get3A_65, %eq3A_91 : vector<80x1xi32>
      %jit3A = arith.constant 0xFF800000 : f32
      %broadcast_in_dim3A = vector.shape_cast %eq3A_92 : vector<80x1xi1> to vector<80x1xi1>
      %broadcast_in_dim3A_93 = vector.broadcast %broadcast_in_dim3A : vector<80x1xi1> to vector<80x1536xi1>
      %broadcast_in_dim3A_94 = vector.broadcast %jit3A : f32 to vector<80x1536xf32>
      %select_n3A = arith.select %broadcast_in_dim3A_93, %concatenate3A, %broadcast_in_dim3A_94 : vector<80x1536xi1>, vector<80x1536xf32>
      %reduce_max3A = arith.constant dense<0xFF800000> : vector<1536xf32>
      %reduce_max3A_95 = vector.multi_reduction <maximumf>, %select_n3A, %reduce_max3A [0] : vector<80x1536xf32> to vector<1536xf32>
      %broadcast_in_dim3A_96 = vector.shape_cast %reduce_max3A_95 : vector<1536xf32> to vector<1x1536xf32>
      %get3A_97 = arith.index_cast %while3A_90 : i32 to index
      %get3A_98 = arith.constant 0 : index
      %get3A_99 = vector.load %arg10[%get3A_97, %get3A_98] : memref<128x1536xf32, #tpu.memory_space<vmem>>, vector<1x1536xf32>
      %max3A = arith.maximumf %get3A_99, %broadcast_in_dim3A_96 : vector<1x1536xf32>
      %swap3A = arith.index_cast %while3A_90 : i32 to index
      %swap3A_100 = arith.constant 0 : index
      %swap3A_101 = vector.load %arg10[%swap3A, %swap3A_100] : memref<128x1536xf32, #tpu.memory_space<vmem>>, vector<1x1536xf32>
      tpu.vector_store %arg10[%swap3A, %swap3A_100], %max3A {strides = array<i32>} : memref<128x1536xf32, #tpu.memory_space<vmem>>, vector<1x1536xf32>,
    }
    %eq3A_85 = arith.constant 124 : i32
    %eq3A_86 = arith.cmpi eq, %arg0, %eq3A_85 : i32
    %convert_element_type3A_87 = arith.extui %eq3A_86 : i1 to i32
    %cond3A_88 = arith.constant 0 : i32
    %cond3A_89 = arith.cmpi ne, %convert_element_type3A_87, %cond3A_88 : i32
    scf.if %cond3A_89 {
      %get3A_90 = arith.constant 0 : index
      %get3A_91 = arith.constant 0 : index
      %get3A_92 = vector.load %arg10[%get3A_90, %get3A_91] : memref<128x1536xf32, #tpu.memory_space<vmem>>, vector<128x1536xf32>
      %get3A_93 = arith.constant 0 : index
      %get3A_94 = arith.constant 0 : index
      %get3A_95 = vector.load %arg5[%get3A_93, %get3A_94] : memref<1536x512xf32, #tpu.memory_space<vmem>>, vector<1536x512xf32>
      %dot_general3A = arith.constant dense<0.000000e+00> : vector<128x512xf32>
      %dot_general3A_96 = tpu.matmul %get3A_92, %get3A_95, %dot_general3A {dimension_numbers = #tpu.dot_dimension_numbers<[1], [0], [0], [1], [0, 0, 1, 1], [], []>, transpose_lhs_hint = false} : vector<128x1536xf32>, vector<1536x512xf32>, vector<128x512xf32> -> vector<128x512xf32>
      %get3A_97 = arith.constant 0 : index
      %get3A_98 = arith.constant 0 : index
      %get3A_99 = vector.load %arg6[%get3A_97, %get3A_98] : memref<1x512xf32, #tpu.memory_space<vmem>>, vector<1x512xf32>
      %add3A_100 = vector.broadcast %get3A_99 : vector<1x512xf32> to vector<128x512xf32>
      %add3A_101 = arith.addf %dot_general3A_96, %add3A_100 : vector<128x512xf32>
      %max3A = arith.constant 0.000000e+00 : f32
      %max3A_102 = vector.broadcast %max3A : f32 to vector<128x512xf32>
      %max3A_103 = arith.maximumf %add3A_101, %max3A_102 : vector<128x512xf32>
      %get3A_104 = arith.constant 0 : index
      %get3A_105 = arith.constant 0 : index
      %get3A_106 = vector.load %arg7[%get3A_104, %get3A_105] : memref<512x10xf32, #tpu.memory_space<vmem>>, vector<512x10xf32>
      %dot_general3A_107 = arith.constant dense<0.000000e+00> : vector<128x10xf32>
      %dot_general3A_108 = tpu.matmul %max3A_103, %get3A_106, %dot_general3A_107 {dimension_numbers = #tpu.dot_dimension_numbers<[1], [0], [0], [1], [0, 0, 1, 1], [], []>, transpose_lhs_hint = false} : vector<128x512xf32>, vector<512x10xf32>, vector<128x10xf32> -> vector<128x10xf32>
      %get3A_109 = arith.constant 0 : index
      %get3A_110 = arith.constant 0 : index
      %get3A_111 = vector.load %arg8[%get3A_109, %get3A_110] : memref<1x10xf32, #tpu.memory_space<vmem>>, vector<1x10xf32>
      %add3A_112 = vector.broadcast %get3A_111 : vector<1x10xf32> to vector<128x10xf32>
      %add3A_113 = arith.addf %dot_general3A_108, %add3A_112 : vector<128x10xf32>
      %swap3A = arith.constant 0 : index
      %swap3A_114 = arith.constant 0 : index
      %swap3A_115 = vector.load %arg9[%swap3A, %swap3A_114] : memref<128x10xf32, #tpu.memory_space<vmem>>, vector<128x10xf32>
      tpu.vector_store %arg9[%swap3A, %swap3A_114], %add3A_113 {strides = array<i32>} : memref<128x10xf32, #tpu.memory_space<vmem>>, vector<128x10xf32>,
    } else {
    }
    return
  }
  func.func @transform_0(%arg0: i32) -> (i32, i32, i32) {
    %c0_i32 = arith.constant 0 : i32
    %c0_i32_0 = arith.constant 0 : i32
    %c0_i32_1 = arith.constant 0 : i32
    return %c0_i32, %arg0, %c0_i32_0 : i32, i32, i32
  }
  func.func @transform_1(%arg0: i32) -> (i32, i32, i32) {
    %c0_i32 = arith.constant 0 : i32
    %c0_i32_0 = arith.constant 0 : i32
    %c0_i32_1 = arith.constant 0 : i32
    return %c0_i32, %arg0, %c0_i32_0 : i32, i32, i32
  }
  func.func @transform_2(%arg0: i32) -> (i32, i32, i32) {
    %c0_i32 = arith.constant 0 : i32
    %c0_i32_0 = arith.constant 0 : i32
    %c0_i32_1 = arith.constant 0 : i32
    return %c0_i32, %arg0, %c0_i32_0 : i32, i32, i32
  }
  func.func @transform_3(%arg0: i32) -> (i32, i32, i32) {
    %c0_i32 = arith.constant 0 : i32
    %c0_i32_0 = arith.constant 0 : i32
    %c0_i32_1 = arith.constant 0 : i32
    return %arg0, %c0_i32, %c0_i32_0 : i32, i32, i32
  }
  func.func @transform_4(%arg0: i32) -> (i32, i32) {
    %c0_i32 = arith.constant 0 : i32
    %c0_i32_0 = arith.constant 0 : i32
    %c0_i32_1 = arith.constant 0 : i32
    return %c0_i32, %c0_i32_0 : i32, i32
  }
  func.func @transform_5(%arg0: i32) -> (i32, i32) {
    %c0_i32 = arith.constant 0 : i32
    %c0_i32_0 = arith.constant 0 : i32
    %c0_i32_1 = arith.constant 0 : i32
    return %c0_i32, %c0_i32_0 : i32, i32
  }
  func.func @transform_6(%arg0: i32) -> (i32, i32) {
    %c0_i32 = arith.constant 0 : i32
    %c0_i32_0 = arith.constant 0 : i32
    %c0_i32_1 = arith.constant 0 : i32
    return %c0_i32, %c0_i32_0 : i32, i32
  }
  func.func @transform_7(%arg0: i32) -> (i32, i32) {
    %c0_i32 = arith.constant 0 : i32
    %c0_i32_0 = arith.constant 0 : i32
    %c0_i32_1 = arith.constant 0 : i32
    return %c0_i32, %c0_i32_0 : i32, i32
  }
  func.func @transform_8(%arg0: i32) -> (i32, i32) {
    %c0_i32 = arith.constant 0 : i32
    %c0_i32_0 = arith.constant 0 : i32
    %c0_i32_1 = arith.constant 0 : i32
    return %c0_i32, %c0_i32_0 : i32, i32
  }
}

</mosaic_0001>

<sc_bundles>
// kernel: sc_agg2_deg.3.cloned.1.call-start
scs
__scs_entry_jumppad:
0x0: {  	(pc) =	sbr.rel $0x88, $3  }
0x1: {  	(tag) =	ssettag $0x0;
	lr =	simm.s32 $0x1  }
0x2: {  	[smem:$0x3F91] =	sst lr;
	_ =	strace $0xD0000000  }
0x3: {  	_ = 	snop  }
0x4: {  	_ = 	snop  }
0x5: {  	_ = 	snop  }
0x6: {  	_ = 	snop  }
0x7: {  	_ = 	snop  }
__scs_overlays_trampoline_lowered:
0x8: {  	[smem:$0x3FA0] =	sst s0  }
0x9: {  	[smem:$0x3FA1] =	sst s1  }
0xa: {  	[smem:$0x3FA2] =	sst s2  }
0xb: {  	[smem:$0x3FA3] =	sst s3  }
0xc: {  	[smem:$0x3FA4] =	sst s4  }
0xd: {  	[smem:$0x3FA5] =	sst s5  }
0xe: {  	[smem:$0x3FA6] =	sst s6  }
0xf: {  	[smem:$0x3FA7] =	sst s7  }
0x10: {  	[smem:$0x3FA8] =	sst s8  }
0x11: {  	[smem:$0x3FA9] =	sst s9;
	s0 =	simm.s32 @!p0 $0x0  }
0x12: {  	s1 =	sld [smem:$0x3F8F];
	s0 =	simm.s32 @p0 $0x1  }
0x13: {  	[smem:$0x3FAA] =	sst s0;
	s0 =	simm.s32 @!p1 $0x0  }
0x14: {  	s2 =	sld [smem:$0x3F8E];
	s0 =	simm.s32 @p1 $0x1  }
0x15: {  	[smem:$0x3FAB] =	sst s0;
	s0 =	simm.s32 @!p2 $0x0  }
0x16: {  	s3 =	sld [smem:$0x3FDB];
	s0 =	simm.s32 @p2 $0x1  }
0x17: {  	s4 =	simm.s32 $0x1BF5;
	[smem:$0x3FAD] =	sst s0  }
0x18: {  	s0 =	sld [smem:$0x3F90];
	_ =	swait.ge [sflag:s4], $0x0  }
0x19: {  	s7 =	sld [smem:$0x3F91]  }
0x1a: {  	s8 =	sadd.s32 $0xFFFFE003, lr  }
0x1b: {  	s9 =	sadd.s32 $0xFFFFFEF7, lr;
	s5 =	simm.s32 $0xFFFFFFFF;
	p2 =	slt.u32 s8, $0xFFFFF086  }
0x1c: {  	p1 =	slt.u32 s9, $0xF7A;
	s5 =	simm.s32 @!p2 $0x0  }
0x1d: {  	s5 =	simm.s32 @p1 $0x1;
	p0 =	seq.s32 s7, s2  }
0x1e: {  	s7 =	smul.u32 @!p0 $0xF7A, s2;
	p2 =	seq.s32 @!p0 s5, $0x0  }
0x1f: {  	s9 =	smul.u32 $0xF7A, s1;
	s8 =	simm.s32 @!p0 $0x1BF5;
	p2 =	por !p2, p0  }
0x20: {  	[sflag:s8] =	ssyncset.s32 @!p0 $0xFFFFF086;
	s6 =	sadd.s32 @!p0 s3, s7;
	s7 =	simm.s32 @!p0 $0x108  }
0x21: {  	s3 =	sadd.s32 s3, s9;
	s6 =	sadd.s32 @!p0 $0x88, s6;
	s7 =	simm.s32 @p2 $0x1082  }
0x22: {  	[simem:s7], [sflag:s8] =	dma.local @!p0 [hbm:s6], $0xF7A  }
0x23: {  	s9 =	sor.u32 $0xD0000000, s2;
	s6 =	simm.s32 $0x108;
	_ =	swait.ge @!p0 [sflag:s8], $0x0  }
0x24: {  	s3 =	sadd.s32 $0x88, s3;
	s6 =	simm.s32 @!p1 $0x1082;
	[sflag:s4] =	ssyncset.s32 $0xFFFFF086  }
0x25: {  	[simem:s6], [sflag:s4] =	dma.local [hbm:s3], $0xF7A  }
0x26: {  	[smem:$0x3F91] =	sst s1;
	(tag) =	ssettag s2;
	_ =	strace s9  }
0x27: {  	s1 =	sld [smem:$0x3FA1]  }
0x28: {  	s2 =	sld [smem:$0x3FA2]  }
0x29: {  	s4 =	sld [smem:$0x3FA4]  }
0x2a: {  	p0 =	seq.s32 s5, $0x0;
	s5 =	sld [smem:$0x3FA5]  }
0x2b: {  	s6 =	sld [smem:$0x3FA6]  }
0x2c: {  	s7 =	sld [smem:$0x3FA7]  }
0x2d: {  	s3 =	simm.s32 $0x108;
	s8 =	sld [smem:$0x3FA8]  }
0x2e: {  	s3 =	simm.s32 @!p0 $0x1082;
	s9 =	sld [smem:$0x3FA9]  }
0x2f: {  	lr =	sadd.s32 s0, s3;
	s0 =	sld [smem:$0x3FA0]  }
0x30: {  	s3 =	sld [smem:$0x3FA3]  }
0x31: {  	[smem:$0x3FAC] =	sst s10  }
0x32: {  	s10 =	sld [smem:$0x3FAA];
	_ =	sdelay $0x3  }
0x33: {  	p0 =	seq.s32 s10, $0x1;
	s10 =	sld [smem:$0x3FAC];
	_ =	sdelay $0x3  }
0x34: {  	[smem:$0x3FAC] =	sst s10  }
0x35: {  	s10 =	sld [smem:$0x3FAB];
	_ =	sdelay $0x3  }
0x36: {  	p1 =	seq.s32 s10, $0x1;
	s10 =	sld [smem:$0x3FAC];
	_ =	sdelay $0x3  }
0x37: {  	[smem:$0x3FAC] =	sst s10  }
0x38: {  	s10 =	sld [smem:$0x3FAD]  }
0x39: {  	_ = 	snop;
	(pc) =	sbr.ind lr, $3  }
0x3a: {  	_ = 	snop  }
0x3b: {  	_ = 	snop  }
0x3c: {  	p2 =	seq.s32 s10, $0x1;
	s10 =	sld [smem:$0x3FAC]  }
0x3d: {  	_ =	shalt  }
0x3e: {  	_ =	shalt  }
0x3f: {  	_ =	shalt  }
0x40: {  	_ =	shalt  }
0x41: {  	_ =	shalt  }
0x42: {  	_ =	shalt  }
0x43: {  	_ =	shalt  }
0x44: {  	_ =	shalt  }
0x45: {  	_ =	shalt  }
0x46: {  	_ =	shalt  }
0x47: {  	_ =	shalt  }
0x48: {  	_ =	shalt  }
0x49: {  	_ =	shalt  }
0x4a: {  	_ =	shalt  }
0x4b: {  	_ =	shalt  }
0x4c: {  	_ =	shalt  }
0x4d: {  	_ =	shalt  }
0x4e: {  	_ =	shalt  }
0x4f: {  	_ =	shalt  }
0x50: {  	_ =	shalt  }
0x51: {  	_ =	shalt  }
0x52: {  	_ =	shalt  }
0x53: {  	_ =	shalt  }
0x54: {  	_ =	shalt  }
0x55: {  	_ =	shalt  }
0x56: {  	_ =	shalt  }
0x57: {  	_ =	shalt  }
0x58: {  	_ =	shalt  }
0x59: {  	_ =	shalt  }
0x5a: {  	_ =	shalt  }
0x5b: {  	_ =	shalt  }
0x5c: {  	_ =	shalt  }
0x5d: {  	_ =	shalt  }
0x5e: {  	_ =	shalt  }
0x5f: {  	_ =	shalt  }
0x60: {  	_ =	shalt  }
0x61: {  	_ =	shalt  }
0x62: {  	_ =	shalt  }
0x63: {  	_ =	shalt  }
0x64: {  	_ =	shalt  }
0x65: {  	_ =	shalt  }
0x66: {  	_ =	shalt  }
0x67: {  	_ =	shalt  }
0x68: {  	_ =	shalt  }
0x69: {  	_ =	shalt  }
0x6a: {  	_ =	shalt  }
0x6b: {  	_ =	shalt  }
0x6c: {  	_ =	shalt  }
0x6d: {  	_ =	shalt  }
0x6e: {  	_ =	shalt  }
0x6f: {  	_ =	shalt  }
0x70: {  	_ =	shalt  }
0x71: {  	_ =	shalt  }
0x72: {  	_ =	shalt  }
0x73: {  	_ =	shalt  }
0x74: {  	_ =	shalt  }
0x75: {  	_ =	shalt  }
0x76: {  	_ =	shalt  }
0x77: {  	_ =	shalt  }
0x78: {  	_ =	shalt  }
0x79: {  	_ =	shalt  }
0x7a: {  	_ =	shalt  }
0x7b: {  	_ =	shalt  }
0x7c: {  	_ =	shalt  }
0x7d: {  	_ =	shalt  }
0x7e: {  	_ =	shalt  }
0x7f: {  	_ =	shalt  }
0x80: {  	_ =	shalt  }
0x81: {  	_ =	shalt  }
0x82: {  	_ =	shalt  }
0x83: {  	_ =	shalt  }
0x84: {  	_ =	shalt  }
0x85: {  	_ =	shalt  }
0x86: {  	_ =	shalt  }
0x87: {  	_ =	shalt  }
.Lfunc_end0:
.L_simem_size_0:
called_computation_lowered:
.L_overlay_start_0:
0x88: {  	s2 =	sld [smem:$0x3FD9]  }
0x89: {  	s3 =	sld [smem:$0x3FFE];
	_ =	sdelay $0x1  }
0x8a: {  	s1 =	srdreg.scid  }
0x8b: {  	s0 =	sand.u32 $0x1, s1  }
0x8c: {  	s16 =	sshll.u32 s0, $0xA;
	s2 =	sadd.s32 s3, s2  }
0x8d: {  	s2 =	sadd.s32 s2, s16  }
0x8e: {  	[smem:$0x3FB8] =	sst s2  }
0x8f: {  	_ = 	snop  }
0x90: {  	(tm) =	ssettm $0x1  }
0x91: {  	s17 =	sld [smem:$0x3FFB];
	_ =	sdelay $0x3  }
0x92: {  	_ =	strace s17  }
0x93: {  	s2 =	sld [smem:$0x3FFC];
	_ =	sdelay $0x3  }
0x94: {  	_ =	strace s2  }
0x95: {  	s2 =	sld [smem:$0x3FFD];
	_ =	sdelay $0x3  }
0x96: {  	_ =	strace s2  }
0x97: {  	_ =	strace $0x8FFFFFFF  }
0x98: {  	s18 =	sld [smem:$0x3FDB];
	_ =	sdelay $0x1  }
0x99: {  	s19 =	simm.s32 $_scs_section_size  }
0x9a: {  	s4 =	simm.s32 $_size__tile_overlayer_lowered;
	s5 =	simm.s32 $_tile_overlayer_lowered  }
0x9b: {  	s22 =	simm.s32 $0x1BFF;
	s21 =	sshll.u32 s5, $0x1;
	s2 =	sadd.s32 s19, s18  }
0x9c: {  	s6 =	simm.s32 $0x0;
	s20 =	sshll.u32 s4, $0x1;
	s4 =	sadd.s32 s21, s2  }
0x9d: {  	[timem:s6], [sflag:s22] =	dma.local [hbm:s4], s20  }
0x9e: {  	_ =	swait.ge [sflag:s22], s20  }
0x9f: {  	s3 =	ssub.s32 $0x0, s20;
	[sflag:s22] =	ssyncset.done $0x0  }
0xa0: {  	[sflag:s22] =	ssyncadd.s32 s3;
	_ =	sdelay $0x1  }
0xa1: {  	s23 =	simm.s32 $0x1B8B  }
0xa2: {  	_ =	swait.ge [sflag:s23], $0x1  }
0xa3: {  	[sflag:s23] =	ssyncset.done $0x0  }
0xa4: {  	s25 =	simm.s32 $0x1B8E;
	s24 =	sld [smem:$0x3FFE];
	[sflag:s23] =	ssyncadd.s32 $0xFFFFFFFF  }
0xa5: {  	s26 =	simm.s32 $execute0_lowered;
	[smem:$0x3FD2] =	sst s25  }
0xa6: {  	s4 =	sshll.u32 s26, $0x1;
	_ =	strace $0x80000046;
	[dreg:$0x1] =	wrdreg $0xFFFFFFFF  }
0xa7: {  	s28 =	simm.s32 $_size_execute0_lowered;
	s2 =	sadd.s32 s2, s4;
	[dreg:$0x0] =	wrdreg $0x0  }
0xa8: {  	s4 =	sshll.u32 s28, $0x1;
	[dreg:$0x2] =	wrdreg s2  }
0xa9: {  	[dreg:$0x3] =	wrdreg s4  }
0xaa: {  	[dreg:$0x4] =	wrdreg $0xC0  }
0xab: {  	_ =	task [dreg:s6], $0x5FFFF  }
0xac: {  	[dreg:$0x1] =	wrdreg $0xFFFFFFFF  }
0xad: {  	[dreg:$0x0] =	wrdreg $0x60  }
0xae: {  	[dreg:$0x2] =	wrdreg s24  }
0xaf: {  	[dreg:$0x3] =	wrdreg $0xAA000  }
0xb0: {  	[dreg:$0x4] =	wrdreg $0x9  }
0xb1: {  	_ =	task.clear_ibuf [dreg:s6], $0x5FFFF;
	_ =	strace $0x90000046  }
0xb2: {  	s29 =	simm.s32 $0x9;
	_ =	strace $0x80000048  }
0xb3: {  	_ =	swait.ge [sflag:s29], $0x1  }
0xb4: {  	[sflag:s29] =	ssyncadd.s32 $0xFFFFFFFF  }
0xb5: {  	_ =	strace $0x90000048  }
0xb6: {  	_ =	sfence  }
0xb7: {  	s30 =	sld [smem:$0x0];
	_ =	sdelay $0x2  }
0xb8: {  	s31 =	sshll.u32 s1, $0xD;
	s1 =	sshrl.u32 s1, $0x2  }
0xb9: {  	s3 =	sand.u32 $0x4000, s31;
	s1 =	sadd.s32 s1, s30  }
0xba: {  	s0 =	sor.u32 s3, s0;
	s1 =	sshll.u32 s1, $0x11  }
0xbb: {  	s0 =	sor.u32 s1, s0  }
0xbc: {  	s0 =	sadd.s32 $0x8F2B, s0  }
0xbd: {  	[sflag:s0] =	ssyncadd.remote.s32 $0x1  }
0xbe: {  	_ =	sfence.sel $0xFFFF  }
0xbf: {  	[dreg:$0x0] =	wrdreg $0xFFFFFFFF;
	(pc) =	sbr.abs _section_cstart, $3  }
0xc0: {  	[dreg:$0x1] =	wrdreg $0xFFFFFFFF  }
0xc1: {  	_ =	task.clear_ibuf [dreg:s6], $0x2FFFF;
	_ =	strace $0x9FFFFFFF  }
0xc2: {  	(tm) =	ssettm $0x7FFFFFFF  }
0xc3: {  	_ =	shalt  }
tec
execute0_lowered:
.L_overlay_start_1:
0x0: {  	(tag) =	ssettag $0x1  }
0x1: {  	s11 =	rddreg [dreg:$0x0]  }
0x2: {  	s2 =	rddreg [dreg:$0x1]  }
0x3: {  	s0 =	rddreg [dreg:$0x2];
	s3 =	simm.s32 $0x0;
	s1 =	stileid.u32  }
0x4: {  	s6 =	srdreg.scid;
	s18 =	simm.s32 $0x80;
	s5 =	smul.u32 $0x500, s1  }
0x5: {  	s19 =	simm.s32 $0x2800;
	s20 =	simm.s32 $0x1;
	s8 =	smul.u32 $0x2800, s1  }
0x6: {  	s21 =	simm.s32 $0x2;
	[smem:$0x7FF] =	sst s3;
	s16 =	smul.u32 $0x50000, s1  }
0x7: {  	s4 =	sadd.s32 $0x2A00, s11;
	s22 =	sand.u32 $0x1, s6;
	s17 =	smul.u32 $0x14000, s1  }
0x8: {  	s14 =	sadd.s32 $0x7CE00, s11;
	p0 =	sne.s32 s1, $0xF;
	s12 =	smul.u32 $0x138800, s22  }
0x9: {  	_ =	strace $0x80000047;
	s6 =	ssub.s32 $0x2, s22;
	s23 =	smul.u32 $0x2710, s22  }
0xa: {  	p1 =	sne.s32 s22, $0x0;
	s22 =	simm.s32 $0x2980;
	s7 =	sadd.s32 s5, s11  }
0xb: {  	s5 =	smul.u32 $0x5, s1;
	s15 =	sadd.s32 s8, s11;
	s29 =	sshrl.u32 s6, $0x1  }
0xc: {  	s11 =	sadd.s32 $0x7CC00, s11;
	s16 =	sshrl.u32 s16, $0x2;
	s13 =	ssub.s32 s6, s29  }
0xd: {  	s6 =	sadd.s32 $0x50C00, s7;
	s9 =	sshrl.u32 s12, $0x3;
	s17 =	sadd.s32 s17, s12  }
.Ltmp0:
0xe: {  	s15 =	sadd.s32 $0x55C00, s15;
	v0 =	vmov s23;
	s23 =	simm.s32 $0x0;
	(pc) =	sbr.rel .LBB2_1-.Ltmp0, $4  }
0xf: {  	s30 =	sadd.s32 $0x5, s5;
	s10 =	sadd.s32 s14, s9;
	s9 =	sadd.s32 $0x138000, s2  }
0x10: {  	s12 =	smax.u32 s13, $0x1;
	s13 =	sadd.s32 s16, s2;
	s31 =	sshrl.u32 s17, $0x3  }
0x11: {  	s16 =	simm.s32 $0x3;
	s17 =	simm.s32 $0x2A00;
	s7 =	smin.u32 s30, $0x4F  }
0x12: {  	v1 =	vimm.f32 $0.0e+00;
	v2 =	vimm.f32 $1.000000000e+00;
	s8 =	smin.u32 s30, $0x4E;
	s10 =	sadd.s32 $0x27000, s10;
	s14 =	sadd.s32 s31, s14  }
.LBB2_20:
0x13: {  	[sflag:s16] =	ssyncadd.s32 $0xFFFFC000;
	s24 =	simm.s32 @!p0 $0x2A00;
	s25 =	simm.s32 @!p0 $0x3  }
0x14: {  	[tilespmem:s24], [sflag:$0x3] =	stream.linear.gather @!p0 [spmem:s9], $0x800, $0x38;
	[tilespmem:$0x1E600] =	vst v63  }
0x15: {  	_ =	swait.ge @!p0 [sflag:s25], $0x800  }
0x16: {  	[sflag:s25] =	ssyncset.done @!p0 $0x0  }
0x17: {  	s26 =	simm.s32 @!p0 $0x0;
	[sflag:s25] =	ssyncadd.s32 @!p0 $0xFFFFF800  }
0x18: {  	[hbm4b:s11+s26] =	stream.linear.scatter @!p0 [tilespmem:s24], [sflag:$0x3], $0x800, $0x38;
	[tilespmem:$0x1E600] =	vst v63  }
0x19: {  	_ =	swait.ge @!p0 [sflag:s25], $0x800  }
0x1a: {  	[sflag:s25] =	ssyncset.done @!p0 $0x0  }
0x1b: {  	[sflag:s25] =	ssyncadd.s32 @!p0 $0xFFFFF800  }
0x1c: {  	[bflag:$0x0] =	sbarrier.arrive $0xFFFF  }
.LBB2_21:
0x1d: {  	s23 =	sadd.s32 $0x1, s23  }
0x1e: {  	p2 =	sne.s32 s23, s12  }
.Ltmp1:
0x1f: {  	_ = 	snop;
	(pc) =	sbr.rel @!p2 .LBB2_22-.Ltmp1, $1  }
0x20: {  	_ =	sdelay $0x3  }
.LBB2_1:
0x21: {  	[tilespmem:s3], [sflag:$0x3] =	stream.linear.gather [hbm4b:s6+s3], $0x2800, $0x38;
	[tilespmem:$0x1E600] =	vst v63  }
0x22: {  	s24 =	sand.u32 $0xFE00, s3;
	s25 =	sand.u32 $0x70, s3;
	_ =	swait.ge [sflag:s16], $0x2800  }
0x23: {  	s26 =	sshrl.u32 s24, $0x2;
	s24 =	simm.s32 $0x40;
	[sflag:s16] =	ssyncset.done $0x0  }
0x24: {  	s26 =	sor.u32 s25, s26;
	s25 =	simm.s32 $0x0;
	[sflag:s16] =	ssyncadd.s32 $0xFFFFD800  }
.LBB2_2:
0x25: {  	p2 =	sne.s32 s24, $0xFFC0  }
0x26: {  	[tilespmem:s26+$0x2A00] =	vst v1;
	s25 =	sadd.s32 $0x10, s25;
	s26 =	smov.u32 s24;
	s24 =	sadd.s32 $0x40, s24  }
.Ltmp2:
0x27: {  	(pc) =	sbr.rel @p2 .LBB2_2-.Ltmp2, $4  }
0x28: {  	_ = 	snop  }
0x29: {  	s26 =	sand.u32 $0xFE00, s26  }
0x2a: {  	s28 =	sand.u32 $0x70, s25;
	s26 =	sshrl.u32 s26, $0x2  }
0x2b: {  	s26 =	sor.u32 s28, s26  }
0x2c: {  	s24 =	sadd.s32 $0x1, s5  }
0x2d: {  	p2 =	slt.u32 s24, s7  }
.Ltmp3:
0x2e: {  	_ = 	snop;
	(pc) =	sbr.rel @!p2 .LBB2_5-.Ltmp3, $4  }
0x2f: {  	[tilespmem:s26+$0x2A00] =	vst v1  }
0x30: {  	[spmem:s13] =	stream.linear.scatter [tilespmem:s17], [sflag:$0x3], $0x4000, $0x38;
	[tilespmem:$0x1E600] =	vst v63  }
0x31: {  	_ =	swait.ge [sflag:s16], $0x4000  }
0x32: {  	s25 =	smov.u32 s13;
	[sflag:s16] =	ssyncset.done $0x0  }
.LBB2_4:
0x33: {  	s24 =	sadd.s32 $0x1, s24  }
0x34: {  	[sflag:s16] =	ssyncadd.s32 $0xFFFFC000;
	s25 =	sadd.s32 $0x4000, s25;
	p2 =	slt.u32 s24, s7  }
.Ltmp4:
0x35: {  	(pc) =	sbr.rel @p2 .LBB2_4-.Ltmp4, $4  }
0x36: {  	_ = 	snop  }
0x37: {  	[spmem:s25] =	stream.linear.scatter [tilespmem:s17], [sflag:$0x3], $0x4000, $0x38;
	[tilespmem:$0x1E600] =	vst v63  }
0x38: {  	_ =	swait.ge [sflag:s16], $0x4000  }
0x39: {  	[sflag:s16] =	ssyncset.done $0x0  }
.LBB2_5:
0x3a: {  	[sflag:s16] =	ssyncadd.s32 $0xFFFFC000  }
0x3b: {  	[bflag:$0x0] =	sbarrier.arrive $0xFFFF  }
0x3c: {  	v3 =	vld [tilespmem:$0x0];
	_ =	sdelay $0x1  }
0x3d: {  	v4 =	vld [tilespmem:$0x10];
	_ =	sdelay $0x1  }
0x3e: {  	v5 =	vld [tilespmem:$0x20]  }
0x3f: {  	v6 =	vshra.s32 v3, $0x10;
	v3 =	vand.u32 $0xFFFF, v3  }
0x40: {  	v58 =	vld [tilespmem:$0x30];
	[tilespmem:$0x2900] =	vst v6;
	v3 =	vadd.s32 v0, v3  }
0x41: {  	[tilespmem:$0x2800] =	vst v3;
	v3 =	vshra.s32 v4, $0x10;
	v4 =	vand.u32 $0xFFFF, v4  }
0x42: {  	v59 =	vld [tilespmem:$0x40];
	[tilespmem:$0x2910] =	vst v3;
	v3 =	vadd.s32 v0, v4  }
0x43: {  	[tilespmem:$0x2810] =	vst v3;
	v3 =	vshra.s32 v5, $0x10;
	v5 =	vand.u32 $0xFFFF, v5  }
0x44: {  	v60 =	vld [tilespmem:$0x50];
	[tilespmem:$0x2920] =	vst v3;
	v3 =	vadd.s32 v0, v5  }
0x45: {  	v6 =	vand.u32 $0xFFFF, v58;
	[tilespmem:$0x2820] =	vst v3;
	v3 =	vshra.s32 v58, $0x10  }
0x46: {  	v61 =	vld [tilespmem:$0x60];
	[tilespmem:$0x2930] =	vst v3;
	v3 =	vadd.s32 v0, v6  }
0x47: {  	v4 =	vand.u32 $0xFFFF, v59;
	[tilespmem:$0x2830] =	vst v3;
	v3 =	vshra.s32 v59, $0x10  }
0x48: {  	v62 =	vld [tilespmem:$0x70];
	[tilespmem:$0x2940] =	vst v3;
	v3 =	vadd.s32 v0, v4  }
0x49: {  	v5 =	vand.u32 $0xFFFF, v60;
	[tilespmem:$0x2840] =	vst v3;
	v3 =	vshra.s32 v60, $0x10  }
0x4a: {  	[tilespmem:$0x2950] =	vst v3;
	v3 =	vadd.s32 v0, v5  }
0x4b: {  	v63 =	vand.u32 $0xFFFF, v61;
	[tilespmem:$0x2850] =	vst v3;
	v3 =	vshra.s32 v61, $0x10  }
0x4c: {  	[tilespmem:$0x2960] =	vst v3;
	v3 =	vadd.s32 v0, v63  }
0x4d: {  	v4 =	vand.u32 $0xFFFF, v62;
	[tilespmem:$0x2860] =	vst v3;
	v3 =	vshra.s32 v62, $0x10  }
0x4e: {  	[tilespmem:$0x2970] =	vst v3;
	v3 =	vadd.s32 v0, v4  }
0x4f: {  	s24 =	simm.s32 $0x0;
	s25 =	simm.s32 $0xF0;
	[tilespmem:$0x2870] =	vst v3  }
0x50: {  	[tilespmem:s17], [sflag:$0x1] =	stream.indirect.gather [hbm4b:s4+s18], $0x80, s19, s18, $0xb8;
	[tilespmem:$0x1E600] =	vst v63  }
0x51: {  	p2 =	por $0x0, $0x0;
	s24 =	sand.u32 $0x1, s24;
	_ =	swait.ge [sflag:s20], $0x4000  }
0x52: {  	s26 =	sshll.u32 s24, $0xE;
	s24 =	sshll.u32 s24, $0x7;
	[sflag:s20] =	ssyncset.done $0x0  }
0x53: {  	s26 =	sor.u32 $0x2A00, s26;
	s24 =	sor.u32 $0x2900, s24;
	[sflag:s20] =	ssyncadd.s32 $0xFFFFC000  }
0x54: {  	[spmem:s2] =	stream.indirect.scatter.add.f32 [tilespmem:s26], [sflag:$0x2], $0x80, s24, s18, $0xb8;
	[tilespmem:$0x1E600] =	vst v63  }
0x55: {  	v3 =	vld @!p2 [tilespmem:s25+$0xFFFFFF90];
	_ =	sdelay $0x2  }
0x56: {  	s26 =	simm.s32 $0x1  }
0x57: {  	s24 =	sand.u32 @!p2 $0x1, s26  }
0x58: {  	s28 =	sshll.u32 @!p2 s24, $0x7;
	v4 =	vshra.s32 @!p2 v3, $0x10;
	v3 =	vand.u32 @!p2 $0xFFFF, v3  }
0x59: {  	[tilespmem:s28+$0x2900] =	vst @!p2 v4;
	v3 =	vadd.s32 @!p2 v0, v3  }
0x5a: {  	[tilespmem:s28+$0x2800] =	vst @!p2 v3  }
0x5b: {  	v3 =	vld @!p2 [tilespmem:s25+$0xFFFFFFA0];
	_ =	sdelay $0x4  }
0x5c: {  	v4 =	vshra.s32 @!p2 v3, $0x10;
	v3 =	vand.u32 @!p2 $0xFFFF, v3  }
0x5d: {  	[tilespmem:s28+$0x2910] =	vst @!p2 v4;
	v3 =	vadd.s32 @!p2 v0, v3  }
0x5e: {  	[tilespmem:s28+$0x2810] =	vst @!p2 v3  }
0x5f: {  	v3 =	vld @!p2 [tilespmem:s25+$0xFFFFFFB0];
	_ =	sdelay $0x4  }
0x60: {  	v4 =	vshra.s32 @!p2 v3, $0x10;
	v3 =	vand.u32 @!p2 $0xFFFF, v3  }
0x61: {  	[tilespmem:s28+$0x2920] =	vst @!p2 v4;
	v3 =	vadd.s32 @!p2 v0, v3  }
0x62: {  	[tilespmem:s28+$0x2820] =	vst @!p2 v3  }
0x63: {  	v3 =	vld @!p2 [tilespmem:s25+$0xFFFFFFC0];
	_ =	sdelay $0x4  }
0x64: {  	v4 =	vshra.s32 @!p2 v3, $0x10;
	v3 =	vand.u32 @!p2 $0xFFFF, v3  }
0x65: {  	[tilespmem:s28+$0x2930] =	vst @!p2 v4;
	v3 =	vadd.s32 @!p2 v0, v3  }
0x66: {  	[tilespmem:s28+$0x2830] =	vst @!p2 v3  }
0x67: {  	v3 =	vld @!p2 [tilespmem:s25+$0xFFFFFFD0];
	_ =	sdelay $0x4  }
0x68: {  	v4 =	vshra.s32 @!p2 v3, $0x10;
	v3 =	vand.u32 @!p2 $0xFFFF, v3  }
0x69: {  	[tilespmem:s28+$0x2940] =	vst @!p2 v4;
	v3 =	vadd.s32 @!p2 v0, v3  }
0x6a: {  	[tilespmem:s28+$0x2840] =	vst @!p2 v3  }
0x6b: {  	v3 =	vld @!p2 [tilespmem:s25+$0xFFFFFFE0];
	_ =	sdelay $0x4  }
0x6c: {  	v4 =	vshra.s32 @!p2 v3, $0x10;
	v3 =	vand.u32 @!p2 $0xFFFF, v3  }
0x6d: {  	[tilespmem:s28+$0x2950] =	vst @!p2 v4;
	v3 =	vadd.s32 @!p2 v0, v3  }
0x6e: {  	[tilespmem:s28+$0x2850] =	vst @!p2 v3  }
0x6f: {  	v3 =	vld @!p2 [tilespmem:s25+$0xFFFFFFF0];
	_ =	sdelay $0x4  }
0x70: {  	v4 =	vshra.s32 @!p2 v3, $0x10;
	v3 =	vand.u32 @!p2 $0xFFFF, v3  }
0x71: {  	[tilespmem:s28+$0x2960] =	vst @!p2 v4;
	v3 =	vadd.s32 @!p2 v0, v3  }
0x72: {  	[tilespmem:s28+$0x2860] =	vst @!p2 v3  }
0x73: {  	v3 =	vld @!p2 [tilespmem:s25+$0x0];
	_ =	sdelay $0x4  }
0x74: {  	v4 =	vshra.s32 @!p2 v3, $0x10;
	v3 =	vand.u32 @!p2 $0xFFFF, v3  }
0x75: {  	s29 =	simm.s32 @!p2 $0x1;
	s24 =	sshll.u32 @!p2 s24, $0xE;
	[tilespmem:s28+$0x2970] =	vst @!p2 v4;
	v3 =	vadd.s32 @!p2 v0, v3  }
0x76: {  	s24 =	sor.u32 @!p2 $0x2A00, s24;
	s25 =	sor.u32 @!p2 $0x2800, s28;
	[tilespmem:s28+$0x2870] =	vst @!p2 v3;
	s28 =	simm.s32 @!p2 $0x80  }
0x77: {  	[tilespmem:s24], [sflag:$0x1] =	stream.indirect.gather @!p2 [hbm4b:s4+s28], $0x80, s25, s28, $0xb8;
	[tilespmem:$0x1E600] =	vst v63  }
0x78: {  	_ =	swait.ge @!p2 [sflag:s29], $0x4000  }
0x79: {  	[sflag:s29] =	ssyncset.done @!p2 $0x0  }
0x7a: {  	s25 =	simm.s32 $0x2;
	s28 =	sand.u32 $0x1, s26;
	[sflag:s29] =	ssyncadd.s32 @!p2 $0xFFFFC000  }
0x7b: {  	s24 =	simm.s32 $0x170;
	s26 =	sshll.u32 s28, $0xE;
	_ =	swait.ge [sflag:s21], $0x4000  }
0x7c: {  	s28 =	sshll.u32 s28, $0x7;
	p2 =	por $0x0, $0x0;
	[sflag:s21] =	ssyncset.done $0x0  }
.LBB2_6:
0x7d: {  	s26 =	sor.u32 $0x2A00, s26;
	s28 =	sor.u32 $0x2900, s28;
	[sflag:s21] =	ssyncadd.s32 $0xFFFFC000  }
0x7e: {  	[spmem:s2] =	stream.indirect.scatter.add.f32 [tilespmem:s26], [sflag:$0x2], $0x80, s28, s18, $0xb8;
	[tilespmem:$0x1E600] =	vst v63  }
0x7f: {  	s29 =	sand.u32 @!p2 $0x1, s25;
	s26 =	smov.u32 s25;
	s25 =	sadd.s32 $0x1, s25;
	v3 =	vld @!p2 [tilespmem:s24+$0xFFFFFF90]  }
0x80: {  	s28 =	sshll.u32 @!p2 s29, $0xE;
	p3 =	sne.s32 s25, $0x50  }
0x81: {  	s28 =	sor.u32 @!p2 $0x2A00, s28;
	_ =	sdelay $0x2  }
0x82: {  	s29 =	sshll.u32 @!p2 s29, $0x7;
	v4 =	vshra.s32 @!p2 v3, $0x10;
	v3 =	vand.u32 @!p2 $0xFFFF, v3  }
0x83: {  	s30 =	sor.u32 @!p2 $0x2800, s29;
	[tilespmem:s29+$0x2900] =	vst @!p2 v4;
	v3 =	vadd.s32 @!p2 v0, v3  }
0x84: {  	[tilespmem:s29+$0x2800] =	vst @!p2 v3  }
0x85: {  	v3 =	vld @!p2 [tilespmem:s24+$0xFFFFFFA0];
	_ =	sdelay $0x4  }
0x86: {  	v4 =	vshra.s32 @!p2 v3, $0x10;
	v3 =	vand.u32 @!p2 $0xFFFF, v3  }
0x87: {  	[tilespmem:s29+$0x2910] =	vst @!p2 v4;
	v3 =	vadd.s32 @!p2 v0, v3  }
0x88: {  	[tilespmem:s29+$0x2810] =	vst @!p2 v3  }
0x89: {  	v3 =	vld @!p2 [tilespmem:s24+$0xFFFFFFB0];
	_ =	sdelay $0x4  }
0x8a: {  	v4 =	vshra.s32 @!p2 v3, $0x10;
	v3 =	vand.u32 @!p2 $0xFFFF, v3  }
0x8b: {  	[tilespmem:s29+$0x2920] =	vst @!p2 v4;
	v3 =	vadd.s32 @!p2 v0, v3  }
0x8c: {  	[tilespmem:s29+$0x2820] =	vst @!p2 v3  }
0x8d: {  	v3 =	vld @!p2 [tilespmem:s24+$0xFFFFFFC0];
	_ =	sdelay $0x4  }
0x8e: {  	v4 =	vshra.s32 @!p2 v3, $0x10;
	v3 =	vand.u32 @!p2 $0xFFFF, v3  }
0x8f: {  	[tilespmem:s29+$0x2930] =	vst @!p2 v4;
	v3 =	vadd.s32 @!p2 v0, v3  }
0x90: {  	[tilespmem:s29+$0x2830] =	vst @!p2 v3  }
0x91: {  	v3 =	vld @!p2 [tilespmem:s24+$0xFFFFFFD0];
	_ =	sdelay $0x4  }
0x92: {  	v4 =	vshra.s32 @!p2 v3, $0x10;
	v3 =	vand.u32 @!p2 $0xFFFF, v3  }
0x93: {  	[tilespmem:s29+$0x2940] =	vst @!p2 v4;
	v3 =	vadd.s32 @!p2 v0, v3  }
0x94: {  	[tilespmem:s29+$0x2840] =	vst @!p2 v3  }
0x95: {  	v3 =	vld @!p2 [tilespmem:s24+$0xFFFFFFE0];
	_ =	sdelay $0x4  }
0x96: {  	v4 =	vshra.s32 @!p2 v3, $0x10;
	v3 =	vand.u32 @!p2 $0xFFFF, v3  }
0x97: {  	[tilespmem:s29+$0x2950] =	vst @!p2 v4;
	v3 =	vadd.s32 @!p2 v0, v3  }
0x98: {  	[tilespmem:s29+$0x2850] =	vst @!p2 v3  }
0x99: {  	v3 =	vld @!p2 [tilespmem:s24+$0xFFFFFFF0];
	_ =	sdelay $0x4  }
0x9a: {  	v4 =	vshra.s32 @!p2 v3, $0x10;
	v3 =	vand.u32 @!p2 $0xFFFF, v3  }
0x9b: {  	[tilespmem:s29+$0x2960] =	vst @!p2 v4;
	v3 =	vadd.s32 @!p2 v0, v3  }
0x9c: {  	[tilespmem:s29+$0x2860] =	vst @!p2 v3  }
0x9d: {  	v3 =	vld @!p2 [tilespmem:s24+$0x0];
	_ =	sdelay $0x4  }
0x9e: {  	v4 =	vshra.s32 @!p2 v3, $0x10;
	v3 =	vand.u32 @!p2 $0xFFFF, v3  }
0x9f: {  	[tilespmem:s29+$0x2970] =	vst @!p2 v4;
	v3 =	vadd.s32 @!p2 v0, v3  }
0xa0: {  	s31 =	simm.s32 @!p2 $0x1;
	[tilespmem:s29+$0x2870] =	vst @!p2 v3;
	s29 =	simm.s32 @!p2 $0x80  }
0xa1: {  	[tilespmem:s28], [sflag:$0x1] =	stream.indirect.gather @!p2 [hbm4b:s4+s29], $0x80, s30, s29, $0xb8;
	[tilespmem:$0x1E600] =	vst v63  }
.Ltmp5:
0xa2: {  	_ =	swait.ge @!p2 [sflag:s31], $0x4000;
	(pc) =	sbr.rel @p3 .LBB2_6-.Ltmp5, $4  }
0xa3: {  	[sflag:s31] =	ssyncset.done @!p2 $0x0  }
0xa4: {  	s24 =	sadd.s32 $0x80, s24;
	[sflag:s31] =	ssyncadd.s32 @!p2 $0xFFFFC000  }
0xa5: {  	s28 =	sand.u32 $0x1, s26;
	p2 =	seq.s32 s26, $0x4F;
	_ =	swait.ge [sflag:s21], $0x4000  }
0xa6: {  	s26 =	sshll.u32 s28, $0xE;
	s28 =	sshll.u32 s28, $0x7;
	[sflag:s21] =	ssyncset.done $0x0  }
0xa7: {  	s26 =	sor.u32 $0x2A00, s26;
	s28 =	sor.u32 $0x2900, s28;
	[sflag:s21] =	ssyncadd.s32 $0xFFFFC000  }
0xa8: {  	[spmem:s2] =	stream.indirect.scatter.add.f32 [tilespmem:s26], [sflag:$0x2], $0x80, s28, s18, $0xb8;
	[tilespmem:$0x1E600] =	vst v63  }
0xa9: {  	v3 =	vld @!p2 [tilespmem:s24+$0xFFFFFF90];
	_ =	sdelay $0x3  }
0xaa: {  	s25 =	sand.u32 @!p2 $0x1, s25  }
0xab: {  	s26 =	sshll.u32 @!p2 s25, $0x7;
	v4 =	vshra.s32 @!p2 v3, $0x10;
	v3 =	vand.u32 @!p2 $0xFFFF, v3  }
0xac: {  	[tilespmem:s26+$0x2900] =	vst @!p2 v4;
	v3 =	vadd.s32 @!p2 v0, v3  }
0xad: {  	[tilespmem:s26+$0x2800] =	vst @!p2 v3  }
0xae: {  	v3 =	vld @!p2 [tilespmem:s24+$0xFFFFFFA0];
	_ =	sdelay $0x4  }
0xaf: {  	v4 =	vshra.s32 @!p2 v3, $0x10;
	v3 =	vand.u32 @!p2 $0xFFFF, v3  }
0xb0: {  	[tilespmem:s26+$0x2910] =	vst @!p2 v4;
	v3 =	vadd.s32 @!p2 v0, v3  }
0xb1: {  	[tilespmem:s26+$0x2810] =	vst @!p2 v3  }
0xb2: {  	v3 =	vld @!p2 [tilespmem:s24+$0xFFFFFFB0];
	_ =	sdelay $0x4  }
0xb3: {  	v4 =	vshra.s32 @!p2 v3, $0x10;
	v3 =	vand.u32 @!p2 $0xFFFF, v3  }
0xb4: {  	[tilespmem:s26+$0x2920] =	vst @!p2 v4;
	v3 =	vadd.s32 @!p2 v0, v3  }
0xb5: {  	[tilespmem:s26+$0x2820] =	vst @!p2 v3  }
0xb6: {  	v3 =	vld @!p2 [tilespmem:s24+$0xFFFFFFC0];
	_ =	sdelay $0x4  }
0xb7: {  	v4 =	vshra.s32 @!p2 v3, $0x10;
	v3 =	vand.u32 @!p2 $0xFFFF, v3  }
0xb8: {  	[tilespmem:s26+$0x2930] =	vst @!p2 v4;
	v3 =	vadd.s32 @!p2 v0, v3  }
0xb9: {  	[tilespmem:s26+$0x2830] =	vst @!p2 v3  }
0xba: {  	v3 =	vld @!p2 [tilespmem:s24+$0xFFFFFFD0];
	_ =	sdelay $0x4  }
0xbb: {  	v4 =	vshra.s32 @!p2 v3, $0x10;
	v3 =	vand.u32 @!p2 $0xFFFF, v3  }
0xbc: {  	[tilespmem:s26+$0x2940] =	vst @!p2 v4;
	v3 =	vadd.s32 @!p2 v0, v3  }
0xbd: {  	[tilespmem:s26+$0x2840] =	vst @!p2 v3  }
0xbe: {  	v3 =	vld @!p2 [tilespmem:s24+$0xFFFFFFE0];
	_ =	sdelay $0x4  }
0xbf: {  	v4 =	vshra.s32 @!p2 v3, $0x10;
	v3 =	vand.u32 @!p2 $0xFFFF, v3  }
0xc0: {  	[tilespmem:s26+$0x2950] =	vst @!p2 v4;
	v3 =	vadd.s32 @!p2 v0, v3  }
0xc1: {  	[tilespmem:s26+$0x2850] =	vst @!p2 v3  }
0xc2: {  	v3 =	vld @!p2 [tilespmem:s24+$0xFFFFFFF0];
	_ =	sdelay $0x4  }
0xc3: {  	v4 =	vshra.s32 @!p2 v3, $0x10;
	v3 =	vand.u32 @!p2 $0xFFFF, v3  }
0xc4: {  	[tilespmem:s26+$0x2960] =	vst @!p2 v4;
	v3 =	vadd.s32 @!p2 v0, v3  }
0xc5: {  	[tilespmem:s26+$0x2860] =	vst @!p2 v3  }
0xc6: {  	v3 =	vld @!p2 [tilespmem:s24+$0x0];
	_ =	sdelay $0x4  }
0xc7: {  	v4 =	vshra.s32 @!p2 v3, $0x10;
	v3 =	vand.u32 @!p2 $0xFFFF, v3  }
0xc8: {  	s28 =	simm.s32 @!p2 $0x1;
	s24 =	sshll.u32 @!p2 s25, $0xE;
	[tilespmem:s26+$0x2970] =	vst @!p2 v4;
	v3 =	vadd.s32 @!p2 v0, v3  }
0xc9: {  	s25 =	sor.u32 @!p2 $0x2800, s26;
	s24 =	sor.u32 @!p2 $0x2A00, s24;
	[tilespmem:s26+$0x2870] =	vst @!p2 v3;
	s26 =	simm.s32 @!p2 $0x80  }
0xca: {  	[tilespmem:s24], [sflag:$0x1] =	stream.indirect.gather @!p2 [hbm4b:s4+s26], $0x80, s25, s26, $0xb8;
	[tilespmem:$0x1E600] =	vst v63  }
0xcb: {  	_ =	swait.ge @!p2 [sflag:s28], $0x4000  }
0xcc: {  	[sflag:s28] =	ssyncset.done @!p2 $0x0  }
0xcd: {  	[sflag:s28] =	ssyncadd.s32 @!p2 $0xFFFFC000  }
0xce: {  	_ =	swait.ge [sflag:s21], $0x4000  }
0xcf: {  	[sflag:s21] =	ssyncset.done $0x0  }
0xd0: {  	[sflag:s21] =	ssyncadd.s32 $0xFFFFC000  }
0xd1: {  	s24 =	sadd.s32 $0x1, s5;
	[bflag:$0x0] =	sbarrier.arrive $0xFFFF  }
0xd2: {  	[tilespmem:s17], [sflag:$0x3] =	stream.linear.gather [spmem:s13], $0x4000, $0x38;
	[tilespmem:$0x1E600] =	vst v63  }
0xd3: {  	p2 =	slt.u32 s24, s8;
	_ =	swait.ge [sflag:s16], $0x4000  }
.Ltmp6:
0xd4: {  	[sflag:s16] =	ssyncset.done $0x0;
	(pc) =	sbr.rel @!p2 .LBB2_9-.Ltmp6, $4  }
0xd5: {  	[sflag:s16] =	ssyncadd.s32 $0xFFFFC000  }
0xd6: {  	[hbm4b:s14+s3] =	stream.linear.scatter [tilespmem:s17], [sflag:$0x3], $0x4000, $0x38;
	[tilespmem:$0x1E600] =	vst v63  }
0xd7: {  	_ =	swait.ge [sflag:s16], $0x4000  }
0xd8: {  	s25 =	sadd.s32 $0x4000, s13;
	s26 =	smov.u32 s14;
	[sflag:s16] =	ssyncset.done $0x0  }
.LBB2_8:
0xd9: {  	s24 =	sadd.s32 $0x1, s24;
	[sflag:s16] =	ssyncadd.s32 $0xFFFFC000;
	s26 =	sadd.s32 $0x800, s26  }
0xda: {  	[tilespmem:s17], [sflag:$0x3] =	stream.linear.gather [spmem:s25], $0x4000, $0x38;
	[tilespmem:$0x1E600] =	vst v63  }
0xdb: {  	p2 =	slt.u32 s24, s8;
	_ =	swait.ge [sflag:s16], $0x4000  }
.Ltmp7:
0xdc: {  	[sflag:s16] =	ssyncset.done $0x0;
	(pc) =	sbr.rel @p2 .LBB2_8-.Ltmp7, $4  }
0xdd: {  	[sflag:s16] =	ssyncadd.s32 $0xFFFFC000  }
0xde: {  	[hbm4b:s26+s3] =	stream.linear.scatter [tilespmem:s17], [sflag:$0x3], $0x4000, $0x38;
	[tilespmem:$0x1E600] =	vst v63  }
0xdf: {  	_ =	swait.ge [sflag:s16], $0x4000  }
0xe0: {  	s25 =	sadd.s32 $0x4000, s25;
	[sflag:s16] =	ssyncset.done $0x0  }
.LBB2_9:
0xe1: {  	[sflag:s16] =	ssyncadd.s32 $0xFFFFC000;
	s24 =	simm.s32 @!p0 $0x2A00;
	s25 =	simm.s32 @!p0 $0x3  }
0xe2: {  	[tilespmem:s24], [sflag:$0x3] =	stream.linear.gather @!p0 [spmem:s9], $0x800, $0x38;
	[tilespmem:$0x1E600] =	vst v63  }
0xe3: {  	_ =	swait.ge @!p0 [sflag:s25], $0x800  }
0xe4: {  	[sflag:s25] =	ssyncset.done @!p0 $0x0  }
0xe5: {  	s26 =	simm.s32 @!p0 $0x0;
	[sflag:s25] =	ssyncadd.s32 @!p0 $0xFFFFF800  }
0xe6: {  	[hbm4b:s10+s26] =	stream.linear.scatter @!p0 [tilespmem:s24], [sflag:$0x3], $0x800, $0x38;
	[tilespmem:$0x1E600] =	vst v63  }
.Ltmp8:
0xe7: {  	_ =	swait.ge @!p0 [sflag:s25], $0x800;
	(pc) =	sbr.rel @p1 .LBB2_21-.Ltmp8, $4  }
0xe8: {  	[sflag:s25] =	ssyncset.done @!p0 $0x0  }
0xe9: {  	[sflag:s25] =	ssyncadd.s32 @!p0 $0xFFFFF800  }
0xea: {  	[bflag:$0x0] =	sbarrier.arrive $0xFFFF  }
0xeb: {  	s24 =	simm.s32 $0x0  }
0xec: {  	s25 =	sand.u32 $0xFE00, s24  }
0xed: {  	s26 =	sand.u32 $0x70, s24;
	s28 =	sshrl.u32 s25, $0x2  }
0xee: {  	s25 =	simm.s32 $0x40;
	s26 =	sor.u32 s26, s28  }
.LBB2_11:
0xef: {  	p2 =	sne.s32 s25, $0xFFC0  }
0xf0: {  	[tilespmem:s26+$0x2A00] =	vst v1;
	s24 =	sadd.s32 $0x10, s24;
	s26 =	smov.u32 s25;
	s25 =	sadd.s32 $0x40, s25  }
.Ltmp9:
0xf1: {  	(pc) =	sbr.rel @p2 .LBB2_11-.Ltmp9, $4  }
0xf2: {  	_ = 	snop  }
0xf3: {  	s26 =	sand.u32 $0xFE00, s26  }
0xf4: {  	s28 =	sand.u32 $0x70, s24;
	s26 =	sshrl.u32 s26, $0x2  }
0xf5: {  	s26 =	sor.u32 s28, s26  }
0xf6: {  	s24 =	sadd.s32 $0x1, s5  }
0xf7: {  	p2 =	slt.u32 s24, s7  }
.Ltmp10:
0xf8: {  	_ = 	snop;
	(pc) =	sbr.rel @!p2 .LBB2_14-.Ltmp10, $4  }
0xf9: {  	[tilespmem:s26+$0x2A00] =	vst v1  }
0xfa: {  	[spmem:s13] =	stream.linear.scatter [tilespmem:s17], [sflag:$0x3], $0x4000, $0x38;
	[tilespmem:$0x1E600] =	vst v63  }
0xfb: {  	_ =	swait.ge [sflag:s16], $0x4000  }
0xfc: {  	s25 =	smov.u32 s13;
	[sflag:s16] =	ssyncset.done $0x0  }
.LBB2_13:
0xfd: {  	s24 =	sadd.s32 $0x1, s24  }
0xfe: {  	[sflag:s16] =	ssyncadd.s32 $0xFFFFC000;
	s25 =	sadd.s32 $0x4000, s25;
	p2 =	slt.u32 s24, s7  }
.Ltmp11:
0xff: {  	(pc) =	sbr.rel @p2 .LBB2_13-.Ltmp11, $4  }
0x100: {  	_ = 	snop  }
0x101: {  	[spmem:s25] =	stream.linear.scatter [tilespmem:s17], [sflag:$0x3], $0x4000, $0x38;
	[tilespmem:$0x1E600] =	vst v63  }
0x102: {  	_ =	swait.ge [sflag:s16], $0x4000  }
0x103: {  	[sflag:s16] =	ssyncset.done $0x0  }
.LBB2_14:
0x104: {  	[sflag:s16] =	ssyncadd.s32 $0xFFFFC000  }
0x105: {  	[bflag:$0x0] =	sbarrier.arrive $0xFFFF  }
0x106: {  	v3 =	vld [tilespmem:$0x0]  }
0x107: {  	v4 =	vld [tilespmem:$0x10]  }
0x108: {  	v5 =	vld [tilespmem:$0x20]  }
0x109: {  	v6 =	vld [tilespmem:$0x30]  }
0x10a: {  	v7 =	vld [tilespmem:$0x40]  }
0x10b: {  	v8 =	vld [tilespmem:$0x50];
	v3 =	vshra.s32 v3, $0x10  }
0x10c: {  	v62 =	vld [tilespmem:$0x60];
	[tilespmem:$0x2900] =	vst v3;
	v3 =	vshra.s32 v4, $0x10  }
0x10d: {  	v63 =	vld [tilespmem:$0x70];
	[tilespmem:$0x2910] =	vst v3;
	v3 =	vshra.s32 v5, $0x10  }
0x10e: {  	[tilespmem:$0x2920] =	vst v3;
	v3 =	vshra.s32 v6, $0x10  }
0x10f: {  	[tilespmem:$0x2930] =	vst v3;
	v3 =	vshra.s32 v7, $0x10  }
0x110: {  	s24 =	simm.s32 $0x0;
	[tilespmem:$0x2940] =	vst v3;
	v3 =	vshra.s32 v8, $0x10  }
0x111: {  	s25 =	sand.u32 $0xFE00, s24;
	[tilespmem:$0x2950] =	vst v3;
	v3 =	vshra.s32 v62, $0x10  }
0x112: {  	s26 =	sand.u32 $0x70, s24;
	s28 =	sshrl.u32 s25, $0x2;
	[tilespmem:$0x2960] =	vst v3;
	v3 =	vshra.s32 v63, $0x10  }
0x113: {  	s25 =	simm.s32 $0x40;
	s28 =	sor.u32 s26, s28;
	s26 =	simm.s32 $0x0;
	[tilespmem:$0x2970] =	vst v3  }
.LBB2_15:
0x114: {  	p2 =	sne.s32 s25, $0xFFC0  }
0x115: {  	[tilespmem:s28+$0x2A00] =	vst v2;
	s26 =	sadd.s32 $0x10, s26;
	s28 =	smov.u32 s25;
	s25 =	sadd.s32 $0x40, s25  }
.Ltmp12:
0x116: {  	(pc) =	sbr.rel @p2 .LBB2_15-.Ltmp12, $4  }
0x117: {  	_ = 	snop  }
0x118: {  	s28 =	sand.u32 $0xFE00, s28  }
0x119: {  	s29 =	sand.u32 $0x70, s26;
	s28 =	sshrl.u32 s28, $0x2  }
0x11a: {  	s28 =	sor.u32 s29, s28  }
0x11b: {  	s24 =	sand.u32 $0x200, s24  }
0x11c: {  	s24 =	sshrl.u32 s24, $0x2  }
0x11d: {  	[tilespmem:s28+$0x2A00] =	vst v2;
	s25 =	simm.s32 $0x0;
	s24 =	sor.u32 $0x2900, s24  }
0x11e: {  	[spmem:s2] =	stream.indirect.scatter.add.f32 [tilespmem:s17], [sflag:$0x2], $0x80, s24, s18, $0xb8;
	[tilespmem:$0x1E600] =	vst v63  }
0x11f: {  	v3 =	vld [tilespmem:s25+$0x80];
	_ =	sdelay $0x2  }
0x120: {  	s24 =	simm.s32 $0x200  }
0x121: {  	s26 =	sand.u32 $0x200, s24  }
0x122: {  	s26 =	sshrl.u32 s26, $0x2;
	v3 =	vshra.s32 v3, $0x10  }
0x123: {  	[tilespmem:s26+$0x2900] =	vst v3  }
0x124: {  	v3 =	vld [tilespmem:s25+$0x90];
	_ =	sdelay $0x4  }
0x125: {  	v3 =	vshra.s32 v3, $0x10  }
0x126: {  	[tilespmem:s26+$0x2910] =	vst v3  }
0x127: {  	v3 =	vld [tilespmem:s25+$0xA0];
	_ =	sdelay $0x4  }
0x128: {  	v3 =	vshra.s32 v3, $0x10  }
0x129: {  	[tilespmem:s26+$0x2920] =	vst v3  }
0x12a: {  	v3 =	vld [tilespmem:s25+$0xB0];
	_ =	sdelay $0x4  }
0x12b: {  	v3 =	vshra.s32 v3, $0x10  }
0x12c: {  	[tilespmem:s26+$0x2930] =	vst v3  }
0x12d: {  	v3 =	vld [tilespmem:s25+$0xC0];
	_ =	sdelay $0x4  }
0x12e: {  	v3 =	vshra.s32 v3, $0x10  }
0x12f: {  	[tilespmem:s26+$0x2940] =	vst v3  }
0x130: {  	v3 =	vld [tilespmem:s25+$0xD0];
	_ =	sdelay $0x4  }
0x131: {  	v3 =	vshra.s32 v3, $0x10  }
0x132: {  	[tilespmem:s26+$0x2950] =	vst v3  }
0x133: {  	v3 =	vld [tilespmem:s25+$0xE0];
	_ =	sdelay $0x4  }
0x134: {  	v3 =	vshra.s32 v3, $0x10  }
0x135: {  	[tilespmem:s26+$0x2960] =	vst v3  }
0x136: {  	v3 =	vld [tilespmem:s25+$0xF0];
	_ =	sdelay $0x4  }
0x137: {  	v3 =	vshra.s32 v3, $0x10  }
0x138: {  	[tilespmem:s26+$0x2970] =	vst v3  }
0x139: {  	s28 =	sand.u32 $0x200, s24;
	s26 =	simm.s32 $0x400;
	_ =	swait.ge [sflag:s21], $0x4000  }
0x13a: {  	s28 =	sshrl.u32 s28, $0x2;
	s25 =	sand.u32 $0x200, s26;
	[sflag:s21] =	ssyncset.done $0x0  }
.LBB2_17:
0x13b: {  	s29 =	sor.u32 $0x2900, s28;
	s28 =	sshra.s32 s24, $0x2;
	[sflag:s21] =	ssyncadd.s32 $0xFFFFC000  }
0x13c: {  	[spmem:s2] =	stream.indirect.scatter.add.f32 [tilespmem:s17], [sflag:$0x2], $0x80, s29, s18, $0xb8;
	[tilespmem:$0x1E600] =	vst v63  }
0x13d: {  	p2 =	sne.s32 s26, $0x9C00;
	s24 =	smov.u32 s26;
	s26 =	sadd.s32 $0x200, s26;
	v3 =	vld [tilespmem:s28+$0x80]  }
0x13e: {  	s30 =	sand.u32 $0x200, s26;
	_ =	sdelay $0x3  }
0x13f: {  	s29 =	sshrl.u32 s25, $0x2;
	s25 =	smov.u32 s30;
	v3 =	vshra.s32 v3, $0x10  }
0x140: {  	[tilespmem:s29+$0x2900] =	vst v3  }
0x141: {  	v3 =	vld [tilespmem:s28+$0x90];
	_ =	sdelay $0x4  }
0x142: {  	v3 =	vshra.s32 v3, $0x10  }
0x143: {  	[tilespmem:s29+$0x2910] =	vst v3  }
0x144: {  	v3 =	vld [tilespmem:s28+$0xA0];
	_ =	sdelay $0x4  }
0x145: {  	v3 =	vshra.s32 v3, $0x10  }
0x146: {  	[tilespmem:s29+$0x2920] =	vst v3  }
0x147: {  	v3 =	vld [tilespmem:s28+$0xB0];
	_ =	sdelay $0x4  }
0x148: {  	v3 =	vshra.s32 v3, $0x10  }
0x149: {  	[tilespmem:s29+$0x2930] =	vst v3  }
0x14a: {  	v3 =	vld [tilespmem:s28+$0xC0];
	_ =	sdelay $0x4  }
0x14b: {  	v3 =	vshra.s32 v3, $0x10  }
0x14c: {  	[tilespmem:s29+$0x2940] =	vst v3  }
0x14d: {  	v3 =	vld [tilespmem:s28+$0xD0];
	_ =	sdelay $0x4  }
0x14e: {  	v3 =	vshra.s32 v3, $0x10  }
0x14f: {  	[tilespmem:s29+$0x2950] =	vst v3  }
0x150: {  	v3 =	vld [tilespmem:s28+$0xE0];
	_ =	sdelay $0x4  }
0x151: {  	v3 =	vshra.s32 v3, $0x10  }
0x152: {  	[tilespmem:s29+$0x2960] =	vst v3  }
0x153: {  	v3 =	vld [tilespmem:s28+$0xF0];
	_ =	sdelay $0x3  }
.Ltmp13:
0x154: {  	(pc) =	sbr.rel @p2 .LBB2_17-.Ltmp13, $4  }
0x155: {  	v3 =	vshra.s32 v3, $0x10  }
0x156: {  	[tilespmem:s29+$0x2970] =	vst v3  }
0x157: {  	s28 =	sand.u32 $0x200, s24;
	_ =	swait.ge [sflag:s21], $0x4000  }
0x158: {  	s28 =	sshrl.u32 s28, $0x2;
	[sflag:s21] =	ssyncset.done $0x0  }
0x159: {  	s26 =	sor.u32 $0x2900, s28;
	s24 =	sshra.s32 s24, $0x2;
	[sflag:s21] =	ssyncadd.s32 $0xFFFFC000  }
0x15a: {  	[spmem:s2] =	stream.indirect.scatter.add.f32 [tilespmem:s17], [sflag:$0x2], $0x80, s26, s18, $0xb8;
	[tilespmem:$0x1E600] =	vst v63  }
0x15b: {  	v3 =	vld [tilespmem:s24+$0x80];
	_ =	sdelay $0x4  }
0x15c: {  	s25 =	sshrl.u32 s25, $0x2;
	v3 =	vshra.s32 v3, $0x10  }
0x15d: {  	[tilespmem:s25+$0x2900] =	vst v3  }
0x15e: {  	v3 =	vld [tilespmem:s24+$0x90];
	_ =	sdelay $0x4  }
0x15f: {  	v3 =	vshra.s32 v3, $0x10  }
0x160: {  	[tilespmem:s25+$0x2910] =	vst v3  }
0x161: {  	v3 =	vld [tilespmem:s24+$0xA0];
	_ =	sdelay $0x4  }
0x162: {  	v3 =	vshra.s32 v3, $0x10  }
0x163: {  	[tilespmem:s25+$0x2920] =	vst v3  }
0x164: {  	v3 =	vld [tilespmem:s24+$0xB0];
	_ =	sdelay $0x4  }
0x165: {  	v3 =	vshra.s32 v3, $0x10  }
0x166: {  	[tilespmem:s25+$0x2930] =	vst v3  }
0x167: {  	v3 =	vld [tilespmem:s24+$0xC0];
	_ =	sdelay $0x4  }
0x168: {  	v3 =	vshra.s32 v3, $0x10  }
0x169: {  	[tilespmem:s25+$0x2940] =	vst v3  }
0x16a: {  	v3 =	vld [tilespmem:s24+$0xD0];
	_ =	sdelay $0x4  }
0x16b: {  	v3 =	vshra.s32 v3, $0x10  }
0x16c: {  	[tilespmem:s25+$0x2950] =	vst v3  }
0x16d: {  	v3 =	vld [tilespmem:s24+$0xE0];
	_ =	sdelay $0x4  }
0x16e: {  	v3 =	vshra.s32 v3, $0x10  }
0x16f: {  	[tilespmem:s25+$0x2960] =	vst v3  }
0x170: {  	v3 =	vld [tilespmem:s24+$0xF0];
	_ =	sdelay $0x4  }
0x171: {  	v3 =	vshra.s32 v3, $0x10  }
0x172: {  	[tilespmem:s25+$0x2970] =	vst v3  }
0x173: {  	_ =	swait.ge [sflag:s21], $0x4000  }
0x174: {  	[sflag:s21] =	ssyncset.done $0x0  }
0x175: {  	[sflag:s21] =	ssyncadd.s32 $0xFFFFC000  }
0x176: {  	[spmem:s2] =	stream.indirect.scatter.add.f32 [tilespmem:s17], [sflag:$0x2], $0x80, s22, s18, $0xb8;
	[tilespmem:$0x1E600] =	vst v63  }
0x177: {  	_ =	swait.ge [sflag:s21], $0x4000  }
0x178: {  	[sflag:s21] =	ssyncset.done $0x0  }
0x179: {  	[sflag:s21] =	ssyncadd.s32 $0xFFFFC000  }
0x17a: {  	s24 =	sadd.s32 $0x1, s5;
	[bflag:$0x0] =	sbarrier.arrive $0xFFFF  }
0x17b: {  	[tilespmem:s17], [sflag:$0x3] =	stream.linear.gather [spmem:s13], $0x4000, $0x38;
	[tilespmem:$0x1E600] =	vst v63  }
0x17c: {  	p2 =	slt.u32 s24, s8;
	_ =	swait.ge [sflag:s16], $0x4000  }
.Ltmp14:
0x17d: {  	[sflag:s16] =	ssyncset.done $0x0;
	(pc) =	sbr.rel @!p2 .LBB2_20-.Ltmp14, $4  }
0x17e: {  	[sflag:s16] =	ssyncadd.s32 $0xFFFFC000  }
0x17f: {  	[hbm4b:s15+s3] =	stream.linear.scatter [tilespmem:s17], [sflag:$0x3], $0x4000, $0x38;
	[tilespmem:$0x1E600] =	vst v63  }
0x180: {  	_ =	swait.ge [sflag:s16], $0x4000  }
0x181: {  	s26 =	smov.u32 s15;
	s25 =	sadd.s32 $0x4000, s13;
	[sflag:s16] =	ssyncset.done $0x0  }
.LBB2_19:
0x182: {  	s24 =	sadd.s32 $0x1, s24;
	[sflag:s16] =	ssyncadd.s32 $0xFFFFC000;
	s26 =	sadd.s32 $0x800, s26  }
0x183: {  	[tilespmem:s17], [sflag:$0x3] =	stream.linear.gather [spmem:s25], $0x4000, $0x38;
	[tilespmem:$0x1E600] =	vst v63  }
0x184: {  	p2 =	slt.u32 s24, s8;
	_ =	swait.ge [sflag:s16], $0x4000  }
.Ltmp15:
0x185: {  	[sflag:s16] =	ssyncset.done $0x0;
	(pc) =	sbr.rel @p2 .LBB2_19-.Ltmp15, $4  }
0x186: {  	[sflag:s16] =	ssyncadd.s32 $0xFFFFC000  }
0x187: {  	[hbm4b:s26+s3] =	stream.linear.scatter [tilespmem:s17], [sflag:$0x3], $0x4000, $0x38;
	[tilespmem:$0x1E600] =	vst v63  }
0x188: {  	_ =	swait.ge [sflag:s16], $0x4000  }
0x189: {  	s25 =	sadd.s32 $0x4000, s25;
	[sflag:s16] =	ssyncset.done $0x0  }
.Ltmp16:
0x18a: {  	_ = 	snop;
	(pc) =	sbr.rel .LBB2_20-.Ltmp16, $1  }
0x18b: {  	_ =	sdelay $0x3  }
.LBB2_22:
0x18c: {  	_ =	sfence.sel $0x180000  }
0x18d: {  	[bflag:$0x0] =	sbarrier.arrive $0xFFFF  }
0x18e: {  	p0 =	sne.s32 s1, $0x0;
	_ =	strace $0x90000047  }
0x18f: {  	s0 =	sadd.s32 @!p0 $0x100000, s0;
	[bflag:$0x2] =	sbarrier.arrive $0xFFFF  }
0x190: {  	[sflag:s0] =	ssyncadd.tile.s32 @!p0 $0x1;
	_ =	shalt  }
.Lfunc_end2:
_tile_overlayer_lowered:
.L_overlay_start_2:
0x191: {  	(tag) =	ssettag $0x2  }
0x192: {  	s0 =	rddreg [dreg:$0x0];
	s2 =	stileid.u32  }
0x193: {  	s1 =	rddreg [dreg:$0x1];
	p0 =	sne.s32 s2, $0x0  }
0x194: {  	s3 =	rddreg [dreg:$0x2];
	[bflag:$0x3] =	sbarrier.arrive $0xFFFF;
	s2 =	simm.s32 @!p0 $0x1C03  }
0x195: {  	[timem:s3], [sflag:s2] =	dma.local @!p0 [hbm:s0], s1  }
0x196: {  	s0 =	simm.s32 @!p0 $0x3  }
0x197: {  	_ =	swait.ge @!p0 [sflag:s0], s1  }
0x198: {  	s1 =	ssub.s32 @!p0 $0x0, s1;
	[sflag:s0] =	ssyncset.done @!p0 $0x0  }
0x199: {  	[sflag:s0] =	ssyncadd.s32 @!p0 s1  }
0x19a: {  	[bflag:$0x3] =	sbarrier.arrive $0xFFFF  }
0x19b: {  	_ =	shalt  }

// kernel: sc_agg4.4.cloned.1.call-start
scs
__scs_entry_jumppad:
0x0: {  	(pc) =	sbr.rel $0x88, $3  }
0x1: {  	(tag) =	ssettag $0x0;
	lr =	simm.s32 $0x1  }
0x2: {  	[smem:$0x3F91] =	sst lr;
	_ =	strace $0xD0000000  }
0x3: {  	_ = 	snop  }
0x4: {  	_ = 	snop  }
0x5: {  	_ = 	snop  }
0x6: {  	_ = 	snop  }
0x7: {  	_ = 	snop  }
__scs_overlays_trampoline_lowered:
0x8: {  	[smem:$0x3FA0] =	sst s0  }
0x9: {  	[smem:$0x3FA1] =	sst s1  }
0xa: {  	[smem:$0x3FA2] =	sst s2  }
0xb: {  	[smem:$0x3FA3] =	sst s3  }
0xc: {  	[smem:$0x3FA4] =	sst s4  }
0xd: {  	[smem:$0x3FA5] =	sst s5  }
0xe: {  	[smem:$0x3FA6] =	sst s6  }
0xf: {  	[smem:$0x3FA7] =	sst s7  }
0x10: {  	[smem:$0x3FA8] =	sst s8  }
0x11: {  	[smem:$0x3FA9] =	sst s9;
	s0 =	simm.s32 @!p0 $0x0  }
0x12: {  	s1 =	sld [smem:$0x3F8F];
	s0 =	simm.s32 @p0 $0x1  }
0x13: {  	[smem:$0x3FAA] =	sst s0;
	s0 =	simm.s32 @!p1 $0x0  }
0x14: {  	s2 =	sld [smem:$0x3F8E];
	s0 =	simm.s32 @p1 $0x1  }
0x15: {  	[smem:$0x3FAB] =	sst s0;
	s0 =	simm.s32 @!p2 $0x0  }
0x16: {  	s3 =	sld [smem:$0x3FDB];
	s0 =	simm.s32 @p2 $0x1  }
0x17: {  	s4 =	simm.s32 $0x1BF5;
	[smem:$0x3FAD] =	sst s0  }
0x18: {  	s0 =	sld [smem:$0x3F90];
	_ =	swait.ge [sflag:s4], $0x0  }
0x19: {  	s7 =	sld [smem:$0x3F91]  }
0x1a: {  	s8 =	sadd.s32 $0xFFFFE003, lr  }
0x1b: {  	s9 =	sadd.s32 $0xFFFFFEF7, lr;
	s5 =	simm.s32 $0xFFFFFFFF;
	p2 =	slt.u32 s8, $0xFFFFF086  }
0x1c: {  	p1 =	slt.u32 s9, $0xF7A;
	s5 =	simm.s32 @!p2 $0x0  }
0x1d: {  	s5 =	simm.s32 @p1 $0x1;
	p0 =	seq.s32 s7, s2  }
0x1e: {  	s7 =	smul.u32 @!p0 $0xF7A, s2;
	p2 =	seq.s32 @!p0 s5, $0x0  }
0x1f: {  	s9 =	smul.u32 $0xF7A, s1;
	s8 =	simm.s32 @!p0 $0x1BF5;
	p2 =	por !p2, p0  }
0x20: {  	[sflag:s8] =	ssyncset.s32 @!p0 $0xFFFFF086;
	s6 =	sadd.s32 @!p0 s3, s7;
	s7 =	simm.s32 @!p0 $0x108  }
0x21: {  	s3 =	sadd.s32 s3, s9;
	s6 =	sadd.s32 @!p0 $0x88, s6;
	s7 =	simm.s32 @p2 $0x1082  }
0x22: {  	[simem:s7], [sflag:s8] =	dma.local @!p0 [hbm:s6], $0xF7A  }
0x23: {  	s9 =	sor.u32 $0xD0000000, s2;
	s6 =	simm.s32 $0x108;
	_ =	swait.ge @!p0 [sflag:s8], $0x0  }
0x24: {  	s3 =	sadd.s32 $0x88, s3;
	s6 =	simm.s32 @!p1 $0x1082;
	[sflag:s4] =	ssyncset.s32 $0xFFFFF086  }
0x25: {  	[simem:s6], [sflag:s4] =	dma.local [hbm:s3], $0xF7A  }
0x26: {  	[smem:$0x3F91] =	sst s1;
	(tag) =	ssettag s2;
	_ =	strace s9  }
0x27: {  	s1 =	sld [smem:$0x3FA1]  }
0x28: {  	s2 =	sld [smem:$0x3FA2]  }
0x29: {  	s4 =	sld [smem:$0x3FA4]  }
0x2a: {  	p0 =	seq.s32 s5, $0x0;
	s5 =	sld [smem:$0x3FA5]  }
0x2b: {  	s6 =	sld [smem:$0x3FA6]  }
0x2c: {  	s7 =	sld [smem:$0x3FA7]  }
0x2d: {  	s3 =	simm.s32 $0x108;
	s8 =	sld [smem:$0x3FA8]  }
0x2e: {  	s3 =	simm.s32 @!p0 $0x1082;
	s9 =	sld [smem:$0x3FA9]  }
0x2f: {  	lr =	sadd.s32 s0, s3;
	s0 =	sld [smem:$0x3FA0]  }
0x30: {  	s3 =	sld [smem:$0x3FA3]  }
0x31: {  	[smem:$0x3FAC] =	sst s10  }
0x32: {  	s10 =	sld [smem:$0x3FAA];
	_ =	sdelay $0x3  }
0x33: {  	p0 =	seq.s32 s10, $0x1;
	s10 =	sld [smem:$0x3FAC];
	_ =	sdelay $0x3  }
0x34: {  	[smem:$0x3FAC] =	sst s10  }
0x35: {  	s10 =	sld [smem:$0x3FAB];
	_ =	sdelay $0x3  }
0x36: {  	p1 =	seq.s32 s10, $0x1;
	s10 =	sld [smem:$0x3FAC];
	_ =	sdelay $0x3  }
0x37: {  	[smem:$0x3FAC] =	sst s10  }
0x38: {  	s10 =	sld [smem:$0x3FAD]  }
0x39: {  	_ = 	snop;
	(pc) =	sbr.ind lr, $3  }
0x3a: {  	_ = 	snop  }
0x3b: {  	_ = 	snop  }
0x3c: {  	p2 =	seq.s32 s10, $0x1;
	s10 =	sld [smem:$0x3FAC]  }
0x3d: {  	_ =	shalt  }
0x3e: {  	_ =	shalt  }
0x3f: {  	_ =	shalt  }
0x40: {  	_ =	shalt  }
0x41: {  	_ =	shalt  }
0x42: {  	_ =	shalt  }
0x43: {  	_ =	shalt  }
0x44: {  	_ =	shalt  }
0x45: {  	_ =	shalt  }
0x46: {  	_ =	shalt  }
0x47: {  	_ =	shalt  }
0x48: {  	_ =	shalt  }
0x49: {  	_ =	shalt  }
0x4a: {  	_ =	shalt  }
0x4b: {  	_ =	shalt  }
0x4c: {  	_ =	shalt  }
0x4d: {  	_ =	shalt  }
0x4e: {  	_ =	shalt  }
0x4f: {  	_ =	shalt  }
0x50: {  	_ =	shalt  }
0x51: {  	_ =	shalt  }
0x52: {  	_ =	shalt  }
0x53: {  	_ =	shalt  }
0x54: {  	_ =	shalt  }
0x55: {  	_ =	shalt  }
0x56: {  	_ =	shalt  }
0x57: {  	_ =	shalt  }
0x58: {  	_ =	shalt  }
0x59: {  	_ =	shalt  }
0x5a: {  	_ =	shalt  }
0x5b: {  	_ =	shalt  }
0x5c: {  	_ =	shalt  }
0x5d: {  	_ =	shalt  }
0x5e: {  	_ =	shalt  }
0x5f: {  	_ =	shalt  }
0x60: {  	_ =	shalt  }
0x61: {  	_ =	shalt  }
0x62: {  	_ =	shalt  }
0x63: {  	_ =	shalt  }
0x64: {  	_ =	shalt  }
0x65: {  	_ =	shalt  }
0x66: {  	_ =	shalt  }
0x67: {  	_ =	shalt  }
0x68: {  	_ =	shalt  }
0x69: {  	_ =	shalt  }
0x6a: {  	_ =	shalt  }
0x6b: {  	_ =	shalt  }
0x6c: {  	_ =	shalt  }
0x6d: {  	_ =	shalt  }
0x6e: {  	_ =	shalt  }
0x6f: {  	_ =	shalt  }
0x70: {  	_ =	shalt  }
0x71: {  	_ =	shalt  }
0x72: {  	_ =	shalt  }
0x73: {  	_ =	shalt  }
0x74: {  	_ =	shalt  }
0x75: {  	_ =	shalt  }
0x76: {  	_ =	shalt  }
0x77: {  	_ =	shalt  }
0x78: {  	_ =	shalt  }
0x79: {  	_ =	shalt  }
0x7a: {  	_ =	shalt  }
0x7b: {  	_ =	shalt  }
0x7c: {  	_ =	shalt  }
0x7d: {  	_ =	shalt  }
0x7e: {  	_ =	shalt  }
0x7f: {  	_ =	shalt  }
0x80: {  	_ =	shalt  }
0x81: {  	_ =	shalt  }
0x82: {  	_ =	shalt  }
0x83: {  	_ =	shalt  }
0x84: {  	_ =	shalt  }
0x85: {  	_ =	shalt  }
0x86: {  	_ =	shalt  }
0x87: {  	_ =	shalt  }
.Lfunc_end0:
.L_simem_size_0:
called_computation.1_lowered:
.L_overlay_start_0:
0x88: {  	s2 =	sld [smem:$0x3FD9]  }
0x89: {  	s3 =	sld [smem:$0x3FFE];
	_ =	sdelay $0x1  }
0x8a: {  	s1 =	srdreg.scid  }
0x8b: {  	s0 =	sand.u32 $0x1, s1  }
0x8c: {  	s16 =	sshll.u32 s0, $0xA;
	s2 =	sadd.s32 s3, s2  }
0x8d: {  	s2 =	sadd.s32 s2, s16  }
0x8e: {  	[smem:$0x3FB8] =	sst s2  }
0x8f: {  	_ = 	snop  }
0x90: {  	(tm) =	ssettm $0x1  }
0x91: {  	s17 =	sld [smem:$0x3FFB];
	_ =	sdelay $0x3  }
0x92: {  	_ =	strace s17  }
0x93: {  	s2 =	sld [smem:$0x3FFC];
	_ =	sdelay $0x3  }
0x94: {  	_ =	strace s2  }
0x95: {  	s2 =	sld [smem:$0x3FFD];
	_ =	sdelay $0x3  }
0x96: {  	_ =	strace s2  }
0x97: {  	_ =	strace $0x8FFFFFFF  }
0x98: {  	s18 =	sld [smem:$0x3FDB];
	_ =	sdelay $0x1  }
0x99: {  	s19 =	simm.s32 $_scs_section_size  }
0x9a: {  	s4 =	simm.s32 $_size__tile_overlayer_lowered;
	s5 =	simm.s32 $_tile_overlayer_lowered  }
0x9b: {  	s22 =	simm.s32 $0x1BFF;
	s21 =	sshll.u32 s5, $0x1;
	s2 =	sadd.s32 s19, s18  }
0x9c: {  	s6 =	simm.s32 $0x0;
	s20 =	sshll.u32 s4, $0x1;
	s4 =	sadd.s32 s21, s2  }
0x9d: {  	[timem:s6], [sflag:s22] =	dma.local [hbm:s4], s20  }
0x9e: {  	_ =	swait.ge [sflag:s22], s20  }
0x9f: {  	s3 =	ssub.s32 $0x0, s20;
	[sflag:s22] =	ssyncset.done $0x0  }
0xa0: {  	[sflag:s22] =	ssyncadd.s32 s3;
	_ =	sdelay $0x1  }
0xa1: {  	s23 =	simm.s32 $0x1B8B  }
0xa2: {  	_ =	swait.ge [sflag:s23], $0x1  }
0xa3: {  	[sflag:s23] =	ssyncset.done $0x0  }
0xa4: {  	s25 =	simm.s32 $0x1B8E;
	s24 =	sld [smem:$0x3FFE];
	[sflag:s23] =	ssyncadd.s32 $0xFFFFFFFF  }
0xa5: {  	s26 =	simm.s32 $execute0_lowered;
	[smem:$0x3FD2] =	sst s25  }
0xa6: {  	s4 =	sshll.u32 s26, $0x1;
	_ =	strace $0x80000049;
	[dreg:$0x1] =	wrdreg $0xFFFFFFFF  }
0xa7: {  	s28 =	simm.s32 $_size_execute0_lowered;
	s2 =	sadd.s32 s2, s4;
	[dreg:$0x0] =	wrdreg $0x0  }
0xa8: {  	s4 =	sshll.u32 s28, $0x1;
	[dreg:$0x2] =	wrdreg s2  }
0xa9: {  	[dreg:$0x3] =	wrdreg s4  }
0xaa: {  	[dreg:$0x4] =	wrdreg $0xC0  }
0xab: {  	_ =	task [dreg:s6], $0x5FFFF  }
0xac: {  	[dreg:$0x1] =	wrdreg $0xFFFFFFFF  }
0xad: {  	[dreg:$0x0] =	wrdreg $0x60  }
0xae: {  	[dreg:$0x2] =	wrdreg s24  }
0xaf: {  	[dreg:$0x3] =	wrdreg $0xAA000  }
0xb0: {  	[dreg:$0x4] =	wrdreg $0x9  }
0xb1: {  	_ =	task.clear_ibuf [dreg:s6], $0x5FFFF;
	_ =	strace $0x90000049  }
0xb2: {  	s29 =	simm.s32 $0x9;
	_ =	strace $0x8000004B  }
0xb3: {  	_ =	swait.ge [sflag:s29], $0x1  }
0xb4: {  	[sflag:s29] =	ssyncadd.s32 $0xFFFFFFFF  }
0xb5: {  	_ =	strace $0x9000004B  }
0xb6: {  	_ =	sfence  }
0xb7: {  	s30 =	sld [smem:$0x0];
	_ =	sdelay $0x2  }
0xb8: {  	s31 =	sshll.u32 s1, $0xD;
	s1 =	sshrl.u32 s1, $0x2  }
0xb9: {  	s3 =	sand.u32 $0x4000, s31;
	s1 =	sadd.s32 s1, s30  }
0xba: {  	s0 =	sor.u32 s3, s0;
	s1 =	sshll.u32 s1, $0x11  }
0xbb: {  	s0 =	sor.u32 s1, s0  }
0xbc: {  	s0 =	sadd.s32 $0x8F2B, s0  }
0xbd: {  	[sflag:s0] =	ssyncadd.remote.s32 $0x1  }
0xbe: {  	_ =	sfence.sel $0xFFFF  }
0xbf: {  	[dreg:$0x0] =	wrdreg $0xFFFFFFFF;
	(pc) =	sbr.abs _section_cstart, $3  }
0xc0: {  	[dreg:$0x1] =	wrdreg $0xFFFFFFFF  }
0xc1: {  	_ =	task.clear_ibuf [dreg:s6], $0x2FFFF;
	_ =	strace $0x9FFFFFFF  }
0xc2: {  	(tm) =	ssettm $0x7FFFFFFF  }
0xc3: {  	_ =	shalt  }
tec
execute0_lowered:
.L_overlay_start_1:
0x0: {  	(tag) =	ssettag $0x1  }
0x1: {  	s6 =	rddreg [dreg:$0x0]  }
0x2: {  	s2 =	rddreg [dreg:$0x1]  }
0x3: {  	s0 =	rddreg [dreg:$0x2]  }
0x4: {  	s3 =	simm.s32 $0x0;
	s1 =	stileid.u32;
	s4 =	srdreg.scid  }
0x5: {  	s18 =	simm.s32 $0x80;
	s19 =	simm.s32 $0x2800;
	s5 =	smul.u32 $0x500, s1  }
0x6: {  	s20 =	simm.s32 $0x1;
	[smem:$0x7FF] =	sst s3;
	s14 =	smul.u32 $0x14000, s1  }
0x7: {  	s7 =	sand.u32 $0x1, s4;
	s4 =	sadd.s32 $0x55C00, s6;
	s16 =	smul.u32 $0x50000, s1  }
0x8: {  	s15 =	sadd.s32 $0xF2000, s6;
	p0 =	sne.s32 s1, $0xF;
	s13 =	smul.u32 $0x271000, s7  }
0x9: {  	_ =	strace $0x8000004A;
	s8 =	ssub.s32 $0x2, s7;
	s21 =	smul.u32 $0x4E20, s7  }
0xa: {  	s9 =	sadd.s32 s5, s6;
	s10 =	sshrl.u32 s8, $0x1;
	s5 =	smul.u32 $0x5, s1  }
0xb: {  	s29 =	sshrl.u32 s16, $0x2;
	s16 =	simm.s32 $0x3;
	s12 =	ssub.s32 s8, s10  }
0xc: {  	s6 =	sadd.s32 $0x50C00, s9;
	s28 =	sshrl.u32 s13, $0x3;
	s9 =	sadd.s32 $0x138000, s2  }
0xd: {  	s22 =	sadd.s32 $0x2710, s21;
	s13 =	sadd.s32 s14, s13;
	v0 =	vmov s21;
	s21 =	simm.s32 $0x2  }
0xe: {  	s26 =	sadd.s32 $0x5, s5;
	s11 =	sadd.s32 s15, s28;
	s12 =	smax.u32 s12, $0x1  }
0xf: {  	s30 =	sshrl.u32 s13, $0x3;
	s17 =	sadd.s32 $0x138800, s13;
	s13 =	sadd.s32 s29, s2  }
0x10: {  	v1 =	vmov s22;
	s22 =	simm.s32 $0x0;
	s7 =	smin.u32 s26, $0x4F;
	s8 =	smin.u32 s26, $0x4E  }
0x11: {  	s10 =	sadd.s32 $0x27000, s11;
	s11 =	sadd.s32 $0x4E100, s11;
	s31 =	sshrl.u32 s17, $0x3  }
0x12: {  	v2 =	vimm.f32 $0.0e+00;
	s14 =	sadd.s32 s30, s15;
	s17 =	simm.s32 $0x2A00;
	s15 =	sadd.s32 s31, s15  }
.LBB2_1:
0x13: {  	[tilespmem:s3], [sflag:$0x3] =	stream.linear.gather [hbm4b:s6+s3], $0x2800, $0x38;
	[tilespmem:$0x1E600] =	vst v63  }
0x14: {  	s23 =	sand.u32 $0xFE00, s3;
	s24 =	sand.u32 $0x70, s3;
	_ =	swait.ge [sflag:s16], $0x2800  }
0x15: {  	s25 =	sshrl.u32 s23, $0x2;
	s23 =	simm.s32 $0x40;
	[sflag:s16] =	ssyncset.done $0x0  }
0x16: {  	s25 =	sor.u32 s24, s25;
	s24 =	simm.s32 $0x0;
	[sflag:s16] =	ssyncadd.s32 $0xFFFFD800  }
.LBB2_2:
0x17: {  	p1 =	sne.s32 s23, $0xFFC0  }
0x18: {  	[tilespmem:s25+$0x2A00] =	vst v2;
	s24 =	sadd.s32 $0x10, s24;
	s25 =	smov.u32 s23;
	s23 =	sadd.s32 $0x40, s23  }
.Ltmp0:
0x19: {  	(pc) =	sbr.rel @p1 .LBB2_2-.Ltmp0, $4  }
0x1a: {  	_ = 	snop  }
0x1b: {  	s25 =	sand.u32 $0xFE00, s25  }
0x1c: {  	s26 =	sand.u32 $0x70, s24;
	s25 =	sshrl.u32 s25, $0x2  }
0x1d: {  	s25 =	sor.u32 s26, s25  }
0x1e: {  	s23 =	sadd.s32 $0x1, s5  }
0x1f: {  	p1 =	slt.u32 s23, s7  }
.Ltmp1:
0x20: {  	_ = 	snop;
	(pc) =	sbr.rel @!p1 .LBB2_5-.Ltmp1, $4  }
0x21: {  	[tilespmem:s25+$0x2A00] =	vst v2  }
0x22: {  	[spmem:s13] =	stream.linear.scatter [tilespmem:s17], [sflag:$0x3], $0x4000, $0x38;
	[tilespmem:$0x1E600] =	vst v63  }
0x23: {  	_ =	swait.ge [sflag:s16], $0x4000  }
0x24: {  	s24 =	smov.u32 s13;
	[sflag:s16] =	ssyncset.done $0x0  }
.LBB2_4:
0x25: {  	s23 =	sadd.s32 $0x1, s23  }
0x26: {  	[sflag:s16] =	ssyncadd.s32 $0xFFFFC000;
	s24 =	sadd.s32 $0x4000, s24;
	p1 =	slt.u32 s23, s7  }
.Ltmp2:
0x27: {  	(pc) =	sbr.rel @p1 .LBB2_4-.Ltmp2, $4  }
0x28: {  	_ = 	snop  }
0x29: {  	[spmem:s24] =	stream.linear.scatter [tilespmem:s17], [sflag:$0x3], $0x4000, $0x38;
	[tilespmem:$0x1E600] =	vst v63  }
0x2a: {  	_ =	swait.ge [sflag:s16], $0x4000  }
0x2b: {  	[sflag:s16] =	ssyncset.done $0x0  }
.LBB2_5:
0x2c: {  	[sflag:s16] =	ssyncadd.s32 $0xFFFFC000  }
0x2d: {  	[bflag:$0x0] =	sbarrier.arrive $0xFFFF  }
0x2e: {  	v3 =	vld [tilespmem:$0x0];
	_ =	sdelay $0x1  }
0x2f: {  	v4 =	vld [tilespmem:$0x10];
	_ =	sdelay $0x1  }
0x30: {  	v5 =	vld [tilespmem:$0x20]  }
0x31: {  	v6 =	vshra.s32 v3, $0x10;
	v3 =	vand.u32 $0xFFFF, v3  }
0x32: {  	v58 =	vld [tilespmem:$0x30];
	[tilespmem:$0x2900] =	vst v6;
	v3 =	vadd.s32 v0, v3  }
0x33: {  	[tilespmem:$0x2800] =	vst v3;
	v3 =	vshra.s32 v4, $0x10;
	v4 =	vand.u32 $0xFFFF, v4  }
0x34: {  	v59 =	vld [tilespmem:$0x40];
	[tilespmem:$0x2910] =	vst v3;
	v3 =	vadd.s32 v0, v4  }
0x35: {  	[tilespmem:$0x2810] =	vst v3;
	v3 =	vshra.s32 v5, $0x10;
	v5 =	vand.u32 $0xFFFF, v5  }
0x36: {  	v60 =	vld [tilespmem:$0x50];
	[tilespmem:$0x2920] =	vst v3;
	v3 =	vadd.s32 v0, v5  }
0x37: {  	v6 =	vand.u32 $0xFFFF, v58;
	[tilespmem:$0x2820] =	vst v3;
	v3 =	vshra.s32 v58, $0x10  }
0x38: {  	v61 =	vld [tilespmem:$0x60];
	[tilespmem:$0x2930] =	vst v3;
	v3 =	vadd.s32 v0, v6  }
0x39: {  	v4 =	vand.u32 $0xFFFF, v59;
	[tilespmem:$0x2830] =	vst v3;
	v3 =	vshra.s32 v59, $0x10  }
0x3a: {  	v62 =	vld [tilespmem:$0x70];
	[tilespmem:$0x2940] =	vst v3;
	v3 =	vadd.s32 v0, v4  }
0x3b: {  	v5 =	vand.u32 $0xFFFF, v60;
	[tilespmem:$0x2840] =	vst v3;
	v3 =	vshra.s32 v60, $0x10  }
0x3c: {  	[tilespmem:$0x2950] =	vst v3;
	v3 =	vadd.s32 v0, v5  }
0x3d: {  	v63 =	vand.u32 $0xFFFF, v61;
	[tilespmem:$0x2850] =	vst v3;
	v3 =	vshra.s32 v61, $0x10  }
0x3e: {  	[tilespmem:$0x2960] =	vst v3;
	v3 =	vadd.s32 v0, v63  }
0x3f: {  	v4 =	vand.u32 $0xFFFF, v62;
	[tilespmem:$0x2860] =	vst v3;
	v3 =	vshra.s32 v62, $0x10  }
0x40: {  	[tilespmem:$0x2970] =	vst v3;
	v3 =	vadd.s32 v0, v4  }
0x41: {  	s23 =	simm.s32 $0x0;
	s24 =	simm.s32 $0xF0;
	[tilespmem:$0x2870] =	vst v3  }
0x42: {  	[tilespmem:s17], [sflag:$0x1] =	stream.indirect.gather [hbm4b:s4+s18], $0x80, s19, s18, $0xb8;
	[tilespmem:$0x1E600] =	vst v63  }
0x43: {  	p1 =	por $0x0, $0x0;
	s23 =	sand.u32 $0x1, s23;
	_ =	swait.ge [sflag:s20], $0x4000  }
0x44: {  	s25 =	sshll.u32 s23, $0xE;
	s23 =	sshll.u32 s23, $0x7;
	[sflag:s20] =	ssyncset.done $0x0  }
0x45: {  	s25 =	sor.u32 $0x2A00, s25;
	s23 =	sor.u32 $0x2900, s23;
	[sflag:s20] =	ssyncadd.s32 $0xFFFFC000  }
0x46: {  	[spmem:s2] =	stream.indirect.scatter.add.f32 [tilespmem:s25], [sflag:$0x2], $0x80, s23, s18, $0xb8;
	[tilespmem:$0x1E600] =	vst v63  }
0x47: {  	v3 =	vld @!p1 [tilespmem:s24+$0xFFFFFF90];
	_ =	sdelay $0x2  }
0x48: {  	s25 =	simm.s32 $0x1  }
0x49: {  	s23 =	sand.u32 @!p1 $0x1, s25  }
0x4a: {  	s26 =	sshll.u32 @!p1 s23, $0x7;
	v4 =	vshra.s32 @!p1 v3, $0x10;
	v3 =	vand.u32 @!p1 $0xFFFF, v3  }
0x4b: {  	[tilespmem:s26+$0x2900] =	vst @!p1 v4;
	v3 =	vadd.s32 @!p1 v0, v3  }
0x4c: {  	[tilespmem:s26+$0x2800] =	vst @!p1 v3  }
0x4d: {  	v3 =	vld @!p1 [tilespmem:s24+$0xFFFFFFA0];
	_ =	sdelay $0x4  }
0x4e: {  	v4 =	vshra.s32 @!p1 v3, $0x10;
	v3 =	vand.u32 @!p1 $0xFFFF, v3  }
0x4f: {  	[tilespmem:s26+$0x2910] =	vst @!p1 v4;
	v3 =	vadd.s32 @!p1 v0, v3  }
0x50: {  	[tilespmem:s26+$0x2810] =	vst @!p1 v3  }
0x51: {  	v3 =	vld @!p1 [tilespmem:s24+$0xFFFFFFB0];
	_ =	sdelay $0x4  }
0x52: {  	v4 =	vshra.s32 @!p1 v3, $0x10;
	v3 =	vand.u32 @!p1 $0xFFFF, v3  }
0x53: {  	[tilespmem:s26+$0x2920] =	vst @!p1 v4;
	v3 =	vadd.s32 @!p1 v0, v3  }
0x54: {  	[tilespmem:s26+$0x2820] =	vst @!p1 v3  }
0x55: {  	v3 =	vld @!p1 [tilespmem:s24+$0xFFFFFFC0];
	_ =	sdelay $0x4  }
0x56: {  	v4 =	vshra.s32 @!p1 v3, $0x10;
	v3 =	vand.u32 @!p1 $0xFFFF, v3  }
0x57: {  	[tilespmem:s26+$0x2930] =	vst @!p1 v4;
	v3 =	vadd.s32 @!p1 v0, v3  }
0x58: {  	[tilespmem:s26+$0x2830] =	vst @!p1 v3  }
0x59: {  	v3 =	vld @!p1 [tilespmem:s24+$0xFFFFFFD0];
	_ =	sdelay $0x4  }
0x5a: {  	v4 =	vshra.s32 @!p1 v3, $0x10;
	v3 =	vand.u32 @!p1 $0xFFFF, v3  }
0x5b: {  	[tilespmem:s26+$0x2940] =	vst @!p1 v4;
	v3 =	vadd.s32 @!p1 v0, v3  }
0x5c: {  	[tilespmem:s26+$0x2840] =	vst @!p1 v3  }
0x5d: {  	v3 =	vld @!p1 [tilespmem:s24+$0xFFFFFFE0];
	_ =	sdelay $0x4  }
0x5e: {  	v4 =	vshra.s32 @!p1 v3, $0x10;
	v3 =	vand.u32 @!p1 $0xFFFF, v3  }
0x5f: {  	[tilespmem:s26+$0x2950] =	vst @!p1 v4;
	v3 =	vadd.s32 @!p1 v0, v3  }
0x60: {  	[tilespmem:s26+$0x2850] =	vst @!p1 v3  }
0x61: {  	v3 =	vld @!p1 [tilespmem:s24+$0xFFFFFFF0];
	_ =	sdelay $0x4  }
0x62: {  	v4 =	vshra.s32 @!p1 v3, $0x10;
	v3 =	vand.u32 @!p1 $0xFFFF, v3  }
0x63: {  	[tilespmem:s26+$0x2960] =	vst @!p1 v4;
	v3 =	vadd.s32 @!p1 v0, v3  }
0x64: {  	[tilespmem:s26+$0x2860] =	vst @!p1 v3  }
0x65: {  	v3 =	vld @!p1 [tilespmem:s24+$0x0];
	_ =	sdelay $0x4  }
0x66: {  	v4 =	vshra.s32 @!p1 v3, $0x10;
	v3 =	vand.u32 @!p1 $0xFFFF, v3  }
0x67: {  	s28 =	simm.s32 @!p1 $0x1;
	s23 =	sshll.u32 @!p1 s23, $0xE;
	[tilespmem:s26+$0x2970] =	vst @!p1 v4;
	v3 =	vadd.s32 @!p1 v0, v3  }
0x68: {  	s23 =	sor.u32 @!p1 $0x2A00, s23;
	s24 =	sor.u32 @!p1 $0x2800, s26;
	[tilespmem:s26+$0x2870] =	vst @!p1 v3;
	s26 =	simm.s32 @!p1 $0x80  }
0x69: {  	[tilespmem:s23], [sflag:$0x1] =	stream.indirect.gather @!p1 [hbm4b:s4+s26], $0x80, s24, s26, $0xb8;
	[tilespmem:$0x1E600] =	vst v63  }
0x6a: {  	_ =	swait.ge @!p1 [sflag:s28], $0x4000  }
0x6b: {  	s31 =	sand.u32 $0x1, s25;
	[sflag:s28] =	ssyncset.done @!p1 $0x0  }
0x6c: {  	s25 =	sshll.u32 s31, $0xE;
	[sflag:s28] =	ssyncadd.s32 @!p1 $0xFFFFC000  }
0x6d: {  	s24 =	simm.s32 $0x2;
	s23 =	simm.s32 $0x170;
	_ =	swait.ge [sflag:s21], $0x4000  }
0x6e: {  	s26 =	sshll.u32 s31, $0x7;
	p1 =	por $0x0, $0x0;
	[sflag:s21] =	ssyncset.done $0x0  }
.LBB2_6:
0x6f: {  	s25 =	sor.u32 $0x2A00, s25;
	s26 =	sor.u32 $0x2900, s26;
	[sflag:s21] =	ssyncadd.s32 $0xFFFFC000  }
0x70: {  	[spmem:s2] =	stream.indirect.scatter.add.f32 [tilespmem:s25], [sflag:$0x2], $0x80, s26, s18, $0xb8;
	[tilespmem:$0x1E600] =	vst v63  }
0x71: {  	s28 =	sand.u32 @!p1 $0x1, s24;
	s25 =	smov.u32 s24;
	s24 =	sadd.s32 $0x1, s24;
	v3 =	vld @!p1 [tilespmem:s23+$0xFFFFFF90]  }
0x72: {  	s26 =	sshll.u32 @!p1 s28, $0xE;
	p2 =	sne.s32 s24, $0x50  }
0x73: {  	s26 =	sor.u32 @!p1 $0x2A00, s26;
	_ =	sdelay $0x2  }
0x74: {  	s28 =	sshll.u32 @!p1 s28, $0x7;
	v4 =	vshra.s32 @!p1 v3, $0x10;
	v3 =	vand.u32 @!p1 $0xFFFF, v3  }
0x75: {  	s29 =	sor.u32 @!p1 $0x2800, s28;
	[tilespmem:s28+$0x2900] =	vst @!p1 v4;
	v3 =	vadd.s32 @!p1 v0, v3  }
0x76: {  	[tilespmem:s28+$0x2800] =	vst @!p1 v3  }
0x77: {  	v3 =	vld @!p1 [tilespmem:s23+$0xFFFFFFA0];
	_ =	sdelay $0x4  }
0x78: {  	v4 =	vshra.s32 @!p1 v3, $0x10;
	v3 =	vand.u32 @!p1 $0xFFFF, v3  }
0x79: {  	[tilespmem:s28+$0x2910] =	vst @!p1 v4;
	v3 =	vadd.s32 @!p1 v0, v3  }
0x7a: {  	[tilespmem:s28+$0x2810] =	vst @!p1 v3  }
0x7b: {  	v3 =	vld @!p1 [tilespmem:s23+$0xFFFFFFB0];
	_ =	sdelay $0x4  }
0x7c: {  	v4 =	vshra.s32 @!p1 v3, $0x10;
	v3 =	vand.u32 @!p1 $0xFFFF, v3  }
0x7d: {  	[tilespmem:s28+$0x2920] =	vst @!p1 v4;
	v3 =	vadd.s32 @!p1 v0, v3  }
0x7e: {  	[tilespmem:s28+$0x2820] =	vst @!p1 v3  }
0x7f: {  	v3 =	vld @!p1 [tilespmem:s23+$0xFFFFFFC0];
	_ =	sdelay $0x4  }
0x80: {  	v4 =	vshra.s32 @!p1 v3, $0x10;
	v3 =	vand.u32 @!p1 $0xFFFF, v3  }
0x81: {  	[tilespmem:s28+$0x2930] =	vst @!p1 v4;
	v3 =	vadd.s32 @!p1 v0, v3  }
0x82: {  	[tilespmem:s28+$0x2830] =	vst @!p1 v3  }
0x83: {  	v3 =	vld @!p1 [tilespmem:s23+$0xFFFFFFD0];
	_ =	sdelay $0x4  }
0x84: {  	v4 =	vshra.s32 @!p1 v3, $0x10;
	v3 =	vand.u32 @!p1 $0xFFFF, v3  }
0x85: {  	[tilespmem:s28+$0x2940] =	vst @!p1 v4;
	v3 =	vadd.s32 @!p1 v0, v3  }
0x86: {  	[tilespmem:s28+$0x2840] =	vst @!p1 v3  }
0x87: {  	v3 =	vld @!p1 [tilespmem:s23+$0xFFFFFFE0];
	_ =	sdelay $0x4  }
0x88: {  	v4 =	vshra.s32 @!p1 v3, $0x10;
	v3 =	vand.u32 @!p1 $0xFFFF, v3  }
0x89: {  	[tilespmem:s28+$0x2950] =	vst @!p1 v4;
	v3 =	vadd.s32 @!p1 v0, v3  }
0x8a: {  	[tilespmem:s28+$0x2850] =	vst @!p1 v3  }
0x8b: {  	v3 =	vld @!p1 [tilespmem:s23+$0xFFFFFFF0];
	_ =	sdelay $0x4  }
0x8c: {  	v4 =	vshra.s32 @!p1 v3, $0x10;
	v3 =	vand.u32 @!p1 $0xFFFF, v3  }
0x8d: {  	[tilespmem:s28+$0x2960] =	vst @!p1 v4;
	v3 =	vadd.s32 @!p1 v0, v3  }
0x8e: {  	[tilespmem:s28+$0x2860] =	vst @!p1 v3  }
0x8f: {  	v3 =	vld @!p1 [tilespmem:s23+$0x0];
	_ =	sdelay $0x4  }
0x90: {  	v4 =	vshra.s32 @!p1 v3, $0x10;
	v3 =	vand.u32 @!p1 $0xFFFF, v3  }
0x91: {  	[tilespmem:s28+$0x2970] =	vst @!p1 v4;
	v3 =	vadd.s32 @!p1 v0, v3  }
0x92: {  	s30 =	simm.s32 @!p1 $0x1;
	[tilespmem:s28+$0x2870] =	vst @!p1 v3;
	s28 =	simm.s32 @!p1 $0x80  }
0x93: {  	[tilespmem:s26], [sflag:$0x1] =	stream.indirect.gather @!p1 [hbm4b:s4+s28], $0x80, s29, s28, $0xb8;
	[tilespmem:$0x1E600] =	vst v63  }
.Ltmp3:
0x94: {  	_ =	swait.ge @!p1 [sflag:s30], $0x4000;
	(pc) =	sbr.rel @p2 .LBB2_6-.Ltmp3, $4  }
0x95: {  	[sflag:s30] =	ssyncset.done @!p1 $0x0  }
0x96: {  	s23 =	sadd.s32 $0x80, s23;
	[sflag:s30] =	ssyncadd.s32 @!p1 $0xFFFFC000  }
0x97: {  	s26 =	sand.u32 $0x1, s25;
	p1 =	seq.s32 s25, $0x4F;
	_ =	swait.ge [sflag:s21], $0x4000  }
0x98: {  	s25 =	sshll.u32 s26, $0xE;
	s26 =	sshll.u32 s26, $0x7;
	[sflag:s21] =	ssyncset.done $0x0  }
0x99: {  	s25 =	sor.u32 $0x2A00, s25;
	s26 =	sor.u32 $0x2900, s26;
	[sflag:s21] =	ssyncadd.s32 $0xFFFFC000  }
0x9a: {  	[spmem:s2] =	stream.indirect.scatter.add.f32 [tilespmem:s25], [sflag:$0x2], $0x80, s26, s18, $0xb8;
	[tilespmem:$0x1E600] =	vst v63  }
0x9b: {  	v3 =	vld @!p1 [tilespmem:s23+$0xFFFFFF90];
	_ =	sdelay $0x3  }
0x9c: {  	s24 =	sand.u32 @!p1 $0x1, s24  }
0x9d: {  	s25 =	sshll.u32 @!p1 s24, $0x7;
	v4 =	vshra.s32 @!p1 v3, $0x10;
	v3 =	vand.u32 @!p1 $0xFFFF, v3  }
0x9e: {  	[tilespmem:s25+$0x2900] =	vst @!p1 v4;
	v3 =	vadd.s32 @!p1 v0, v3  }
0x9f: {  	[tilespmem:s25+$0x2800] =	vst @!p1 v3  }
0xa0: {  	v3 =	vld @!p1 [tilespmem:s23+$0xFFFFFFA0];
	_ =	sdelay $0x4  }
0xa1: {  	v4 =	vshra.s32 @!p1 v3, $0x10;
	v3 =	vand.u32 @!p1 $0xFFFF, v3  }
0xa2: {  	[tilespmem:s25+$0x2910] =	vst @!p1 v4;
	v3 =	vadd.s32 @!p1 v0, v3  }
0xa3: {  	[tilespmem:s25+$0x2810] =	vst @!p1 v3  }
0xa4: {  	v3 =	vld @!p1 [tilespmem:s23+$0xFFFFFFB0];
	_ =	sdelay $0x4  }
0xa5: {  	v4 =	vshra.s32 @!p1 v3, $0x10;
	v3 =	vand.u32 @!p1 $0xFFFF, v3  }
0xa6: {  	[tilespmem:s25+$0x2920] =	vst @!p1 v4;
	v3 =	vadd.s32 @!p1 v0, v3  }
0xa7: {  	[tilespmem:s25+$0x2820] =	vst @!p1 v3  }
0xa8: {  	v3 =	vld @!p1 [tilespmem:s23+$0xFFFFFFC0];
	_ =	sdelay $0x4  }
0xa9: {  	v4 =	vshra.s32 @!p1 v3, $0x10;
	v3 =	vand.u32 @!p1 $0xFFFF, v3  }
0xaa: {  	[tilespmem:s25+$0x2930] =	vst @!p1 v4;
	v3 =	vadd.s32 @!p1 v0, v3  }
0xab: {  	[tilespmem:s25+$0x2830] =	vst @!p1 v3  }
0xac: {  	v3 =	vld @!p1 [tilespmem:s23+$0xFFFFFFD0];
	_ =	sdelay $0x4  }
0xad: {  	v4 =	vshra.s32 @!p1 v3, $0x10;
	v3 =	vand.u32 @!p1 $0xFFFF, v3  }
0xae: {  	[tilespmem:s25+$0x2940] =	vst @!p1 v4;
	v3 =	vadd.s32 @!p1 v0, v3  }
0xaf: {  	[tilespmem:s25+$0x2840] =	vst @!p1 v3  }
0xb0: {  	v3 =	vld @!p1 [tilespmem:s23+$0xFFFFFFE0];
	_ =	sdelay $0x4  }
0xb1: {  	v4 =	vshra.s32 @!p1 v3, $0x10;
	v3 =	vand.u32 @!p1 $0xFFFF, v3  }
0xb2: {  	[tilespmem:s25+$0x2950] =	vst @!p1 v4;
	v3 =	vadd.s32 @!p1 v0, v3  }
0xb3: {  	[tilespmem:s25+$0x2850] =	vst @!p1 v3  }
0xb4: {  	v3 =	vld @!p1 [tilespmem:s23+$0xFFFFFFF0];
	_ =	sdelay $0x4  }
0xb5: {  	v4 =	vshra.s32 @!p1 v3, $0x10;
	v3 =	vand.u32 @!p1 $0xFFFF, v3  }
0xb6: {  	[tilespmem:s25+$0x2960] =	vst @!p1 v4;
	v3 =	vadd.s32 @!p1 v0, v3  }
0xb7: {  	[tilespmem:s25+$0x2860] =	vst @!p1 v3  }
0xb8: {  	v3 =	vld @!p1 [tilespmem:s23+$0x0];
	_ =	sdelay $0x4  }
0xb9: {  	v4 =	vshra.s32 @!p1 v3, $0x10;
	v3 =	vand.u32 @!p1 $0xFFFF, v3  }
0xba: {  	s26 =	simm.s32 @!p1 $0x1;
	s23 =	sshll.u32 @!p1 s24, $0xE;
	[tilespmem:s25+$0x2970] =	vst @!p1 v4;
	v3 =	vadd.s32 @!p1 v0, v3  }
0xbb: {  	s24 =	sor.u32 @!p1 $0x2800, s25;
	s23 =	sor.u32 @!p1 $0x2A00, s23;
	[tilespmem:s25+$0x2870] =	vst @!p1 v3;
	s25 =	simm.s32 @!p1 $0x80  }
0xbc: {  	[tilespmem:s23], [sflag:$0x1] =	stream.indirect.gather @!p1 [hbm4b:s4+s25], $0x80, s24, s25, $0xb8;
	[tilespmem:$0x1E600] =	vst v63  }
0xbd: {  	_ =	swait.ge @!p1 [sflag:s26], $0x4000  }
0xbe: {  	[sflag:s26] =	ssyncset.done @!p1 $0x0  }
0xbf: {  	[sflag:s26] =	ssyncadd.s32 @!p1 $0xFFFFC000  }
0xc0: {  	_ =	swait.ge [sflag:s21], $0x4000  }
0xc1: {  	[sflag:s21] =	ssyncset.done $0x0  }
0xc2: {  	[sflag:s21] =	ssyncadd.s32 $0xFFFFC000  }
0xc3: {  	s23 =	sadd.s32 $0x1, s5;
	[bflag:$0x0] =	sbarrier.arrive $0xFFFF  }
0xc4: {  	[tilespmem:s17], [sflag:$0x3] =	stream.linear.gather [spmem:s13], $0x4000, $0x38;
	[tilespmem:$0x1E600] =	vst v63  }
0xc5: {  	p1 =	slt.u32 s23, s8;
	_ =	swait.ge [sflag:s16], $0x4000  }
.Ltmp4:
0xc6: {  	[sflag:s16] =	ssyncset.done $0x0;
	(pc) =	sbr.rel @!p1 .LBB2_9-.Ltmp4, $4  }
0xc7: {  	[sflag:s16] =	ssyncadd.s32 $0xFFFFC000  }
0xc8: {  	[hbm4b:s14+s3] =	stream.linear.scatter [tilespmem:s17], [sflag:$0x3], $0x4000, $0x38;
	[tilespmem:$0x1E600] =	vst v63  }
0xc9: {  	_ =	swait.ge [sflag:s16], $0x4000  }
0xca: {  	s24 =	sadd.s32 $0x4000, s13;
	s25 =	smov.u32 s14;
	[sflag:s16] =	ssyncset.done $0x0  }
.LBB2_8:
0xcb: {  	s23 =	sadd.s32 $0x1, s23;
	[sflag:s16] =	ssyncadd.s32 $0xFFFFC000;
	s25 =	sadd.s32 $0x800, s25  }
0xcc: {  	[tilespmem:s17], [sflag:$0x3] =	stream.linear.gather [spmem:s24], $0x4000, $0x38;
	[tilespmem:$0x1E600] =	vst v63  }
0xcd: {  	p1 =	slt.u32 s23, s8;
	_ =	swait.ge [sflag:s16], $0x4000  }
.Ltmp5:
0xce: {  	[sflag:s16] =	ssyncset.done $0x0;
	(pc) =	sbr.rel @p1 .LBB2_8-.Ltmp5, $4  }
0xcf: {  	[sflag:s16] =	ssyncadd.s32 $0xFFFFC000  }
0xd0: {  	[hbm4b:s25+s3] =	stream.linear.scatter [tilespmem:s17], [sflag:$0x3], $0x4000, $0x38;
	[tilespmem:$0x1E600] =	vst v63  }
0xd1: {  	_ =	swait.ge [sflag:s16], $0x4000  }
0xd2: {  	s24 =	sadd.s32 $0x4000, s24;
	[sflag:s16] =	ssyncset.done $0x0  }
.LBB2_9:
0xd3: {  	[sflag:s16] =	ssyncadd.s32 $0xFFFFC000;
	s23 =	simm.s32 @!p0 $0x2A00;
	s24 =	simm.s32 @!p0 $0x3  }
0xd4: {  	[tilespmem:s23], [sflag:$0x3] =	stream.linear.gather @!p0 [spmem:s9], $0x800, $0x38;
	[tilespmem:$0x1E600] =	vst v63  }
0xd5: {  	_ =	swait.ge @!p0 [sflag:s24], $0x800  }
0xd6: {  	[sflag:s24] =	ssyncset.done @!p0 $0x0  }
0xd7: {  	s25 =	simm.s32 @!p0 $0x0;
	[sflag:s24] =	ssyncadd.s32 @!p0 $0xFFFFF800  }
0xd8: {  	[hbm4b:s10+s25] =	stream.linear.scatter @!p0 [tilespmem:s23], [sflag:$0x3], $0x800, $0x38;
	[tilespmem:$0x1E600] =	vst v63  }
0xd9: {  	s23 =	simm.s32 $0x0;
	_ =	swait.ge @!p0 [sflag:s24], $0x800  }
0xda: {  	s31 =	sand.u32 $0xFE00, s23;
	[sflag:s24] =	ssyncset.done @!p0 $0x0  }
0xdb: {  	s26 =	sand.u32 $0x70, s23;
	s25 =	sshrl.u32 s31, $0x2;
	[sflag:s24] =	ssyncadd.s32 @!p0 $0xFFFFF800  }
0xdc: {  	s24 =	simm.s32 $0x40;
	s25 =	sor.u32 s26, s25;
	[bflag:$0x0] =	sbarrier.arrive $0xFFFF  }
.LBB2_10:
0xdd: {  	p1 =	sne.s32 s24, $0xFFC0  }
0xde: {  	[tilespmem:s25+$0x2A00] =	vst v2;
	s23 =	sadd.s32 $0x10, s23;
	s25 =	smov.u32 s24;
	s24 =	sadd.s32 $0x40, s24  }
.Ltmp6:
0xdf: {  	(pc) =	sbr.rel @p1 .LBB2_10-.Ltmp6, $4  }
0xe0: {  	_ = 	snop  }
0xe1: {  	s25 =	sand.u32 $0xFE00, s25  }
0xe2: {  	s26 =	sand.u32 $0x70, s23;
	s25 =	sshrl.u32 s25, $0x2  }
0xe3: {  	s25 =	sor.u32 s26, s25  }
0xe4: {  	s23 =	sadd.s32 $0x1, s5  }
0xe5: {  	p1 =	slt.u32 s23, s7  }
.Ltmp7:
0xe6: {  	_ = 	snop;
	(pc) =	sbr.rel @!p1 .LBB2_13-.Ltmp7, $4  }
0xe7: {  	[tilespmem:s25+$0x2A00] =	vst v2  }
0xe8: {  	[spmem:s13] =	stream.linear.scatter [tilespmem:s17], [sflag:$0x3], $0x4000, $0x38;
	[tilespmem:$0x1E600] =	vst v63  }
0xe9: {  	_ =	swait.ge [sflag:s16], $0x4000  }
0xea: {  	s24 =	smov.u32 s13;
	[sflag:s16] =	ssyncset.done $0x0  }
.LBB2_12:
0xeb: {  	s23 =	sadd.s32 $0x1, s23  }
0xec: {  	[sflag:s16] =	ssyncadd.s32 $0xFFFFC000;
	s24 =	sadd.s32 $0x4000, s24;
	p1 =	slt.u32 s23, s7  }
.Ltmp8:
0xed: {  	(pc) =	sbr.rel @p1 .LBB2_12-.Ltmp8, $4  }
0xee: {  	_ = 	snop  }
0xef: {  	[spmem:s24] =	stream.linear.scatter [tilespmem:s17], [sflag:$0x3], $0x4000, $0x38;
	[tilespmem:$0x1E600] =	vst v63  }
0xf0: {  	_ =	swait.ge [sflag:s16], $0x4000  }
0xf1: {  	[sflag:s16] =	ssyncset.done $0x0  }
.LBB2_13:
0xf2: {  	[sflag:s16] =	ssyncadd.s32 $0xFFFFC000  }
0xf3: {  	[bflag:$0x0] =	sbarrier.arrive $0xFFFF  }
0xf4: {  	v3 =	vld [tilespmem:$0x0];
	_ =	sdelay $0x1  }
0xf5: {  	v4 =	vld [tilespmem:$0x10];
	_ =	sdelay $0x1  }
0xf6: {  	v5 =	vld [tilespmem:$0x20]  }
0xf7: {  	v6 =	vshra.s32 v3, $0x10;
	v3 =	vand.u32 $0xFFFF, v3  }
0xf8: {  	v58 =	vld [tilespmem:$0x30];
	[tilespmem:$0x2900] =	vst v6;
	v3 =	vadd.s32 v1, v3  }
0xf9: {  	[tilespmem:$0x2800] =	vst v3;
	v3 =	vshra.s32 v4, $0x10;
	v4 =	vand.u32 $0xFFFF, v4  }
0xfa: {  	v59 =	vld [tilespmem:$0x40];
	[tilespmem:$0x2910] =	vst v3;
	v3 =	vadd.s32 v1, v4  }
0xfb: {  	[tilespmem:$0x2810] =	vst v3;
	v3 =	vshra.s32 v5, $0x10;
	v5 =	vand.u32 $0xFFFF, v5  }
0xfc: {  	v60 =	vld [tilespmem:$0x50];
	[tilespmem:$0x2920] =	vst v3;
	v3 =	vadd.s32 v1, v5  }
0xfd: {  	v6 =	vand.u32 $0xFFFF, v58;
	[tilespmem:$0x2820] =	vst v3;
	v3 =	vshra.s32 v58, $0x10  }
0xfe: {  	v61 =	vld [tilespmem:$0x60];
	[tilespmem:$0x2930] =	vst v3;
	v3 =	vadd.s32 v1, v6  }
0xff: {  	v4 =	vand.u32 $0xFFFF, v59;
	[tilespmem:$0x2830] =	vst v3;
	v3 =	vshra.s32 v59, $0x10  }
0x100: {  	v62 =	vld [tilespmem:$0x70];
	[tilespmem:$0x2940] =	vst v3;
	v3 =	vadd.s32 v1, v4  }
0x101: {  	v5 =	vand.u32 $0xFFFF, v60;
	[tilespmem:$0x2840] =	vst v3;
	v3 =	vshra.s32 v60, $0x10  }
0x102: {  	[tilespmem:$0x2950] =	vst v3;
	v3 =	vadd.s32 v1, v5  }
0x103: {  	v63 =	vand.u32 $0xFFFF, v61;
	[tilespmem:$0x2850] =	vst v3;
	v3 =	vshra.s32 v61, $0x10  }
0x104: {  	[tilespmem:$0x2960] =	vst v3;
	v3 =	vadd.s32 v1, v63  }
0x105: {  	v4 =	vand.u32 $0xFFFF, v62;
	[tilespmem:$0x2860] =	vst v3;
	v3 =	vshra.s32 v62, $0x10  }
0x106: {  	[tilespmem:$0x2970] =	vst v3;
	v3 =	vadd.s32 v1, v4  }
0x107: {  	s23 =	simm.s32 $0x0;
	s24 =	simm.s32 $0xF0;
	[tilespmem:$0x2870] =	vst v3  }
0x108: {  	[tilespmem:s17], [sflag:$0x1] =	stream.indirect.gather [hbm4b:s4+s18], $0x80, s19, s18, $0xb8;
	[tilespmem:$0x1E600] =	vst v63  }
0x109: {  	p1 =	por $0x0, $0x0;
	s23 =	sand.u32 $0x1, s23;
	_ =	swait.ge [sflag:s20], $0x4000  }
0x10a: {  	s25 =	sshll.u32 s23, $0xE;
	s23 =	sshll.u32 s23, $0x7;
	[sflag:s20] =	ssyncset.done $0x0  }
0x10b: {  	s25 =	sor.u32 $0x2A00, s25;
	s23 =	sor.u32 $0x2900, s23;
	[sflag:s20] =	ssyncadd.s32 $0xFFFFC000  }
0x10c: {  	[spmem:s2] =	stream.indirect.scatter.add.f32 [tilespmem:s25], [sflag:$0x2], $0x80, s23, s18, $0xb8;
	[tilespmem:$0x1E600] =	vst v63  }
0x10d: {  	v3 =	vld @!p1 [tilespmem:s24+$0xFFFFFF90];
	_ =	sdelay $0x2  }
0x10e: {  	s25 =	simm.s32 $0x1  }
0x10f: {  	s23 =	sand.u32 @!p1 $0x1, s25  }
0x110: {  	s26 =	sshll.u32 @!p1 s23, $0x7;
	v4 =	vshra.s32 @!p1 v3, $0x10;
	v3 =	vand.u32 @!p1 $0xFFFF, v3  }
0x111: {  	[tilespmem:s26+$0x2900] =	vst @!p1 v4;
	v3 =	vadd.s32 @!p1 v1, v3  }
0x112: {  	[tilespmem:s26+$0x2800] =	vst @!p1 v3  }
0x113: {  	v3 =	vld @!p1 [tilespmem:s24+$0xFFFFFFA0];
	_ =	sdelay $0x4  }
0x114: {  	v4 =	vshra.s32 @!p1 v3, $0x10;
	v3 =	vand.u32 @!p1 $0xFFFF, v3  }
0x115: {  	[tilespmem:s26+$0x2910] =	vst @!p1 v4;
	v3 =	vadd.s32 @!p1 v1, v3  }
0x116: {  	[tilespmem:s26+$0x2810] =	vst @!p1 v3  }
0x117: {  	v3 =	vld @!p1 [tilespmem:s24+$0xFFFFFFB0];
	_ =	sdelay $0x4  }
0x118: {  	v4 =	vshra.s32 @!p1 v3, $0x10;
	v3 =	vand.u32 @!p1 $0xFFFF, v3  }
0x119: {  	[tilespmem:s26+$0x2920] =	vst @!p1 v4;
	v3 =	vadd.s32 @!p1 v1, v3  }
0x11a: {  	[tilespmem:s26+$0x2820] =	vst @!p1 v3  }
0x11b: {  	v3 =	vld @!p1 [tilespmem:s24+$0xFFFFFFC0];
	_ =	sdelay $0x4  }
0x11c: {  	v4 =	vshra.s32 @!p1 v3, $0x10;
	v3 =	vand.u32 @!p1 $0xFFFF, v3  }
0x11d: {  	[tilespmem:s26+$0x2930] =	vst @!p1 v4;
	v3 =	vadd.s32 @!p1 v1, v3  }
0x11e: {  	[tilespmem:s26+$0x2830] =	vst @!p1 v3  }
0x11f: {  	v3 =	vld @!p1 [tilespmem:s24+$0xFFFFFFD0];
	_ =	sdelay $0x4  }
0x120: {  	v4 =	vshra.s32 @!p1 v3, $0x10;
	v3 =	vand.u32 @!p1 $0xFFFF, v3  }
0x121: {  	[tilespmem:s26+$0x2940] =	vst @!p1 v4;
	v3 =	vadd.s32 @!p1 v1, v3  }
0x122: {  	[tilespmem:s26+$0x2840] =	vst @!p1 v3  }
0x123: {  	v3 =	vld @!p1 [tilespmem:s24+$0xFFFFFFE0];
	_ =	sdelay $0x4  }
0x124: {  	v4 =	vshra.s32 @!p1 v3, $0x10;
	v3 =	vand.u32 @!p1 $0xFFFF, v3  }
0x125: {  	[tilespmem:s26+$0x2950] =	vst @!p1 v4;
	v3 =	vadd.s32 @!p1 v1, v3  }
0x126: {  	[tilespmem:s26+$0x2850] =	vst @!p1 v3  }
0x127: {  	v3 =	vld @!p1 [tilespmem:s24+$0xFFFFFFF0];
	_ =	sdelay $0x4  }
0x128: {  	v4 =	vshra.s32 @!p1 v3, $0x10;
	v3 =	vand.u32 @!p1 $0xFFFF, v3  }
0x129: {  	[tilespmem:s26+$0x2960] =	vst @!p1 v4;
	v3 =	vadd.s32 @!p1 v1, v3  }
0x12a: {  	[tilespmem:s26+$0x2860] =	vst @!p1 v3  }
0x12b: {  	v3 =	vld @!p1 [tilespmem:s24+$0x0];
	_ =	sdelay $0x4  }
0x12c: {  	v4 =	vshra.s32 @!p1 v3, $0x10;
	v3 =	vand.u32 @!p1 $0xFFFF, v3  }
0x12d: {  	s28 =	simm.s32 @!p1 $0x1;
	s23 =	sshll.u32 @!p1 s23, $0xE;
	[tilespmem:s26+$0x2970] =	vst @!p1 v4;
	v3 =	vadd.s32 @!p1 v1, v3  }
0x12e: {  	s23 =	sor.u32 @!p1 $0x2A00, s23;
	s24 =	sor.u32 @!p1 $0x2800, s26;
	[tilespmem:s26+$0x2870] =	vst @!p1 v3;
	s26 =	simm.s32 @!p1 $0x80  }
0x12f: {  	[tilespmem:s23], [sflag:$0x1] =	stream.indirect.gather @!p1 [hbm4b:s4+s26], $0x80, s24, s26, $0xb8;
	[tilespmem:$0x1E600] =	vst v63  }
0x130: {  	_ =	swait.ge @!p1 [sflag:s28], $0x4000  }
0x131: {  	s31 =	sand.u32 $0x1, s25;
	[sflag:s28] =	ssyncset.done @!p1 $0x0  }
0x132: {  	s25 =	sshll.u32 s31, $0xE;
	[sflag:s28] =	ssyncadd.s32 @!p1 $0xFFFFC000  }
0x133: {  	s24 =	simm.s32 $0x2;
	s23 =	simm.s32 $0x170;
	_ =	swait.ge [sflag:s21], $0x4000  }
0x134: {  	s26 =	sshll.u32 s31, $0x7;
	p1 =	por $0x0, $0x0;
	[sflag:s21] =	ssyncset.done $0x0  }
.LBB2_14:
0x135: {  	s25 =	sor.u32 $0x2A00, s25;
	s26 =	sor.u32 $0x2900, s26;
	[sflag:s21] =	ssyncadd.s32 $0xFFFFC000  }
0x136: {  	[spmem:s2] =	stream.indirect.scatter.add.f32 [tilespmem:s25], [sflag:$0x2], $0x80, s26, s18, $0xb8;
	[tilespmem:$0x1E600] =	vst v63  }
0x137: {  	s28 =	sand.u32 @!p1 $0x1, s24;
	s25 =	smov.u32 s24;
	s24 =	sadd.s32 $0x1, s24;
	v3 =	vld @!p1 [tilespmem:s23+$0xFFFFFF90]  }
0x138: {  	s26 =	sshll.u32 @!p1 s28, $0xE;
	p2 =	sne.s32 s24, $0x50  }
0x139: {  	s26 =	sor.u32 @!p1 $0x2A00, s26;
	_ =	sdelay $0x2  }
0x13a: {  	s28 =	sshll.u32 @!p1 s28, $0x7;
	v4 =	vshra.s32 @!p1 v3, $0x10;
	v3 =	vand.u32 @!p1 $0xFFFF, v3  }
0x13b: {  	s29 =	sor.u32 @!p1 $0x2800, s28;
	[tilespmem:s28+$0x2900] =	vst @!p1 v4;
	v3 =	vadd.s32 @!p1 v1, v3  }
0x13c: {  	[tilespmem:s28+$0x2800] =	vst @!p1 v3  }
0x13d: {  	v3 =	vld @!p1 [tilespmem:s23+$0xFFFFFFA0];
	_ =	sdelay $0x4  }
0x13e: {  	v4 =	vshra.s32 @!p1 v3, $0x10;
	v3 =	vand.u32 @!p1 $0xFFFF, v3  }
0x13f: {  	[tilespmem:s28+$0x2910] =	vst @!p1 v4;
	v3 =	vadd.s32 @!p1 v1, v3  }
0x140: {  	[tilespmem:s28+$0x2810] =	vst @!p1 v3  }
0x141: {  	v3 =	vld @!p1 [tilespmem:s23+$0xFFFFFFB0];
	_ =	sdelay $0x4  }
0x142: {  	v4 =	vshra.s32 @!p1 v3, $0x10;
	v3 =	vand.u32 @!p1 $0xFFFF, v3  }
0x143: {  	[tilespmem:s28+$0x2920] =	vst @!p1 v4;
	v3 =	vadd.s32 @!p1 v1, v3  }
0x144: {  	[tilespmem:s28+$0x2820] =	vst @!p1 v3  }
0x145: {  	v3 =	vld @!p1 [tilespmem:s23+$0xFFFFFFC0];
	_ =	sdelay $0x4  }
0x146: {  	v4 =	vshra.s32 @!p1 v3, $0x10;
	v3 =	vand.u32 @!p1 $0xFFFF, v3  }
0x147: {  	[tilespmem:s28+$0x2930] =	vst @!p1 v4;
	v3 =	vadd.s32 @!p1 v1, v3  }
0x148: {  	[tilespmem:s28+$0x2830] =	vst @!p1 v3  }
0x149: {  	v3 =	vld @!p1 [tilespmem:s23+$0xFFFFFFD0];
	_ =	sdelay $0x4  }
0x14a: {  	v4 =	vshra.s32 @!p1 v3, $0x10;
	v3 =	vand.u32 @!p1 $0xFFFF, v3  }
0x14b: {  	[tilespmem:s28+$0x2940] =	vst @!p1 v4;
	v3 =	vadd.s32 @!p1 v1, v3  }
0x14c: {  	[tilespmem:s28+$0x2840] =	vst @!p1 v3  }
0x14d: {  	v3 =	vld @!p1 [tilespmem:s23+$0xFFFFFFE0];
	_ =	sdelay $0x4  }
0x14e: {  	v4 =	vshra.s32 @!p1 v3, $0x10;
	v3 =	vand.u32 @!p1 $0xFFFF, v3  }
0x14f: {  	[tilespmem:s28+$0x2950] =	vst @!p1 v4;
	v3 =	vadd.s32 @!p1 v1, v3  }
0x150: {  	[tilespmem:s28+$0x2850] =	vst @!p1 v3  }
0x151: {  	v3 =	vld @!p1 [tilespmem:s23+$0xFFFFFFF0];
	_ =	sdelay $0x4  }
0x152: {  	v4 =	vshra.s32 @!p1 v3, $0x10;
	v3 =	vand.u32 @!p1 $0xFFFF, v3  }
0x153: {  	[tilespmem:s28+$0x2960] =	vst @!p1 v4;
	v3 =	vadd.s32 @!p1 v1, v3  }
0x154: {  	[tilespmem:s28+$0x2860] =	vst @!p1 v3  }
0x155: {  	v3 =	vld @!p1 [tilespmem:s23+$0x0];
	_ =	sdelay $0x4  }
0x156: {  	v4 =	vshra.s32 @!p1 v3, $0x10;
	v3 =	vand.u32 @!p1 $0xFFFF, v3  }
0x157: {  	[tilespmem:s28+$0x2970] =	vst @!p1 v4;
	v3 =	vadd.s32 @!p1 v1, v3  }
0x158: {  	s30 =	simm.s32 @!p1 $0x1;
	[tilespmem:s28+$0x2870] =	vst @!p1 v3;
	s28 =	simm.s32 @!p1 $0x80  }
0x159: {  	[tilespmem:s26], [sflag:$0x1] =	stream.indirect.gather @!p1 [hbm4b:s4+s28], $0x80, s29, s28, $0xb8;
	[tilespmem:$0x1E600] =	vst v63  }
.Ltmp9:
0x15a: {  	_ =	swait.ge @!p1 [sflag:s30], $0x4000;
	(pc) =	sbr.rel @p2 .LBB2_14-.Ltmp9, $4  }
0x15b: {  	[sflag:s30] =	ssyncset.done @!p1 $0x0  }
0x15c: {  	s23 =	sadd.s32 $0x80, s23;
	[sflag:s30] =	ssyncadd.s32 @!p1 $0xFFFFC000  }
0x15d: {  	s26 =	sand.u32 $0x1, s25;
	p1 =	seq.s32 s25, $0x4F;
	_ =	swait.ge [sflag:s21], $0x4000  }
0x15e: {  	s25 =	sshll.u32 s26, $0xE;
	s26 =	sshll.u32 s26, $0x7;
	[sflag:s21] =	ssyncset.done $0x0  }
0x15f: {  	s25 =	sor.u32 $0x2A00, s25;
	s26 =	sor.u32 $0x2900, s26;
	[sflag:s21] =	ssyncadd.s32 $0xFFFFC000  }
0x160: {  	[spmem:s2] =	stream.indirect.scatter.add.f32 [tilespmem:s25], [sflag:$0x2], $0x80, s26, s18, $0xb8;
	[tilespmem:$0x1E600] =	vst v63  }
0x161: {  	v3 =	vld @!p1 [tilespmem:s23+$0xFFFFFF90];
	_ =	sdelay $0x3  }
0x162: {  	s24 =	sand.u32 @!p1 $0x1, s24  }
0x163: {  	s25 =	sshll.u32 @!p1 s24, $0x7;
	v4 =	vshra.s32 @!p1 v3, $0x10;
	v3 =	vand.u32 @!p1 $0xFFFF, v3  }
0x164: {  	[tilespmem:s25+$0x2900] =	vst @!p1 v4;
	v3 =	vadd.s32 @!p1 v1, v3  }
0x165: {  	[tilespmem:s25+$0x2800] =	vst @!p1 v3  }
0x166: {  	v3 =	vld @!p1 [tilespmem:s23+$0xFFFFFFA0];
	_ =	sdelay $0x4  }
0x167: {  	v4 =	vshra.s32 @!p1 v3, $0x10;
	v3 =	vand.u32 @!p1 $0xFFFF, v3  }
0x168: {  	[tilespmem:s25+$0x2910] =	vst @!p1 v4;
	v3 =	vadd.s32 @!p1 v1, v3  }
0x169: {  	[tilespmem:s25+$0x2810] =	vst @!p1 v3  }
0x16a: {  	v3 =	vld @!p1 [tilespmem:s23+$0xFFFFFFB0];
	_ =	sdelay $0x4  }
0x16b: {  	v4 =	vshra.s32 @!p1 v3, $0x10;
	v3 =	vand.u32 @!p1 $0xFFFF, v3  }
0x16c: {  	[tilespmem:s25+$0x2920] =	vst @!p1 v4;
	v3 =	vadd.s32 @!p1 v1, v3  }
0x16d: {  	[tilespmem:s25+$0x2820] =	vst @!p1 v3  }
0x16e: {  	v3 =	vld @!p1 [tilespmem:s23+$0xFFFFFFC0];
	_ =	sdelay $0x4  }
0x16f: {  	v4 =	vshra.s32 @!p1 v3, $0x10;
	v3 =	vand.u32 @!p1 $0xFFFF, v3  }
0x170: {  	[tilespmem:s25+$0x2930] =	vst @!p1 v4;
	v3 =	vadd.s32 @!p1 v1, v3  }
0x171: {  	[tilespmem:s25+$0x2830] =	vst @!p1 v3  }
0x172: {  	v3 =	vld @!p1 [tilespmem:s23+$0xFFFFFFD0];
	_ =	sdelay $0x4  }
0x173: {  	v4 =	vshra.s32 @!p1 v3, $0x10;
	v3 =	vand.u32 @!p1 $0xFFFF, v3  }
0x174: {  	[tilespmem:s25+$0x2940] =	vst @!p1 v4;
	v3 =	vadd.s32 @!p1 v1, v3  }
0x175: {  	[tilespmem:s25+$0x2840] =	vst @!p1 v3  }
0x176: {  	v3 =	vld @!p1 [tilespmem:s23+$0xFFFFFFE0];
	_ =	sdelay $0x4  }
0x177: {  	v4 =	vshra.s32 @!p1 v3, $0x10;
	v3 =	vand.u32 @!p1 $0xFFFF, v3  }
0x178: {  	[tilespmem:s25+$0x2950] =	vst @!p1 v4;
	v3 =	vadd.s32 @!p1 v1, v3  }
0x179: {  	[tilespmem:s25+$0x2850] =	vst @!p1 v3  }
0x17a: {  	v3 =	vld @!p1 [tilespmem:s23+$0xFFFFFFF0];
	_ =	sdelay $0x4  }
0x17b: {  	v4 =	vshra.s32 @!p1 v3, $0x10;
	v3 =	vand.u32 @!p1 $0xFFFF, v3  }
0x17c: {  	[tilespmem:s25+$0x2960] =	vst @!p1 v4;
	v3 =	vadd.s32 @!p1 v1, v3  }
0x17d: {  	[tilespmem:s25+$0x2860] =	vst @!p1 v3  }
0x17e: {  	v3 =	vld @!p1 [tilespmem:s23+$0x0];
	_ =	sdelay $0x4  }
0x17f: {  	v4 =	vshra.s32 @!p1 v3, $0x10;
	v3 =	vand.u32 @!p1 $0xFFFF, v3  }
0x180: {  	s26 =	simm.s32 @!p1 $0x1;
	s23 =	sshll.u32 @!p1 s24, $0xE;
	[tilespmem:s25+$0x2970] =	vst @!p1 v4;
	v3 =	vadd.s32 @!p1 v1, v3  }
0x181: {  	s24 =	sor.u32 @!p1 $0x2800, s25;
	s23 =	sor.u32 @!p1 $0x2A00, s23;
	[tilespmem:s25+$0x2870] =	vst @!p1 v3;
	s25 =	simm.s32 @!p1 $0x80  }
0x182: {  	[tilespmem:s23], [sflag:$0x1] =	stream.indirect.gather @!p1 [hbm4b:s4+s25], $0x80, s24, s25, $0xb8;
	[tilespmem:$0x1E600] =	vst v63  }
0x183: {  	_ =	swait.ge @!p1 [sflag:s26], $0x4000  }
0x184: {  	[sflag:s26] =	ssyncset.done @!p1 $0x0  }
0x185: {  	[sflag:s26] =	ssyncadd.s32 @!p1 $0xFFFFC000  }
0x186: {  	_ =	swait.ge [sflag:s21], $0x4000  }
0x187: {  	[sflag:s21] =	ssyncset.done $0x0  }
0x188: {  	[sflag:s21] =	ssyncadd.s32 $0xFFFFC000  }
0x189: {  	s23 =	sadd.s32 $0x1, s5;
	[bflag:$0x0] =	sbarrier.arrive $0xFFFF  }
0x18a: {  	[tilespmem:s17], [sflag:$0x3] =	stream.linear.gather [spmem:s13], $0x4000, $0x38;
	[tilespmem:$0x1E600] =	vst v63  }
0x18b: {  	p1 =	slt.u32 s23, s8;
	_ =	swait.ge [sflag:s16], $0x4000  }
.Ltmp10:
0x18c: {  	[sflag:s16] =	ssyncset.done $0x0;
	(pc) =	sbr.rel @!p1 .LBB2_17-.Ltmp10, $4  }
0x18d: {  	[sflag:s16] =	ssyncadd.s32 $0xFFFFC000  }
0x18e: {  	[hbm4b:s15+s3] =	stream.linear.scatter [tilespmem:s17], [sflag:$0x3], $0x4000, $0x38;
	[tilespmem:$0x1E600] =	vst v63  }
0x18f: {  	_ =	swait.ge [sflag:s16], $0x4000  }
0x190: {  	s24 =	sadd.s32 $0x4000, s13;
	s25 =	smov.u32 s15;
	[sflag:s16] =	ssyncset.done $0x0  }
.LBB2_16:
0x191: {  	s23 =	sadd.s32 $0x1, s23;
	[sflag:s16] =	ssyncadd.s32 $0xFFFFC000;
	s25 =	sadd.s32 $0x800, s25  }
0x192: {  	[tilespmem:s17], [sflag:$0x3] =	stream.linear.gather [spmem:s24], $0x4000, $0x38;
	[tilespmem:$0x1E600] =	vst v63  }
0x193: {  	p1 =	slt.u32 s23, s8;
	_ =	swait.ge [sflag:s16], $0x4000  }
.Ltmp11:
0x194: {  	[sflag:s16] =	ssyncset.done $0x0;
	(pc) =	sbr.rel @p1 .LBB2_16-.Ltmp11, $4  }
0x195: {  	[sflag:s16] =	ssyncadd.s32 $0xFFFFC000  }
0x196: {  	[hbm4b:s25+s3] =	stream.linear.scatter [tilespmem:s17], [sflag:$0x3], $0x4000, $0x38;
	[tilespmem:$0x1E600] =	vst v63  }
0x197: {  	_ =	swait.ge [sflag:s16], $0x4000  }
0x198: {  	s24 =	sadd.s32 $0x4000, s24;
	[sflag:s16] =	ssyncset.done $0x0  }
.LBB2_17:
0x199: {  	[sflag:s16] =	ssyncadd.s32 $0xFFFFC000;
	s23 =	simm.s32 @!p0 $0x2A00;
	s24 =	simm.s32 @!p0 $0x3  }
0x19a: {  	[tilespmem:s23], [sflag:$0x3] =	stream.linear.gather @!p0 [spmem:s9], $0x800, $0x38;
	[tilespmem:$0x1E600] =	vst v63  }
0x19b: {  	_ =	swait.ge @!p0 [sflag:s24], $0x800  }
0x19c: {  	s22 =	sadd.s32 $0x1, s22;
	[sflag:s24] =	ssyncset.done @!p0 $0x0  }
0x19d: {  	s25 =	simm.s32 @!p0 $0x0;
	p1 =	sne.s32 s22, s12;
	[sflag:s24] =	ssyncadd.s32 @!p0 $0xFFFFF800  }
0x19e: {  	[hbm4b:s11+s25] =	stream.linear.scatter @!p0 [tilespmem:s23], [sflag:$0x3], $0x800, $0x38;
	[tilespmem:$0x1E600] =	vst v63  }
.Ltmp12:
0x19f: {  	_ =	swait.ge @!p0 [sflag:s24], $0x800;
	(pc) =	sbr.rel @p1 .LBB2_1-.Ltmp12, $3  }
0x1a0: {  	[sflag:s24] =	ssyncset.done @!p0 $0x0  }
0x1a1: {  	[sflag:s24] =	ssyncadd.s32 @!p0 $0xFFFFF800  }
0x1a2: {  	[bflag:$0x0] =	sbarrier.arrive $0xFFFF;
	_ =	sdelay $0x1  }
0x1a3: {  	_ =	sfence.sel $0x180000  }
0x1a4: {  	[bflag:$0x0] =	sbarrier.arrive $0xFFFF  }
0x1a5: {  	p0 =	sne.s32 s1, $0x0;
	_ =	strace $0x9000004A  }
0x1a6: {  	s0 =	sadd.s32 @!p0 $0x100000, s0;
	[bflag:$0x2] =	sbarrier.arrive $0xFFFF  }
0x1a7: {  	[sflag:s0] =	ssyncadd.tile.s32 @!p0 $0x1;
	_ =	shalt  }
.Lfunc_end2:
_tile_overlayer_lowered:
.L_overlay_start_2:
0x1a8: {  	(tag) =	ssettag $0x2  }
0x1a9: {  	s0 =	rddreg [dreg:$0x0];
	s2 =	stileid.u32  }
0x1aa: {  	s1 =	rddreg [dreg:$0x1];
	p0 =	sne.s32 s2, $0x0  }
0x1ab: {  	s3 =	rddreg [dreg:$0x2];
	[bflag:$0x3] =	sbarrier.arrive $0xFFFF;
	s2 =	simm.s32 @!p0 $0x1C03  }
0x1ac: {  	[timem:s3], [sflag:s2] =	dma.local @!p0 [hbm:s0], s1  }
0x1ad: {  	s0 =	simm.s32 @!p0 $0x3  }
0x1ae: {  	_ =	swait.ge @!p0 [sflag:s0], s1  }
0x1af: {  	s1 =	ssub.s32 @!p0 $0x0, s1;
	[sflag:s0] =	ssyncset.done @!p0 $0x0  }
0x1b0: {  	[sflag:s0] =	ssyncadd.s32 @!p0 s1  }
0x1b1: {  	[bflag:$0x3] =	sbarrier.arrive $0xFFFF  }
0x1b2: {  	_ =	shalt  }

// kernel: sc_agg4.7.cloned.1.call-start
scs
__scs_entry_jumppad:
0x0: {  	(pc) =	sbr.rel $0x88, $3  }
0x1: {  	(tag) =	ssettag $0x0;
	lr =	simm.s32 $0x1  }
0x2: {  	[smem:$0x3F91] =	sst lr;
	_ =	strace $0xD0000000  }
0x3: {  	_ = 	snop  }
0x4: {  	_ = 	snop  }
0x5: {  	_ = 	snop  }
0x6: {  	_ = 	snop  }
0x7: {  	_ = 	snop  }
__scs_overlays_trampoline_lowered:
0x8: {  	[smem:$0x3FA0] =	sst s0  }
0x9: {  	[smem:$0x3FA1] =	sst s1  }
0xa: {  	[smem:$0x3FA2] =	sst s2  }
0xb: {  	[smem:$0x3FA3] =	sst s3  }
0xc: {  	[smem:$0x3FA4] =	sst s4  }
0xd: {  	[smem:$0x3FA5] =	sst s5  }
0xe: {  	[smem:$0x3FA6] =	sst s6  }
0xf: {  	[smem:$0x3FA7] =	sst s7  }
0x10: {  	[smem:$0x3FA8] =	sst s8  }
0x11: {  	[smem:$0x3FA9] =	sst s9;
	s0 =	simm.s32 @!p0 $0x0  }
0x12: {  	s1 =	sld [smem:$0x3F8F];
	s0 =	simm.s32 @p0 $0x1  }
0x13: {  	[smem:$0x3FAA] =	sst s0;
	s0 =	simm.s32 @!p1 $0x0  }
0x14: {  	s2 =	sld [smem:$0x3F8E];
	s0 =	simm.s32 @p1 $0x1  }
0x15: {  	[smem:$0x3FAB] =	sst s0;
	s0 =	simm.s32 @!p2 $0x0  }
0x16: {  	s3 =	sld [smem:$0x3FDB];
	s0 =	simm.s32 @p2 $0x1  }
0x17: {  	s4 =	simm.s32 $0x1BF5;
	[smem:$0x3FAD] =	sst s0  }
0x18: {  	s0 =	sld [smem:$0x3F90];
	_ =	swait.ge [sflag:s4], $0x0  }
0x19: {  	s7 =	sld [smem:$0x3F91]  }
0x1a: {  	s8 =	sadd.s32 $0xFFFFE003, lr  }
0x1b: {  	s9 =	sadd.s32 $0xFFFFFEF7, lr;
	s5 =	simm.s32 $0xFFFFFFFF;
	p2 =	slt.u32 s8, $0xFFFFF086  }
0x1c: {  	p1 =	slt.u32 s9, $0xF7A;
	s5 =	simm.s32 @!p2 $0x0  }
0x1d: {  	s5 =	simm.s32 @p1 $0x1;
	p0 =	seq.s32 s7, s2  }
0x1e: {  	s7 =	smul.u32 @!p0 $0xF7A, s2;
	p2 =	seq.s32 @!p0 s5, $0x0  }
0x1f: {  	s9 =	smul.u32 $0xF7A, s1;
	s8 =	simm.s32 @!p0 $0x1BF5;
	p2 =	por !p2, p0  }
0x20: {  	[sflag:s8] =	ssyncset.s32 @!p0 $0xFFFFF086;
	s6 =	sadd.s32 @!p0 s3, s7;
	s7 =	simm.s32 @!p0 $0x108  }
0x21: {  	s3 =	sadd.s32 s3, s9;
	s6 =	sadd.s32 @!p0 $0x88, s6;
	s7 =	simm.s32 @p2 $0x1082  }
0x22: {  	[simem:s7], [sflag:s8] =	dma.local @!p0 [hbm:s6], $0xF7A  }
0x23: {  	s9 =	sor.u32 $0xD0000000, s2;
	s6 =	simm.s32 $0x108;
	_ =	swait.ge @!p0 [sflag:s8], $0x0  }
0x24: {  	s3 =	sadd.s32 $0x88, s3;
	s6 =	simm.s32 @!p1 $0x1082;
	[sflag:s4] =	ssyncset.s32 $0xFFFFF086  }
0x25: {  	[simem:s6], [sflag:s4] =	dma.local [hbm:s3], $0xF7A  }
0x26: {  	[smem:$0x3F91] =	sst s1;
	(tag) =	ssettag s2;
	_ =	strace s9  }
0x27: {  	s1 =	sld [smem:$0x3FA1]  }
0x28: {  	s2 =	sld [smem:$0x3FA2]  }
0x29: {  	s4 =	sld [smem:$0x3FA4]  }
0x2a: {  	p0 =	seq.s32 s5, $0x0;
	s5 =	sld [smem:$0x3FA5]  }
0x2b: {  	s6 =	sld [smem:$0x3FA6]  }
0x2c: {  	s7 =	sld [smem:$0x3FA7]  }
0x2d: {  	s3 =	simm.s32 $0x108;
	s8 =	sld [smem:$0x3FA8]  }
0x2e: {  	s3 =	simm.s32 @!p0 $0x1082;
	s9 =	sld [smem:$0x3FA9]  }
0x2f: {  	lr =	sadd.s32 s0, s3;
	s0 =	sld [smem:$0x3FA0]  }
0x30: {  	s3 =	sld [smem:$0x3FA3]  }
0x31: {  	[smem:$0x3FAC] =	sst s10  }
0x32: {  	s10 =	sld [smem:$0x3FAA];
	_ =	sdelay $0x3  }
0x33: {  	p0 =	seq.s32 s10, $0x1;
	s10 =	sld [smem:$0x3FAC];
	_ =	sdelay $0x3  }
0x34: {  	[smem:$0x3FAC] =	sst s10  }
0x35: {  	s10 =	sld [smem:$0x3FAB];
	_ =	sdelay $0x3  }
0x36: {  	p1 =	seq.s32 s10, $0x1;
	s10 =	sld [smem:$0x3FAC];
	_ =	sdelay $0x3  }
0x37: {  	[smem:$0x3FAC] =	sst s10  }
0x38: {  	s10 =	sld [smem:$0x3FAD]  }
0x39: {  	_ = 	snop;
	(pc) =	sbr.ind lr, $3  }
0x3a: {  	_ = 	snop  }
0x3b: {  	_ = 	snop  }
0x3c: {  	p2 =	seq.s32 s10, $0x1;
	s10 =	sld [smem:$0x3FAC]  }
0x3d: {  	_ =	shalt  }
0x3e: {  	_ =	shalt  }
0x3f: {  	_ =	shalt  }
0x40: {  	_ =	shalt  }
0x41: {  	_ =	shalt  }
0x42: {  	_ =	shalt  }
0x43: {  	_ =	shalt  }
0x44: {  	_ =	shalt  }
0x45: {  	_ =	shalt  }
0x46: {  	_ =	shalt  }
0x47: {  	_ =	shalt  }
0x48: {  	_ =	shalt  }
0x49: {  	_ =	shalt  }
0x4a: {  	_ =	shalt  }
0x4b: {  	_ =	shalt  }
0x4c: {  	_ =	shalt  }
0x4d: {  	_ =	shalt  }
0x4e: {  	_ =	shalt  }
0x4f: {  	_ =	shalt  }
0x50: {  	_ =	shalt  }
0x51: {  	_ =	shalt  }
0x52: {  	_ =	shalt  }
0x53: {  	_ =	shalt  }
0x54: {  	_ =	shalt  }
0x55: {  	_ =	shalt  }
0x56: {  	_ =	shalt  }
0x57: {  	_ =	shalt  }
0x58: {  	_ =	shalt  }
0x59: {  	_ =	shalt  }
0x5a: {  	_ =	shalt  }
0x5b: {  	_ =	shalt  }
0x5c: {  	_ =	shalt  }
0x5d: {  	_ =	shalt  }
0x5e: {  	_ =	shalt  }
0x5f: {  	_ =	shalt  }
0x60: {  	_ =	shalt  }
0x61: {  	_ =	shalt  }
0x62: {  	_ =	shalt  }
0x63: {  	_ =	shalt  }
0x64: {  	_ =	shalt  }
0x65: {  	_ =	shalt  }
0x66: {  	_ =	shalt  }
0x67: {  	_ =	shalt  }
0x68: {  	_ =	shalt  }
0x69: {  	_ =	shalt  }
0x6a: {  	_ =	shalt  }
0x6b: {  	_ =	shalt  }
0x6c: {  	_ =	shalt  }
0x6d: {  	_ =	shalt  }
0x6e: {  	_ =	shalt  }
0x6f: {  	_ =	shalt  }
0x70: {  	_ =	shalt  }
0x71: {  	_ =	shalt  }
0x72: {  	_ =	shalt  }
0x73: {  	_ =	shalt  }
0x74: {  	_ =	shalt  }
0x75: {  	_ =	shalt  }
0x76: {  	_ =	shalt  }
0x77: {  	_ =	shalt  }
0x78: {  	_ =	shalt  }
0x79: {  	_ =	shalt  }
0x7a: {  	_ =	shalt  }
0x7b: {  	_ =	shalt  }
0x7c: {  	_ =	shalt  }
0x7d: {  	_ =	shalt  }
0x7e: {  	_ =	shalt  }
0x7f: {  	_ =	shalt  }
0x80: {  	_ =	shalt  }
0x81: {  	_ =	shalt  }
0x82: {  	_ =	shalt  }
0x83: {  	_ =	shalt  }
0x84: {  	_ =	shalt  }
0x85: {  	_ =	shalt  }
0x86: {  	_ =	shalt  }
0x87: {  	_ =	shalt  }
.Lfunc_end0:
.L_simem_size_0:
called_computation.2_lowered:
.L_overlay_start_0:
0x88: {  	s2 =	sld [smem:$0x3FD9]  }
0x89: {  	s3 =	sld [smem:$0x3FFE];
	_ =	sdelay $0x1  }
0x8a: {  	s1 =	srdreg.scid  }
0x8b: {  	s0 =	sand.u32 $0x1, s1  }
0x8c: {  	s16 =	sshll.u32 s0, $0xA;
	s2 =	sadd.s32 s3, s2  }
0x8d: {  	s2 =	sadd.s32 s2, s16  }
0x8e: {  	[smem:$0x3FB8] =	sst s2  }
0x8f: {  	_ = 	snop  }
0x90: {  	(tm) =	ssettm $0x1  }
0x91: {  	s17 =	sld [smem:$0x3FFB];
	_ =	sdelay $0x3  }
0x92: {  	_ =	strace s17  }
0x93: {  	s2 =	sld [smem:$0x3FFC];
	_ =	sdelay $0x3  }
0x94: {  	_ =	strace s2  }
0x95: {  	s2 =	sld [smem:$0x3FFD];
	_ =	sdelay $0x3  }
0x96: {  	_ =	strace s2  }
0x97: {  	_ =	strace $0x8FFFFFFF  }
0x98: {  	s18 =	sld [smem:$0x3FDB];
	_ =	sdelay $0x1  }
0x99: {  	s19 =	simm.s32 $_scs_section_size  }
0x9a: {  	s4 =	simm.s32 $_size__tile_overlayer_lowered;
	s5 =	simm.s32 $_tile_overlayer_lowered  }
0x9b: {  	s22 =	simm.s32 $0x1BFF;
	s21 =	sshll.u32 s5, $0x1;
	s2 =	sadd.s32 s19, s18  }
0x9c: {  	s6 =	simm.s32 $0x0;
	s20 =	sshll.u32 s4, $0x1;
	s4 =	sadd.s32 s21, s2  }
0x9d: {  	[timem:s6], [sflag:s22] =	dma.local [hbm:s4], s20  }
0x9e: {  	_ =	swait.ge [sflag:s22], s20  }
0x9f: {  	s3 =	ssub.s32 $0x0, s20;
	[sflag:s22] =	ssyncset.done $0x0  }
0xa0: {  	[sflag:s22] =	ssyncadd.s32 s3;
	_ =	sdelay $0x1  }
0xa1: {  	s23 =	simm.s32 $0x1B8B  }
0xa2: {  	_ =	swait.ge [sflag:s23], $0x1  }
0xa3: {  	[sflag:s23] =	ssyncset.done $0x0  }
0xa4: {  	s25 =	simm.s32 $0x1B8E;
	s24 =	sld [smem:$0x3FFE];
	[sflag:s23] =	ssyncadd.s32 $0xFFFFFFFF  }
0xa5: {  	s26 =	simm.s32 $execute0_lowered;
	[smem:$0x3FD2] =	sst s25  }
0xa6: {  	s4 =	sshll.u32 s26, $0x1;
	_ =	strace $0x8000004C;
	[dreg:$0x1] =	wrdreg $0xFFFFFFFF  }
0xa7: {  	s28 =	simm.s32 $_size_execute0_lowered;
	s2 =	sadd.s32 s2, s4;
	[dreg:$0x0] =	wrdreg $0x0  }
0xa8: {  	s4 =	sshll.u32 s28, $0x1;
	[dreg:$0x2] =	wrdreg s2  }
0xa9: {  	[dreg:$0x3] =	wrdreg s4  }
0xaa: {  	[dreg:$0x4] =	wrdreg $0xC0  }
0xab: {  	_ =	task [dreg:s6], $0x5FFFF  }
0xac: {  	[dreg:$0x1] =	wrdreg $0xFFFFFFFF  }
0xad: {  	[dreg:$0x0] =	wrdreg $0x60  }
0xae: {  	[dreg:$0x2] =	wrdreg s24  }
0xaf: {  	[dreg:$0x3] =	wrdreg $0xAA000  }
0xb0: {  	[dreg:$0x4] =	wrdreg $0x9  }
0xb1: {  	_ =	task.clear_ibuf [dreg:s6], $0x5FFFF;
	_ =	strace $0x9000004C  }
0xb2: {  	s29 =	simm.s32 $0x9;
	_ =	strace $0x8000004E  }
0xb3: {  	_ =	swait.ge [sflag:s29], $0x1  }
0xb4: {  	[sflag:s29] =	ssyncadd.s32 $0xFFFFFFFF  }
0xb5: {  	_ =	strace $0x9000004E  }
0xb6: {  	_ =	sfence  }
0xb7: {  	s30 =	sld [smem:$0x0];
	_ =	sdelay $0x2  }
0xb8: {  	s31 =	sshll.u32 s1, $0xD;
	s1 =	sshrl.u32 s1, $0x2  }
0xb9: {  	s3 =	sand.u32 $0x4000, s31;
	s1 =	sadd.s32 s1, s30  }
0xba: {  	s0 =	sor.u32 s3, s0;
	s1 =	sshll.u32 s1, $0x11  }
0xbb: {  	s0 =	sor.u32 s1, s0  }
0xbc: {  	s0 =	sadd.s32 $0x8F2B, s0  }
0xbd: {  	[sflag:s0] =	ssyncadd.remote.s32 $0x1  }
0xbe: {  	_ =	sfence.sel $0xFFFF  }
0xbf: {  	[dreg:$0x0] =	wrdreg $0xFFFFFFFF;
	(pc) =	sbr.abs _section_cstart, $3  }
0xc0: {  	[dreg:$0x1] =	wrdreg $0xFFFFFFFF  }
0xc1: {  	_ =	task.clear_ibuf [dreg:s6], $0x2FFFF;
	_ =	strace $0x9FFFFFFF  }
0xc2: {  	(tm) =	ssettm $0x7FFFFFFF  }
0xc3: {  	_ =	shalt  }
tec
execute0_lowered:
.L_overlay_start_1:
0x0: {  	(tag) =	ssettag $0x1  }
0x1: {  	s6 =	rddreg [dreg:$0x0]  }
0x2: {  	s2 =	rddreg [dreg:$0x1]  }
0x3: {  	s0 =	rddreg [dreg:$0x2]  }
0x4: {  	s3 =	simm.s32 $0x0;
	s1 =	stileid.u32;
	s4 =	srdreg.scid  }
0x5: {  	s18 =	simm.s32 $0x80;
	s19 =	simm.s32 $0x2800;
	s5 =	smul.u32 $0x500, s1  }
0x6: {  	s20 =	simm.s32 $0x1;
	[smem:$0x7FF] =	sst s3;
	s14 =	smul.u32 $0x14000, s1  }
0x7: {  	s7 =	sand.u32 $0x1, s4;
	s4 =	sadd.s32 $0x18E400, s6;
	s16 =	smul.u32 $0x50000, s1  }
0x8: {  	s15 =	sadd.s32 $0xF2000, s6;
	p0 =	sne.s32 s1, $0xF;
	s13 =	smul.u32 $0x271000, s7  }
0x9: {  	_ =	strace $0x8000004D;
	s8 =	ssub.s32 $0x2, s7;
	s21 =	smul.u32 $0x4E20, s7  }
0xa: {  	s9 =	sadd.s32 s5, s6;
	s10 =	sshrl.u32 s8, $0x1;
	s5 =	smul.u32 $0x5, s1  }
0xb: {  	s29 =	sshrl.u32 s16, $0x2;
	s16 =	simm.s32 $0x3;
	s12 =	ssub.s32 s8, s10  }
0xc: {  	s6 =	sadd.s32 $0x50C00, s9;
	s28 =	sshrl.u32 s13, $0x3;
	s9 =	sadd.s32 $0x138000, s2  }
0xd: {  	s22 =	sadd.s32 $0x2710, s21;
	s13 =	sadd.s32 s14, s13;
	v0 =	vmov s21;
	s21 =	simm.s32 $0x2  }
0xe: {  	s26 =	sadd.s32 $0x5, s5;
	s11 =	sadd.s32 s15, s28;
	s12 =	smax.u32 s12, $0x1  }
0xf: {  	s30 =	sshrl.u32 s13, $0x3;
	s17 =	sadd.s32 $0x138800, s13;
	s13 =	sadd.s32 s29, s2  }
0x10: {  	v1 =	vmov s22;
	s22 =	simm.s32 $0x0;
	s7 =	smin.u32 s26, $0x4F;
	s8 =	smin.u32 s26, $0x4E  }
0x11: {  	s10 =	sadd.s32 $0x27000, s11;
	s11 =	sadd.s32 $0x4E100, s11;
	s31 =	sshrl.u32 s17, $0x3  }
0x12: {  	v2 =	vimm.f32 $0.0e+00;
	s14 =	sadd.s32 s30, s15;
	s17 =	simm.s32 $0x2A00;
	s15 =	sadd.s32 s31, s15  }
.LBB2_1:
0x13: {  	[tilespmem:s3], [sflag:$0x3] =	stream.linear.gather [hbm4b:s6+s3], $0x2800, $0x38;
	[tilespmem:$0x1E600] =	vst v63  }
0x14: {  	s23 =	sand.u32 $0xFE00, s3;
	s24 =	sand.u32 $0x70, s3;
	_ =	swait.ge [sflag:s16], $0x2800  }
0x15: {  	s25 =	sshrl.u32 s23, $0x2;
	s23 =	simm.s32 $0x40;
	[sflag:s16] =	ssyncset.done $0x0  }
0x16: {  	s25 =	sor.u32 s24, s25;
	s24 =	simm.s32 $0x0;
	[sflag:s16] =	ssyncadd.s32 $0xFFFFD800  }
.LBB2_2:
0x17: {  	p1 =	sne.s32 s23, $0xFFC0  }
0x18: {  	[tilespmem:s25+$0x2A00] =	vst v2;
	s24 =	sadd.s32 $0x10, s24;
	s25 =	smov.u32 s23;
	s23 =	sadd.s32 $0x40, s23  }
.Ltmp0:
0x19: {  	(pc) =	sbr.rel @p1 .LBB2_2-.Ltmp0, $4  }
0x1a: {  	_ = 	snop  }
0x1b: {  	s25 =	sand.u32 $0xFE00, s25  }
0x1c: {  	s26 =	sand.u32 $0x70, s24;
	s25 =	sshrl.u32 s25, $0x2  }
0x1d: {  	s25 =	sor.u32 s26, s25  }
0x1e: {  	s23 =	sadd.s32 $0x1, s5  }
0x1f: {  	p1 =	slt.u32 s23, s7  }
.Ltmp1:
0x20: {  	_ = 	snop;
	(pc) =	sbr.rel @!p1 .LBB2_5-.Ltmp1, $4  }
0x21: {  	[tilespmem:s25+$0x2A00] =	vst v2  }
0x22: {  	[spmem:s13] =	stream.linear.scatter [tilespmem:s17], [sflag:$0x3], $0x4000, $0x38;
	[tilespmem:$0x1E600] =	vst v63  }
0x23: {  	_ =	swait.ge [sflag:s16], $0x4000  }
0x24: {  	s24 =	smov.u32 s13;
	[sflag:s16] =	ssyncset.done $0x0  }
.LBB2_4:
0x25: {  	s23 =	sadd.s32 $0x1, s23  }
0x26: {  	[sflag:s16] =	ssyncadd.s32 $0xFFFFC000;
	s24 =	sadd.s32 $0x4000, s24;
	p1 =	slt.u32 s23, s7  }
.Ltmp2:
0x27: {  	(pc) =	sbr.rel @p1 .LBB2_4-.Ltmp2, $4  }
0x28: {  	_ = 	snop  }
0x29: {  	[spmem:s24] =	stream.linear.scatter [tilespmem:s17], [sflag:$0x3], $0x4000, $0x38;
	[tilespmem:$0x1E600] =	vst v63  }
0x2a: {  	_ =	swait.ge [sflag:s16], $0x4000  }
0x2b: {  	[sflag:s16] =	ssyncset.done $0x0  }
.LBB2_5:
0x2c: {  	[sflag:s16] =	ssyncadd.s32 $0xFFFFC000  }
0x2d: {  	[bflag:$0x0] =	sbarrier.arrive $0xFFFF  }
0x2e: {  	v3 =	vld [tilespmem:$0x0];
	_ =	sdelay $0x1  }
0x2f: {  	v4 =	vld [tilespmem:$0x10];
	_ =	sdelay $0x1  }
0x30: {  	v5 =	vld [tilespmem:$0x20]  }
0x31: {  	v6 =	vshra.s32 v3, $0x10;
	v3 =	vand.u32 $0xFFFF, v3  }
0x32: {  	v58 =	vld [tilespmem:$0x30];
	[tilespmem:$0x2900] =	vst v6;
	v3 =	vadd.s32 v0, v3  }
0x33: {  	[tilespmem:$0x2800] =	vst v3;
	v3 =	vshra.s32 v4, $0x10;
	v4 =	vand.u32 $0xFFFF, v4  }
0x34: {  	v59 =	vld [tilespmem:$0x40];
	[tilespmem:$0x2910] =	vst v3;
	v3 =	vadd.s32 v0, v4  }
0x35: {  	[tilespmem:$0x2810] =	vst v3;
	v3 =	vshra.s32 v5, $0x10;
	v5 =	vand.u32 $0xFFFF, v5  }
0x36: {  	v60 =	vld [tilespmem:$0x50];
	[tilespmem:$0x2920] =	vst v3;
	v3 =	vadd.s32 v0, v5  }
0x37: {  	v6 =	vand.u32 $0xFFFF, v58;
	[tilespmem:$0x2820] =	vst v3;
	v3 =	vshra.s32 v58, $0x10  }
0x38: {  	v61 =	vld [tilespmem:$0x60];
	[tilespmem:$0x2930] =	vst v3;
	v3 =	vadd.s32 v0, v6  }
0x39: {  	v4 =	vand.u32 $0xFFFF, v59;
	[tilespmem:$0x2830] =	vst v3;
	v3 =	vshra.s32 v59, $0x10  }
0x3a: {  	v62 =	vld [tilespmem:$0x70];
	[tilespmem:$0x2940] =	vst v3;
	v3 =	vadd.s32 v0, v4  }
0x3b: {  	v5 =	vand.u32 $0xFFFF, v60;
	[tilespmem:$0x2840] =	vst v3;
	v3 =	vshra.s32 v60, $0x10  }
0x3c: {  	[tilespmem:$0x2950] =	vst v3;
	v3 =	vadd.s32 v0, v5  }
0x3d: {  	v63 =	vand.u32 $0xFFFF, v61;
	[tilespmem:$0x2850] =	vst v3;
	v3 =	vshra.s32 v61, $0x10  }
0x3e: {  	[tilespmem:$0x2960] =	vst v3;
	v3 =	vadd.s32 v0, v63  }
0x3f: {  	v4 =	vand.u32 $0xFFFF, v62;
	[tilespmem:$0x2860] =	vst v3;
	v3 =	vshra.s32 v62, $0x10  }
0x40: {  	[tilespmem:$0x2970] =	vst v3;
	v3 =	vadd.s32 v0, v4  }
0x41: {  	s23 =	simm.s32 $0x0;
	s24 =	simm.s32 $0xF0;
	[tilespmem:$0x2870] =	vst v3  }
0x42: {  	[tilespmem:s17], [sflag:$0x1] =	stream.indirect.gather [hbm4b:s4+s18], $0x80, s19, s18, $0xb8;
	[tilespmem:$0x1E600] =	vst v63  }
0x43: {  	p1 =	por $0x0, $0x0;
	s23 =	sand.u32 $0x1, s23;
	_ =	swait.ge [sflag:s20], $0x4000  }
0x44: {  	s25 =	sshll.u32 s23, $0xE;
	s23 =	sshll.u32 s23, $0x7;
	[sflag:s20] =	ssyncset.done $0x0  }
0x45: {  	s25 =	sor.u32 $0x2A00, s25;
	s23 =	sor.u32 $0x2900, s23;
	[sflag:s20] =	ssyncadd.s32 $0xFFFFC000  }
0x46: {  	[spmem:s2] =	stream.indirect.scatter.add.f32 [tilespmem:s25], [sflag:$0x2], $0x80, s23, s18, $0xb8;
	[tilespmem:$0x1E600] =	vst v63  }
0x47: {  	v3 =	vld @!p1 [tilespmem:s24+$0xFFFFFF90];
	_ =	sdelay $0x2  }
0x48: {  	s25 =	simm.s32 $0x1  }
0x49: {  	s23 =	sand.u32 @!p1 $0x1, s25  }
0x4a: {  	s26 =	sshll.u32 @!p1 s23, $0x7;
	v4 =	vshra.s32 @!p1 v3, $0x10;
	v3 =	vand.u32 @!p1 $0xFFFF, v3  }
0x4b: {  	[tilespmem:s26+$0x2900] =	vst @!p1 v4;
	v3 =	vadd.s32 @!p1 v0, v3  }
0x4c: {  	[tilespmem:s26+$0x2800] =	vst @!p1 v3  }
0x4d: {  	v3 =	vld @!p1 [tilespmem:s24+$0xFFFFFFA0];
	_ =	sdelay $0x4  }
0x4e: {  	v4 =	vshra.s32 @!p1 v3, $0x10;
	v3 =	vand.u32 @!p1 $0xFFFF, v3  }
0x4f: {  	[tilespmem:s26+$0x2910] =	vst @!p1 v4;
	v3 =	vadd.s32 @!p1 v0, v3  }
0x50: {  	[tilespmem:s26+$0x2810] =	vst @!p1 v3  }
0x51: {  	v3 =	vld @!p1 [tilespmem:s24+$0xFFFFFFB0];
	_ =	sdelay $0x4  }
0x52: {  	v4 =	vshra.s32 @!p1 v3, $0x10;
	v3 =	vand.u32 @!p1 $0xFFFF, v3  }
0x53: {  	[tilespmem:s26+$0x2920] =	vst @!p1 v4;
	v3 =	vadd.s32 @!p1 v0, v3  }
0x54: {  	[tilespmem:s26+$0x2820] =	vst @!p1 v3  }
0x55: {  	v3 =	vld @!p1 [tilespmem:s24+$0xFFFFFFC0];
	_ =	sdelay $0x4  }
0x56: {  	v4 =	vshra.s32 @!p1 v3, $0x10;
	v3 =	vand.u32 @!p1 $0xFFFF, v3  }
0x57: {  	[tilespmem:s26+$0x2930] =	vst @!p1 v4;
	v3 =	vadd.s32 @!p1 v0, v3  }
0x58: {  	[tilespmem:s26+$0x2830] =	vst @!p1 v3  }
0x59: {  	v3 =	vld @!p1 [tilespmem:s24+$0xFFFFFFD0];
	_ =	sdelay $0x4  }
0x5a: {  	v4 =	vshra.s32 @!p1 v3, $0x10;
	v3 =	vand.u32 @!p1 $0xFFFF, v3  }
0x5b: {  	[tilespmem:s26+$0x2940] =	vst @!p1 v4;
	v3 =	vadd.s32 @!p1 v0, v3  }
0x5c: {  	[tilespmem:s26+$0x2840] =	vst @!p1 v3  }
0x5d: {  	v3 =	vld @!p1 [tilespmem:s24+$0xFFFFFFE0];
	_ =	sdelay $0x4  }
0x5e: {  	v4 =	vshra.s32 @!p1 v3, $0x10;
	v3 =	vand.u32 @!p1 $0xFFFF, v3  }
0x5f: {  	[tilespmem:s26+$0x2950] =	vst @!p1 v4;
	v3 =	vadd.s32 @!p1 v0, v3  }
0x60: {  	[tilespmem:s26+$0x2850] =	vst @!p1 v3  }
0x61: {  	v3 =	vld @!p1 [tilespmem:s24+$0xFFFFFFF0];
	_ =	sdelay $0x4  }
0x62: {  	v4 =	vshra.s32 @!p1 v3, $0x10;
	v3 =	vand.u32 @!p1 $0xFFFF, v3  }
0x63: {  	[tilespmem:s26+$0x2960] =	vst @!p1 v4;
	v3 =	vadd.s32 @!p1 v0, v3  }
0x64: {  	[tilespmem:s26+$0x2860] =	vst @!p1 v3  }
0x65: {  	v3 =	vld @!p1 [tilespmem:s24+$0x0];
	_ =	sdelay $0x4  }
0x66: {  	v4 =	vshra.s32 @!p1 v3, $0x10;
	v3 =	vand.u32 @!p1 $0xFFFF, v3  }
0x67: {  	s28 =	simm.s32 @!p1 $0x1;
	s23 =	sshll.u32 @!p1 s23, $0xE;
	[tilespmem:s26+$0x2970] =	vst @!p1 v4;
	v3 =	vadd.s32 @!p1 v0, v3  }
0x68: {  	s23 =	sor.u32 @!p1 $0x2A00, s23;
	s24 =	sor.u32 @!p1 $0x2800, s26;
	[tilespmem:s26+$0x2870] =	vst @!p1 v3;
	s26 =	simm.s32 @!p1 $0x80  }
0x69: {  	[tilespmem:s23], [sflag:$0x1] =	stream.indirect.gather @!p1 [hbm4b:s4+s26], $0x80, s24, s26, $0xb8;
	[tilespmem:$0x1E600] =	vst v63  }
0x6a: {  	_ =	swait.ge @!p1 [sflag:s28], $0x4000  }
0x6b: {  	s31 =	sand.u32 $0x1, s25;
	[sflag:s28] =	ssyncset.done @!p1 $0x0  }
0x6c: {  	s25 =	sshll.u32 s31, $0xE;
	[sflag:s28] =	ssyncadd.s32 @!p1 $0xFFFFC000  }
0x6d: {  	s24 =	simm.s32 $0x2;
	s23 =	simm.s32 $0x170;
	_ =	swait.ge [sflag:s21], $0x4000  }
0x6e: {  	s26 =	sshll.u32 s31, $0x7;
	p1 =	por $0x0, $0x0;
	[sflag:s21] =	ssyncset.done $0x0  }
.LBB2_6:
0x6f: {  	s25 =	sor.u32 $0x2A00, s25;
	s26 =	sor.u32 $0x2900, s26;
	[sflag:s21] =	ssyncadd.s32 $0xFFFFC000  }
0x70: {  	[spmem:s2] =	stream.indirect.scatter.add.f32 [tilespmem:s25], [sflag:$0x2], $0x80, s26, s18, $0xb8;
	[tilespmem:$0x1E600] =	vst v63  }
0x71: {  	s28 =	sand.u32 @!p1 $0x1, s24;
	s25 =	smov.u32 s24;
	s24 =	sadd.s32 $0x1, s24;
	v3 =	vld @!p1 [tilespmem:s23+$0xFFFFFF90]  }
0x72: {  	s26 =	sshll.u32 @!p1 s28, $0xE;
	p2 =	sne.s32 s24, $0x50  }
0x73: {  	s26 =	sor.u32 @!p1 $0x2A00, s26;
	_ =	sdelay $0x2  }
0x74: {  	s28 =	sshll.u32 @!p1 s28, $0x7;
	v4 =	vshra.s32 @!p1 v3, $0x10;
	v3 =	vand.u32 @!p1 $0xFFFF, v3  }
0x75: {  	s29 =	sor.u32 @!p1 $0x2800, s28;
	[tilespmem:s28+$0x2900] =	vst @!p1 v4;
	v3 =	vadd.s32 @!p1 v0, v3  }
0x76: {  	[tilespmem:s28+$0x2800] =	vst @!p1 v3  }
0x77: {  	v3 =	vld @!p1 [tilespmem:s23+$0xFFFFFFA0];
	_ =	sdelay $0x4  }
0x78: {  	v4 =	vshra.s32 @!p1 v3, $0x10;
	v3 =	vand.u32 @!p1 $0xFFFF, v3  }
0x79: {  	[tilespmem:s28+$0x2910] =	vst @!p1 v4;
	v3 =	vadd.s32 @!p1 v0, v3  }
0x7a: {  	[tilespmem:s28+$0x2810] =	vst @!p1 v3  }
0x7b: {  	v3 =	vld @!p1 [tilespmem:s23+$0xFFFFFFB0];
	_ =	sdelay $0x4  }
0x7c: {  	v4 =	vshra.s32 @!p1 v3, $0x10;
	v3 =	vand.u32 @!p1 $0xFFFF, v3  }
0x7d: {  	[tilespmem:s28+$0x2920] =	vst @!p1 v4;
	v3 =	vadd.s32 @!p1 v0, v3  }
0x7e: {  	[tilespmem:s28+$0x2820] =	vst @!p1 v3  }
0x7f: {  	v3 =	vld @!p1 [tilespmem:s23+$0xFFFFFFC0];
	_ =	sdelay $0x4  }
0x80: {  	v4 =	vshra.s32 @!p1 v3, $0x10;
	v3 =	vand.u32 @!p1 $0xFFFF, v3  }
0x81: {  	[tilespmem:s28+$0x2930] =	vst @!p1 v4;
	v3 =	vadd.s32 @!p1 v0, v3  }
0x82: {  	[tilespmem:s28+$0x2830] =	vst @!p1 v3  }
0x83: {  	v3 =	vld @!p1 [tilespmem:s23+$0xFFFFFFD0];
	_ =	sdelay $0x4  }
0x84: {  	v4 =	vshra.s32 @!p1 v3, $0x10;
	v3 =	vand.u32 @!p1 $0xFFFF, v3  }
0x85: {  	[tilespmem:s28+$0x2940] =	vst @!p1 v4;
	v3 =	vadd.s32 @!p1 v0, v3  }
0x86: {  	[tilespmem:s28+$0x2840] =	vst @!p1 v3  }
0x87: {  	v3 =	vld @!p1 [tilespmem:s23+$0xFFFFFFE0];
	_ =	sdelay $0x4  }
0x88: {  	v4 =	vshra.s32 @!p1 v3, $0x10;
	v3 =	vand.u32 @!p1 $0xFFFF, v3  }
0x89: {  	[tilespmem:s28+$0x2950] =	vst @!p1 v4;
	v3 =	vadd.s32 @!p1 v0, v3  }
0x8a: {  	[tilespmem:s28+$0x2850] =	vst @!p1 v3  }
0x8b: {  	v3 =	vld @!p1 [tilespmem:s23+$0xFFFFFFF0];
	_ =	sdelay $0x4  }
0x8c: {  	v4 =	vshra.s32 @!p1 v3, $0x10;
	v3 =	vand.u32 @!p1 $0xFFFF, v3  }
0x8d: {  	[tilespmem:s28+$0x2960] =	vst @!p1 v4;
	v3 =	vadd.s32 @!p1 v0, v3  }
0x8e: {  	[tilespmem:s28+$0x2860] =	vst @!p1 v3  }
0x8f: {  	v3 =	vld @!p1 [tilespmem:s23+$0x0];
	_ =	sdelay $0x4  }
0x90: {  	v4 =	vshra.s32 @!p1 v3, $0x10;
	v3 =	vand.u32 @!p1 $0xFFFF, v3  }
0x91: {  	[tilespmem:s28+$0x2970] =	vst @!p1 v4;
	v3 =	vadd.s32 @!p1 v0, v3  }
0x92: {  	s30 =	simm.s32 @!p1 $0x1;
	[tilespmem:s28+$0x2870] =	vst @!p1 v3;
	s28 =	simm.s32 @!p1 $0x80  }
0x93: {  	[tilespmem:s26], [sflag:$0x1] =	stream.indirect.gather @!p1 [hbm4b:s4+s28], $0x80, s29, s28, $0xb8;
	[tilespmem:$0x1E600] =	vst v63  }
.Ltmp3:
0x94: {  	_ =	swait.ge @!p1 [sflag:s30], $0x4000;
	(pc) =	sbr.rel @p2 .LBB2_6-.Ltmp3, $4  }
0x95: {  	[sflag:s30] =	ssyncset.done @!p1 $0x0  }
0x96: {  	s23 =	sadd.s32 $0x80, s23;
	[sflag:s30] =	ssyncadd.s32 @!p1 $0xFFFFC000  }
0x97: {  	s26 =	sand.u32 $0x1, s25;
	p1 =	seq.s32 s25, $0x4F;
	_ =	swait.ge [sflag:s21], $0x4000  }
0x98: {  	s25 =	sshll.u32 s26, $0xE;
	s26 =	sshll.u32 s26, $0x7;
	[sflag:s21] =	ssyncset.done $0x0  }
0x99: {  	s25 =	sor.u32 $0x2A00, s25;
	s26 =	sor.u32 $0x2900, s26;
	[sflag:s21] =	ssyncadd.s32 $0xFFFFC000  }
0x9a: {  	[spmem:s2] =	stream.indirect.scatter.add.f32 [tilespmem:s25], [sflag:$0x2], $0x80, s26, s18, $0xb8;
	[tilespmem:$0x1E600] =	vst v63  }
0x9b: {  	v3 =	vld @!p1 [tilespmem:s23+$0xFFFFFF90];
	_ =	sdelay $0x3  }
0x9c: {  	s24 =	sand.u32 @!p1 $0x1, s24  }
0x9d: {  	s25 =	sshll.u32 @!p1 s24, $0x7;
	v4 =	vshra.s32 @!p1 v3, $0x10;
	v3 =	vand.u32 @!p1 $0xFFFF, v3  }
0x9e: {  	[tilespmem:s25+$0x2900] =	vst @!p1 v4;
	v3 =	vadd.s32 @!p1 v0, v3  }
0x9f: {  	[tilespmem:s25+$0x2800] =	vst @!p1 v3  }
0xa0: {  	v3 =	vld @!p1 [tilespmem:s23+$0xFFFFFFA0];
	_ =	sdelay $0x4  }
0xa1: {  	v4 =	vshra.s32 @!p1 v3, $0x10;
	v3 =	vand.u32 @!p1 $0xFFFF, v3  }
0xa2: {  	[tilespmem:s25+$0x2910] =	vst @!p1 v4;
	v3 =	vadd.s32 @!p1 v0, v3  }
0xa3: {  	[tilespmem:s25+$0x2810] =	vst @!p1 v3  }
0xa4: {  	v3 =	vld @!p1 [tilespmem:s23+$0xFFFFFFB0];
	_ =	sdelay $0x4  }
0xa5: {  	v4 =	vshra.s32 @!p1 v3, $0x10;
	v3 =	vand.u32 @!p1 $0xFFFF, v3  }
0xa6: {  	[tilespmem:s25+$0x2920] =	vst @!p1 v4;
	v3 =	vadd.s32 @!p1 v0, v3  }
0xa7: {  	[tilespmem:s25+$0x2820] =	vst @!p1 v3  }
0xa8: {  	v3 =	vld @!p1 [tilespmem:s23+$0xFFFFFFC0];
	_ =	sdelay $0x4  }
0xa9: {  	v4 =	vshra.s32 @!p1 v3, $0x10;
	v3 =	vand.u32 @!p1 $0xFFFF, v3  }
0xaa: {  	[tilespmem:s25+$0x2930] =	vst @!p1 v4;
	v3 =	vadd.s32 @!p1 v0, v3  }
0xab: {  	[tilespmem:s25+$0x2830] =	vst @!p1 v3  }
0xac: {  	v3 =	vld @!p1 [tilespmem:s23+$0xFFFFFFD0];
	_ =	sdelay $0x4  }
0xad: {  	v4 =	vshra.s32 @!p1 v3, $0x10;
	v3 =	vand.u32 @!p1 $0xFFFF, v3  }
0xae: {  	[tilespmem:s25+$0x2940] =	vst @!p1 v4;
	v3 =	vadd.s32 @!p1 v0, v3  }
0xaf: {  	[tilespmem:s25+$0x2840] =	vst @!p1 v3  }
0xb0: {  	v3 =	vld @!p1 [tilespmem:s23+$0xFFFFFFE0];
	_ =	sdelay $0x4  }
0xb1: {  	v4 =	vshra.s32 @!p1 v3, $0x10;
	v3 =	vand.u32 @!p1 $0xFFFF, v3  }
0xb2: {  	[tilespmem:s25+$0x2950] =	vst @!p1 v4;
	v3 =	vadd.s32 @!p1 v0, v3  }
0xb3: {  	[tilespmem:s25+$0x2850] =	vst @!p1 v3  }
0xb4: {  	v3 =	vld @!p1 [tilespmem:s23+$0xFFFFFFF0];
	_ =	sdelay $0x4  }
0xb5: {  	v4 =	vshra.s32 @!p1 v3, $0x10;
	v3 =	vand.u32 @!p1 $0xFFFF, v3  }
0xb6: {  	[tilespmem:s25+$0x2960] =	vst @!p1 v4;
	v3 =	vadd.s32 @!p1 v0, v3  }
0xb7: {  	[tilespmem:s25+$0x2860] =	vst @!p1 v3  }
0xb8: {  	v3 =	vld @!p1 [tilespmem:s23+$0x0];
	_ =	sdelay $0x4  }
0xb9: {  	v4 =	vshra.s32 @!p1 v3, $0x10;
	v3 =	vand.u32 @!p1 $0xFFFF, v3  }
0xba: {  	s26 =	simm.s32 @!p1 $0x1;
	s23 =	sshll.u32 @!p1 s24, $0xE;
	[tilespmem:s25+$0x2970] =	vst @!p1 v4;
	v3 =	vadd.s32 @!p1 v0, v3  }
0xbb: {  	s24 =	sor.u32 @!p1 $0x2800, s25;
	s23 =	sor.u32 @!p1 $0x2A00, s23;
	[tilespmem:s25+$0x2870] =	vst @!p1 v3;
	s25 =	simm.s32 @!p1 $0x80  }
0xbc: {  	[tilespmem:s23], [sflag:$0x1] =	stream.indirect.gather @!p1 [hbm4b:s4+s25], $0x80, s24, s25, $0xb8;
	[tilespmem:$0x1E600] =	vst v63  }
0xbd: {  	_ =	swait.ge @!p1 [sflag:s26], $0x4000  }
0xbe: {  	[sflag:s26] =	ssyncset.done @!p1 $0x0  }
0xbf: {  	[sflag:s26] =	ssyncadd.s32 @!p1 $0xFFFFC000  }
0xc0: {  	_ =	swait.ge [sflag:s21], $0x4000  }
0xc1: {  	[sflag:s21] =	ssyncset.done $0x0  }
0xc2: {  	[sflag:s21] =	ssyncadd.s32 $0xFFFFC000  }
0xc3: {  	s23 =	sadd.s32 $0x1, s5;
	[bflag:$0x0] =	sbarrier.arrive $0xFFFF  }
0xc4: {  	[tilespmem:s17], [sflag:$0x3] =	stream.linear.gather [spmem:s13], $0x4000, $0x38;
	[tilespmem:$0x1E600] =	vst v63  }
0xc5: {  	p1 =	slt.u32 s23, s8;
	_ =	swait.ge [sflag:s16], $0x4000  }
.Ltmp4:
0xc6: {  	[sflag:s16] =	ssyncset.done $0x0;
	(pc) =	sbr.rel @!p1 .LBB2_9-.Ltmp4, $4  }
0xc7: {  	[sflag:s16] =	ssyncadd.s32 $0xFFFFC000  }
0xc8: {  	[hbm4b:s14+s3] =	stream.linear.scatter [tilespmem:s17], [sflag:$0x3], $0x4000, $0x38;
	[tilespmem:$0x1E600] =	vst v63  }
0xc9: {  	_ =	swait.ge [sflag:s16], $0x4000  }
0xca: {  	s24 =	sadd.s32 $0x4000, s13;
	s25 =	smov.u32 s14;
	[sflag:s16] =	ssyncset.done $0x0  }
.LBB2_8:
0xcb: {  	s23 =	sadd.s32 $0x1, s23;
	[sflag:s16] =	ssyncadd.s32 $0xFFFFC000;
	s25 =	sadd.s32 $0x800, s25  }
0xcc: {  	[tilespmem:s17], [sflag:$0x3] =	stream.linear.gather [spmem:s24], $0x4000, $0x38;
	[tilespmem:$0x1E600] =	vst v63  }
0xcd: {  	p1 =	slt.u32 s23, s8;
	_ =	swait.ge [sflag:s16], $0x4000  }
.Ltmp5:
0xce: {  	[sflag:s16] =	ssyncset.done $0x0;
	(pc) =	sbr.rel @p1 .LBB2_8-.Ltmp5, $4  }
0xcf: {  	[sflag:s16] =	ssyncadd.s32 $0xFFFFC000  }
0xd0: {  	[hbm4b:s25+s3] =	stream.linear.scatter [tilespmem:s17], [sflag:$0x3], $0x4000, $0x38;
	[tilespmem:$0x1E600] =	vst v63  }
0xd1: {  	_ =	swait.ge [sflag:s16], $0x4000  }
0xd2: {  	s24 =	sadd.s32 $0x4000, s24;
	[sflag:s16] =	ssyncset.done $0x0  }
.LBB2_9:
0xd3: {  	[sflag:s16] =	ssyncadd.s32 $0xFFFFC000;
	s23 =	simm.s32 @!p0 $0x2A00;
	s24 =	simm.s32 @!p0 $0x3  }
0xd4: {  	[tilespmem:s23], [sflag:$0x3] =	stream.linear.gather @!p0 [spmem:s9], $0x800, $0x38;
	[tilespmem:$0x1E600] =	vst v63  }
0xd5: {  	_ =	swait.ge @!p0 [sflag:s24], $0x800  }
0xd6: {  	[sflag:s24] =	ssyncset.done @!p0 $0x0  }
0xd7: {  	s25 =	simm.s32 @!p0 $0x0;
	[sflag:s24] =	ssyncadd.s32 @!p0 $0xFFFFF800  }
0xd8: {  	[hbm4b:s10+s25] =	stream.linear.scatter @!p0 [tilespmem:s23], [sflag:$0x3], $0x800, $0x38;
	[tilespmem:$0x1E600] =	vst v63  }
0xd9: {  	s23 =	simm.s32 $0x0;
	_ =	swait.ge @!p0 [sflag:s24], $0x800  }
0xda: {  	s31 =	sand.u32 $0xFE00, s23;
	[sflag:s24] =	ssyncset.done @!p0 $0x0  }
0xdb: {  	s26 =	sand.u32 $0x70, s23;
	s25 =	sshrl.u32 s31, $0x2;
	[sflag:s24] =	ssyncadd.s32 @!p0 $0xFFFFF800  }
0xdc: {  	s24 =	simm.s32 $0x40;
	s25 =	sor.u32 s26, s25;
	[bflag:$0x0] =	sbarrier.arrive $0xFFFF  }
.LBB2_10:
0xdd: {  	p1 =	sne.s32 s24, $0xFFC0  }
0xde: {  	[tilespmem:s25+$0x2A00] =	vst v2;
	s23 =	sadd.s32 $0x10, s23;
	s25 =	smov.u32 s24;
	s24 =	sadd.s32 $0x40, s24  }
.Ltmp6:
0xdf: {  	(pc) =	sbr.rel @p1 .LBB2_10-.Ltmp6, $4  }
0xe0: {  	_ = 	snop  }
0xe1: {  	s25 =	sand.u32 $0xFE00, s25  }
0xe2: {  	s26 =	sand.u32 $0x70, s23;
	s25 =	sshrl.u32 s25, $0x2  }
0xe3: {  	s25 =	sor.u32 s26, s25  }
0xe4: {  	s23 =	sadd.s32 $0x1, s5  }
0xe5: {  	p1 =	slt.u32 s23, s7  }
.Ltmp7:
0xe6: {  	_ = 	snop;
	(pc) =	sbr.rel @!p1 .LBB2_13-.Ltmp7, $4  }
0xe7: {  	[tilespmem:s25+$0x2A00] =	vst v2  }
0xe8: {  	[spmem:s13] =	stream.linear.scatter [tilespmem:s17], [sflag:$0x3], $0x4000, $0x38;
	[tilespmem:$0x1E600] =	vst v63  }
0xe9: {  	_ =	swait.ge [sflag:s16], $0x4000  }
0xea: {  	s24 =	smov.u32 s13;
	[sflag:s16] =	ssyncset.done $0x0  }
.LBB2_12:
0xeb: {  	s23 =	sadd.s32 $0x1, s23  }
0xec: {  	[sflag:s16] =	ssyncadd.s32 $0xFFFFC000;
	s24 =	sadd.s32 $0x4000, s24;
	p1 =	slt.u32 s23, s7  }
.Ltmp8:
0xed: {  	(pc) =	sbr.rel @p1 .LBB2_12-.Ltmp8, $4  }
0xee: {  	_ = 	snop  }
0xef: {  	[spmem:s24] =	stream.linear.scatter [tilespmem:s17], [sflag:$0x3], $0x4000, $0x38;
	[tilespmem:$0x1E600] =	vst v63  }
0xf0: {  	_ =	swait.ge [sflag:s16], $0x4000  }
0xf1: {  	[sflag:s16] =	ssyncset.done $0x0  }
.LBB2_13:
0xf2: {  	[sflag:s16] =	ssyncadd.s32 $0xFFFFC000  }
0xf3: {  	[bflag:$0x0] =	sbarrier.arrive $0xFFFF  }
0xf4: {  	v3 =	vld [tilespmem:$0x0];
	_ =	sdelay $0x1  }
0xf5: {  	v4 =	vld [tilespmem:$0x10];
	_ =	sdelay $0x1  }
0xf6: {  	v5 =	vld [tilespmem:$0x20]  }
0xf7: {  	v6 =	vshra.s32 v3, $0x10;
	v3 =	vand.u32 $0xFFFF, v3  }
0xf8: {  	v58 =	vld [tilespmem:$0x30];
	[tilespmem:$0x2900] =	vst v6;
	v3 =	vadd.s32 v1, v3  }
0xf9: {  	[tilespmem:$0x2800] =	vst v3;
	v3 =	vshra.s32 v4, $0x10;
	v4 =	vand.u32 $0xFFFF, v4  }
0xfa: {  	v59 =	vld [tilespmem:$0x40];
	[tilespmem:$0x2910] =	vst v3;
	v3 =	vadd.s32 v1, v4  }
0xfb: {  	[tilespmem:$0x2810] =	vst v3;
	v3 =	vshra.s32 v5, $0x10;
	v5 =	vand.u32 $0xFFFF, v5  }
0xfc: {  	v60 =	vld [tilespmem:$0x50];
	[tilespmem:$0x2920] =	vst v3;
	v3 =	vadd.s32 v1, v5  }
0xfd: {  	v6 =	vand.u32 $0xFFFF, v58;
	[tilespmem:$0x2820] =	vst v3;
	v3 =	vshra.s32 v58, $0x10  }
0xfe: {  	v61 =	vld [tilespmem:$0x60];
	[tilespmem:$0x2930] =	vst v3;
	v3 =	vadd.s32 v1, v6  }
0xff: {  	v4 =	vand.u32 $0xFFFF, v59;
	[tilespmem:$0x2830] =	vst v3;
	v3 =	vshra.s32 v59, $0x10  }
0x100: {  	v62 =	vld [tilespmem:$0x70];
	[tilespmem:$0x2940] =	vst v3;
	v3 =	vadd.s32 v1, v4  }
0x101: {  	v5 =	vand.u32 $0xFFFF, v60;
	[tilespmem:$0x2840] =	vst v3;
	v3 =	vshra.s32 v60, $0x10  }
0x102: {  	[tilespmem:$0x2950] =	vst v3;
	v3 =	vadd.s32 v1, v5  }
0x103: {  	v63 =	vand.u32 $0xFFFF, v61;
	[tilespmem:$0x2850] =	vst v3;
	v3 =	vshra.s32 v61, $0x10  }
0x104: {  	[tilespmem:$0x2960] =	vst v3;
	v3 =	vadd.s32 v1, v63  }
0x105: {  	v4 =	vand.u32 $0xFFFF, v62;
	[tilespmem:$0x2860] =	vst v3;
	v3 =	vshra.s32 v62, $0x10  }
0x106: {  	[tilespmem:$0x2970] =	vst v3;
	v3 =	vadd.s32 v1, v4  }
0x107: {  	s23 =	simm.s32 $0x0;
	s24 =	simm.s32 $0xF0;
	[tilespmem:$0x2870] =	vst v3  }
0x108: {  	[tilespmem:s17], [sflag:$0x1] =	stream.indirect.gather [hbm4b:s4+s18], $0x80, s19, s18, $0xb8;
	[tilespmem:$0x1E600] =	vst v63  }
0x109: {  	p1 =	por $0x0, $0x0;
	s23 =	sand.u32 $0x1, s23;
	_ =	swait.ge [sflag:s20], $0x4000  }
0x10a: {  	s25 =	sshll.u32 s23, $0xE;
	s23 =	sshll.u32 s23, $0x7;
	[sflag:s20] =	ssyncset.done $0x0  }
0x10b: {  	s25 =	sor.u32 $0x2A00, s25;
	s23 =	sor.u32 $0x2900, s23;
	[sflag:s20] =	ssyncadd.s32 $0xFFFFC000  }
0x10c: {  	[spmem:s2] =	stream.indirect.scatter.add.f32 [tilespmem:s25], [sflag:$0x2], $0x80, s23, s18, $0xb8;
	[tilespmem:$0x1E600] =	vst v63  }
0x10d: {  	v3 =	vld @!p1 [tilespmem:s24+$0xFFFFFF90];
	_ =	sdelay $0x2  }
0x10e: {  	s25 =	simm.s32 $0x1  }
0x10f: {  	s23 =	sand.u32 @!p1 $0x1, s25  }
0x110: {  	s26 =	sshll.u32 @!p1 s23, $0x7;
	v4 =	vshra.s32 @!p1 v3, $0x10;
	v3 =	vand.u32 @!p1 $0xFFFF, v3  }
0x111: {  	[tilespmem:s26+$0x2900] =	vst @!p1 v4;
	v3 =	vadd.s32 @!p1 v1, v3  }
0x112: {  	[tilespmem:s26+$0x2800] =	vst @!p1 v3  }
0x113: {  	v3 =	vld @!p1 [tilespmem:s24+$0xFFFFFFA0];
	_ =	sdelay $0x4  }
0x114: {  	v4 =	vshra.s32 @!p1 v3, $0x10;
	v3 =	vand.u32 @!p1 $0xFFFF, v3  }
0x115: {  	[tilespmem:s26+$0x2910] =	vst @!p1 v4;
	v3 =	vadd.s32 @!p1 v1, v3  }
0x116: {  	[tilespmem:s26+$0x2810] =	vst @!p1 v3  }
0x117: {  	v3 =	vld @!p1 [tilespmem:s24+$0xFFFFFFB0];
	_ =	sdelay $0x4  }
0x118: {  	v4 =	vshra.s32 @!p1 v3, $0x10;
	v3 =	vand.u32 @!p1 $0xFFFF, v3  }
0x119: {  	[tilespmem:s26+$0x2920] =	vst @!p1 v4;
	v3 =	vadd.s32 @!p1 v1, v3  }
0x11a: {  	[tilespmem:s26+$0x2820] =	vst @!p1 v3  }
0x11b: {  	v3 =	vld @!p1 [tilespmem:s24+$0xFFFFFFC0];
	_ =	sdelay $0x4  }
0x11c: {  	v4 =	vshra.s32 @!p1 v3, $0x10;
	v3 =	vand.u32 @!p1 $0xFFFF, v3  }
0x11d: {  	[tilespmem:s26+$0x2930] =	vst @!p1 v4;
	v3 =	vadd.s32 @!p1 v1, v3  }
0x11e: {  	[tilespmem:s26+$0x2830] =	vst @!p1 v3  }
0x11f: {  	v3 =	vld @!p1 [tilespmem:s24+$0xFFFFFFD0];
	_ =	sdelay $0x4  }
0x120: {  	v4 =	vshra.s32 @!p1 v3, $0x10;
	v3 =	vand.u32 @!p1 $0xFFFF, v3  }
0x121: {  	[tilespmem:s26+$0x2940] =	vst @!p1 v4;
	v3 =	vadd.s32 @!p1 v1, v3  }
0x122: {  	[tilespmem:s26+$0x2840] =	vst @!p1 v3  }
0x123: {  	v3 =	vld @!p1 [tilespmem:s24+$0xFFFFFFE0];
	_ =	sdelay $0x4  }
0x124: {  	v4 =	vshra.s32 @!p1 v3, $0x10;
	v3 =	vand.u32 @!p1 $0xFFFF, v3  }
0x125: {  	[tilespmem:s26+$0x2950] =	vst @!p1 v4;
	v3 =	vadd.s32 @!p1 v1, v3  }
0x126: {  	[tilespmem:s26+$0x2850] =	vst @!p1 v3  }
0x127: {  	v3 =	vld @!p1 [tilespmem:s24+$0xFFFFFFF0];
	_ =	sdelay $0x4  }
0x128: {  	v4 =	vshra.s32 @!p1 v3, $0x10;
	v3 =	vand.u32 @!p1 $0xFFFF, v3  }
0x129: {  	[tilespmem:s26+$0x2960] =	vst @!p1 v4;
	v3 =	vadd.s32 @!p1 v1, v3  }
0x12a: {  	[tilespmem:s26+$0x2860] =	vst @!p1 v3  }
0x12b: {  	v3 =	vld @!p1 [tilespmem:s24+$0x0];
	_ =	sdelay $0x4  }
0x12c: {  	v4 =	vshra.s32 @!p1 v3, $0x10;
	v3 =	vand.u32 @!p1 $0xFFFF, v3  }
0x12d: {  	s28 =	simm.s32 @!p1 $0x1;
	s23 =	sshll.u32 @!p1 s23, $0xE;
	[tilespmem:s26+$0x2970] =	vst @!p1 v4;
	v3 =	vadd.s32 @!p1 v1, v3  }
0x12e: {  	s23 =	sor.u32 @!p1 $0x2A00, s23;
	s24 =	sor.u32 @!p1 $0x2800, s26;
	[tilespmem:s26+$0x2870] =	vst @!p1 v3;
	s26 =	simm.s32 @!p1 $0x80  }
0x12f: {  	[tilespmem:s23], [sflag:$0x1] =	stream.indirect.gather @!p1 [hbm4b:s4+s26], $0x80, s24, s26, $0xb8;
	[tilespmem:$0x1E600] =	vst v63  }
0x130: {  	_ =	swait.ge @!p1 [sflag:s28], $0x4000  }
0x131: {  	s31 =	sand.u32 $0x1, s25;
	[sflag:s28] =	ssyncset.done @!p1 $0x0  }
0x132: {  	s25 =	sshll.u32 s31, $0xE;
	[sflag:s28] =	ssyncadd.s32 @!p1 $0xFFFFC000  }
0x133: {  	s24 =	simm.s32 $0x2;
	s23 =	simm.s32 $0x170;
	_ =	swait.ge [sflag:s21], $0x4000  }
0x134: {  	s26 =	sshll.u32 s31, $0x7;
	p1 =	por $0x0, $0x0;
	[sflag:s21] =	ssyncset.done $0x0  }
.LBB2_14:
0x135: {  	s25 =	sor.u32 $0x2A00, s25;
	s26 =	sor.u32 $0x2900, s26;
	[sflag:s21] =	ssyncadd.s32 $0xFFFFC000  }
0x136: {  	[spmem:s2] =	stream.indirect.scatter.add.f32 [tilespmem:s25], [sflag:$0x2], $0x80, s26, s18, $0xb8;
	[tilespmem:$0x1E600] =	vst v63  }
0x137: {  	s28 =	sand.u32 @!p1 $0x1, s24;
	s25 =	smov.u32 s24;
	s24 =	sadd.s32 $0x1, s24;
	v3 =	vld @!p1 [tilespmem:s23+$0xFFFFFF90]  }
0x138: {  	s26 =	sshll.u32 @!p1 s28, $0xE;
	p2 =	sne.s32 s24, $0x50  }
0x139: {  	s26 =	sor.u32 @!p1 $0x2A00, s26;
	_ =	sdelay $0x2  }
0x13a: {  	s28 =	sshll.u32 @!p1 s28, $0x7;
	v4 =	vshra.s32 @!p1 v3, $0x10;
	v3 =	vand.u32 @!p1 $0xFFFF, v3  }
0x13b: {  	s29 =	sor.u32 @!p1 $0x2800, s28;
	[tilespmem:s28+$0x2900] =	vst @!p1 v4;
	v3 =	vadd.s32 @!p1 v1, v3  }
0x13c: {  	[tilespmem:s28+$0x2800] =	vst @!p1 v3  }
0x13d: {  	v3 =	vld @!p1 [tilespmem:s23+$0xFFFFFFA0];
	_ =	sdelay $0x4  }
0x13e: {  	v4 =	vshra.s32 @!p1 v3, $0x10;
	v3 =	vand.u32 @!p1 $0xFFFF, v3  }
0x13f: {  	[tilespmem:s28+$0x2910] =	vst @!p1 v4;
	v3 =	vadd.s32 @!p1 v1, v3  }
0x140: {  	[tilespmem:s28+$0x2810] =	vst @!p1 v3  }
0x141: {  	v3 =	vld @!p1 [tilespmem:s23+$0xFFFFFFB0];
	_ =	sdelay $0x4  }
0x142: {  	v4 =	vshra.s32 @!p1 v3, $0x10;
	v3 =	vand.u32 @!p1 $0xFFFF, v3  }
0x143: {  	[tilespmem:s28+$0x2920] =	vst @!p1 v4;
	v3 =	vadd.s32 @!p1 v1, v3  }
0x144: {  	[tilespmem:s28+$0x2820] =	vst @!p1 v3  }
0x145: {  	v3 =	vld @!p1 [tilespmem:s23+$0xFFFFFFC0];
	_ =	sdelay $0x4  }
0x146: {  	v4 =	vshra.s32 @!p1 v3, $0x10;
	v3 =	vand.u32 @!p1 $0xFFFF, v3  }
0x147: {  	[tilespmem:s28+$0x2930] =	vst @!p1 v4;
	v3 =	vadd.s32 @!p1 v1, v3  }
0x148: {  	[tilespmem:s28+$0x2830] =	vst @!p1 v3  }
0x149: {  	v3 =	vld @!p1 [tilespmem:s23+$0xFFFFFFD0];
	_ =	sdelay $0x4  }
0x14a: {  	v4 =	vshra.s32 @!p1 v3, $0x10;
	v3 =	vand.u32 @!p1 $0xFFFF, v3  }
0x14b: {  	[tilespmem:s28+$0x2940] =	vst @!p1 v4;
	v3 =	vadd.s32 @!p1 v1, v3  }
0x14c: {  	[tilespmem:s28+$0x2840] =	vst @!p1 v3  }
0x14d: {  	v3 =	vld @!p1 [tilespmem:s23+$0xFFFFFFE0];
	_ =	sdelay $0x4  }
0x14e: {  	v4 =	vshra.s32 @!p1 v3, $0x10;
	v3 =	vand.u32 @!p1 $0xFFFF, v3  }
0x14f: {  	[tilespmem:s28+$0x2950] =	vst @!p1 v4;
	v3 =	vadd.s32 @!p1 v1, v3  }
0x150: {  	[tilespmem:s28+$0x2850] =	vst @!p1 v3  }
0x151: {  	v3 =	vld @!p1 [tilespmem:s23+$0xFFFFFFF0];
	_ =	sdelay $0x4  }
0x152: {  	v4 =	vshra.s32 @!p1 v3, $0x10;
	v3 =	vand.u32 @!p1 $0xFFFF, v3  }
0x153: {  	[tilespmem:s28+$0x2960] =	vst @!p1 v4;
	v3 =	vadd.s32 @!p1 v1, v3  }
0x154: {  	[tilespmem:s28+$0x2860] =	vst @!p1 v3  }
0x155: {  	v3 =	vld @!p1 [tilespmem:s23+$0x0];
	_ =	sdelay $0x4  }
0x156: {  	v4 =	vshra.s32 @!p1 v3, $0x10;
	v3 =	vand.u32 @!p1 $0xFFFF, v3  }
0x157: {  	[tilespmem:s28+$0x2970] =	vst @!p1 v4;
	v3 =	vadd.s32 @!p1 v1, v3  }
0x158: {  	s30 =	simm.s32 @!p1 $0x1;
	[tilespmem:s28+$0x2870] =	vst @!p1 v3;
	s28 =	simm.s32 @!p1 $0x80  }
0x159: {  	[tilespmem:s26], [sflag:$0x1] =	stream.indirect.gather @!p1 [hbm4b:s4+s28], $0x80, s29, s28, $0xb8;
	[tilespmem:$0x1E600] =	vst v63  }
.Ltmp9:
0x15a: {  	_ =	swait.ge @!p1 [sflag:s30], $0x4000;
	(pc) =	sbr.rel @p2 .LBB2_14-.Ltmp9, $4  }
0x15b: {  	[sflag:s30] =	ssyncset.done @!p1 $0x0  }
0x15c: {  	s23 =	sadd.s32 $0x80, s23;
	[sflag:s30] =	ssyncadd.s32 @!p1 $0xFFFFC000  }
0x15d: {  	s26 =	sand.u32 $0x1, s25;
	p1 =	seq.s32 s25, $0x4F;
	_ =	swait.ge [sflag:s21], $0x4000  }
0x15e: {  	s25 =	sshll.u32 s26, $0xE;
	s26 =	sshll.u32 s26, $0x7;
	[sflag:s21] =	ssyncset.done $0x0  }
0x15f: {  	s25 =	sor.u32 $0x2A00, s25;
	s26 =	sor.u32 $0x2900, s26;
	[sflag:s21] =	ssyncadd.s32 $0xFFFFC000  }
0x160: {  	[spmem:s2] =	stream.indirect.scatter.add.f32 [tilespmem:s25], [sflag:$0x2], $0x80, s26, s18, $0xb8;
	[tilespmem:$0x1E600] =	vst v63  }
0x161: {  	v3 =	vld @!p1 [tilespmem:s23+$0xFFFFFF90];
	_ =	sdelay $0x3  }
0x162: {  	s24 =	sand.u32 @!p1 $0x1, s24  }
0x163: {  	s25 =	sshll.u32 @!p1 s24, $0x7;
	v4 =	vshra.s32 @!p1 v3, $0x10;
	v3 =	vand.u32 @!p1 $0xFFFF, v3  }
0x164: {  	[tilespmem:s25+$0x2900] =	vst @!p1 v4;
	v3 =	vadd.s32 @!p1 v1, v3  }
0x165: {  	[tilespmem:s25+$0x2800] =	vst @!p1 v3  }
0x166: {  	v3 =	vld @!p1 [tilespmem:s23+$0xFFFFFFA0];
	_ =	sdelay $0x4  }
0x167: {  	v4 =	vshra.s32 @!p1 v3, $0x10;
	v3 =	vand.u32 @!p1 $0xFFFF, v3  }
0x168: {  	[tilespmem:s25+$0x2910] =	vst @!p1 v4;
	v3 =	vadd.s32 @!p1 v1, v3  }
0x169: {  	[tilespmem:s25+$0x2810] =	vst @!p1 v3  }
0x16a: {  	v3 =	vld @!p1 [tilespmem:s23+$0xFFFFFFB0];
	_ =	sdelay $0x4  }
0x16b: {  	v4 =	vshra.s32 @!p1 v3, $0x10;
	v3 =	vand.u32 @!p1 $0xFFFF, v3  }
0x16c: {  	[tilespmem:s25+$0x2920] =	vst @!p1 v4;
	v3 =	vadd.s32 @!p1 v1, v3  }
0x16d: {  	[tilespmem:s25+$0x2820] =	vst @!p1 v3  }
0x16e: {  	v3 =	vld @!p1 [tilespmem:s23+$0xFFFFFFC0];
	_ =	sdelay $0x4  }
0x16f: {  	v4 =	vshra.s32 @!p1 v3, $0x10;
	v3 =	vand.u32 @!p1 $0xFFFF, v3  }
0x170: {  	[tilespmem:s25+$0x2930] =	vst @!p1 v4;
	v3 =	vadd.s32 @!p1 v1, v3  }
0x171: {  	[tilespmem:s25+$0x2830] =	vst @!p1 v3  }
0x172: {  	v3 =	vld @!p1 [tilespmem:s23+$0xFFFFFFD0];
	_ =	sdelay $0x4  }
0x173: {  	v4 =	vshra.s32 @!p1 v3, $0x10;
	v3 =	vand.u32 @!p1 $0xFFFF, v3  }
0x174: {  	[tilespmem:s25+$0x2940] =	vst @!p1 v4;
	v3 =	vadd.s32 @!p1 v1, v3  }
0x175: {  	[tilespmem:s25+$0x2840] =	vst @!p1 v3  }
0x176: {  	v3 =	vld @!p1 [tilespmem:s23+$0xFFFFFFE0];
	_ =	sdelay $0x4  }
0x177: {  	v4 =	vshra.s32 @!p1 v3, $0x10;
	v3 =	vand.u32 @!p1 $0xFFFF, v3  }
0x178: {  	[tilespmem:s25+$0x2950] =	vst @!p1 v4;
	v3 =	vadd.s32 @!p1 v1, v3  }
0x179: {  	[tilespmem:s25+$0x2850] =	vst @!p1 v3  }
0x17a: {  	v3 =	vld @!p1 [tilespmem:s23+$0xFFFFFFF0];
	_ =	sdelay $0x4  }
0x17b: {  	v4 =	vshra.s32 @!p1 v3, $0x10;
	v3 =	vand.u32 @!p1 $0xFFFF, v3  }
0x17c: {  	[tilespmem:s25+$0x2960] =	vst @!p1 v4;
	v3 =	vadd.s32 @!p1 v1, v3  }
0x17d: {  	[tilespmem:s25+$0x2860] =	vst @!p1 v3  }
0x17e: {  	v3 =	vld @!p1 [tilespmem:s23+$0x0];
	_ =	sdelay $0x4  }
0x17f: {  	v4 =	vshra.s32 @!p1 v3, $0x10;
	v3 =	vand.u32 @!p1 $0xFFFF, v3  }
0x180: {  	s26 =	simm.s32 @!p1 $0x1;
	s23 =	sshll.u32 @!p1 s24, $0xE;
	[tilespmem:s25+$0x2970] =	vst @!p1 v4;
	v3 =	vadd.s32 @!p1 v1, v3  }
0x181: {  	s24 =	sor.u32 @!p1 $0x2800, s25;
	s23 =	sor.u32 @!p1 $0x2A00, s23;
	[tilespmem:s25+$0x2870] =	vst @!p1 v3;
	s25 =	simm.s32 @!p1 $0x80  }
0x182: {  	[tilespmem:s23], [sflag:$0x1] =	stream.indirect.gather @!p1 [hbm4b:s4+s25], $0x80, s24, s25, $0xb8;
	[tilespmem:$0x1E600] =	vst v63  }
0x183: {  	_ =	swait.ge @!p1 [sflag:s26], $0x4000  }
0x184: {  	[sflag:s26] =	ssyncset.done @!p1 $0x0  }
0x185: {  	[sflag:s26] =	ssyncadd.s32 @!p1 $0xFFFFC000  }
0x186: {  	_ =	swait.ge [sflag:s21], $0x4000  }
0x187: {  	[sflag:s21] =	ssyncset.done $0x0  }
0x188: {  	[sflag:s21] =	ssyncadd.s32 $0xFFFFC000  }
0x189: {  	s23 =	sadd.s32 $0x1, s5;
	[bflag:$0x0] =	sbarrier.arrive $0xFFFF  }
0x18a: {  	[tilespmem:s17], [sflag:$0x3] =	stream.linear.gather [spmem:s13], $0x4000, $0x38;
	[tilespmem:$0x1E600] =	vst v63  }
0x18b: {  	p1 =	slt.u32 s23, s8;
	_ =	swait.ge [sflag:s16], $0x4000  }
.Ltmp10:
0x18c: {  	[sflag:s16] =	ssyncset.done $0x0;
	(pc) =	sbr.rel @!p1 .LBB2_17-.Ltmp10, $4  }
0x18d: {  	[sflag:s16] =	ssyncadd.s32 $0xFFFFC000  }
0x18e: {  	[hbm4b:s15+s3] =	stream.linear.scatter [tilespmem:s17], [sflag:$0x3], $0x4000, $0x38;
	[tilespmem:$0x1E600] =	vst v63  }
0x18f: {  	_ =	swait.ge [sflag:s16], $0x4000  }
0x190: {  	s24 =	sadd.s32 $0x4000, s13;
	s25 =	smov.u32 s15;
	[sflag:s16] =	ssyncset.done $0x0  }
.LBB2_16:
0x191: {  	s23 =	sadd.s32 $0x1, s23;
	[sflag:s16] =	ssyncadd.s32 $0xFFFFC000;
	s25 =	sadd.s32 $0x800, s25  }
0x192: {  	[tilespmem:s17], [sflag:$0x3] =	stream.linear.gather [spmem:s24], $0x4000, $0x38;
	[tilespmem:$0x1E600] =	vst v63  }
0x193: {  	p1 =	slt.u32 s23, s8;
	_ =	swait.ge [sflag:s16], $0x4000  }
.Ltmp11:
0x194: {  	[sflag:s16] =	ssyncset.done $0x0;
	(pc) =	sbr.rel @p1 .LBB2_16-.Ltmp11, $4  }
0x195: {  	[sflag:s16] =	ssyncadd.s32 $0xFFFFC000  }
0x196: {  	[hbm4b:s25+s3] =	stream.linear.scatter [tilespmem:s17], [sflag:$0x3], $0x4000, $0x38;
	[tilespmem:$0x1E600] =	vst v63  }
0x197: {  	_ =	swait.ge [sflag:s16], $0x4000  }
0x198: {  	s24 =	sadd.s32 $0x4000, s24;
	[sflag:s16] =	ssyncset.done $0x0  }
.LBB2_17:
0x199: {  	[sflag:s16] =	ssyncadd.s32 $0xFFFFC000;
	s23 =	simm.s32 @!p0 $0x2A00;
	s24 =	simm.s32 @!p0 $0x3  }
0x19a: {  	[tilespmem:s23], [sflag:$0x3] =	stream.linear.gather @!p0 [spmem:s9], $0x800, $0x38;
	[tilespmem:$0x1E600] =	vst v63  }
0x19b: {  	_ =	swait.ge @!p0 [sflag:s24], $0x800  }
0x19c: {  	s22 =	sadd.s32 $0x1, s22;
	[sflag:s24] =	ssyncset.done @!p0 $0x0  }
0x19d: {  	s25 =	simm.s32 @!p0 $0x0;
	p1 =	sne.s32 s22, s12;
	[sflag:s24] =	ssyncadd.s32 @!p0 $0xFFFFF800  }
0x19e: {  	[hbm4b:s11+s25] =	stream.linear.scatter @!p0 [tilespmem:s23], [sflag:$0x3], $0x800, $0x38;
	[tilespmem:$0x1E600] =	vst v63  }
.Ltmp12:
0x19f: {  	_ =	swait.ge @!p0 [sflag:s24], $0x800;
	(pc) =	sbr.rel @p1 .LBB2_1-.Ltmp12, $3  }
0x1a0: {  	[sflag:s24] =	ssyncset.done @!p0 $0x0  }
0x1a1: {  	[sflag:s24] =	ssyncadd.s32 @!p0 $0xFFFFF800  }
0x1a2: {  	[bflag:$0x0] =	sbarrier.arrive $0xFFFF;
	_ =	sdelay $0x1  }
0x1a3: {  	_ =	sfence.sel $0x180000  }
0x1a4: {  	[bflag:$0x0] =	sbarrier.arrive $0xFFFF  }
0x1a5: {  	p0 =	sne.s32 s1, $0x0;
	_ =	strace $0x9000004D  }
0x1a6: {  	s0 =	sadd.s32 @!p0 $0x100000, s0;
	[bflag:$0x2] =	sbarrier.arrive $0xFFFF  }
0x1a7: {  	[sflag:s0] =	ssyncadd.tile.s32 @!p0 $0x1;
	_ =	shalt  }
.Lfunc_end2:
_tile_overlayer_lowered:
.L_overlay_start_2:
0x1a8: {  	(tag) =	ssettag $0x2  }
0x1a9: {  	s0 =	rddreg [dreg:$0x0];
	s2 =	stileid.u32  }
0x1aa: {  	s1 =	rddreg [dreg:$0x1];
	p0 =	sne.s32 s2, $0x0  }
0x1ab: {  	s3 =	rddreg [dreg:$0x2];
	[bflag:$0x3] =	sbarrier.arrive $0xFFFF;
	s2 =	simm.s32 @!p0 $0x1C03  }
0x1ac: {  	[timem:s3], [sflag:s2] =	dma.local @!p0 [hbm:s0], s1  }
0x1ad: {  	s0 =	simm.s32 @!p0 $0x3  }
0x1ae: {  	_ =	swait.ge @!p0 [sflag:s0], s1  }
0x1af: {  	s1 =	ssub.s32 @!p0 $0x0, s1;
	[sflag:s0] =	ssyncset.done @!p0 $0x0  }
0x1b0: {  	[sflag:s0] =	ssyncadd.s32 @!p0 s1  }
0x1b1: {  	[bflag:$0x3] =	sbarrier.arrive $0xFFFF  }
0x1b2: {  	_ =	shalt  }

</sc_bundles>
